<compile_context>
chip_gen: v7x
topology: tpu7x:2x2x1
jax: 0.10.2.dev20260603
libtpu: 0.0.44.dev20260713+nightly
codegen_flags: <defaults>
</compile_context>

<pallas_src>
import functools

import jax
import jax.numpy as jnp
from jax import lax
from jax.experimental import pallas as pl
from jax.experimental.pallas import tpu as pltpu
from jax.experimental.pallas import tpu_sc as plsc

MEM = 1000000
D = 32
B = 32
K = 32
EPS = 1e-8
CHUNK = 4096
NEG = -3.0


def _scan_body(qn_ref, keys_ref, d_ref, idx_out, wt_out, rv_ref, ri_ref):
    i = pl.program_id(0)
    nb = pl.num_programs(0)

    @pl.when(i == 0)
    def _init():
        rv_ref[...] = jnp.full((B, K), NEG, jnp.float32)
        ri_ref[...] = jnp.zeros((B, K), jnp.int32)

    kn = keys_ref[...] / d_ref[...]
    s_raw = lax.dot_general(qn_ref[...], kn, (((1,), (1,)), ((), ())),
                            preferred_element_type=jnp.float32)
    lane = lax.broadcasted_iota(jnp.int32, (1, CHUNK), 1)
    valid = (i * CHUNK + lane) < MEM
    s = jnp.where(valid, s_raw, NEG)

    def calc_cand(m, im):
        after = (s < m) | ((s == m) & (lane > im))
        sm = jnp.where(after, s, NEG)
        cm = jnp.max(sm, axis=1, keepdims=True)
        ci = jnp.min(jnp.where(sm == cm, lane, CHUNK), axis=1, keepdims=True)
        return cm, ci

    kpos = lax.broadcasted_iota(jnp.int32, (B, K), 1)
    rv0 = rv_ref[...]
    ri0 = ri_ref[...]
    cm0, ci0 = calc_cand(jnp.full((B, 1), jnp.inf, jnp.float32),
                         jnp.full((B, 1), -1, jnp.int32))

    def cond(carry):
        cm, _, rv, _ = carry
        return jnp.any(cm > rv[:, K - 1:K])

    def body(carry):
        cm, ci, rv, ri = carry
        gi = i * CHUNK + ci
        do = cm > rv[:, K - 1:K]
        p = jnp.sum((rv >= cm).astype(jnp.int32), axis=1, keepdims=True)
        rv_sh = jnp.concatenate([rv[:, :1], rv[:, :K - 1]], axis=1)
        ri_sh = jnp.concatenate([ri[:, :1], ri[:, :K - 1]], axis=1)
        ins_v = jnp.where(kpos < p, rv, jnp.where(kpos == p, cm, rv_sh))
        ins_i = jnp.where(kpos < p, ri, jnp.where(kpos == p, gi, ri_sh))
        rv = jnp.where(do, ins_v, rv)
        ri = jnp.where(do, ins_i, ri)
        cm2, ci2 = calc_cand(cm, ci)
        return cm2, ci2, rv, ri

    _, _, rv_f, ri_f = lax.while_loop(cond, body, (cm0, ci0, rv0, ri0))
    rv_ref[...] = rv_f
    ri_ref[...] = ri_f

    @pl.when(i == nb - 1)
    def _fin():
        e = jnp.exp(rv_f - rv_f[:, :1])
        wt_out[...] = e / jnp.sum(e, axis=1, keepdims=True)
        idx_out[...] = ri_f


def _scan(qn, keys, d):
    nchunk = (MEM + CHUNK - 1) // CHUNK
    return pl.pallas_call(
        _scan_body,
        grid=(nchunk,),
        in_specs=[
            pl.BlockSpec((B, D), lambda i: (0, 0)),
            pl.BlockSpec((CHUNK, D), lambda i: (i, 0)),
            pl.BlockSpec((CHUNK, 1), lambda i: (i, 0)),
        ],
        out_specs=[
            pl.BlockSpec((B, K), lambda i: (0, 0)),
            pl.BlockSpec((B, K), lambda i: (0, 0)),
        ],
        out_shape=[
            jax.ShapeDtypeStruct((B, K), jnp.int32),
            jax.ShapeDtypeStruct((B, K), jnp.float32),
        ],
        scratch_shapes=[
            pltpu.VMEM((B, K), jnp.float32),
            pltpu.VMEM((B, K), jnp.int32),
        ],
    )(qn, keys, d)


@functools.cache
def _make_sc_read():
    mesh = plsc.VectorSubcoreMesh(core_axis_name="c", subcore_axis_name="s")

    @functools.partial(
        pl.kernel,
        mesh=mesh,
        out_type=jax.ShapeDtypeStruct((B * K,), jnp.float32),
        scratch_types=[
            pltpu.VMEM((K,), jnp.int32),
            pltpu.VMEM((K, 128), jnp.float32),
            pltpu.VMEM((K, 128), jnp.float32),
            pltpu.VMEM((D,), jnp.float32),
            pltpu.SemaphoreType.DMA,
        ],
    )
    def _sc_read(values_hbm, idx_hbm, w_hbm, out_hbm,
                 idx_v, rows_v, w_v, acc_v, sem):
        wid = lax.axis_index("s") * 2 + lax.axis_index("c")
        base = wid * K
        pltpu.sync_copy(idx_hbm.at[pl.ds(base, K)], idx_v)
        pltpu.sync_copy(w_hbm.at[pl.ds(base, K)], w_v)
        pltpu.async_copy(values_hbm.at[idx_v], rows_v, sem).wait()
        acc = [jnp.zeros((16,), jnp.float32) for _ in range(8)]
        for k in range(K):
            for s in range(8):
                acc[s] = acc[s] + (rows_v[k, 16 * s:16 * (s + 1)]
                                   * w_v[k, 16 * s:16 * (s + 1)])
        acc_v[0:16] = acc[0] + acc[2] + acc[4] + acc[6]
        acc_v[16:32] = acc[1] + acc[3] + acc[5] + acc[7]
        pltpu.sync_copy(acc_v, out_hbm.at[pl.ds(wid * D, D)])

    return _sc_read


def kernel(x, W, b, mem_keys, mem_values):
    q = x @ W.T + b
    qn = q / (jnp.linalg.norm(q, axis=-1, keepdims=True) + EPS)
    d = jnp.linalg.norm(mem_keys, axis=-1, keepdims=True) + EPS
    idx, wt = _scan(qn, mem_keys, d)
    idx_flat = idx.reshape(B * K)
    row_idx = idx_flat // 4
    grp = jnp.arange(128, dtype=jnp.int32) // D
    wmask = jnp.where(grp[None, :] == (idx_flat % 4)[:, None],
                      wt.reshape(B * K, 1), 0.0)
    values128 = mem_values.reshape(MEM // 4, 128)
    out_flat = _make_sc_read()(values128, row_idx, wmask)
    return out_flat.reshape(B, D)

# --- scband reference (transcript-rebuilt; emitter-appended) ---
"""Pipeline reference for scband-mem-basic-84413287235873 (READ-ONLY COPY).

The authoritative reference and input builder live on the scoring server;
editing this copy changes nothing except your own understanding.
"""

import jax, jax.numpy as jnp
import numpy as np

MEM_SIZE = 1000000
MEM_DIM = 32
BATCH = 32
TOPK = 32
EPS = 1e-8

def _xavier(key, shape):
    fan_in, fan_out = shape[1], shape[0]
    a = np.sqrt(6.0 / (fan_in + fan_out))
    return jax.random.uniform(key, shape, jnp.float32, -a, a)

def setup_inputs(seed: int = 0) -> dict:
    key = jax.random.key(seed)
    k1, k2, k3, k4, k5 = jax.random.split(key, 5)
    x = jax.random.normal(k1, (BATCH, MEM_DIM), jnp.float32)
    # q_proj: nn.Linear(mem_dim, mem_dim)
    W = _xavier(k2, (MEM_DIM, MEM_DIM))
    b = jnp.zeros((MEM_DIM,), jnp.float32)
    # memory keys and values, xavier_uniform initialized
    mem_keys = _xavier(k3, (MEM_SIZE, MEM_DIM))
    mem_values = _xavier(k4, (MEM_SIZE, MEM_DIM))
    return {"x": x, "W": W, "b": b, "mem_keys": mem_keys, "mem_values": mem_values}

def reference(x, W, b, mem_keys, mem_values):
    # query projection (query_network='lin_nobn')
    q = x @ W.T + b  # [B, d]
    # cosine distance (dist_method='cos')
    qn = q / (jnp.linalg.norm(q, axis=-1, keepdims=True) + EPS)
    kn = mem_keys / (jnp.linalg.norm(mem_keys, axis=-1, keepdims=True) + EPS)
    scores = qn @ kn.T  # [B, mem_size]
    # softmax over all slots, then select top-k slots (mem_select_topk_type='top')
    probs = jax.nn.softmax(scores / 1.0, axis=-1)
    top_vals, top_idx = jax.lax.top_k(probs, TOPK)  # [B, k]
    # renormalize selected weights and read memory values
    w = top_vals / (jnp.sum(top_vals, axis=-1, keepdims=True) + EPS)
    gathered = mem_values[top_idx]  # [B, k, d] gather
    out = jnp.sum(w[..., None] * gathered, axis=1)  # [B, d]
    return out

if __name__ == "__main__":
    import jax
    _d = setup_inputs()
    print(jax.jit(kernel)(*tuple(_d.values())))

</pallas_src>

<mosaic_0001>
#map = affine_map<(d0, d1) -> (0, 0)>
#map1 = affine_map<(d0, d1) -> (0)>
module attributes {stable_mosaic.version = 14 : i64} {
  func.func @_sc_read(%arg0: i32, %arg1: i32, %arg2: memref<250000x128xf32, #tpu.memory_space<hbm>>, %arg3: memref<1024xi32, #tpu.memory_space<hbm>>, %arg4: memref<1024x128xf32, #tpu.memory_space<hbm>>, %arg5: memref<1024xf32, #tpu.memory_space<hbm>>, %arg6: memref<32xi32, #tpu.memory_space<vmem>>, %arg7: memref<32x128xf32, #tpu.memory_space<vmem>>, %arg8: memref<32x128xf32, #tpu.memory_space<vmem>>, %arg9: memref<32xf32, #tpu.memory_space<vmem>>, %arg10: memref<!tpu.dma_semaphore, #tpu.memory_space<semaphore_mem>>) attributes {dimension_semantics = [#tpu.dimension_semantics<core_parallel>, #tpu.dimension_semantics<subcore_parallel>], iteration_bounds = array<i64: 2, 16>, scalar_prefetch = 0 : i64, scratch_operands = 5 : i64, tpu.core_type = #tpu.core_type<sc_vector_subcore>, window_params = [{transform_indices = #map}, {transform_indices = #map1}, {transform_indices = #map}, {transform_indices = #map1}]} {
    %mul3A = arith.constant 2 : i32
    %mul3A_0 = arith.muli %arg1, %mul3A : i32
    %add3A = arith.addi %mul3A_0, %arg0 : i32
    %mul3A_1 = arith.constant 32 : i32
    %mul3A_2 = arith.muli %add3A, %mul3A_1 : i32
    "tpu.region"() ({
      %run_scoped3A = tpu.sem_alloc : memref<!tpu.dma_semaphore, #tpu.memory_space<semaphore_mem>>
      %dma_start3A_3108 = tpu.memref_slice %arg3[%mul3A_2] : memref<1024xi32, #tpu.memory_space<hbm>> -> memref<32xi32, #tpu.memory_space<hbm>>
      %dma_start3A_3109 = tpu.memref_slice %arg3[%mul3A_2] : memref<1024xi32, #tpu.memory_space<hbm>> -> memref<32xi32, #tpu.memory_space<hbm>>
      tpu.enqueue_dma source(%dma_start3A_3109 : memref<32xi32, #tpu.memory_space<hbm>>) target(%arg6 : memref<32xi32, #tpu.memory_space<vmem>>) target_semaphore(%run_scoped3A : memref<!tpu.dma_semaphore, #tpu.memory_space<semaphore_mem>>)
      %dma_wait3A_3110 = tpu.memref_slice %arg3[%mul3A_2] : memref<1024xi32, #tpu.memory_space<hbm>> -> memref<32xi32, #tpu.memory_space<hbm>>
      %dma_wait3A_3111 = tpu.memref_slice %arg3[%mul3A_2] : memref<1024xi32, #tpu.memory_space<hbm>> -> memref<32xi32, #tpu.memory_space<hbm>>
      tpu.wait_dma2 semaphore(%run_scoped3A : memref<!tpu.dma_semaphore, #tpu.memory_space<semaphore_mem>>) src(%dma_wait3A_3111 : memref<32xi32, #tpu.memory_space<hbm>>) dst(%arg6 : memref<32xi32, #tpu.memory_space<vmem>>)
      tpu.yield
    }) : () -> ()
    "tpu.region"() ({
      %run_scoped3A = tpu.sem_alloc : memref<!tpu.dma_semaphore, #tpu.memory_space<semaphore_mem>>
      %dma_start3A_3108 = arith.constant 0 : i32
      %dma_start3A_3109 = tpu.memref_slice %arg4[%mul3A_2, %dma_start3A_3108] : memref<1024x128xf32, #tpu.memory_space<hbm>> -> memref<32x128xf32, #tpu.memory_space<hbm>>
      %dma_start3A_3110 = arith.constant 0 : i32
      %dma_start3A_3111 = tpu.memref_slice %arg4[%mul3A_2, %dma_start3A_3110] : memref<1024x128xf32, #tpu.memory_space<hbm>> -> memref<32x128xf32, #tpu.memory_space<hbm>>
      tpu.enqueue_dma source(%dma_start3A_3111 : memref<32x128xf32, #tpu.memory_space<hbm>>) target(%arg8 : memref<32x128xf32, #tpu.memory_space<vmem>>) target_semaphore(%run_scoped3A : memref<!tpu.dma_semaphore, #tpu.memory_space<semaphore_mem>>)
      %dma_wait3A_3112 = arith.constant 0 : i32
      %dma_wait3A_3113 = tpu.memref_slice %arg4[%mul3A_2, %dma_wait3A_3112] : memref<1024x128xf32, #tpu.memory_space<hbm>> -> memref<32x128xf32, #tpu.memory_space<hbm>>
      %dma_wait3A_3114 = arith.constant 0 : i32
      %dma_wait3A_3115 = tpu.memref_slice %arg4[%mul3A_2, %dma_wait3A_3114] : memref<1024x128xf32, #tpu.memory_space<hbm>> -> memref<32x128xf32, #tpu.memory_space<hbm>>
      tpu.wait_dma2 semaphore(%run_scoped3A : memref<!tpu.dma_semaphore, #tpu.memory_space<semaphore_mem>>) src(%dma_wait3A_3115 : memref<32x128xf32, #tpu.memory_space<hbm>>) dst(%arg8 : memref<32x128xf32, #tpu.memory_space<vmem>>)
      tpu.yield
    }) : () -> ()
    %dma_start3A = arith.constant 0 : i32
    %dma_start3A_3 = arith.constant 0 : i32
    %dma_start3A_4 = tpu.memref_slice %arg2[%dma_start3A, %dma_start3A_3] : memref<250000x128xf32, #tpu.memory_space<hbm>> -> memref<250000x128xf32, #tpu.memory_space<hbm>>
    tpu.enqueue_indirect_dma source(%dma_start3A_4 : memref<250000x128xf32, #tpu.memory_space<hbm>>) target(%arg7 : memref<32x128xf32, #tpu.memory_space<vmem>>) offsets(%arg6 : memref<32xi32, #tpu.memory_space<vmem>>) semaphore(%arg10 : memref<!tpu.dma_semaphore, #tpu.memory_space<semaphore_mem>>)
    %dma_wait3A = arith.constant 0 : i32
    %dma_wait3A_5 = arith.constant 0 : i32
    %dma_wait3A_6 = tpu.memref_slice %arg2[%dma_wait3A, %dma_wait3A_5] : memref<250000x128xf32, #tpu.memory_space<hbm>> -> memref<250000x128xf32, #tpu.memory_space<hbm>>
    tpu.wait_indirect_dma semaphore(%arg10 : memref<!tpu.dma_semaphore, #tpu.memory_space<semaphore_mem>>) src(%dma_wait3A_6 : memref<250000x128xf32, #tpu.memory_space<hbm>>) dst(%arg7 : memref<32x128xf32, #tpu.memory_space<vmem>>)
    %broadcast_in_dim3A = arith.constant 0.000000e+00 : f32
    %broadcast_in_dim3A_7 = vector.broadcast %broadcast_in_dim3A : f32 to vector<16xf32>
    %broadcast_in_dim3A_8 = arith.constant 0.000000e+00 : f32
    %broadcast_in_dim3A_9 = vector.broadcast %broadcast_in_dim3A_8 : f32 to vector<16xf32>
    %broadcast_in_dim3A_10 = arith.constant 0.000000e+00 : f32
    %broadcast_in_dim3A_11 = vector.broadcast %broadcast_in_dim3A_10 : f32 to vector<16xf32>
    %broadcast_in_dim3A_12 = arith.constant 0.000000e+00 : f32
    %broadcast_in_dim3A_13 = vector.broadcast %broadcast_in_dim3A_12 : f32 to vector<16xf32>
    %broadcast_in_dim3A_14 = arith.constant 0.000000e+00 : f32
    %broadcast_in_dim3A_15 = vector.broadcast %broadcast_in_dim3A_14 : f32 to vector<16xf32>
    %broadcast_in_dim3A_16 = arith.constant 0.000000e+00 : f32
    %broadcast_in_dim3A_17 = vector.broadcast %broadcast_in_dim3A_16 : f32 to vector<16xf32>
    %broadcast_in_dim3A_18 = arith.constant 0.000000e+00 : f32
    %broadcast_in_dim3A_19 = vector.broadcast %broadcast_in_dim3A_18 : f32 to vector<16xf32>
    %broadcast_in_dim3A_20 = arith.constant 0.000000e+00 : f32
    %broadcast_in_dim3A_21 = vector.broadcast %broadcast_in_dim3A_20 : f32 to vector<16xf32>
    %get3A = arith.constant 0 : i32
    %get3A_22 = arith.index_cast %get3A : i32 to index
    %get3A_23 = arith.constant 0 : index
    %get3A_24 = tpu.vector_load %arg7[%get3A_22, %get3A_23] {strides = array<i32>} : memref<32x128xf32, #tpu.memory_space<vmem>>, vector<1x16xf32>,
    %get3A_25 = vector.shape_cast %get3A_24 : vector<1x16xf32> to vector<16xf32>
    %get3A_26 = arith.constant 0 : i32
    %get3A_27 = arith.index_cast %get3A_26 : i32 to index
    %get3A_28 = arith.constant 0 : index
    %get3A_29 = tpu.vector_load %arg8[%get3A_27, %get3A_28] {strides = array<i32>} : memref<32x128xf32, #tpu.memory_space<vmem>>, vector<1x16xf32>,
    %get3A_30 = vector.shape_cast %get3A_29 : vector<1x16xf32> to vector<16xf32>
    %mul3A_31 = arith.mulf %get3A_25, %get3A_30 : vector<16xf32>
    %add3A_32 = arith.addf %broadcast_in_dim3A_7, %mul3A_31 : vector<16xf32>
    %get3A_33 = arith.constant 0 : i32
    %get3A_34 = arith.index_cast %get3A_33 : i32 to index
    %get3A_35 = arith.constant 16 : index
    %get3A_36 = tpu.vector_load %arg7[%get3A_34, %get3A_35] {strides = array<i32>} : memref<32x128xf32, #tpu.memory_space<vmem>>, vector<1x16xf32>,
    %get3A_37 = vector.shape_cast %get3A_36 : vector<1x16xf32> to vector<16xf32>
    %get3A_38 = arith.constant 0 : i32
    %get3A_39 = arith.index_cast %get3A_38 : i32 to index
    %get3A_40 = arith.constant 16 : index
    %get3A_41 = tpu.vector_load %arg8[%get3A_39, %get3A_40] {strides = array<i32>} : memref<32x128xf32, #tpu.memory_space<vmem>>, vector<1x16xf32>,
    %get3A_42 = vector.shape_cast %get3A_41 : vector<1x16xf32> to vector<16xf32>
    %mul3A_43 = arith.mulf %get3A_37, %get3A_42 : vector<16xf32>
    %add3A_44 = arith.addf %broadcast_in_dim3A_9, %mul3A_43 : vector<16xf32>
    %get3A_45 = arith.constant 0 : i32
    %get3A_46 = arith.index_cast %get3A_45 : i32 to index
    %get3A_47 = arith.constant 32 : index
    %get3A_48 = tpu.vector_load %arg7[%get3A_46, %get3A_47] {strides = array<i32>} : memref<32x128xf32, #tpu.memory_space<vmem>>, vector<1x16xf32>,
    %get3A_49 = vector.shape_cast %get3A_48 : vector<1x16xf32> to vector<16xf32>
    %get3A_50 = arith.constant 0 : i32
    %get3A_51 = arith.index_cast %get3A_50 : i32 to index
    %get3A_52 = arith.constant 32 : index
    %get3A_53 = tpu.vector_load %arg8[%get3A_51, %get3A_52] {strides = array<i32>} : memref<32x128xf32, #tpu.memory_space<vmem>>, vector<1x16xf32>,
    %get3A_54 = vector.shape_cast %get3A_53 : vector<1x16xf32> to vector<16xf32>
    %mul3A_55 = arith.mulf %get3A_49, %get3A_54 : vector<16xf32>
    %add3A_56 = arith.addf %broadcast_in_dim3A_11, %mul3A_55 : vector<16xf32>
    %get3A_57 = arith.constant 0 : i32
    %get3A_58 = arith.index_cast %get3A_57 : i32 to index
    %get3A_59 = arith.constant 48 : index
    %get3A_60 = tpu.vector_load %arg7[%get3A_58, %get3A_59] {strides = array<i32>} : memref<32x128xf32, #tpu.memory_space<vmem>>, vector<1x16xf32>,
    %get3A_61 = vector.shape_cast %get3A_60 : vector<1x16xf32> to vector<16xf32>
    %get3A_62 = arith.constant 0 : i32
    %get3A_63 = arith.index_cast %get3A_62 : i32 to index
    %get3A_64 = arith.constant 48 : index
    %get3A_65 = tpu.vector_load %arg8[%get3A_63, %get3A_64] {strides = array<i32>} : memref<32x128xf32, #tpu.memory_space<vmem>>, vector<1x16xf32>,
    %get3A_66 = vector.shape_cast %get3A_65 : vector<1x16xf32> to vector<16xf32>
    %mul3A_67 = arith.mulf %get3A_61, %get3A_66 : vector<16xf32>
    %add3A_68 = arith.addf %broadcast_in_dim3A_13, %mul3A_67 : vector<16xf32>
    %get3A_69 = arith.constant 0 : i32
    %get3A_70 = arith.index_cast %get3A_69 : i32 to index
    %get3A_71 = arith.constant 64 : index
    %get3A_72 = tpu.vector_load %arg7[%get3A_70, %get3A_71] {strides = array<i32>} : memref<32x128xf32, #tpu.memory_space<vmem>>, vector<1x16xf32>,
    %get3A_73 = vector.shape_cast %get3A_72 : vector<1x16xf32> to vector<16xf32>
    %get3A_74 = arith.constant 0 : i32
    %get3A_75 = arith.index_cast %get3A_74 : i32 to index
    %get3A_76 = arith.constant 64 : index
    %get3A_77 = tpu.vector_load %arg8[%get3A_75, %get3A_76] {strides = array<i32>} : memref<32x128xf32, #tpu.memory_space<vmem>>, vector<1x16xf32>,
    %get3A_78 = vector.shape_cast %get3A_77 : vector<1x16xf32> to vector<16xf32>
    %mul3A_79 = arith.mulf %get3A_73, %get3A_78 : vector<16xf32>
    %add3A_80 = arith.addf %broadcast_in_dim3A_15, %mul3A_79 : vector<16xf32>
    %get3A_81 = arith.constant 0 : i32
    %get3A_82 = arith.index_cast %get3A_81 : i32 to index
    %get3A_83 = arith.constant 80 : index
    %get3A_84 = tpu.vector_load %arg7[%get3A_82, %get3A_83] {strides = array<i32>} : memref<32x128xf32, #tpu.memory_space<vmem>>, vector<1x16xf32>,
    %get3A_85 = vector.shape_cast %get3A_84 : vector<1x16xf32> to vector<16xf32>
    %get3A_86 = arith.constant 0 : i32
    %get3A_87 = arith.index_cast %get3A_86 : i32 to index
    %get3A_88 = arith.constant 80 : index
    %get3A_89 = tpu.vector_load %arg8[%get3A_87, %get3A_88] {strides = array<i32>} : memref<32x128xf32, #tpu.memory_space<vmem>>, vector<1x16xf32>,
    %get3A_90 = vector.shape_cast %get3A_89 : vector<1x16xf32> to vector<16xf32>
    %mul3A_91 = arith.mulf %get3A_85, %get3A_90 : vector<16xf32>
    %add3A_92 = arith.addf %broadcast_in_dim3A_17, %mul3A_91 : vector<16xf32>
    %get3A_93 = arith.constant 0 : i32
    %get3A_94 = arith.index_cast %get3A_93 : i32 to index
    %get3A_95 = arith.constant 96 : index
    %get3A_96 = tpu.vector_load %arg7[%get3A_94, %get3A_95] {strides = array<i32>} : memref<32x128xf32, #tpu.memory_space<vmem>>, vector<1x16xf32>,
    %get3A_97 = vector.shape_cast %get3A_96 : vector<1x16xf32> to vector<16xf32>
    %get3A_98 = arith.constant 0 : i32
    %get3A_99 = arith.index_cast %get3A_98 : i32 to index
    %get3A_100 = arith.constant 96 : index
    %get3A_101 = tpu.vector_load %arg8[%get3A_99, %get3A_100] {strides = array<i32>} : memref<32x128xf32, #tpu.memory_space<vmem>>, vector<1x16xf32>,
    %get3A_102 = vector.shape_cast %get3A_101 : vector<1x16xf32> to vector<16xf32>
    %mul3A_103 = arith.mulf %get3A_97, %get3A_102 : vector<16xf32>
    %add3A_104 = arith.addf %broadcast_in_dim3A_19, %mul3A_103 : vector<16xf32>
    %get3A_105 = arith.constant 0 : i32
    %get3A_106 = arith.index_cast %get3A_105 : i32 to index
    %get3A_107 = arith.constant 112 : index
    %get3A_108 = tpu.vector_load %arg7[%get3A_106, %get3A_107] {strides = array<i32>} : memref<32x128xf32, #tpu.memory_space<vmem>>, vector<1x16xf32>,
    %get3A_109 = vector.shape_cast %get3A_108 : vector<1x16xf32> to vector<16xf32>
    %get3A_110 = arith.constant 0 : i32
    %get3A_111 = arith.index_cast %get3A_110 : i32 to index
    %get3A_112 = arith.constant 112 : index
    %get3A_113 = tpu.vector_load %arg8[%get3A_111, %get3A_112] {strides = array<i32>} : memref<32x128xf32, #tpu.memory_space<vmem>>, vector<1x16xf32>,
    %get3A_114 = vector.shape_cast %get3A_113 : vector<1x16xf32> to vector<16xf32>
    %mul3A_115 = arith.mulf %get3A_109, %get3A_114 : vector<16xf32>
    %add3A_116 = arith.addf %broadcast_in_dim3A_21, %mul3A_115 : vector<16xf32>
    %get3A_117 = arith.constant 1 : i32
    %get3A_118 = arith.index_cast %get3A_117 : i32 to index
    %get3A_119 = arith.constant 0 : index
    %get3A_120 = tpu.vector_load %arg7[%get3A_118, %get3A_119] {strides = array<i32>} : memref<32x128xf32, #tpu.memory_space<vmem>>, vector<1x16xf32>,
    %get3A_121 = vector.shape_cast %get3A_120 : vector<1x16xf32> to vector<16xf32>
    %get3A_122 = arith.constant 1 : i32
    %get3A_123 = arith.index_cast %get3A_122 : i32 to index
    %get3A_124 = arith.constant 0 : index
    %get3A_125 = tpu.vector_load %arg8[%get3A_123, %get3A_124] {strides = array<i32>} : memref<32x128xf32, #tpu.memory_space<vmem>>, vector<1x16xf32>,
    %get3A_126 = vector.shape_cast %get3A_125 : vector<1x16xf32> to vector<16xf32>
    %mul3A_127 = arith.mulf %get3A_121, %get3A_126 : vector<16xf32>
    %add3A_128 = arith.addf %add3A_32, %mul3A_127 : vector<16xf32>
    %get3A_129 = arith.constant 1 : i32
    %get3A_130 = arith.index_cast %get3A_129 : i32 to index
    %get3A_131 = arith.constant 16 : index
    %get3A_132 = tpu.vector_load %arg7[%get3A_130, %get3A_131] {strides = array<i32>} : memref<32x128xf32, #tpu.memory_space<vmem>>, vector<1x16xf32>,
    %get3A_133 = vector.shape_cast %get3A_132 : vector<1x16xf32> to vector<16xf32>
    %get3A_134 = arith.constant 1 : i32
    %get3A_135 = arith.index_cast %get3A_134 : i32 to index
    %get3A_136 = arith.constant 16 : index
    %get3A_137 = tpu.vector_load %arg8[%get3A_135, %get3A_136] {strides = array<i32>} : memref<32x128xf32, #tpu.memory_space<vmem>>, vector<1x16xf32>,
    %get3A_138 = vector.shape_cast %get3A_137 : vector<1x16xf32> to vector<16xf32>
    %mul3A_139 = arith.mulf %get3A_133, %get3A_138 : vector<16xf32>
    %add3A_140 = arith.addf %add3A_44, %mul3A_139 : vector<16xf32>
    %get3A_141 = arith.constant 1 : i32
    %get3A_142 = arith.index_cast %get3A_141 : i32 to index
    %get3A_143 = arith.constant 32 : index
    %get3A_144 = tpu.vector_load %arg7[%get3A_142, %get3A_143] {strides = array<i32>} : memref<32x128xf32, #tpu.memory_space<vmem>>, vector<1x16xf32>,
    %get3A_145 = vector.shape_cast %get3A_144 : vector<1x16xf32> to vector<16xf32>
    %get3A_146 = arith.constant 1 : i32
    %get3A_147 = arith.index_cast %get3A_146 : i32 to index
    %get3A_148 = arith.constant 32 : index
    %get3A_149 = tpu.vector_load %arg8[%get3A_147, %get3A_148] {strides = array<i32>} : memref<32x128xf32, #tpu.memory_space<vmem>>, vector<1x16xf32>,
    %get3A_150 = vector.shape_cast %get3A_149 : vector<1x16xf32> to vector<16xf32>
    %mul3A_151 = arith.mulf %get3A_145, %get3A_150 : vector<16xf32>
    %add3A_152 = arith.addf %add3A_56, %mul3A_151 : vector<16xf32>
    %get3A_153 = arith.constant 1 : i32
    %get3A_154 = arith.index_cast %get3A_153 : i32 to index
    %get3A_155 = arith.constant 48 : index
    %get3A_156 = tpu.vector_load %arg7[%get3A_154, %get3A_155] {strides = array<i32>} : memref<32x128xf32, #tpu.memory_space<vmem>>, vector<1x16xf32>,
    %get3A_157 = vector.shape_cast %get3A_156 : vector<1x16xf32> to vector<16xf32>
    %get3A_158 = arith.constant 1 : i32
    %get3A_159 = arith.index_cast %get3A_158 : i32 to index
    %get3A_160 = arith.constant 48 : index
    %get3A_161 = tpu.vector_load %arg8[%get3A_159, %get3A_160] {strides = array<i32>} : memref<32x128xf32, #tpu.memory_space<vmem>>, vector<1x16xf32>,
    %get3A_162 = vector.shape_cast %get3A_161 : vector<1x16xf32> to vector<16xf32>
    %mul3A_163 = arith.mulf %get3A_157, %get3A_162 : vector<16xf32>
    %add3A_164 = arith.addf %add3A_68, %mul3A_163 : vector<16xf32>
    %get3A_165 = arith.constant 1 : i32
    %get3A_166 = arith.index_cast %get3A_165 : i32 to index
    %get3A_167 = arith.constant 64 : index
    %get3A_168 = tpu.vector_load %arg7[%get3A_166, %get3A_167] {strides = array<i32>} : memref<32x128xf32, #tpu.memory_space<vmem>>, vector<1x16xf32>,
    %get3A_169 = vector.shape_cast %get3A_168 : vector<1x16xf32> to vector<16xf32>
    %get3A_170 = arith.constant 1 : i32
    %get3A_171 = arith.index_cast %get3A_170 : i32 to index
    %get3A_172 = arith.constant 64 : index
    %get3A_173 = tpu.vector_load %arg8[%get3A_171, %get3A_172] {strides = array<i32>} : memref<32x128xf32, #tpu.memory_space<vmem>>, vector<1x16xf32>,
    %get3A_174 = vector.shape_cast %get3A_173 : vector<1x16xf32> to vector<16xf32>
    %mul3A_175 = arith.mulf %get3A_169, %get3A_174 : vector<16xf32>
    %add3A_176 = arith.addf %add3A_80, %mul3A_175 : vector<16xf32>
    %get3A_177 = arith.constant 1 : i32
    %get3A_178 = arith.index_cast %get3A_177 : i32 to index
    %get3A_179 = arith.constant 80 : index
    %get3A_180 = tpu.vector_load %arg7[%get3A_178, %get3A_179] {strides = array<i32>} : memref<32x128xf32, #tpu.memory_space<vmem>>, vector<1x16xf32>,
    %get3A_181 = vector.shape_cast %get3A_180 : vector<1x16xf32> to vector<16xf32>
    %get3A_182 = arith.constant 1 : i32
    %get3A_183 = arith.index_cast %get3A_182 : i32 to index
    %get3A_184 = arith.constant 80 : index
    %get3A_185 = tpu.vector_load %arg8[%get3A_183, %get3A_184] {strides = array<i32>} : memref<32x128xf32, #tpu.memory_space<vmem>>, vector<1x16xf32>,
    %get3A_186 = vector.shape_cast %get3A_185 : vector<1x16xf32> to vector<16xf32>
    %mul3A_187 = arith.mulf %get3A_181, %get3A_186 : vector<16xf32>
    %add3A_188 = arith.addf %add3A_92, %mul3A_187 : vector<16xf32>
    %get3A_189 = arith.constant 1 : i32
    %get3A_190 = arith.index_cast %get3A_189 : i32 to index
    %get3A_191 = arith.constant 96 : index
    %get3A_192 = tpu.vector_load %arg7[%get3A_190, %get3A_191] {strides = array<i32>} : memref<32x128xf32, #tpu.memory_space<vmem>>, vector<1x16xf32>,
    %get3A_193 = vector.shape_cast %get3A_192 : vector<1x16xf32> to vector<16xf32>
    %get3A_194 = arith.constant 1 : i32
    %get3A_195 = arith.index_cast %get3A_194 : i32 to index
    %get3A_196 = arith.constant 96 : index
    %get3A_197 = tpu.vector_load %arg8[%get3A_195, %get3A_196] {strides = array<i32>} : memref<32x128xf32, #tpu.memory_space<vmem>>, vector<1x16xf32>,
    %get3A_198 = vector.shape_cast %get3A_197 : vector<1x16xf32> to vector<16xf32>
    %mul3A_199 = arith.mulf %get3A_193, %get3A_198 : vector<16xf32>
    %add3A_200 = arith.addf %add3A_104, %mul3A_199 : vector<16xf32>
    %get3A_201 = arith.constant 1 : i32
    %get3A_202 = arith.index_cast %get3A_201 : i32 to index
    %get3A_203 = arith.constant 112 : index
    %get3A_204 = tpu.vector_load %arg7[%get3A_202, %get3A_203] {strides = array<i32>} : memref<32x128xf32, #tpu.memory_space<vmem>>, vector<1x16xf32>,
    %get3A_205 = vector.shape_cast %get3A_204 : vector<1x16xf32> to vector<16xf32>
    %get3A_206 = arith.constant 1 : i32
    %get3A_207 = arith.index_cast %get3A_206 : i32 to index
    %get3A_208 = arith.constant 112 : index
    %get3A_209 = tpu.vector_load %arg8[%get3A_207, %get3A_208] {strides = array<i32>} : memref<32x128xf32, #tpu.memory_space<vmem>>, vector<1x16xf32>,
    %get3A_210 = vector.shape_cast %get3A_209 : vector<1x16xf32> to vector<16xf32>
    %mul3A_211 = arith.mulf %get3A_205, %get3A_210 : vector<16xf32>
    %add3A_212 = arith.addf %add3A_116, %mul3A_211 : vector<16xf32>
    %get3A_213 = arith.constant 2 : i32
    %get3A_214 = arith.index_cast %get3A_213 : i32 to index
    %get3A_215 = arith.constant 0 : index
    %get3A_216 = tpu.vector_load %arg7[%get3A_214, %get3A_215] {strides = array<i32>} : memref<32x128xf32, #tpu.memory_space<vmem>>, vector<1x16xf32>,
    %get3A_217 = vector.shape_cast %get3A_216 : vector<1x16xf32> to vector<16xf32>
    %get3A_218 = arith.constant 2 : i32
    %get3A_219 = arith.index_cast %get3A_218 : i32 to index
    %get3A_220 = arith.constant 0 : index
    %get3A_221 = tpu.vector_load %arg8[%get3A_219, %get3A_220] {strides = array<i32>} : memref<32x128xf32, #tpu.memory_space<vmem>>, vector<1x16xf32>,
    %get3A_222 = vector.shape_cast %get3A_221 : vector<1x16xf32> to vector<16xf32>
    %mul3A_223 = arith.mulf %get3A_217, %get3A_222 : vector<16xf32>
    %add3A_224 = arith.addf %add3A_128, %mul3A_223 : vector<16xf32>
    %get3A_225 = arith.constant 2 : i32
    %get3A_226 = arith.index_cast %get3A_225 : i32 to index
    %get3A_227 = arith.constant 16 : index
    %get3A_228 = tpu.vector_load %arg7[%get3A_226, %get3A_227] {strides = array<i32>} : memref<32x128xf32, #tpu.memory_space<vmem>>, vector<1x16xf32>,
    %get3A_229 = vector.shape_cast %get3A_228 : vector<1x16xf32> to vector<16xf32>
    %get3A_230 = arith.constant 2 : i32
    %get3A_231 = arith.index_cast %get3A_230 : i32 to index
    %get3A_232 = arith.constant 16 : index
    %get3A_233 = tpu.vector_load %arg8[%get3A_231, %get3A_232] {strides = array<i32>} : memref<32x128xf32, #tpu.memory_space<vmem>>, vector<1x16xf32>,
    %get3A_234 = vector.shape_cast %get3A_233 : vector<1x16xf32> to vector<16xf32>
    %mul3A_235 = arith.mulf %get3A_229, %get3A_234 : vector<16xf32>
    %add3A_236 = arith.addf %add3A_140, %mul3A_235 : vector<16xf32>
    %get3A_237 = arith.constant 2 : i32
    %get3A_238 = arith.index_cast %get3A_237 : i32 to index
    %get3A_239 = arith.constant 32 : index
    %get3A_240 = tpu.vector_load %arg7[%get3A_238, %get3A_239] {strides = array<i32>} : memref<32x128xf32, #tpu.memory_space<vmem>>, vector<1x16xf32>,
    %get3A_241 = vector.shape_cast %get3A_240 : vector<1x16xf32> to vector<16xf32>
    %get3A_242 = arith.constant 2 : i32
    %get3A_243 = arith.index_cast %get3A_242 : i32 to index
    %get3A_244 = arith.constant 32 : index
    %get3A_245 = tpu.vector_load %arg8[%get3A_243, %get3A_244] {strides = array<i32>} : memref<32x128xf32, #tpu.memory_space<vmem>>, vector<1x16xf32>,
    %get3A_246 = vector.shape_cast %get3A_245 : vector<1x16xf32> to vector<16xf32>
    %mul3A_247 = arith.mulf %get3A_241, %get3A_246 : vector<16xf32>
    %add3A_248 = arith.addf %add3A_152, %mul3A_247 : vector<16xf32>
    %get3A_249 = arith.constant 2 : i32
    %get3A_250 = arith.index_cast %get3A_249 : i32 to index
    %get3A_251 = arith.constant 48 : index
    %get3A_252 = tpu.vector_load %arg7[%get3A_250, %get3A_251] {strides = array<i32>} : memref<32x128xf32, #tpu.memory_space<vmem>>, vector<1x16xf32>,
    %get3A_253 = vector.shape_cast %get3A_252 : vector<1x16xf32> to vector<16xf32>
    %get3A_254 = arith.constant 2 : i32
    %get3A_255 = arith.index_cast %get3A_254 : i32 to index
    %get3A_256 = arith.constant 48 : index
    %get3A_257 = tpu.vector_load %arg8[%get3A_255, %get3A_256] {strides = array<i32>} : memref<32x128xf32, #tpu.memory_space<vmem>>, vector<1x16xf32>,
    %get3A_258 = vector.shape_cast %get3A_257 : vector<1x16xf32> to vector<16xf32>
    %mul3A_259 = arith.mulf %get3A_253, %get3A_258 : vector<16xf32>
    %add3A_260 = arith.addf %add3A_164, %mul3A_259 : vector<16xf32>
    %get3A_261 = arith.constant 2 : i32
    %get3A_262 = arith.index_cast %get3A_261 : i32 to index
    %get3A_263 = arith.constant 64 : index
    %get3A_264 = tpu.vector_load %arg7[%get3A_262, %get3A_263] {strides = array<i32>} : memref<32x128xf32, #tpu.memory_space<vmem>>, vector<1x16xf32>,
    %get3A_265 = vector.shape_cast %get3A_264 : vector<1x16xf32> to vector<16xf32>
    %get3A_266 = arith.constant 2 : i32
    %get3A_267 = arith.index_cast %get3A_266 : i32 to index
    %get3A_268 = arith.constant 64 : index
    %get3A_269 = tpu.vector_load %arg8[%get3A_267, %get3A_268] {strides = array<i32>} : memref<32x128xf32, #tpu.memory_space<vmem>>, vector<1x16xf32>,
    %get3A_270 = vector.shape_cast %get3A_269 : vector<1x16xf32> to vector<16xf32>
    %mul3A_271 = arith.mulf %get3A_265, %get3A_270 : vector<16xf32>
    %add3A_272 = arith.addf %add3A_176, %mul3A_271 : vector<16xf32>
    %get3A_273 = arith.constant 2 : i32
    %get3A_274 = arith.index_cast %get3A_273 : i32 to index
    %get3A_275 = arith.constant 80 : index
    %get3A_276 = tpu.vector_load %arg7[%get3A_274, %get3A_275] {strides = array<i32>} : memref<32x128xf32, #tpu.memory_space<vmem>>, vector<1x16xf32>,
    %get3A_277 = vector.shape_cast %get3A_276 : vector<1x16xf32> to vector<16xf32>
    %get3A_278 = arith.constant 2 : i32
    %get3A_279 = arith.index_cast %get3A_278 : i32 to index
    %get3A_280 = arith.constant 80 : index
    %get3A_281 = tpu.vector_load %arg8[%get3A_279, %get3A_280] {strides = array<i32>} : memref<32x128xf32, #tpu.memory_space<vmem>>, vector<1x16xf32>,
    %get3A_282 = vector.shape_cast %get3A_281 : vector<1x16xf32> to vector<16xf32>
    %mul3A_283 = arith.mulf %get3A_277, %get3A_282 : vector<16xf32>
    %add3A_284 = arith.addf %add3A_188, %mul3A_283 : vector<16xf32>
    %get3A_285 = arith.constant 2 : i32
    %get3A_286 = arith.index_cast %get3A_285 : i32 to index
    %get3A_287 = arith.constant 96 : index
    %get3A_288 = tpu.vector_load %arg7[%get3A_286, %get3A_287] {strides = array<i32>} : memref<32x128xf32, #tpu.memory_space<vmem>>, vector<1x16xf32>,
    %get3A_289 = vector.shape_cast %get3A_288 : vector<1x16xf32> to vector<16xf32>
    %get3A_290 = arith.constant 2 : i32
    %get3A_291 = arith.index_cast %get3A_290 : i32 to index
    %get3A_292 = arith.constant 96 : index
    %get3A_293 = tpu.vector_load %arg8[%get3A_291, %get3A_292] {strides = array<i32>} : memref<32x128xf32, #tpu.memory_space<vmem>>, vector<1x16xf32>,
    %get3A_294 = vector.shape_cast %get3A_293 : vector<1x16xf32> to vector<16xf32>
    %mul3A_295 = arith.mulf %get3A_289, %get3A_294 : vector<16xf32>
    %add3A_296 = arith.addf %add3A_200, %mul3A_295 : vector<16xf32>
    %get3A_297 = arith.constant 2 : i32
    %get3A_298 = arith.index_cast %get3A_297 : i32 to index
    %get3A_299 = arith.constant 112 : index
    %get3A_300 = tpu.vector_load %arg7[%get3A_298, %get3A_299] {strides = array<i32>} : memref<32x128xf32, #tpu.memory_space<vmem>>, vector<1x16xf32>,
    %get3A_301 = vector.shape_cast %get3A_300 : vector<1x16xf32> to vector<16xf32>
    %get3A_302 = arith.constant 2 : i32
    %get3A_303 = arith.index_cast %get3A_302 : i32 to index
    %get3A_304 = arith.constant 112 : index
    %get3A_305 = tpu.vector_load %arg8[%get3A_303, %get3A_304] {strides = array<i32>} : memref<32x128xf32, #tpu.memory_space<vmem>>, vector<1x16xf32>,
    %get3A_306 = vector.shape_cast %get3A_305 : vector<1x16xf32> to vector<16xf32>
    %mul3A_307 = arith.mulf %get3A_301, %get3A_306 : vector<16xf32>
    %add3A_308 = arith.addf %add3A_212, %mul3A_307 : vector<16xf32>
    %get3A_309 = arith.constant 3 : i32
    %get3A_310 = arith.index_cast %get3A_309 : i32 to index
    %get3A_311 = arith.constant 0 : index
    %get3A_312 = tpu.vector_load %arg7[%get3A_310, %get3A_311] {strides = array<i32>} : memref<32x128xf32, #tpu.memory_space<vmem>>, vector<1x16xf32>,
    %get3A_313 = vector.shape_cast %get3A_312 : vector<1x16xf32> to vector<16xf32>
    %get3A_314 = arith.constant 3 : i32
    %get3A_315 = arith.index_cast %get3A_314 : i32 to index
    %get3A_316 = arith.constant 0 : index
    %get3A_317 = tpu.vector_load %arg8[%get3A_315, %get3A_316] {strides = array<i32>} : memref<32x128xf32, #tpu.memory_space<vmem>>, vector<1x16xf32>,
    %get3A_318 = vector.shape_cast %get3A_317 : vector<1x16xf32> to vector<16xf32>
    %mul3A_319 = arith.mulf %get3A_313, %get3A_318 : vector<16xf32>
    %add3A_320 = arith.addf %add3A_224, %mul3A_319 : vector<16xf32>
    %get3A_321 = arith.constant 3 : i32
    %get3A_322 = arith.index_cast %get3A_321 : i32 to index
    %get3A_323 = arith.constant 16 : index
    %get3A_324 = tpu.vector_load %arg7[%get3A_322, %get3A_323] {strides = array<i32>} : memref<32x128xf32, #tpu.memory_space<vmem>>, vector<1x16xf32>,
    %get3A_325 = vector.shape_cast %get3A_324 : vector<1x16xf32> to vector<16xf32>
    %get3A_326 = arith.constant 3 : i32
    %get3A_327 = arith.index_cast %get3A_326 : i32 to index
    %get3A_328 = arith.constant 16 : index
    %get3A_329 = tpu.vector_load %arg8[%get3A_327, %get3A_328] {strides = array<i32>} : memref<32x128xf32, #tpu.memory_space<vmem>>, vector<1x16xf32>,
    %get3A_330 = vector.shape_cast %get3A_329 : vector<1x16xf32> to vector<16xf32>
    %mul3A_331 = arith.mulf %get3A_325, %get3A_330 : vector<16xf32>
    %add3A_332 = arith.addf %add3A_236, %mul3A_331 : vector<16xf32>
    %get3A_333 = arith.constant 3 : i32
    %get3A_334 = arith.index_cast %get3A_333 : i32 to index
    %get3A_335 = arith.constant 32 : index
    %get3A_336 = tpu.vector_load %arg7[%get3A_334, %get3A_335] {strides = array<i32>} : memref<32x128xf32, #tpu.memory_space<vmem>>, vector<1x16xf32>,
    %get3A_337 = vector.shape_cast %get3A_336 : vector<1x16xf32> to vector<16xf32>
    %get3A_338 = arith.constant 3 : i32
    %get3A_339 = arith.index_cast %get3A_338 : i32 to index
    %get3A_340 = arith.constant 32 : index
    %get3A_341 = tpu.vector_load %arg8[%get3A_339, %get3A_340] {strides = array<i32>} : memref<32x128xf32, #tpu.memory_space<vmem>>, vector<1x16xf32>,
    %get3A_342 = vector.shape_cast %get3A_341 : vector<1x16xf32> to vector<16xf32>
    %mul3A_343 = arith.mulf %get3A_337, %get3A_342 : vector<16xf32>
    %add3A_344 = arith.addf %add3A_248, %mul3A_343 : vector<16xf32>
    %get3A_345 = arith.constant 3 : i32
    %get3A_346 = arith.index_cast %get3A_345 : i32 to index
    %get3A_347 = arith.constant 48 : index
    %get3A_348 = tpu.vector_load %arg7[%get3A_346, %get3A_347] {strides = array<i32>} : memref<32x128xf32, #tpu.memory_space<vmem>>, vector<1x16xf32>,
    %get3A_349 = vector.shape_cast %get3A_348 : vector<1x16xf32> to vector<16xf32>
    %get3A_350 = arith.constant 3 : i32
    %get3A_351 = arith.index_cast %get3A_350 : i32 to index
    %get3A_352 = arith.constant 48 : index
    %get3A_353 = tpu.vector_load %arg8[%get3A_351, %get3A_352] {strides = array<i32>} : memref<32x128xf32, #tpu.memory_space<vmem>>, vector<1x16xf32>,
    %get3A_354 = vector.shape_cast %get3A_353 : vector<1x16xf32> to vector<16xf32>
    %mul3A_355 = arith.mulf %get3A_349, %get3A_354 : vector<16xf32>
    %add3A_356 = arith.addf %add3A_260, %mul3A_355 : vector<16xf32>
    %get3A_357 = arith.constant 3 : i32
    %get3A_358 = arith.index_cast %get3A_357 : i32 to index
    %get3A_359 = arith.constant 64 : index
    %get3A_360 = tpu.vector_load %arg7[%get3A_358, %get3A_359] {strides = array<i32>} : memref<32x128xf32, #tpu.memory_space<vmem>>, vector<1x16xf32>,
    %get3A_361 = vector.shape_cast %get3A_360 : vector<1x16xf32> to vector<16xf32>
    %get3A_362 = arith.constant 3 : i32
    %get3A_363 = arith.index_cast %get3A_362 : i32 to index
    %get3A_364 = arith.constant 64 : index
    %get3A_365 = tpu.vector_load %arg8[%get3A_363, %get3A_364] {strides = array<i32>} : memref<32x128xf32, #tpu.memory_space<vmem>>, vector<1x16xf32>,
    %get3A_366 = vector.shape_cast %get3A_365 : vector<1x16xf32> to vector<16xf32>
    %mul3A_367 = arith.mulf %get3A_361, %get3A_366 : vector<16xf32>
    %add3A_368 = arith.addf %add3A_272, %mul3A_367 : vector<16xf32>
    %get3A_369 = arith.constant 3 : i32
    %get3A_370 = arith.index_cast %get3A_369 : i32 to index
    %get3A_371 = arith.constant 80 : index
    %get3A_372 = tpu.vector_load %arg7[%get3A_370, %get3A_371] {strides = array<i32>} : memref<32x128xf32, #tpu.memory_space<vmem>>, vector<1x16xf32>,
    %get3A_373 = vector.shape_cast %get3A_372 : vector<1x16xf32> to vector<16xf32>
    %get3A_374 = arith.constant 3 : i32
    %get3A_375 = arith.index_cast %get3A_374 : i32 to index
    %get3A_376 = arith.constant 80 : index
    %get3A_377 = tpu.vector_load %arg8[%get3A_375, %get3A_376] {strides = array<i32>} : memref<32x128xf32, #tpu.memory_space<vmem>>, vector<1x16xf32>,
    %get3A_378 = vector.shape_cast %get3A_377 : vector<1x16xf32> to vector<16xf32>
    %mul3A_379 = arith.mulf %get3A_373, %get3A_378 : vector<16xf32>
    %add3A_380 = arith.addf %add3A_284, %mul3A_379 : vector<16xf32>
    %get3A_381 = arith.constant 3 : i32
    %get3A_382 = arith.index_cast %get3A_381 : i32 to index
    %get3A_383 = arith.constant 96 : index
    %get3A_384 = tpu.vector_load %arg7[%get3A_382, %get3A_383] {strides = array<i32>} : memref<32x128xf32, #tpu.memory_space<vmem>>, vector<1x16xf32>,
    %get3A_385 = vector.shape_cast %get3A_384 : vector<1x16xf32> to vector<16xf32>
    %get3A_386 = arith.constant 3 : i32
    %get3A_387 = arith.index_cast %get3A_386 : i32 to index
    %get3A_388 = arith.constant 96 : index
    %get3A_389 = tpu.vector_load %arg8[%get3A_387, %get3A_388] {strides = array<i32>} : memref<32x128xf32, #tpu.memory_space<vmem>>, vector<1x16xf32>,
    %get3A_390 = vector.shape_cast %get3A_389 : vector<1x16xf32> to vector<16xf32>
    %mul3A_391 = arith.mulf %get3A_385, %get3A_390 : vector<16xf32>
    %add3A_392 = arith.addf %add3A_296, %mul3A_391 : vector<16xf32>
    %get3A_393 = arith.constant 3 : i32
    %get3A_394 = arith.index_cast %get3A_393 : i32 to index
    %get3A_395 = arith.constant 112 : index
    %get3A_396 = tpu.vector_load %arg7[%get3A_394, %get3A_395] {strides = array<i32>} : memref<32x128xf32, #tpu.memory_space<vmem>>, vector<1x16xf32>,
    %get3A_397 = vector.shape_cast %get3A_396 : vector<1x16xf32> to vector<16xf32>
    %get3A_398 = arith.constant 3 : i32
    %get3A_399 = arith.index_cast %get3A_398 : i32 to index
    %get3A_400 = arith.constant 112 : index
    %get3A_401 = tpu.vector_load %arg8[%get3A_399, %get3A_400] {strides = array<i32>} : memref<32x128xf32, #tpu.memory_space<vmem>>, vector<1x16xf32>,
    %get3A_402 = vector.shape_cast %get3A_401 : vector<1x16xf32> to vector<16xf32>
    %mul3A_403 = arith.mulf %get3A_397, %get3A_402 : vector<16xf32>
    %add3A_404 = arith.addf %add3A_308, %mul3A_403 : vector<16xf32>
    %get3A_405 = arith.constant 4 : i32
    %get3A_406 = arith.index_cast %get3A_405 : i32 to index
    %get3A_407 = arith.constant 0 : index
    %get3A_408 = tpu.vector_load %arg7[%get3A_406, %get3A_407] {strides = array<i32>} : memref<32x128xf32, #tpu.memory_space<vmem>>, vector<1x16xf32>,
    %get3A_409 = vector.shape_cast %get3A_408 : vector<1x16xf32> to vector<16xf32>
    %get3A_410 = arith.constant 4 : i32
    %get3A_411 = arith.index_cast %get3A_410 : i32 to index
    %get3A_412 = arith.constant 0 : index
    %get3A_413 = tpu.vector_load %arg8[%get3A_411, %get3A_412] {strides = array<i32>} : memref<32x128xf32, #tpu.memory_space<vmem>>, vector<1x16xf32>,
    %get3A_414 = vector.shape_cast %get3A_413 : vector<1x16xf32> to vector<16xf32>
    %mul3A_415 = arith.mulf %get3A_409, %get3A_414 : vector<16xf32>
    %add3A_416 = arith.addf %add3A_320, %mul3A_415 : vector<16xf32>
    %get3A_417 = arith.constant 4 : i32
    %get3A_418 = arith.index_cast %get3A_417 : i32 to index
    %get3A_419 = arith.constant 16 : index
    %get3A_420 = tpu.vector_load %arg7[%get3A_418, %get3A_419] {strides = array<i32>} : memref<32x128xf32, #tpu.memory_space<vmem>>, vector<1x16xf32>,
    %get3A_421 = vector.shape_cast %get3A_420 : vector<1x16xf32> to vector<16xf32>
    %get3A_422 = arith.constant 4 : i32
    %get3A_423 = arith.index_cast %get3A_422 : i32 to index
    %get3A_424 = arith.constant 16 : index
    %get3A_425 = tpu.vector_load %arg8[%get3A_423, %get3A_424] {strides = array<i32>} : memref<32x128xf32, #tpu.memory_space<vmem>>, vector<1x16xf32>,
    %get3A_426 = vector.shape_cast %get3A_425 : vector<1x16xf32> to vector<16xf32>
    %mul3A_427 = arith.mulf %get3A_421, %get3A_426 : vector<16xf32>
    %add3A_428 = arith.addf %add3A_332, %mul3A_427 : vector<16xf32>
    %get3A_429 = arith.constant 4 : i32
    %get3A_430 = arith.index_cast %get3A_429 : i32 to index
    %get3A_431 = arith.constant 32 : index
    %get3A_432 = tpu.vector_load %arg7[%get3A_430, %get3A_431] {strides = array<i32>} : memref<32x128xf32, #tpu.memory_space<vmem>>, vector<1x16xf32>,
    %get3A_433 = vector.shape_cast %get3A_432 : vector<1x16xf32> to vector<16xf32>
    %get3A_434 = arith.constant 4 : i32
    %get3A_435 = arith.index_cast %get3A_434 : i32 to index
    %get3A_436 = arith.constant 32 : index
    %get3A_437 = tpu.vector_load %arg8[%get3A_435, %get3A_436] {strides = array<i32>} : memref<32x128xf32, #tpu.memory_space<vmem>>, vector<1x16xf32>,
    %get3A_438 = vector.shape_cast %get3A_437 : vector<1x16xf32> to vector<16xf32>
    %mul3A_439 = arith.mulf %get3A_433, %get3A_438 : vector<16xf32>
    %add3A_440 = arith.addf %add3A_344, %mul3A_439 : vector<16xf32>
    %get3A_441 = arith.constant 4 : i32
    %get3A_442 = arith.index_cast %get3A_441 : i32 to index
    %get3A_443 = arith.constant 48 : index
    %get3A_444 = tpu.vector_load %arg7[%get3A_442, %get3A_443] {strides = array<i32>} : memref<32x128xf32, #tpu.memory_space<vmem>>, vector<1x16xf32>,
    %get3A_445 = vector.shape_cast %get3A_444 : vector<1x16xf32> to vector<16xf32>
    %get3A_446 = arith.constant 4 : i32
    %get3A_447 = arith.index_cast %get3A_446 : i32 to index
    %get3A_448 = arith.constant 48 : index
    %get3A_449 = tpu.vector_load %arg8[%get3A_447, %get3A_448] {strides = array<i32>} : memref<32x128xf32, #tpu.memory_space<vmem>>, vector<1x16xf32>,
    %get3A_450 = vector.shape_cast %get3A_449 : vector<1x16xf32> to vector<16xf32>
    %mul3A_451 = arith.mulf %get3A_445, %get3A_450 : vector<16xf32>
    %add3A_452 = arith.addf %add3A_356, %mul3A_451 : vector<16xf32>
    %get3A_453 = arith.constant 4 : i32
    %get3A_454 = arith.index_cast %get3A_453 : i32 to index
    %get3A_455 = arith.constant 64 : index
    %get3A_456 = tpu.vector_load %arg7[%get3A_454, %get3A_455] {strides = array<i32>} : memref<32x128xf32, #tpu.memory_space<vmem>>, vector<1x16xf32>,
    %get3A_457 = vector.shape_cast %get3A_456 : vector<1x16xf32> to vector<16xf32>
    %get3A_458 = arith.constant 4 : i32
    %get3A_459 = arith.index_cast %get3A_458 : i32 to index
    %get3A_460 = arith.constant 64 : index
    %get3A_461 = tpu.vector_load %arg8[%get3A_459, %get3A_460] {strides = array<i32>} : memref<32x128xf32, #tpu.memory_space<vmem>>, vector<1x16xf32>,
    %get3A_462 = vector.shape_cast %get3A_461 : vector<1x16xf32> to vector<16xf32>
    %mul3A_463 = arith.mulf %get3A_457, %get3A_462 : vector<16xf32>
    %add3A_464 = arith.addf %add3A_368, %mul3A_463 : vector<16xf32>
    %get3A_465 = arith.constant 4 : i32
    %get3A_466 = arith.index_cast %get3A_465 : i32 to index
    %get3A_467 = arith.constant 80 : index
    %get3A_468 = tpu.vector_load %arg7[%get3A_466, %get3A_467] {strides = array<i32>} : memref<32x128xf32, #tpu.memory_space<vmem>>, vector<1x16xf32>,
    %get3A_469 = vector.shape_cast %get3A_468 : vector<1x16xf32> to vector<16xf32>
    %get3A_470 = arith.constant 4 : i32
    %get3A_471 = arith.index_cast %get3A_470 : i32 to index
    %get3A_472 = arith.constant 80 : index
    %get3A_473 = tpu.vector_load %arg8[%get3A_471, %get3A_472] {strides = array<i32>} : memref<32x128xf32, #tpu.memory_space<vmem>>, vector<1x16xf32>,
    %get3A_474 = vector.shape_cast %get3A_473 : vector<1x16xf32> to vector<16xf32>
    %mul3A_475 = arith.mulf %get3A_469, %get3A_474 : vector<16xf32>
    %add3A_476 = arith.addf %add3A_380, %mul3A_475 : vector<16xf32>
    %get3A_477 = arith.constant 4 : i32
    %get3A_478 = arith.index_cast %get3A_477 : i32 to index
    %get3A_479 = arith.constant 96 : index
    %get3A_480 = tpu.vector_load %arg7[%get3A_478, %get3A_479] {strides = array<i32>} : memref<32x128xf32, #tpu.memory_space<vmem>>, vector<1x16xf32>,
    %get3A_481 = vector.shape_cast %get3A_480 : vector<1x16xf32> to vector<16xf32>
    %get3A_482 = arith.constant 4 : i32
    %get3A_483 = arith.index_cast %get3A_482 : i32 to index
    %get3A_484 = arith.constant 96 : index
    %get3A_485 = tpu.vector_load %arg8[%get3A_483, %get3A_484] {strides = array<i32>} : memref<32x128xf32, #tpu.memory_space<vmem>>, vector<1x16xf32>,
    %get3A_486 = vector.shape_cast %get3A_485 : vector<1x16xf32> to vector<16xf32>
    %mul3A_487 = arith.mulf %get3A_481, %get3A_486 : vector<16xf32>
    %add3A_488 = arith.addf %add3A_392, %mul3A_487 : vector<16xf32>
    %get3A_489 = arith.constant 4 : i32
    %get3A_490 = arith.index_cast %get3A_489 : i32 to index
    %get3A_491 = arith.constant 112 : index
    %get3A_492 = tpu.vector_load %arg7[%get3A_490, %get3A_491] {strides = array<i32>} : memref<32x128xf32, #tpu.memory_space<vmem>>, vector<1x16xf32>,
    %get3A_493 = vector.shape_cast %get3A_492 : vector<1x16xf32> to vector<16xf32>
    %get3A_494 = arith.constant 4 : i32
    %get3A_495 = arith.index_cast %get3A_494 : i32 to index
    %get3A_496 = arith.constant 112 : index
    %get3A_497 = tpu.vector_load %arg8[%get3A_495, %get3A_496] {strides = array<i32>} : memref<32x128xf32, #tpu.memory_space<vmem>>, vector<1x16xf32>,
    %get3A_498 = vector.shape_cast %get3A_497 : vector<1x16xf32> to vector<16xf32>
    %mul3A_499 = arith.mulf %get3A_493, %get3A_498 : vector<16xf32>
    %add3A_500 = arith.addf %add3A_404, %mul3A_499 : vector<16xf32>
    %get3A_501 = arith.constant 5 : i32
    %get3A_502 = arith.index_cast %get3A_501 : i32 to index
    %get3A_503 = arith.constant 0 : index
    %get3A_504 = tpu.vector_load %arg7[%get3A_502, %get3A_503] {strides = array<i32>} : memref<32x128xf32, #tpu.memory_space<vmem>>, vector<1x16xf32>,
    %get3A_505 = vector.shape_cast %get3A_504 : vector<1x16xf32> to vector<16xf32>
    %get3A_506 = arith.constant 5 : i32
    %get3A_507 = arith.index_cast %get3A_506 : i32 to index
    %get3A_508 = arith.constant 0 : index
    %get3A_509 = tpu.vector_load %arg8[%get3A_507, %get3A_508] {strides = array<i32>} : memref<32x128xf32, #tpu.memory_space<vmem>>, vector<1x16xf32>,
    %get3A_510 = vector.shape_cast %get3A_509 : vector<1x16xf32> to vector<16xf32>
    %mul3A_511 = arith.mulf %get3A_505, %get3A_510 : vector<16xf32>
    %add3A_512 = arith.addf %add3A_416, %mul3A_511 : vector<16xf32>
    %get3A_513 = arith.constant 5 : i32
    %get3A_514 = arith.index_cast %get3A_513 : i32 to index
    %get3A_515 = arith.constant 16 : index
    %get3A_516 = tpu.vector_load %arg7[%get3A_514, %get3A_515] {strides = array<i32>} : memref<32x128xf32, #tpu.memory_space<vmem>>, vector<1x16xf32>,
    %get3A_517 = vector.shape_cast %get3A_516 : vector<1x16xf32> to vector<16xf32>
    %get3A_518 = arith.constant 5 : i32
    %get3A_519 = arith.index_cast %get3A_518 : i32 to index
    %get3A_520 = arith.constant 16 : index
    %get3A_521 = tpu.vector_load %arg8[%get3A_519, %get3A_520] {strides = array<i32>} : memref<32x128xf32, #tpu.memory_space<vmem>>, vector<1x16xf32>,
    %get3A_522 = vector.shape_cast %get3A_521 : vector<1x16xf32> to vector<16xf32>
    %mul3A_523 = arith.mulf %get3A_517, %get3A_522 : vector<16xf32>
    %add3A_524 = arith.addf %add3A_428, %mul3A_523 : vector<16xf32>
    %get3A_525 = arith.constant 5 : i32
    %get3A_526 = arith.index_cast %get3A_525 : i32 to index
    %get3A_527 = arith.constant 32 : index
    %get3A_528 = tpu.vector_load %arg7[%get3A_526, %get3A_527] {strides = array<i32>} : memref<32x128xf32, #tpu.memory_space<vmem>>, vector<1x16xf32>,
    %get3A_529 = vector.shape_cast %get3A_528 : vector<1x16xf32> to vector<16xf32>
    %get3A_530 = arith.constant 5 : i32
    %get3A_531 = arith.index_cast %get3A_530 : i32 to index
    %get3A_532 = arith.constant 32 : index
    %get3A_533 = tpu.vector_load %arg8[%get3A_531, %get3A_532] {strides = array<i32>} : memref<32x128xf32, #tpu.memory_space<vmem>>, vector<1x16xf32>,
    %get3A_534 = vector.shape_cast %get3A_533 : vector<1x16xf32> to vector<16xf32>
    %mul3A_535 = arith.mulf %get3A_529, %get3A_534 : vector<16xf32>
    %add3A_536 = arith.addf %add3A_440, %mul3A_535 : vector<16xf32>
    %get3A_537 = arith.constant 5 : i32
    %get3A_538 = arith.index_cast %get3A_537 : i32 to index
    %get3A_539 = arith.constant 48 : index
    %get3A_540 = tpu.vector_load %arg7[%get3A_538, %get3A_539] {strides = array<i32>} : memref<32x128xf32, #tpu.memory_space<vmem>>, vector<1x16xf32>,
    %get3A_541 = vector.shape_cast %get3A_540 : vector<1x16xf32> to vector<16xf32>
    %get3A_542 = arith.constant 5 : i32
    %get3A_543 = arith.index_cast %get3A_542 : i32 to index
    %get3A_544 = arith.constant 48 : index
    %get3A_545 = tpu.vector_load %arg8[%get3A_543, %get3A_544] {strides = array<i32>} : memref<32x128xf32, #tpu.memory_space<vmem>>, vector<1x16xf32>,
    %get3A_546 = vector.shape_cast %get3A_545 : vector<1x16xf32> to vector<16xf32>
    %mul3A_547 = arith.mulf %get3A_541, %get3A_546 : vector<16xf32>
    %add3A_548 = arith.addf %add3A_452, %mul3A_547 : vector<16xf32>
    %get3A_549 = arith.constant 5 : i32
    %get3A_550 = arith.index_cast %get3A_549 : i32 to index
    %get3A_551 = arith.constant 64 : index
    %get3A_552 = tpu.vector_load %arg7[%get3A_550, %get3A_551] {strides = array<i32>} : memref<32x128xf32, #tpu.memory_space<vmem>>, vector<1x16xf32>,
    %get3A_553 = vector.shape_cast %get3A_552 : vector<1x16xf32> to vector<16xf32>
    %get3A_554 = arith.constant 5 : i32
    %get3A_555 = arith.index_cast %get3A_554 : i32 to index
    %get3A_556 = arith.constant 64 : index
    %get3A_557 = tpu.vector_load %arg8[%get3A_555, %get3A_556] {strides = array<i32>} : memref<32x128xf32, #tpu.memory_space<vmem>>, vector<1x16xf32>,
    %get3A_558 = vector.shape_cast %get3A_557 : vector<1x16xf32> to vector<16xf32>
    %mul3A_559 = arith.mulf %get3A_553, %get3A_558 : vector<16xf32>
    %add3A_560 = arith.addf %add3A_464, %mul3A_559 : vector<16xf32>
    %get3A_561 = arith.constant 5 : i32
    %get3A_562 = arith.index_cast %get3A_561 : i32 to index
    %get3A_563 = arith.constant 80 : index
    %get3A_564 = tpu.vector_load %arg7[%get3A_562, %get3A_563] {strides = array<i32>} : memref<32x128xf32, #tpu.memory_space<vmem>>, vector<1x16xf32>,
    %get3A_565 = vector.shape_cast %get3A_564 : vector<1x16xf32> to vector<16xf32>
    %get3A_566 = arith.constant 5 : i32
    %get3A_567 = arith.index_cast %get3A_566 : i32 to index
    %get3A_568 = arith.constant 80 : index
    %get3A_569 = tpu.vector_load %arg8[%get3A_567, %get3A_568] {strides = array<i32>} : memref<32x128xf32, #tpu.memory_space<vmem>>, vector<1x16xf32>,
    %get3A_570 = vector.shape_cast %get3A_569 : vector<1x16xf32> to vector<16xf32>
    %mul3A_571 = arith.mulf %get3A_565, %get3A_570 : vector<16xf32>
    %add3A_572 = arith.addf %add3A_476, %mul3A_571 : vector<16xf32>
    %get3A_573 = arith.constant 5 : i32
    %get3A_574 = arith.index_cast %get3A_573 : i32 to index
    %get3A_575 = arith.constant 96 : index
    %get3A_576 = tpu.vector_load %arg7[%get3A_574, %get3A_575] {strides = array<i32>} : memref<32x128xf32, #tpu.memory_space<vmem>>, vector<1x16xf32>,
    %get3A_577 = vector.shape_cast %get3A_576 : vector<1x16xf32> to vector<16xf32>
    %get3A_578 = arith.constant 5 : i32
    %get3A_579 = arith.index_cast %get3A_578 : i32 to index
    %get3A_580 = arith.constant 96 : index
    %get3A_581 = tpu.vector_load %arg8[%get3A_579, %get3A_580] {strides = array<i32>} : memref<32x128xf32, #tpu.memory_space<vmem>>, vector<1x16xf32>,
    %get3A_582 = vector.shape_cast %get3A_581 : vector<1x16xf32> to vector<16xf32>
    %mul3A_583 = arith.mulf %get3A_577, %get3A_582 : vector<16xf32>
    %add3A_584 = arith.addf %add3A_488, %mul3A_583 : vector<16xf32>
    %get3A_585 = arith.constant 5 : i32
    %get3A_586 = arith.index_cast %get3A_585 : i32 to index
    %get3A_587 = arith.constant 112 : index
    %get3A_588 = tpu.vector_load %arg7[%get3A_586, %get3A_587] {strides = array<i32>} : memref<32x128xf32, #tpu.memory_space<vmem>>, vector<1x16xf32>,
    %get3A_589 = vector.shape_cast %get3A_588 : vector<1x16xf32> to vector<16xf32>
    %get3A_590 = arith.constant 5 : i32
    %get3A_591 = arith.index_cast %get3A_590 : i32 to index
    %get3A_592 = arith.constant 112 : index
    %get3A_593 = tpu.vector_load %arg8[%get3A_591, %get3A_592] {strides = array<i32>} : memref<32x128xf32, #tpu.memory_space<vmem>>, vector<1x16xf32>,
    %get3A_594 = vector.shape_cast %get3A_593 : vector<1x16xf32> to vector<16xf32>
    %mul3A_595 = arith.mulf %get3A_589, %get3A_594 : vector<16xf32>
    %add3A_596 = arith.addf %add3A_500, %mul3A_595 : vector<16xf32>
    %get3A_597 = arith.constant 6 : i32
    %get3A_598 = arith.index_cast %get3A_597 : i32 to index
    %get3A_599 = arith.constant 0 : index
    %get3A_600 = tpu.vector_load %arg7[%get3A_598, %get3A_599] {strides = array<i32>} : memref<32x128xf32, #tpu.memory_space<vmem>>, vector<1x16xf32>,
    %get3A_601 = vector.shape_cast %get3A_600 : vector<1x16xf32> to vector<16xf32>
    %get3A_602 = arith.constant 6 : i32
    %get3A_603 = arith.index_cast %get3A_602 : i32 to index
    %get3A_604 = arith.constant 0 : index
    %get3A_605 = tpu.vector_load %arg8[%get3A_603, %get3A_604] {strides = array<i32>} : memref<32x128xf32, #tpu.memory_space<vmem>>, vector<1x16xf32>,
    %get3A_606 = vector.shape_cast %get3A_605 : vector<1x16xf32> to vector<16xf32>
    %mul3A_607 = arith.mulf %get3A_601, %get3A_606 : vector<16xf32>
    %add3A_608 = arith.addf %add3A_512, %mul3A_607 : vector<16xf32>
    %get3A_609 = arith.constant 6 : i32
    %get3A_610 = arith.index_cast %get3A_609 : i32 to index
    %get3A_611 = arith.constant 16 : index
    %get3A_612 = tpu.vector_load %arg7[%get3A_610, %get3A_611] {strides = array<i32>} : memref<32x128xf32, #tpu.memory_space<vmem>>, vector<1x16xf32>,
    %get3A_613 = vector.shape_cast %get3A_612 : vector<1x16xf32> to vector<16xf32>
    %get3A_614 = arith.constant 6 : i32
    %get3A_615 = arith.index_cast %get3A_614 : i32 to index
    %get3A_616 = arith.constant 16 : index
    %get3A_617 = tpu.vector_load %arg8[%get3A_615, %get3A_616] {strides = array<i32>} : memref<32x128xf32, #tpu.memory_space<vmem>>, vector<1x16xf32>,
    %get3A_618 = vector.shape_cast %get3A_617 : vector<1x16xf32> to vector<16xf32>
    %mul3A_619 = arith.mulf %get3A_613, %get3A_618 : vector<16xf32>
    %add3A_620 = arith.addf %add3A_524, %mul3A_619 : vector<16xf32>
    %get3A_621 = arith.constant 6 : i32
    %get3A_622 = arith.index_cast %get3A_621 : i32 to index
    %get3A_623 = arith.constant 32 : index
    %get3A_624 = tpu.vector_load %arg7[%get3A_622, %get3A_623] {strides = array<i32>} : memref<32x128xf32, #tpu.memory_space<vmem>>, vector<1x16xf32>,
    %get3A_625 = vector.shape_cast %get3A_624 : vector<1x16xf32> to vector<16xf32>
    %get3A_626 = arith.constant 6 : i32
    %get3A_627 = arith.index_cast %get3A_626 : i32 to index
    %get3A_628 = arith.constant 32 : index
    %get3A_629 = tpu.vector_load %arg8[%get3A_627, %get3A_628] {strides = array<i32>} : memref<32x128xf32, #tpu.memory_space<vmem>>, vector<1x16xf32>,
    %get3A_630 = vector.shape_cast %get3A_629 : vector<1x16xf32> to vector<16xf32>
    %mul3A_631 = arith.mulf %get3A_625, %get3A_630 : vector<16xf32>
    %add3A_632 = arith.addf %add3A_536, %mul3A_631 : vector<16xf32>
    %get3A_633 = arith.constant 6 : i32
    %get3A_634 = arith.index_cast %get3A_633 : i32 to index
    %get3A_635 = arith.constant 48 : index
    %get3A_636 = tpu.vector_load %arg7[%get3A_634, %get3A_635] {strides = array<i32>} : memref<32x128xf32, #tpu.memory_space<vmem>>, vector<1x16xf32>,
    %get3A_637 = vector.shape_cast %get3A_636 : vector<1x16xf32> to vector<16xf32>
    %get3A_638 = arith.constant 6 : i32
    %get3A_639 = arith.index_cast %get3A_638 : i32 to index
    %get3A_640 = arith.constant 48 : index
    %get3A_641 = tpu.vector_load %arg8[%get3A_639, %get3A_640] {strides = array<i32>} : memref<32x128xf32, #tpu.memory_space<vmem>>, vector<1x16xf32>,
    %get3A_642 = vector.shape_cast %get3A_641 : vector<1x16xf32> to vector<16xf32>
    %mul3A_643 = arith.mulf %get3A_637, %get3A_642 : vector<16xf32>
    %add3A_644 = arith.addf %add3A_548, %mul3A_643 : vector<16xf32>
    %get3A_645 = arith.constant 6 : i32
    %get3A_646 = arith.index_cast %get3A_645 : i32 to index
    %get3A_647 = arith.constant 64 : index
    %get3A_648 = tpu.vector_load %arg7[%get3A_646, %get3A_647] {strides = array<i32>} : memref<32x128xf32, #tpu.memory_space<vmem>>, vector<1x16xf32>,
    %get3A_649 = vector.shape_cast %get3A_648 : vector<1x16xf32> to vector<16xf32>
    %get3A_650 = arith.constant 6 : i32
    %get3A_651 = arith.index_cast %get3A_650 : i32 to index
    %get3A_652 = arith.constant 64 : index
    %get3A_653 = tpu.vector_load %arg8[%get3A_651, %get3A_652] {strides = array<i32>} : memref<32x128xf32, #tpu.memory_space<vmem>>, vector<1x16xf32>,
    %get3A_654 = vector.shape_cast %get3A_653 : vector<1x16xf32> to vector<16xf32>
    %mul3A_655 = arith.mulf %get3A_649, %get3A_654 : vector<16xf32>
    %add3A_656 = arith.addf %add3A_560, %mul3A_655 : vector<16xf32>
    %get3A_657 = arith.constant 6 : i32
    %get3A_658 = arith.index_cast %get3A_657 : i32 to index
    %get3A_659 = arith.constant 80 : index
    %get3A_660 = tpu.vector_load %arg7[%get3A_658, %get3A_659] {strides = array<i32>} : memref<32x128xf32, #tpu.memory_space<vmem>>, vector<1x16xf32>,
    %get3A_661 = vector.shape_cast %get3A_660 : vector<1x16xf32> to vector<16xf32>
    %get3A_662 = arith.constant 6 : i32
    %get3A_663 = arith.index_cast %get3A_662 : i32 to index
    %get3A_664 = arith.constant 80 : index
    %get3A_665 = tpu.vector_load %arg8[%get3A_663, %get3A_664] {strides = array<i32>} : memref<32x128xf32, #tpu.memory_space<vmem>>, vector<1x16xf32>,
    %get3A_666 = vector.shape_cast %get3A_665 : vector<1x16xf32> to vector<16xf32>
    %mul3A_667 = arith.mulf %get3A_661, %get3A_666 : vector<16xf32>
    %add3A_668 = arith.addf %add3A_572, %mul3A_667 : vector<16xf32>
    %get3A_669 = arith.constant 6 : i32
    %get3A_670 = arith.index_cast %get3A_669 : i32 to index
    %get3A_671 = arith.constant 96 : index
    %get3A_672 = tpu.vector_load %arg7[%get3A_670, %get3A_671] {strides = array<i32>} : memref<32x128xf32, #tpu.memory_space<vmem>>, vector<1x16xf32>,
    %get3A_673 = vector.shape_cast %get3A_672 : vector<1x16xf32> to vector<16xf32>
    %get3A_674 = arith.constant 6 : i32
    %get3A_675 = arith.index_cast %get3A_674 : i32 to index
    %get3A_676 = arith.constant 96 : index
    %get3A_677 = tpu.vector_load %arg8[%get3A_675, %get3A_676] {strides = array<i32>} : memref<32x128xf32, #tpu.memory_space<vmem>>, vector<1x16xf32>,
    %get3A_678 = vector.shape_cast %get3A_677 : vector<1x16xf32> to vector<16xf32>
    %mul3A_679 = arith.mulf %get3A_673, %get3A_678 : vector<16xf32>
    %add3A_680 = arith.addf %add3A_584, %mul3A_679 : vector<16xf32>
    %get3A_681 = arith.constant 6 : i32
    %get3A_682 = arith.index_cast %get3A_681 : i32 to index
    %get3A_683 = arith.constant 112 : index
    %get3A_684 = tpu.vector_load %arg7[%get3A_682, %get3A_683] {strides = array<i32>} : memref<32x128xf32, #tpu.memory_space<vmem>>, vector<1x16xf32>,
    %get3A_685 = vector.shape_cast %get3A_684 : vector<1x16xf32> to vector<16xf32>
    %get3A_686 = arith.constant 6 : i32
    %get3A_687 = arith.index_cast %get3A_686 : i32 to index
    %get3A_688 = arith.constant 112 : index
    %get3A_689 = tpu.vector_load %arg8[%get3A_687, %get3A_688] {strides = array<i32>} : memref<32x128xf32, #tpu.memory_space<vmem>>, vector<1x16xf32>,
    %get3A_690 = vector.shape_cast %get3A_689 : vector<1x16xf32> to vector<16xf32>
    %mul3A_691 = arith.mulf %get3A_685, %get3A_690 : vector<16xf32>
    %add3A_692 = arith.addf %add3A_596, %mul3A_691 : vector<16xf32>
    %get3A_693 = arith.constant 7 : i32
    %get3A_694 = arith.index_cast %get3A_693 : i32 to index
    %get3A_695 = arith.constant 0 : index
    %get3A_696 = tpu.vector_load %arg7[%get3A_694, %get3A_695] {strides = array<i32>} : memref<32x128xf32, #tpu.memory_space<vmem>>, vector<1x16xf32>,
    %get3A_697 = vector.shape_cast %get3A_696 : vector<1x16xf32> to vector<16xf32>
    %get3A_698 = arith.constant 7 : i32
    %get3A_699 = arith.index_cast %get3A_698 : i32 to index
    %get3A_700 = arith.constant 0 : index
    %get3A_701 = tpu.vector_load %arg8[%get3A_699, %get3A_700] {strides = array<i32>} : memref<32x128xf32, #tpu.memory_space<vmem>>, vector<1x16xf32>,
    %get3A_702 = vector.shape_cast %get3A_701 : vector<1x16xf32> to vector<16xf32>
    %mul3A_703 = arith.mulf %get3A_697, %get3A_702 : vector<16xf32>
    %add3A_704 = arith.addf %add3A_608, %mul3A_703 : vector<16xf32>
    %get3A_705 = arith.constant 7 : i32
    %get3A_706 = arith.index_cast %get3A_705 : i32 to index
    %get3A_707 = arith.constant 16 : index
    %get3A_708 = tpu.vector_load %arg7[%get3A_706, %get3A_707] {strides = array<i32>} : memref<32x128xf32, #tpu.memory_space<vmem>>, vector<1x16xf32>,
    %get3A_709 = vector.shape_cast %get3A_708 : vector<1x16xf32> to vector<16xf32>
    %get3A_710 = arith.constant 7 : i32
    %get3A_711 = arith.index_cast %get3A_710 : i32 to index
    %get3A_712 = arith.constant 16 : index
    %get3A_713 = tpu.vector_load %arg8[%get3A_711, %get3A_712] {strides = array<i32>} : memref<32x128xf32, #tpu.memory_space<vmem>>, vector<1x16xf32>,
    %get3A_714 = vector.shape_cast %get3A_713 : vector<1x16xf32> to vector<16xf32>
    %mul3A_715 = arith.mulf %get3A_709, %get3A_714 : vector<16xf32>
    %add3A_716 = arith.addf %add3A_620, %mul3A_715 : vector<16xf32>
    %get3A_717 = arith.constant 7 : i32
    %get3A_718 = arith.index_cast %get3A_717 : i32 to index
    %get3A_719 = arith.constant 32 : index
    %get3A_720 = tpu.vector_load %arg7[%get3A_718, %get3A_719] {strides = array<i32>} : memref<32x128xf32, #tpu.memory_space<vmem>>, vector<1x16xf32>,
    %get3A_721 = vector.shape_cast %get3A_720 : vector<1x16xf32> to vector<16xf32>
    %get3A_722 = arith.constant 7 : i32
    %get3A_723 = arith.index_cast %get3A_722 : i32 to index
    %get3A_724 = arith.constant 32 : index
    %get3A_725 = tpu.vector_load %arg8[%get3A_723, %get3A_724] {strides = array<i32>} : memref<32x128xf32, #tpu.memory_space<vmem>>, vector<1x16xf32>,
    %get3A_726 = vector.shape_cast %get3A_725 : vector<1x16xf32> to vector<16xf32>
    %mul3A_727 = arith.mulf %get3A_721, %get3A_726 : vector<16xf32>
    %add3A_728 = arith.addf %add3A_632, %mul3A_727 : vector<16xf32>
    %get3A_729 = arith.constant 7 : i32
    %get3A_730 = arith.index_cast %get3A_729 : i32 to index
    %get3A_731 = arith.constant 48 : index
    %get3A_732 = tpu.vector_load %arg7[%get3A_730, %get3A_731] {strides = array<i32>} : memref<32x128xf32, #tpu.memory_space<vmem>>, vector<1x16xf32>,
    %get3A_733 = vector.shape_cast %get3A_732 : vector<1x16xf32> to vector<16xf32>
    %get3A_734 = arith.constant 7 : i32
    %get3A_735 = arith.index_cast %get3A_734 : i32 to index
    %get3A_736 = arith.constant 48 : index
    %get3A_737 = tpu.vector_load %arg8[%get3A_735, %get3A_736] {strides = array<i32>} : memref<32x128xf32, #tpu.memory_space<vmem>>, vector<1x16xf32>,
    %get3A_738 = vector.shape_cast %get3A_737 : vector<1x16xf32> to vector<16xf32>
    %mul3A_739 = arith.mulf %get3A_733, %get3A_738 : vector<16xf32>
    %add3A_740 = arith.addf %add3A_644, %mul3A_739 : vector<16xf32>
    %get3A_741 = arith.constant 7 : i32
    %get3A_742 = arith.index_cast %get3A_741 : i32 to index
    %get3A_743 = arith.constant 64 : index
    %get3A_744 = tpu.vector_load %arg7[%get3A_742, %get3A_743] {strides = array<i32>} : memref<32x128xf32, #tpu.memory_space<vmem>>, vector<1x16xf32>,
    %get3A_745 = vector.shape_cast %get3A_744 : vector<1x16xf32> to vector<16xf32>
    %get3A_746 = arith.constant 7 : i32
    %get3A_747 = arith.index_cast %get3A_746 : i32 to index
    %get3A_748 = arith.constant 64 : index
    %get3A_749 = tpu.vector_load %arg8[%get3A_747, %get3A_748] {strides = array<i32>} : memref<32x128xf32, #tpu.memory_space<vmem>>, vector<1x16xf32>,
    %get3A_750 = vector.shape_cast %get3A_749 : vector<1x16xf32> to vector<16xf32>
    %mul3A_751 = arith.mulf %get3A_745, %get3A_750 : vector<16xf32>
    %add3A_752 = arith.addf %add3A_656, %mul3A_751 : vector<16xf32>
    %get3A_753 = arith.constant 7 : i32
    %get3A_754 = arith.index_cast %get3A_753 : i32 to index
    %get3A_755 = arith.constant 80 : index
    %get3A_756 = tpu.vector_load %arg7[%get3A_754, %get3A_755] {strides = array<i32>} : memref<32x128xf32, #tpu.memory_space<vmem>>, vector<1x16xf32>,
    %get3A_757 = vector.shape_cast %get3A_756 : vector<1x16xf32> to vector<16xf32>
    %get3A_758 = arith.constant 7 : i32
    %get3A_759 = arith.index_cast %get3A_758 : i32 to index
    %get3A_760 = arith.constant 80 : index
    %get3A_761 = tpu.vector_load %arg8[%get3A_759, %get3A_760] {strides = array<i32>} : memref<32x128xf32, #tpu.memory_space<vmem>>, vector<1x16xf32>,
    %get3A_762 = vector.shape_cast %get3A_761 : vector<1x16xf32> to vector<16xf32>
    %mul3A_763 = arith.mulf %get3A_757, %get3A_762 : vector<16xf32>
    %add3A_764 = arith.addf %add3A_668, %mul3A_763 : vector<16xf32>
    %get3A_765 = arith.constant 7 : i32
    %get3A_766 = arith.index_cast %get3A_765 : i32 to index
    %get3A_767 = arith.constant 96 : index
    %get3A_768 = tpu.vector_load %arg7[%get3A_766, %get3A_767] {strides = array<i32>} : memref<32x128xf32, #tpu.memory_space<vmem>>, vector<1x16xf32>,
    %get3A_769 = vector.shape_cast %get3A_768 : vector<1x16xf32> to vector<16xf32>
    %get3A_770 = arith.constant 7 : i32
    %get3A_771 = arith.index_cast %get3A_770 : i32 to index
    %get3A_772 = arith.constant 96 : index
    %get3A_773 = tpu.vector_load %arg8[%get3A_771, %get3A_772] {strides = array<i32>} : memref<32x128xf32, #tpu.memory_space<vmem>>, vector<1x16xf32>,
    %get3A_774 = vector.shape_cast %get3A_773 : vector<1x16xf32> to vector<16xf32>
    %mul3A_775 = arith.mulf %get3A_769, %get3A_774 : vector<16xf32>
    %add3A_776 = arith.addf %add3A_680, %mul3A_775 : vector<16xf32>
    %get3A_777 = arith.constant 7 : i32
    %get3A_778 = arith.index_cast %get3A_777 : i32 to index
    %get3A_779 = arith.constant 112 : index
    %get3A_780 = tpu.vector_load %arg7[%get3A_778, %get3A_779] {strides = array<i32>} : memref<32x128xf32, #tpu.memory_space<vmem>>, vector<1x16xf32>,
    %get3A_781 = vector.shape_cast %get3A_780 : vector<1x16xf32> to vector<16xf32>
    %get3A_782 = arith.constant 7 : i32
    %get3A_783 = arith.index_cast %get3A_782 : i32 to index
    %get3A_784 = arith.constant 112 : index
    %get3A_785 = tpu.vector_load %arg8[%get3A_783, %get3A_784] {strides = array<i32>} : memref<32x128xf32, #tpu.memory_space<vmem>>, vector<1x16xf32>,
    %get3A_786 = vector.shape_cast %get3A_785 : vector<1x16xf32> to vector<16xf32>
    %mul3A_787 = arith.mulf %get3A_781, %get3A_786 : vector<16xf32>
    %add3A_788 = arith.addf %add3A_692, %mul3A_787 : vector<16xf32>
    %get3A_789 = arith.constant 8 : i32
    %get3A_790 = arith.index_cast %get3A_789 : i32 to index
    %get3A_791 = arith.constant 0 : index
    %get3A_792 = tpu.vector_load %arg7[%get3A_790, %get3A_791] {strides = array<i32>} : memref<32x128xf32, #tpu.memory_space<vmem>>, vector<1x16xf32>,
    %get3A_793 = vector.shape_cast %get3A_792 : vector<1x16xf32> to vector<16xf32>
    %get3A_794 = arith.constant 8 : i32
    %get3A_795 = arith.index_cast %get3A_794 : i32 to index
    %get3A_796 = arith.constant 0 : index
    %get3A_797 = tpu.vector_load %arg8[%get3A_795, %get3A_796] {strides = array<i32>} : memref<32x128xf32, #tpu.memory_space<vmem>>, vector<1x16xf32>,
    %get3A_798 = vector.shape_cast %get3A_797 : vector<1x16xf32> to vector<16xf32>
    %mul3A_799 = arith.mulf %get3A_793, %get3A_798 : vector<16xf32>
    %add3A_800 = arith.addf %add3A_704, %mul3A_799 : vector<16xf32>
    %get3A_801 = arith.constant 8 : i32
    %get3A_802 = arith.index_cast %get3A_801 : i32 to index
    %get3A_803 = arith.constant 16 : index
    %get3A_804 = tpu.vector_load %arg7[%get3A_802, %get3A_803] {strides = array<i32>} : memref<32x128xf32, #tpu.memory_space<vmem>>, vector<1x16xf32>,
    %get3A_805 = vector.shape_cast %get3A_804 : vector<1x16xf32> to vector<16xf32>
    %get3A_806 = arith.constant 8 : i32
    %get3A_807 = arith.index_cast %get3A_806 : i32 to index
    %get3A_808 = arith.constant 16 : index
    %get3A_809 = tpu.vector_load %arg8[%get3A_807, %get3A_808] {strides = array<i32>} : memref<32x128xf32, #tpu.memory_space<vmem>>, vector<1x16xf32>,
    %get3A_810 = vector.shape_cast %get3A_809 : vector<1x16xf32> to vector<16xf32>
    %mul3A_811 = arith.mulf %get3A_805, %get3A_810 : vector<16xf32>
    %add3A_812 = arith.addf %add3A_716, %mul3A_811 : vector<16xf32>
    %get3A_813 = arith.constant 8 : i32
    %get3A_814 = arith.index_cast %get3A_813 : i32 to index
    %get3A_815 = arith.constant 32 : index
    %get3A_816 = tpu.vector_load %arg7[%get3A_814, %get3A_815] {strides = array<i32>} : memref<32x128xf32, #tpu.memory_space<vmem>>, vector<1x16xf32>,
    %get3A_817 = vector.shape_cast %get3A_816 : vector<1x16xf32> to vector<16xf32>
    %get3A_818 = arith.constant 8 : i32
    %get3A_819 = arith.index_cast %get3A_818 : i32 to index
    %get3A_820 = arith.constant 32 : index
    %get3A_821 = tpu.vector_load %arg8[%get3A_819, %get3A_820] {strides = array<i32>} : memref<32x128xf32, #tpu.memory_space<vmem>>, vector<1x16xf32>,
    %get3A_822 = vector.shape_cast %get3A_821 : vector<1x16xf32> to vector<16xf32>
    %mul3A_823 = arith.mulf %get3A_817, %get3A_822 : vector<16xf32>
    %add3A_824 = arith.addf %add3A_728, %mul3A_823 : vector<16xf32>
    %get3A_825 = arith.constant 8 : i32
    %get3A_826 = arith.index_cast %get3A_825 : i32 to index
    %get3A_827 = arith.constant 48 : index
    %get3A_828 = tpu.vector_load %arg7[%get3A_826, %get3A_827] {strides = array<i32>} : memref<32x128xf32, #tpu.memory_space<vmem>>, vector<1x16xf32>,
    %get3A_829 = vector.shape_cast %get3A_828 : vector<1x16xf32> to vector<16xf32>
    %get3A_830 = arith.constant 8 : i32
    %get3A_831 = arith.index_cast %get3A_830 : i32 to index
    %get3A_832 = arith.constant 48 : index
    %get3A_833 = tpu.vector_load %arg8[%get3A_831, %get3A_832] {strides = array<i32>} : memref<32x128xf32, #tpu.memory_space<vmem>>, vector<1x16xf32>,
    %get3A_834 = vector.shape_cast %get3A_833 : vector<1x16xf32> to vector<16xf32>
    %mul3A_835 = arith.mulf %get3A_829, %get3A_834 : vector<16xf32>
    %add3A_836 = arith.addf %add3A_740, %mul3A_835 : vector<16xf32>
    %get3A_837 = arith.constant 8 : i32
    %get3A_838 = arith.index_cast %get3A_837 : i32 to index
    %get3A_839 = arith.constant 64 : index
    %get3A_840 = tpu.vector_load %arg7[%get3A_838, %get3A_839] {strides = array<i32>} : memref<32x128xf32, #tpu.memory_space<vmem>>, vector<1x16xf32>,
    %get3A_841 = vector.shape_cast %get3A_840 : vector<1x16xf32> to vector<16xf32>
    %get3A_842 = arith.constant 8 : i32
    %get3A_843 = arith.index_cast %get3A_842 : i32 to index
    %get3A_844 = arith.constant 64 : index
    %get3A_845 = tpu.vector_load %arg8[%get3A_843, %get3A_844] {strides = array<i32>} : memref<32x128xf32, #tpu.memory_space<vmem>>, vector<1x16xf32>,
    %get3A_846 = vector.shape_cast %get3A_845 : vector<1x16xf32> to vector<16xf32>
    %mul3A_847 = arith.mulf %get3A_841, %get3A_846 : vector<16xf32>
    %add3A_848 = arith.addf %add3A_752, %mul3A_847 : vector<16xf32>
    %get3A_849 = arith.constant 8 : i32
    %get3A_850 = arith.index_cast %get3A_849 : i32 to index
    %get3A_851 = arith.constant 80 : index
    %get3A_852 = tpu.vector_load %arg7[%get3A_850, %get3A_851] {strides = array<i32>} : memref<32x128xf32, #tpu.memory_space<vmem>>, vector<1x16xf32>,
    %get3A_853 = vector.shape_cast %get3A_852 : vector<1x16xf32> to vector<16xf32>
    %get3A_854 = arith.constant 8 : i32
    %get3A_855 = arith.index_cast %get3A_854 : i32 to index
    %get3A_856 = arith.constant 80 : index
    %get3A_857 = tpu.vector_load %arg8[%get3A_855, %get3A_856] {strides = array<i32>} : memref<32x128xf32, #tpu.memory_space<vmem>>, vector<1x16xf32>,
    %get3A_858 = vector.shape_cast %get3A_857 : vector<1x16xf32> to vector<16xf32>
    %mul3A_859 = arith.mulf %get3A_853, %get3A_858 : vector<16xf32>
    %add3A_860 = arith.addf %add3A_764, %mul3A_859 : vector<16xf32>
    %get3A_861 = arith.constant 8 : i32
    %get3A_862 = arith.index_cast %get3A_861 : i32 to index
    %get3A_863 = arith.constant 96 : index
    %get3A_864 = tpu.vector_load %arg7[%get3A_862, %get3A_863] {strides = array<i32>} : memref<32x128xf32, #tpu.memory_space<vmem>>, vector<1x16xf32>,
    %get3A_865 = vector.shape_cast %get3A_864 : vector<1x16xf32> to vector<16xf32>
    %get3A_866 = arith.constant 8 : i32
    %get3A_867 = arith.index_cast %get3A_866 : i32 to index
    %get3A_868 = arith.constant 96 : index
    %get3A_869 = tpu.vector_load %arg8[%get3A_867, %get3A_868] {strides = array<i32>} : memref<32x128xf32, #tpu.memory_space<vmem>>, vector<1x16xf32>,
    %get3A_870 = vector.shape_cast %get3A_869 : vector<1x16xf32> to vector<16xf32>
    %mul3A_871 = arith.mulf %get3A_865, %get3A_870 : vector<16xf32>
    %add3A_872 = arith.addf %add3A_776, %mul3A_871 : vector<16xf32>
    %get3A_873 = arith.constant 8 : i32
    %get3A_874 = arith.index_cast %get3A_873 : i32 to index
    %get3A_875 = arith.constant 112 : index
    %get3A_876 = tpu.vector_load %arg7[%get3A_874, %get3A_875] {strides = array<i32>} : memref<32x128xf32, #tpu.memory_space<vmem>>, vector<1x16xf32>,
    %get3A_877 = vector.shape_cast %get3A_876 : vector<1x16xf32> to vector<16xf32>
    %get3A_878 = arith.constant 8 : i32
    %get3A_879 = arith.index_cast %get3A_878 : i32 to index
    %get3A_880 = arith.constant 112 : index
    %get3A_881 = tpu.vector_load %arg8[%get3A_879, %get3A_880] {strides = array<i32>} : memref<32x128xf32, #tpu.memory_space<vmem>>, vector<1x16xf32>,
    %get3A_882 = vector.shape_cast %get3A_881 : vector<1x16xf32> to vector<16xf32>
    %mul3A_883 = arith.mulf %get3A_877, %get3A_882 : vector<16xf32>
    %add3A_884 = arith.addf %add3A_788, %mul3A_883 : vector<16xf32>
    %get3A_885 = arith.constant 9 : i32
    %get3A_886 = arith.index_cast %get3A_885 : i32 to index
    %get3A_887 = arith.constant 0 : index
    %get3A_888 = tpu.vector_load %arg7[%get3A_886, %get3A_887] {strides = array<i32>} : memref<32x128xf32, #tpu.memory_space<vmem>>, vector<1x16xf32>,
    %get3A_889 = vector.shape_cast %get3A_888 : vector<1x16xf32> to vector<16xf32>
    %get3A_890 = arith.constant 9 : i32
    %get3A_891 = arith.index_cast %get3A_890 : i32 to index
    %get3A_892 = arith.constant 0 : index
    %get3A_893 = tpu.vector_load %arg8[%get3A_891, %get3A_892] {strides = array<i32>} : memref<32x128xf32, #tpu.memory_space<vmem>>, vector<1x16xf32>,
    %get3A_894 = vector.shape_cast %get3A_893 : vector<1x16xf32> to vector<16xf32>
    %mul3A_895 = arith.mulf %get3A_889, %get3A_894 : vector<16xf32>
    %add3A_896 = arith.addf %add3A_800, %mul3A_895 : vector<16xf32>
    %get3A_897 = arith.constant 9 : i32
    %get3A_898 = arith.index_cast %get3A_897 : i32 to index
    %get3A_899 = arith.constant 16 : index
    %get3A_900 = tpu.vector_load %arg7[%get3A_898, %get3A_899] {strides = array<i32>} : memref<32x128xf32, #tpu.memory_space<vmem>>, vector<1x16xf32>,
    %get3A_901 = vector.shape_cast %get3A_900 : vector<1x16xf32> to vector<16xf32>
    %get3A_902 = arith.constant 9 : i32
    %get3A_903 = arith.index_cast %get3A_902 : i32 to index
    %get3A_904 = arith.constant 16 : index
    %get3A_905 = tpu.vector_load %arg8[%get3A_903, %get3A_904] {strides = array<i32>} : memref<32x128xf32, #tpu.memory_space<vmem>>, vector<1x16xf32>,
    %get3A_906 = vector.shape_cast %get3A_905 : vector<1x16xf32> to vector<16xf32>
    %mul3A_907 = arith.mulf %get3A_901, %get3A_906 : vector<16xf32>
    %add3A_908 = arith.addf %add3A_812, %mul3A_907 : vector<16xf32>
    %get3A_909 = arith.constant 9 : i32
    %get3A_910 = arith.index_cast %get3A_909 : i32 to index
    %get3A_911 = arith.constant 32 : index
    %get3A_912 = tpu.vector_load %arg7[%get3A_910, %get3A_911] {strides = array<i32>} : memref<32x128xf32, #tpu.memory_space<vmem>>, vector<1x16xf32>,
    %get3A_913 = vector.shape_cast %get3A_912 : vector<1x16xf32> to vector<16xf32>
    %get3A_914 = arith.constant 9 : i32
    %get3A_915 = arith.index_cast %get3A_914 : i32 to index
    %get3A_916 = arith.constant 32 : index
    %get3A_917 = tpu.vector_load %arg8[%get3A_915, %get3A_916] {strides = array<i32>} : memref<32x128xf32, #tpu.memory_space<vmem>>, vector<1x16xf32>,
    %get3A_918 = vector.shape_cast %get3A_917 : vector<1x16xf32> to vector<16xf32>
    %mul3A_919 = arith.mulf %get3A_913, %get3A_918 : vector<16xf32>
    %add3A_920 = arith.addf %add3A_824, %mul3A_919 : vector<16xf32>
    %get3A_921 = arith.constant 9 : i32
    %get3A_922 = arith.index_cast %get3A_921 : i32 to index
    %get3A_923 = arith.constant 48 : index
    %get3A_924 = tpu.vector_load %arg7[%get3A_922, %get3A_923] {strides = array<i32>} : memref<32x128xf32, #tpu.memory_space<vmem>>, vector<1x16xf32>,
    %get3A_925 = vector.shape_cast %get3A_924 : vector<1x16xf32> to vector<16xf32>
    %get3A_926 = arith.constant 9 : i32
    %get3A_927 = arith.index_cast %get3A_926 : i32 to index
    %get3A_928 = arith.constant 48 : index
    %get3A_929 = tpu.vector_load %arg8[%get3A_927, %get3A_928] {strides = array<i32>} : memref<32x128xf32, #tpu.memory_space<vmem>>, vector<1x16xf32>,
    %get3A_930 = vector.shape_cast %get3A_929 : vector<1x16xf32> to vector<16xf32>
    %mul3A_931 = arith.mulf %get3A_925, %get3A_930 : vector<16xf32>
    %add3A_932 = arith.addf %add3A_836, %mul3A_931 : vector<16xf32>
    %get3A_933 = arith.constant 9 : i32
    %get3A_934 = arith.index_cast %get3A_933 : i32 to index
    %get3A_935 = arith.constant 64 : index
    %get3A_936 = tpu.vector_load %arg7[%get3A_934, %get3A_935] {strides = array<i32>} : memref<32x128xf32, #tpu.memory_space<vmem>>, vector<1x16xf32>,
    %get3A_937 = vector.shape_cast %get3A_936 : vector<1x16xf32> to vector<16xf32>
    %get3A_938 = arith.constant 9 : i32
    %get3A_939 = arith.index_cast %get3A_938 : i32 to index
    %get3A_940 = arith.constant 64 : index
    %get3A_941 = tpu.vector_load %arg8[%get3A_939, %get3A_940] {strides = array<i32>} : memref<32x128xf32, #tpu.memory_space<vmem>>, vector<1x16xf32>,
    %get3A_942 = vector.shape_cast %get3A_941 : vector<1x16xf32> to vector<16xf32>
    %mul3A_943 = arith.mulf %get3A_937, %get3A_942 : vector<16xf32>
    %add3A_944 = arith.addf %add3A_848, %mul3A_943 : vector<16xf32>
    %get3A_945 = arith.constant 9 : i32
    %get3A_946 = arith.index_cast %get3A_945 : i32 to index
    %get3A_947 = arith.constant 80 : index
    %get3A_948 = tpu.vector_load %arg7[%get3A_946, %get3A_947] {strides = array<i32>} : memref<32x128xf32, #tpu.memory_space<vmem>>, vector<1x16xf32>,
    %get3A_949 = vector.shape_cast %get3A_948 : vector<1x16xf32> to vector<16xf32>
    %get3A_950 = arith.constant 9 : i32
    %get3A_951 = arith.index_cast %get3A_950 : i32 to index
    %get3A_952 = arith.constant 80 : index
    %get3A_953 = tpu.vector_load %arg8[%get3A_951, %get3A_952] {strides = array<i32>} : memref<32x128xf32, #tpu.memory_space<vmem>>, vector<1x16xf32>,
    %get3A_954 = vector.shape_cast %get3A_953 : vector<1x16xf32> to vector<16xf32>
    %mul3A_955 = arith.mulf %get3A_949, %get3A_954 : vector<16xf32>
    %add3A_956 = arith.addf %add3A_860, %mul3A_955 : vector<16xf32>
    %get3A_957 = arith.constant 9 : i32
    %get3A_958 = arith.index_cast %get3A_957 : i32 to index
    %get3A_959 = arith.constant 96 : index
    %get3A_960 = tpu.vector_load %arg7[%get3A_958, %get3A_959] {strides = array<i32>} : memref<32x128xf32, #tpu.memory_space<vmem>>, vector<1x16xf32>,
    %get3A_961 = vector.shape_cast %get3A_960 : vector<1x16xf32> to vector<16xf32>
    %get3A_962 = arith.constant 9 : i32
    %get3A_963 = arith.index_cast %get3A_962 : i32 to index
    %get3A_964 = arith.constant 96 : index
    %get3A_965 = tpu.vector_load %arg8[%get3A_963, %get3A_964] {strides = array<i32>} : memref<32x128xf32, #tpu.memory_space<vmem>>, vector<1x16xf32>,
    %get3A_966 = vector.shape_cast %get3A_965 : vector<1x16xf32> to vector<16xf32>
    %mul3A_967 = arith.mulf %get3A_961, %get3A_966 : vector<16xf32>
    %add3A_968 = arith.addf %add3A_872, %mul3A_967 : vector<16xf32>
    %get3A_969 = arith.constant 9 : i32
    %get3A_970 = arith.index_cast %get3A_969 : i32 to index
    %get3A_971 = arith.constant 112 : index
    %get3A_972 = tpu.vector_load %arg7[%get3A_970, %get3A_971] {strides = array<i32>} : memref<32x128xf32, #tpu.memory_space<vmem>>, vector<1x16xf32>,
    %get3A_973 = vector.shape_cast %get3A_972 : vector<1x16xf32> to vector<16xf32>
    %get3A_974 = arith.constant 9 : i32
    %get3A_975 = arith.index_cast %get3A_974 : i32 to index
    %get3A_976 = arith.constant 112 : index
    %get3A_977 = tpu.vector_load %arg8[%get3A_975, %get3A_976] {strides = array<i32>} : memref<32x128xf32, #tpu.memory_space<vmem>>, vector<1x16xf32>,
    %get3A_978 = vector.shape_cast %get3A_977 : vector<1x16xf32> to vector<16xf32>
    %mul3A_979 = arith.mulf %get3A_973, %get3A_978 : vector<16xf32>
    %add3A_980 = arith.addf %add3A_884, %mul3A_979 : vector<16xf32>
    %get3A_981 = arith.constant 10 : i32
    %get3A_982 = arith.index_cast %get3A_981 : i32 to index
    %get3A_983 = arith.constant 0 : index
    %get3A_984 = tpu.vector_load %arg7[%get3A_982, %get3A_983] {strides = array<i32>} : memref<32x128xf32, #tpu.memory_space<vmem>>, vector<1x16xf32>,
    %get3A_985 = vector.shape_cast %get3A_984 : vector<1x16xf32> to vector<16xf32>
    %get3A_986 = arith.constant 10 : i32
    %get3A_987 = arith.index_cast %get3A_986 : i32 to index
    %get3A_988 = arith.constant 0 : index
    %get3A_989 = tpu.vector_load %arg8[%get3A_987, %get3A_988] {strides = array<i32>} : memref<32x128xf32, #tpu.memory_space<vmem>>, vector<1x16xf32>,
    %get3A_990 = vector.shape_cast %get3A_989 : vector<1x16xf32> to vector<16xf32>
    %mul3A_991 = arith.mulf %get3A_985, %get3A_990 : vector<16xf32>
    %add3A_992 = arith.addf %add3A_896, %mul3A_991 : vector<16xf32>
    %get3A_993 = arith.constant 10 : i32
    %get3A_994 = arith.index_cast %get3A_993 : i32 to index
    %get3A_995 = arith.constant 16 : index
    %get3A_996 = tpu.vector_load %arg7[%get3A_994, %get3A_995] {strides = array<i32>} : memref<32x128xf32, #tpu.memory_space<vmem>>, vector<1x16xf32>,
    %get3A_997 = vector.shape_cast %get3A_996 : vector<1x16xf32> to vector<16xf32>
    %get3A_998 = arith.constant 10 : i32
    %get3A_999 = arith.index_cast %get3A_998 : i32 to index
    %get3A_1000 = arith.constant 16 : index
    %get3A_1001 = tpu.vector_load %arg8[%get3A_999, %get3A_1000] {strides = array<i32>} : memref<32x128xf32, #tpu.memory_space<vmem>>, vector<1x16xf32>,
    %get3A_1002 = vector.shape_cast %get3A_1001 : vector<1x16xf32> to vector<16xf32>
    %mul3A_1003 = arith.mulf %get3A_997, %get3A_1002 : vector<16xf32>
    %add3A_1004 = arith.addf %add3A_908, %mul3A_1003 : vector<16xf32>
    %get3A_1005 = arith.constant 10 : i32
    %get3A_1006 = arith.index_cast %get3A_1005 : i32 to index
    %get3A_1007 = arith.constant 32 : index
    %get3A_1008 = tpu.vector_load %arg7[%get3A_1006, %get3A_1007] {strides = array<i32>} : memref<32x128xf32, #tpu.memory_space<vmem>>, vector<1x16xf32>,
    %get3A_1009 = vector.shape_cast %get3A_1008 : vector<1x16xf32> to vector<16xf32>
    %get3A_1010 = arith.constant 10 : i32
    %get3A_1011 = arith.index_cast %get3A_1010 : i32 to index
    %get3A_1012 = arith.constant 32 : index
    %get3A_1013 = tpu.vector_load %arg8[%get3A_1011, %get3A_1012] {strides = array<i32>} : memref<32x128xf32, #tpu.memory_space<vmem>>, vector<1x16xf32>,
    %get3A_1014 = vector.shape_cast %get3A_1013 : vector<1x16xf32> to vector<16xf32>
    %mul3A_1015 = arith.mulf %get3A_1009, %get3A_1014 : vector<16xf32>
    %add3A_1016 = arith.addf %add3A_920, %mul3A_1015 : vector<16xf32>
    %get3A_1017 = arith.constant 10 : i32
    %get3A_1018 = arith.index_cast %get3A_1017 : i32 to index
    %get3A_1019 = arith.constant 48 : index
    %get3A_1020 = tpu.vector_load %arg7[%get3A_1018, %get3A_1019] {strides = array<i32>} : memref<32x128xf32, #tpu.memory_space<vmem>>, vector<1x16xf32>,
    %get3A_1021 = vector.shape_cast %get3A_1020 : vector<1x16xf32> to vector<16xf32>
    %get3A_1022 = arith.constant 10 : i32
    %get3A_1023 = arith.index_cast %get3A_1022 : i32 to index
    %get3A_1024 = arith.constant 48 : index
    %get3A_1025 = tpu.vector_load %arg8[%get3A_1023, %get3A_1024] {strides = array<i32>} : memref<32x128xf32, #tpu.memory_space<vmem>>, vector<1x16xf32>,
    %get3A_1026 = vector.shape_cast %get3A_1025 : vector<1x16xf32> to vector<16xf32>
    %mul3A_1027 = arith.mulf %get3A_1021, %get3A_1026 : vector<16xf32>
    %add3A_1028 = arith.addf %add3A_932, %mul3A_1027 : vector<16xf32>
    %get3A_1029 = arith.constant 10 : i32
    %get3A_1030 = arith.index_cast %get3A_1029 : i32 to index
    %get3A_1031 = arith.constant 64 : index
    %get3A_1032 = tpu.vector_load %arg7[%get3A_1030, %get3A_1031] {strides = array<i32>} : memref<32x128xf32, #tpu.memory_space<vmem>>, vector<1x16xf32>,
    %get3A_1033 = vector.shape_cast %get3A_1032 : vector<1x16xf32> to vector<16xf32>
    %get3A_1034 = arith.constant 10 : i32
    %get3A_1035 = arith.index_cast %get3A_1034 : i32 to index
    %get3A_1036 = arith.constant 64 : index
    %get3A_1037 = tpu.vector_load %arg8[%get3A_1035, %get3A_1036] {strides = array<i32>} : memref<32x128xf32, #tpu.memory_space<vmem>>, vector<1x16xf32>,
    %get3A_1038 = vector.shape_cast %get3A_1037 : vector<1x16xf32> to vector<16xf32>
    %mul3A_1039 = arith.mulf %get3A_1033, %get3A_1038 : vector<16xf32>
    %add3A_1040 = arith.addf %add3A_944, %mul3A_1039 : vector<16xf32>
    %get3A_1041 = arith.constant 10 : i32
    %get3A_1042 = arith.index_cast %get3A_1041 : i32 to index
    %get3A_1043 = arith.constant 80 : index
    %get3A_1044 = tpu.vector_load %arg7[%get3A_1042, %get3A_1043] {strides = array<i32>} : memref<32x128xf32, #tpu.memory_space<vmem>>, vector<1x16xf32>,
    %get3A_1045 = vector.shape_cast %get3A_1044 : vector<1x16xf32> to vector<16xf32>
    %get3A_1046 = arith.constant 10 : i32
    %get3A_1047 = arith.index_cast %get3A_1046 : i32 to index
    %get3A_1048 = arith.constant 80 : index
    %get3A_1049 = tpu.vector_load %arg8[%get3A_1047, %get3A_1048] {strides = array<i32>} : memref<32x128xf32, #tpu.memory_space<vmem>>, vector<1x16xf32>,
    %get3A_1050 = vector.shape_cast %get3A_1049 : vector<1x16xf32> to vector<16xf32>
    %mul3A_1051 = arith.mulf %get3A_1045, %get3A_1050 : vector<16xf32>
    %add3A_1052 = arith.addf %add3A_956, %mul3A_1051 : vector<16xf32>
    %get3A_1053 = arith.constant 10 : i32
    %get3A_1054 = arith.index_cast %get3A_1053 : i32 to index
    %get3A_1055 = arith.constant 96 : index
    %get3A_1056 = tpu.vector_load %arg7[%get3A_1054, %get3A_1055] {strides = array<i32>} : memref<32x128xf32, #tpu.memory_space<vmem>>, vector<1x16xf32>,
    %get3A_1057 = vector.shape_cast %get3A_1056 : vector<1x16xf32> to vector<16xf32>
    %get3A_1058 = arith.constant 10 : i32
    %get3A_1059 = arith.index_cast %get3A_1058 : i32 to index
    %get3A_1060 = arith.constant 96 : index
    %get3A_1061 = tpu.vector_load %arg8[%get3A_1059, %get3A_1060] {strides = array<i32>} : memref<32x128xf32, #tpu.memory_space<vmem>>, vector<1x16xf32>,
    %get3A_1062 = vector.shape_cast %get3A_1061 : vector<1x16xf32> to vector<16xf32>
    %mul3A_1063 = arith.mulf %get3A_1057, %get3A_1062 : vector<16xf32>
    %add3A_1064 = arith.addf %add3A_968, %mul3A_1063 : vector<16xf32>
    %get3A_1065 = arith.constant 10 : i32
    %get3A_1066 = arith.index_cast %get3A_1065 : i32 to index
    %get3A_1067 = arith.constant 112 : index
    %get3A_1068 = tpu.vector_load %arg7[%get3A_1066, %get3A_1067] {strides = array<i32>} : memref<32x128xf32, #tpu.memory_space<vmem>>, vector<1x16xf32>,
    %get3A_1069 = vector.shape_cast %get3A_1068 : vector<1x16xf32> to vector<16xf32>
    %get3A_1070 = arith.constant 10 : i32
    %get3A_1071 = arith.index_cast %get3A_1070 : i32 to index
    %get3A_1072 = arith.constant 112 : index
    %get3A_1073 = tpu.vector_load %arg8[%get3A_1071, %get3A_1072] {strides = array<i32>} : memref<32x128xf32, #tpu.memory_space<vmem>>, vector<1x16xf32>,
    %get3A_1074 = vector.shape_cast %get3A_1073 : vector<1x16xf32> to vector<16xf32>
    %mul3A_1075 = arith.mulf %get3A_1069, %get3A_1074 : vector<16xf32>
    %add3A_1076 = arith.addf %add3A_980, %mul3A_1075 : vector<16xf32>
    %get3A_1077 = arith.constant 11 : i32
    %get3A_1078 = arith.index_cast %get3A_1077 : i32 to index
    %get3A_1079 = arith.constant 0 : index
    %get3A_1080 = tpu.vector_load %arg7[%get3A_1078, %get3A_1079] {strides = array<i32>} : memref<32x128xf32, #tpu.memory_space<vmem>>, vector<1x16xf32>,
    %get3A_1081 = vector.shape_cast %get3A_1080 : vector<1x16xf32> to vector<16xf32>
    %get3A_1082 = arith.constant 11 : i32
    %get3A_1083 = arith.index_cast %get3A_1082 : i32 to index
    %get3A_1084 = arith.constant 0 : index
    %get3A_1085 = tpu.vector_load %arg8[%get3A_1083, %get3A_1084] {strides = array<i32>} : memref<32x128xf32, #tpu.memory_space<vmem>>, vector<1x16xf32>,
    %get3A_1086 = vector.shape_cast %get3A_1085 : vector<1x16xf32> to vector<16xf32>
    %mul3A_1087 = arith.mulf %get3A_1081, %get3A_1086 : vector<16xf32>
    %add3A_1088 = arith.addf %add3A_992, %mul3A_1087 : vector<16xf32>
    %get3A_1089 = arith.constant 11 : i32
    %get3A_1090 = arith.index_cast %get3A_1089 : i32 to index
    %get3A_1091 = arith.constant 16 : index
    %get3A_1092 = tpu.vector_load %arg7[%get3A_1090, %get3A_1091] {strides = array<i32>} : memref<32x128xf32, #tpu.memory_space<vmem>>, vector<1x16xf32>,
    %get3A_1093 = vector.shape_cast %get3A_1092 : vector<1x16xf32> to vector<16xf32>
    %get3A_1094 = arith.constant 11 : i32
    %get3A_1095 = arith.index_cast %get3A_1094 : i32 to index
    %get3A_1096 = arith.constant 16 : index
    %get3A_1097 = tpu.vector_load %arg8[%get3A_1095, %get3A_1096] {strides = array<i32>} : memref<32x128xf32, #tpu.memory_space<vmem>>, vector<1x16xf32>,
    %get3A_1098 = vector.shape_cast %get3A_1097 : vector<1x16xf32> to vector<16xf32>
    %mul3A_1099 = arith.mulf %get3A_1093, %get3A_1098 : vector<16xf32>
    %add3A_1100 = arith.addf %add3A_1004, %mul3A_1099 : vector<16xf32>
    %get3A_1101 = arith.constant 11 : i32
    %get3A_1102 = arith.index_cast %get3A_1101 : i32 to index
    %get3A_1103 = arith.constant 32 : index
    %get3A_1104 = tpu.vector_load %arg7[%get3A_1102, %get3A_1103] {strides = array<i32>} : memref<32x128xf32, #tpu.memory_space<vmem>>, vector<1x16xf32>,
    %get3A_1105 = vector.shape_cast %get3A_1104 : vector<1x16xf32> to vector<16xf32>
    %get3A_1106 = arith.constant 11 : i32
    %get3A_1107 = arith.index_cast %get3A_1106 : i32 to index
    %get3A_1108 = arith.constant 32 : index
    %get3A_1109 = tpu.vector_load %arg8[%get3A_1107, %get3A_1108] {strides = array<i32>} : memref<32x128xf32, #tpu.memory_space<vmem>>, vector<1x16xf32>,
    %get3A_1110 = vector.shape_cast %get3A_1109 : vector<1x16xf32> to vector<16xf32>
    %mul3A_1111 = arith.mulf %get3A_1105, %get3A_1110 : vector<16xf32>
    %add3A_1112 = arith.addf %add3A_1016, %mul3A_1111 : vector<16xf32>
    %get3A_1113 = arith.constant 11 : i32
    %get3A_1114 = arith.index_cast %get3A_1113 : i32 to index
    %get3A_1115 = arith.constant 48 : index
    %get3A_1116 = tpu.vector_load %arg7[%get3A_1114, %get3A_1115] {strides = array<i32>} : memref<32x128xf32, #tpu.memory_space<vmem>>, vector<1x16xf32>,
    %get3A_1117 = vector.shape_cast %get3A_1116 : vector<1x16xf32> to vector<16xf32>
    %get3A_1118 = arith.constant 11 : i32
    %get3A_1119 = arith.index_cast %get3A_1118 : i32 to index
    %get3A_1120 = arith.constant 48 : index
    %get3A_1121 = tpu.vector_load %arg8[%get3A_1119, %get3A_1120] {strides = array<i32>} : memref<32x128xf32, #tpu.memory_space<vmem>>, vector<1x16xf32>,
    %get3A_1122 = vector.shape_cast %get3A_1121 : vector<1x16xf32> to vector<16xf32>
    %mul3A_1123 = arith.mulf %get3A_1117, %get3A_1122 : vector<16xf32>
    %add3A_1124 = arith.addf %add3A_1028, %mul3A_1123 : vector<16xf32>
    %get3A_1125 = arith.constant 11 : i32
    %get3A_1126 = arith.index_cast %get3A_1125 : i32 to index
    %get3A_1127 = arith.constant 64 : index
    %get3A_1128 = tpu.vector_load %arg7[%get3A_1126, %get3A_1127] {strides = array<i32>} : memref<32x128xf32, #tpu.memory_space<vmem>>, vector<1x16xf32>,
    %get3A_1129 = vector.shape_cast %get3A_1128 : vector<1x16xf32> to vector<16xf32>
    %get3A_1130 = arith.constant 11 : i32
    %get3A_1131 = arith.index_cast %get3A_1130 : i32 to index
    %get3A_1132 = arith.constant 64 : index
    %get3A_1133 = tpu.vector_load %arg8[%get3A_1131, %get3A_1132] {strides = array<i32>} : memref<32x128xf32, #tpu.memory_space<vmem>>, vector<1x16xf32>,
    %get3A_1134 = vector.shape_cast %get3A_1133 : vector<1x16xf32> to vector<16xf32>
    %mul3A_1135 = arith.mulf %get3A_1129, %get3A_1134 : vector<16xf32>
    %add3A_1136 = arith.addf %add3A_1040, %mul3A_1135 : vector<16xf32>
    %get3A_1137 = arith.constant 11 : i32
    %get3A_1138 = arith.index_cast %get3A_1137 : i32 to index
    %get3A_1139 = arith.constant 80 : index
    %get3A_1140 = tpu.vector_load %arg7[%get3A_1138, %get3A_1139] {strides = array<i32>} : memref<32x128xf32, #tpu.memory_space<vmem>>, vector<1x16xf32>,
    %get3A_1141 = vector.shape_cast %get3A_1140 : vector<1x16xf32> to vector<16xf32>
    %get3A_1142 = arith.constant 11 : i32
    %get3A_1143 = arith.index_cast %get3A_1142 : i32 to index
    %get3A_1144 = arith.constant 80 : index
    %get3A_1145 = tpu.vector_load %arg8[%get3A_1143, %get3A_1144] {strides = array<i32>} : memref<32x128xf32, #tpu.memory_space<vmem>>, vector<1x16xf32>,
    %get3A_1146 = vector.shape_cast %get3A_1145 : vector<1x16xf32> to vector<16xf32>
    %mul3A_1147 = arith.mulf %get3A_1141, %get3A_1146 : vector<16xf32>
    %add3A_1148 = arith.addf %add3A_1052, %mul3A_1147 : vector<16xf32>
    %get3A_1149 = arith.constant 11 : i32
    %get3A_1150 = arith.index_cast %get3A_1149 : i32 to index
    %get3A_1151 = arith.constant 96 : index
    %get3A_1152 = tpu.vector_load %arg7[%get3A_1150, %get3A_1151] {strides = array<i32>} : memref<32x128xf32, #tpu.memory_space<vmem>>, vector<1x16xf32>,
    %get3A_1153 = vector.shape_cast %get3A_1152 : vector<1x16xf32> to vector<16xf32>
    %get3A_1154 = arith.constant 11 : i32
    %get3A_1155 = arith.index_cast %get3A_1154 : i32 to index
    %get3A_1156 = arith.constant 96 : index
    %get3A_1157 = tpu.vector_load %arg8[%get3A_1155, %get3A_1156] {strides = array<i32>} : memref<32x128xf32, #tpu.memory_space<vmem>>, vector<1x16xf32>,
    %get3A_1158 = vector.shape_cast %get3A_1157 : vector<1x16xf32> to vector<16xf32>
    %mul3A_1159 = arith.mulf %get3A_1153, %get3A_1158 : vector<16xf32>
    %add3A_1160 = arith.addf %add3A_1064, %mul3A_1159 : vector<16xf32>
    %get3A_1161 = arith.constant 11 : i32
    %get3A_1162 = arith.index_cast %get3A_1161 : i32 to index
    %get3A_1163 = arith.constant 112 : index
    %get3A_1164 = tpu.vector_load %arg7[%get3A_1162, %get3A_1163] {strides = array<i32>} : memref<32x128xf32, #tpu.memory_space<vmem>>, vector<1x16xf32>,
    %get3A_1165 = vector.shape_cast %get3A_1164 : vector<1x16xf32> to vector<16xf32>
    %get3A_1166 = arith.constant 11 : i32
    %get3A_1167 = arith.index_cast %get3A_1166 : i32 to index
    %get3A_1168 = arith.constant 112 : index
    %get3A_1169 = tpu.vector_load %arg8[%get3A_1167, %get3A_1168] {strides = array<i32>} : memref<32x128xf32, #tpu.memory_space<vmem>>, vector<1x16xf32>,
    %get3A_1170 = vector.shape_cast %get3A_1169 : vector<1x16xf32> to vector<16xf32>
    %mul3A_1171 = arith.mulf %get3A_1165, %get3A_1170 : vector<16xf32>
    %add3A_1172 = arith.addf %add3A_1076, %mul3A_1171 : vector<16xf32>
    %get3A_1173 = arith.constant 12 : i32
    %get3A_1174 = arith.index_cast %get3A_1173 : i32 to index
    %get3A_1175 = arith.constant 0 : index
    %get3A_1176 = tpu.vector_load %arg7[%get3A_1174, %get3A_1175] {strides = array<i32>} : memref<32x128xf32, #tpu.memory_space<vmem>>, vector<1x16xf32>,
    %get3A_1177 = vector.shape_cast %get3A_1176 : vector<1x16xf32> to vector<16xf32>
    %get3A_1178 = arith.constant 12 : i32
    %get3A_1179 = arith.index_cast %get3A_1178 : i32 to index
    %get3A_1180 = arith.constant 0 : index
    %get3A_1181 = tpu.vector_load %arg8[%get3A_1179, %get3A_1180] {strides = array<i32>} : memref<32x128xf32, #tpu.memory_space<vmem>>, vector<1x16xf32>,
    %get3A_1182 = vector.shape_cast %get3A_1181 : vector<1x16xf32> to vector<16xf32>
    %mul3A_1183 = arith.mulf %get3A_1177, %get3A_1182 : vector<16xf32>
    %add3A_1184 = arith.addf %add3A_1088, %mul3A_1183 : vector<16xf32>
    %get3A_1185 = arith.constant 12 : i32
    %get3A_1186 = arith.index_cast %get3A_1185 : i32 to index
    %get3A_1187 = arith.constant 16 : index
    %get3A_1188 = tpu.vector_load %arg7[%get3A_1186, %get3A_1187] {strides = array<i32>} : memref<32x128xf32, #tpu.memory_space<vmem>>, vector<1x16xf32>,
    %get3A_1189 = vector.shape_cast %get3A_1188 : vector<1x16xf32> to vector<16xf32>
    %get3A_1190 = arith.constant 12 : i32
    %get3A_1191 = arith.index_cast %get3A_1190 : i32 to index
    %get3A_1192 = arith.constant 16 : index
    %get3A_1193 = tpu.vector_load %arg8[%get3A_1191, %get3A_1192] {strides = array<i32>} : memref<32x128xf32, #tpu.memory_space<vmem>>, vector<1x16xf32>,
    %get3A_1194 = vector.shape_cast %get3A_1193 : vector<1x16xf32> to vector<16xf32>
    %mul3A_1195 = arith.mulf %get3A_1189, %get3A_1194 : vector<16xf32>
    %add3A_1196 = arith.addf %add3A_1100, %mul3A_1195 : vector<16xf32>
    %get3A_1197 = arith.constant 12 : i32
    %get3A_1198 = arith.index_cast %get3A_1197 : i32 to index
    %get3A_1199 = arith.constant 32 : index
    %get3A_1200 = tpu.vector_load %arg7[%get3A_1198, %get3A_1199] {strides = array<i32>} : memref<32x128xf32, #tpu.memory_space<vmem>>, vector<1x16xf32>,
    %get3A_1201 = vector.shape_cast %get3A_1200 : vector<1x16xf32> to vector<16xf32>
    %get3A_1202 = arith.constant 12 : i32
    %get3A_1203 = arith.index_cast %get3A_1202 : i32 to index
    %get3A_1204 = arith.constant 32 : index
    %get3A_1205 = tpu.vector_load %arg8[%get3A_1203, %get3A_1204] {strides = array<i32>} : memref<32x128xf32, #tpu.memory_space<vmem>>, vector<1x16xf32>,
    %get3A_1206 = vector.shape_cast %get3A_1205 : vector<1x16xf32> to vector<16xf32>
    %mul3A_1207 = arith.mulf %get3A_1201, %get3A_1206 : vector<16xf32>
    %add3A_1208 = arith.addf %add3A_1112, %mul3A_1207 : vector<16xf32>
    %get3A_1209 = arith.constant 12 : i32
    %get3A_1210 = arith.index_cast %get3A_1209 : i32 to index
    %get3A_1211 = arith.constant 48 : index
    %get3A_1212 = tpu.vector_load %arg7[%get3A_1210, %get3A_1211] {strides = array<i32>} : memref<32x128xf32, #tpu.memory_space<vmem>>, vector<1x16xf32>,
    %get3A_1213 = vector.shape_cast %get3A_1212 : vector<1x16xf32> to vector<16xf32>
    %get3A_1214 = arith.constant 12 : i32
    %get3A_1215 = arith.index_cast %get3A_1214 : i32 to index
    %get3A_1216 = arith.constant 48 : index
    %get3A_1217 = tpu.vector_load %arg8[%get3A_1215, %get3A_1216] {strides = array<i32>} : memref<32x128xf32, #tpu.memory_space<vmem>>, vector<1x16xf32>,
    %get3A_1218 = vector.shape_cast %get3A_1217 : vector<1x16xf32> to vector<16xf32>
    %mul3A_1219 = arith.mulf %get3A_1213, %get3A_1218 : vector<16xf32>
    %add3A_1220 = arith.addf %add3A_1124, %mul3A_1219 : vector<16xf32>
    %get3A_1221 = arith.constant 12 : i32
    %get3A_1222 = arith.index_cast %get3A_1221 : i32 to index
    %get3A_1223 = arith.constant 64 : index
    %get3A_1224 = tpu.vector_load %arg7[%get3A_1222, %get3A_1223] {strides = array<i32>} : memref<32x128xf32, #tpu.memory_space<vmem>>, vector<1x16xf32>,
    %get3A_1225 = vector.shape_cast %get3A_1224 : vector<1x16xf32> to vector<16xf32>
    %get3A_1226 = arith.constant 12 : i32
    %get3A_1227 = arith.index_cast %get3A_1226 : i32 to index
    %get3A_1228 = arith.constant 64 : index
    %get3A_1229 = tpu.vector_load %arg8[%get3A_1227, %get3A_1228] {strides = array<i32>} : memref<32x128xf32, #tpu.memory_space<vmem>>, vector<1x16xf32>,
    %get3A_1230 = vector.shape_cast %get3A_1229 : vector<1x16xf32> to vector<16xf32>
    %mul3A_1231 = arith.mulf %get3A_1225, %get3A_1230 : vector<16xf32>
    %add3A_1232 = arith.addf %add3A_1136, %mul3A_1231 : vector<16xf32>
    %get3A_1233 = arith.constant 12 : i32
    %get3A_1234 = arith.index_cast %get3A_1233 : i32 to index
    %get3A_1235 = arith.constant 80 : index
    %get3A_1236 = tpu.vector_load %arg7[%get3A_1234, %get3A_1235] {strides = array<i32>} : memref<32x128xf32, #tpu.memory_space<vmem>>, vector<1x16xf32>,
    %get3A_1237 = vector.shape_cast %get3A_1236 : vector<1x16xf32> to vector<16xf32>
    %get3A_1238 = arith.constant 12 : i32
    %get3A_1239 = arith.index_cast %get3A_1238 : i32 to index
    %get3A_1240 = arith.constant 80 : index
    %get3A_1241 = tpu.vector_load %arg8[%get3A_1239, %get3A_1240] {strides = array<i32>} : memref<32x128xf32, #tpu.memory_space<vmem>>, vector<1x16xf32>,
    %get3A_1242 = vector.shape_cast %get3A_1241 : vector<1x16xf32> to vector<16xf32>
    %mul3A_1243 = arith.mulf %get3A_1237, %get3A_1242 : vector<16xf32>
    %add3A_1244 = arith.addf %add3A_1148, %mul3A_1243 : vector<16xf32>
    %get3A_1245 = arith.constant 12 : i32
    %get3A_1246 = arith.index_cast %get3A_1245 : i32 to index
    %get3A_1247 = arith.constant 96 : index
    %get3A_1248 = tpu.vector_load %arg7[%get3A_1246, %get3A_1247] {strides = array<i32>} : memref<32x128xf32, #tpu.memory_space<vmem>>, vector<1x16xf32>,
    %get3A_1249 = vector.shape_cast %get3A_1248 : vector<1x16xf32> to vector<16xf32>
    %get3A_1250 = arith.constant 12 : i32
    %get3A_1251 = arith.index_cast %get3A_1250 : i32 to index
    %get3A_1252 = arith.constant 96 : index
    %get3A_1253 = tpu.vector_load %arg8[%get3A_1251, %get3A_1252] {strides = array<i32>} : memref<32x128xf32, #tpu.memory_space<vmem>>, vector<1x16xf32>,
    %get3A_1254 = vector.shape_cast %get3A_1253 : vector<1x16xf32> to vector<16xf32>
    %mul3A_1255 = arith.mulf %get3A_1249, %get3A_1254 : vector<16xf32>
    %add3A_1256 = arith.addf %add3A_1160, %mul3A_1255 : vector<16xf32>
    %get3A_1257 = arith.constant 12 : i32
    %get3A_1258 = arith.index_cast %get3A_1257 : i32 to index
    %get3A_1259 = arith.constant 112 : index
    %get3A_1260 = tpu.vector_load %arg7[%get3A_1258, %get3A_1259] {strides = array<i32>} : memref<32x128xf32, #tpu.memory_space<vmem>>, vector<1x16xf32>,
    %get3A_1261 = vector.shape_cast %get3A_1260 : vector<1x16xf32> to vector<16xf32>
    %get3A_1262 = arith.constant 12 : i32
    %get3A_1263 = arith.index_cast %get3A_1262 : i32 to index
    %get3A_1264 = arith.constant 112 : index
    %get3A_1265 = tpu.vector_load %arg8[%get3A_1263, %get3A_1264] {strides = array<i32>} : memref<32x128xf32, #tpu.memory_space<vmem>>, vector<1x16xf32>,
    %get3A_1266 = vector.shape_cast %get3A_1265 : vector<1x16xf32> to vector<16xf32>
    %mul3A_1267 = arith.mulf %get3A_1261, %get3A_1266 : vector<16xf32>
    %add3A_1268 = arith.addf %add3A_1172, %mul3A_1267 : vector<16xf32>
    %get3A_1269 = arith.constant 13 : i32
    %get3A_1270 = arith.index_cast %get3A_1269 : i32 to index
    %get3A_1271 = arith.constant 0 : index
    %get3A_1272 = tpu.vector_load %arg7[%get3A_1270, %get3A_1271] {strides = array<i32>} : memref<32x128xf32, #tpu.memory_space<vmem>>, vector<1x16xf32>,
    %get3A_1273 = vector.shape_cast %get3A_1272 : vector<1x16xf32> to vector<16xf32>
    %get3A_1274 = arith.constant 13 : i32
    %get3A_1275 = arith.index_cast %get3A_1274 : i32 to index
    %get3A_1276 = arith.constant 0 : index
    %get3A_1277 = tpu.vector_load %arg8[%get3A_1275, %get3A_1276] {strides = array<i32>} : memref<32x128xf32, #tpu.memory_space<vmem>>, vector<1x16xf32>,
    %get3A_1278 = vector.shape_cast %get3A_1277 : vector<1x16xf32> to vector<16xf32>
    %mul3A_1279 = arith.mulf %get3A_1273, %get3A_1278 : vector<16xf32>
    %add3A_1280 = arith.addf %add3A_1184, %mul3A_1279 : vector<16xf32>
    %get3A_1281 = arith.constant 13 : i32
    %get3A_1282 = arith.index_cast %get3A_1281 : i32 to index
    %get3A_1283 = arith.constant 16 : index
    %get3A_1284 = tpu.vector_load %arg7[%get3A_1282, %get3A_1283] {strides = array<i32>} : memref<32x128xf32, #tpu.memory_space<vmem>>, vector<1x16xf32>,
    %get3A_1285 = vector.shape_cast %get3A_1284 : vector<1x16xf32> to vector<16xf32>
    %get3A_1286 = arith.constant 13 : i32
    %get3A_1287 = arith.index_cast %get3A_1286 : i32 to index
    %get3A_1288 = arith.constant 16 : index
    %get3A_1289 = tpu.vector_load %arg8[%get3A_1287, %get3A_1288] {strides = array<i32>} : memref<32x128xf32, #tpu.memory_space<vmem>>, vector<1x16xf32>,
    %get3A_1290 = vector.shape_cast %get3A_1289 : vector<1x16xf32> to vector<16xf32>
    %mul3A_1291 = arith.mulf %get3A_1285, %get3A_1290 : vector<16xf32>
    %add3A_1292 = arith.addf %add3A_1196, %mul3A_1291 : vector<16xf32>
    %get3A_1293 = arith.constant 13 : i32
    %get3A_1294 = arith.index_cast %get3A_1293 : i32 to index
    %get3A_1295 = arith.constant 32 : index
    %get3A_1296 = tpu.vector_load %arg7[%get3A_1294, %get3A_1295] {strides = array<i32>} : memref<32x128xf32, #tpu.memory_space<vmem>>, vector<1x16xf32>,
    %get3A_1297 = vector.shape_cast %get3A_1296 : vector<1x16xf32> to vector<16xf32>
    %get3A_1298 = arith.constant 13 : i32
    %get3A_1299 = arith.index_cast %get3A_1298 : i32 to index
    %get3A_1300 = arith.constant 32 : index
    %get3A_1301 = tpu.vector_load %arg8[%get3A_1299, %get3A_1300] {strides = array<i32>} : memref<32x128xf32, #tpu.memory_space<vmem>>, vector<1x16xf32>,
    %get3A_1302 = vector.shape_cast %get3A_1301 : vector<1x16xf32> to vector<16xf32>
    %mul3A_1303 = arith.mulf %get3A_1297, %get3A_1302 : vector<16xf32>
    %add3A_1304 = arith.addf %add3A_1208, %mul3A_1303 : vector<16xf32>
    %get3A_1305 = arith.constant 13 : i32
    %get3A_1306 = arith.index_cast %get3A_1305 : i32 to index
    %get3A_1307 = arith.constant 48 : index
    %get3A_1308 = tpu.vector_load %arg7[%get3A_1306, %get3A_1307] {strides = array<i32>} : memref<32x128xf32, #tpu.memory_space<vmem>>, vector<1x16xf32>,
    %get3A_1309 = vector.shape_cast %get3A_1308 : vector<1x16xf32> to vector<16xf32>
    %get3A_1310 = arith.constant 13 : i32
    %get3A_1311 = arith.index_cast %get3A_1310 : i32 to index
    %get3A_1312 = arith.constant 48 : index
    %get3A_1313 = tpu.vector_load %arg8[%get3A_1311, %get3A_1312] {strides = array<i32>} : memref<32x128xf32, #tpu.memory_space<vmem>>, vector<1x16xf32>,
    %get3A_1314 = vector.shape_cast %get3A_1313 : vector<1x16xf32> to vector<16xf32>
    %mul3A_1315 = arith.mulf %get3A_1309, %get3A_1314 : vector<16xf32>
    %add3A_1316 = arith.addf %add3A_1220, %mul3A_1315 : vector<16xf32>
    %get3A_1317 = arith.constant 13 : i32
    %get3A_1318 = arith.index_cast %get3A_1317 : i32 to index
    %get3A_1319 = arith.constant 64 : index
    %get3A_1320 = tpu.vector_load %arg7[%get3A_1318, %get3A_1319] {strides = array<i32>} : memref<32x128xf32, #tpu.memory_space<vmem>>, vector<1x16xf32>,
    %get3A_1321 = vector.shape_cast %get3A_1320 : vector<1x16xf32> to vector<16xf32>
    %get3A_1322 = arith.constant 13 : i32
    %get3A_1323 = arith.index_cast %get3A_1322 : i32 to index
    %get3A_1324 = arith.constant 64 : index
    %get3A_1325 = tpu.vector_load %arg8[%get3A_1323, %get3A_1324] {strides = array<i32>} : memref<32x128xf32, #tpu.memory_space<vmem>>, vector<1x16xf32>,
    %get3A_1326 = vector.shape_cast %get3A_1325 : vector<1x16xf32> to vector<16xf32>
    %mul3A_1327 = arith.mulf %get3A_1321, %get3A_1326 : vector<16xf32>
    %add3A_1328 = arith.addf %add3A_1232, %mul3A_1327 : vector<16xf32>
    %get3A_1329 = arith.constant 13 : i32
    %get3A_1330 = arith.index_cast %get3A_1329 : i32 to index
    %get3A_1331 = arith.constant 80 : index
    %get3A_1332 = tpu.vector_load %arg7[%get3A_1330, %get3A_1331] {strides = array<i32>} : memref<32x128xf32, #tpu.memory_space<vmem>>, vector<1x16xf32>,
    %get3A_1333 = vector.shape_cast %get3A_1332 : vector<1x16xf32> to vector<16xf32>
    %get3A_1334 = arith.constant 13 : i32
    %get3A_1335 = arith.index_cast %get3A_1334 : i32 to index
    %get3A_1336 = arith.constant 80 : index
    %get3A_1337 = tpu.vector_load %arg8[%get3A_1335, %get3A_1336] {strides = array<i32>} : memref<32x128xf32, #tpu.memory_space<vmem>>, vector<1x16xf32>,
    %get3A_1338 = vector.shape_cast %get3A_1337 : vector<1x16xf32> to vector<16xf32>
    %mul3A_1339 = arith.mulf %get3A_1333, %get3A_1338 : vector<16xf32>
    %add3A_1340 = arith.addf %add3A_1244, %mul3A_1339 : vector<16xf32>
    %get3A_1341 = arith.constant 13 : i32
    %get3A_1342 = arith.index_cast %get3A_1341 : i32 to index
    %get3A_1343 = arith.constant 96 : index
    %get3A_1344 = tpu.vector_load %arg7[%get3A_1342, %get3A_1343] {strides = array<i32>} : memref<32x128xf32, #tpu.memory_space<vmem>>, vector<1x16xf32>,
    %get3A_1345 = vector.shape_cast %get3A_1344 : vector<1x16xf32> to vector<16xf32>
    %get3A_1346 = arith.constant 13 : i32
    %get3A_1347 = arith.index_cast %get3A_1346 : i32 to index
    %get3A_1348 = arith.constant 96 : index
    %get3A_1349 = tpu.vector_load %arg8[%get3A_1347, %get3A_1348] {strides = array<i32>} : memref<32x128xf32, #tpu.memory_space<vmem>>, vector<1x16xf32>,
    %get3A_1350 = vector.shape_cast %get3A_1349 : vector<1x16xf32> to vector<16xf32>
    %mul3A_1351 = arith.mulf %get3A_1345, %get3A_1350 : vector<16xf32>
    %add3A_1352 = arith.addf %add3A_1256, %mul3A_1351 : vector<16xf32>
    %get3A_1353 = arith.constant 13 : i32
    %get3A_1354 = arith.index_cast %get3A_1353 : i32 to index
    %get3A_1355 = arith.constant 112 : index
    %get3A_1356 = tpu.vector_load %arg7[%get3A_1354, %get3A_1355] {strides = array<i32>} : memref<32x128xf32, #tpu.memory_space<vmem>>, vector<1x16xf32>,
    %get3A_1357 = vector.shape_cast %get3A_1356 : vector<1x16xf32> to vector<16xf32>
    %get3A_1358 = arith.constant 13 : i32
    %get3A_1359 = arith.index_cast %get3A_1358 : i32 to index
    %get3A_1360 = arith.constant 112 : index
    %get3A_1361 = tpu.vector_load %arg8[%get3A_1359, %get3A_1360] {strides = array<i32>} : memref<32x128xf32, #tpu.memory_space<vmem>>, vector<1x16xf32>,
    %get3A_1362 = vector.shape_cast %get3A_1361 : vector<1x16xf32> to vector<16xf32>
    %mul3A_1363 = arith.mulf %get3A_1357, %get3A_1362 : vector<16xf32>
    %add3A_1364 = arith.addf %add3A_1268, %mul3A_1363 : vector<16xf32>
    %get3A_1365 = arith.constant 14 : i32
    %get3A_1366 = arith.index_cast %get3A_1365 : i32 to index
    %get3A_1367 = arith.constant 0 : index
    %get3A_1368 = tpu.vector_load %arg7[%get3A_1366, %get3A_1367] {strides = array<i32>} : memref<32x128xf32, #tpu.memory_space<vmem>>, vector<1x16xf32>,
    %get3A_1369 = vector.shape_cast %get3A_1368 : vector<1x16xf32> to vector<16xf32>
    %get3A_1370 = arith.constant 14 : i32
    %get3A_1371 = arith.index_cast %get3A_1370 : i32 to index
    %get3A_1372 = arith.constant 0 : index
    %get3A_1373 = tpu.vector_load %arg8[%get3A_1371, %get3A_1372] {strides = array<i32>} : memref<32x128xf32, #tpu.memory_space<vmem>>, vector<1x16xf32>,
    %get3A_1374 = vector.shape_cast %get3A_1373 : vector<1x16xf32> to vector<16xf32>
    %mul3A_1375 = arith.mulf %get3A_1369, %get3A_1374 : vector<16xf32>
    %add3A_1376 = arith.addf %add3A_1280, %mul3A_1375 : vector<16xf32>
    %get3A_1377 = arith.constant 14 : i32
    %get3A_1378 = arith.index_cast %get3A_1377 : i32 to index
    %get3A_1379 = arith.constant 16 : index
    %get3A_1380 = tpu.vector_load %arg7[%get3A_1378, %get3A_1379] {strides = array<i32>} : memref<32x128xf32, #tpu.memory_space<vmem>>, vector<1x16xf32>,
    %get3A_1381 = vector.shape_cast %get3A_1380 : vector<1x16xf32> to vector<16xf32>
    %get3A_1382 = arith.constant 14 : i32
    %get3A_1383 = arith.index_cast %get3A_1382 : i32 to index
    %get3A_1384 = arith.constant 16 : index
    %get3A_1385 = tpu.vector_load %arg8[%get3A_1383, %get3A_1384] {strides = array<i32>} : memref<32x128xf32, #tpu.memory_space<vmem>>, vector<1x16xf32>,
    %get3A_1386 = vector.shape_cast %get3A_1385 : vector<1x16xf32> to vector<16xf32>
    %mul3A_1387 = arith.mulf %get3A_1381, %get3A_1386 : vector<16xf32>
    %add3A_1388 = arith.addf %add3A_1292, %mul3A_1387 : vector<16xf32>
    %get3A_1389 = arith.constant 14 : i32
    %get3A_1390 = arith.index_cast %get3A_1389 : i32 to index
    %get3A_1391 = arith.constant 32 : index
    %get3A_1392 = tpu.vector_load %arg7[%get3A_1390, %get3A_1391] {strides = array<i32>} : memref<32x128xf32, #tpu.memory_space<vmem>>, vector<1x16xf32>,
    %get3A_1393 = vector.shape_cast %get3A_1392 : vector<1x16xf32> to vector<16xf32>
    %get3A_1394 = arith.constant 14 : i32
    %get3A_1395 = arith.index_cast %get3A_1394 : i32 to index
    %get3A_1396 = arith.constant 32 : index
    %get3A_1397 = tpu.vector_load %arg8[%get3A_1395, %get3A_1396] {strides = array<i32>} : memref<32x128xf32, #tpu.memory_space<vmem>>, vector<1x16xf32>,
    %get3A_1398 = vector.shape_cast %get3A_1397 : vector<1x16xf32> to vector<16xf32>
    %mul3A_1399 = arith.mulf %get3A_1393, %get3A_1398 : vector<16xf32>
    %add3A_1400 = arith.addf %add3A_1304, %mul3A_1399 : vector<16xf32>
    %get3A_1401 = arith.constant 14 : i32
    %get3A_1402 = arith.index_cast %get3A_1401 : i32 to index
    %get3A_1403 = arith.constant 48 : index
    %get3A_1404 = tpu.vector_load %arg7[%get3A_1402, %get3A_1403] {strides = array<i32>} : memref<32x128xf32, #tpu.memory_space<vmem>>, vector<1x16xf32>,
    %get3A_1405 = vector.shape_cast %get3A_1404 : vector<1x16xf32> to vector<16xf32>
    %get3A_1406 = arith.constant 14 : i32
    %get3A_1407 = arith.index_cast %get3A_1406 : i32 to index
    %get3A_1408 = arith.constant 48 : index
    %get3A_1409 = tpu.vector_load %arg8[%get3A_1407, %get3A_1408] {strides = array<i32>} : memref<32x128xf32, #tpu.memory_space<vmem>>, vector<1x16xf32>,
    %get3A_1410 = vector.shape_cast %get3A_1409 : vector<1x16xf32> to vector<16xf32>
    %mul3A_1411 = arith.mulf %get3A_1405, %get3A_1410 : vector<16xf32>
    %add3A_1412 = arith.addf %add3A_1316, %mul3A_1411 : vector<16xf32>
    %get3A_1413 = arith.constant 14 : i32
    %get3A_1414 = arith.index_cast %get3A_1413 : i32 to index
    %get3A_1415 = arith.constant 64 : index
    %get3A_1416 = tpu.vector_load %arg7[%get3A_1414, %get3A_1415] {strides = array<i32>} : memref<32x128xf32, #tpu.memory_space<vmem>>, vector<1x16xf32>,
    %get3A_1417 = vector.shape_cast %get3A_1416 : vector<1x16xf32> to vector<16xf32>
    %get3A_1418 = arith.constant 14 : i32
    %get3A_1419 = arith.index_cast %get3A_1418 : i32 to index
    %get3A_1420 = arith.constant 64 : index
    %get3A_1421 = tpu.vector_load %arg8[%get3A_1419, %get3A_1420] {strides = array<i32>} : memref<32x128xf32, #tpu.memory_space<vmem>>, vector<1x16xf32>,
    %get3A_1422 = vector.shape_cast %get3A_1421 : vector<1x16xf32> to vector<16xf32>
    %mul3A_1423 = arith.mulf %get3A_1417, %get3A_1422 : vector<16xf32>
    %add3A_1424 = arith.addf %add3A_1328, %mul3A_1423 : vector<16xf32>
    %get3A_1425 = arith.constant 14 : i32
    %get3A_1426 = arith.index_cast %get3A_1425 : i32 to index
    %get3A_1427 = arith.constant 80 : index
    %get3A_1428 = tpu.vector_load %arg7[%get3A_1426, %get3A_1427] {strides = array<i32>} : memref<32x128xf32, #tpu.memory_space<vmem>>, vector<1x16xf32>,
    %get3A_1429 = vector.shape_cast %get3A_1428 : vector<1x16xf32> to vector<16xf32>
    %get3A_1430 = arith.constant 14 : i32
    %get3A_1431 = arith.index_cast %get3A_1430 : i32 to index
    %get3A_1432 = arith.constant 80 : index
    %get3A_1433 = tpu.vector_load %arg8[%get3A_1431, %get3A_1432] {strides = array<i32>} : memref<32x128xf32, #tpu.memory_space<vmem>>, vector<1x16xf32>,
    %get3A_1434 = vector.shape_cast %get3A_1433 : vector<1x16xf32> to vector<16xf32>
    %mul3A_1435 = arith.mulf %get3A_1429, %get3A_1434 : vector<16xf32>
    %add3A_1436 = arith.addf %add3A_1340, %mul3A_1435 : vector<16xf32>
    %get3A_1437 = arith.constant 14 : i32
    %get3A_1438 = arith.index_cast %get3A_1437 : i32 to index
    %get3A_1439 = arith.constant 96 : index
    %get3A_1440 = tpu.vector_load %arg7[%get3A_1438, %get3A_1439] {strides = array<i32>} : memref<32x128xf32, #tpu.memory_space<vmem>>, vector<1x16xf32>,
    %get3A_1441 = vector.shape_cast %get3A_1440 : vector<1x16xf32> to vector<16xf32>
    %get3A_1442 = arith.constant 14 : i32
    %get3A_1443 = arith.index_cast %get3A_1442 : i32 to index
    %get3A_1444 = arith.constant 96 : index
    %get3A_1445 = tpu.vector_load %arg8[%get3A_1443, %get3A_1444] {strides = array<i32>} : memref<32x128xf32, #tpu.memory_space<vmem>>, vector<1x16xf32>,
    %get3A_1446 = vector.shape_cast %get3A_1445 : vector<1x16xf32> to vector<16xf32>
    %mul3A_1447 = arith.mulf %get3A_1441, %get3A_1446 : vector<16xf32>
    %add3A_1448 = arith.addf %add3A_1352, %mul3A_1447 : vector<16xf32>
    %get3A_1449 = arith.constant 14 : i32
    %get3A_1450 = arith.index_cast %get3A_1449 : i32 to index
    %get3A_1451 = arith.constant 112 : index
    %get3A_1452 = tpu.vector_load %arg7[%get3A_1450, %get3A_1451] {strides = array<i32>} : memref<32x128xf32, #tpu.memory_space<vmem>>, vector<1x16xf32>,
    %get3A_1453 = vector.shape_cast %get3A_1452 : vector<1x16xf32> to vector<16xf32>
    %get3A_1454 = arith.constant 14 : i32
    %get3A_1455 = arith.index_cast %get3A_1454 : i32 to index
    %get3A_1456 = arith.constant 112 : index
    %get3A_1457 = tpu.vector_load %arg8[%get3A_1455, %get3A_1456] {strides = array<i32>} : memref<32x128xf32, #tpu.memory_space<vmem>>, vector<1x16xf32>,
    %get3A_1458 = vector.shape_cast %get3A_1457 : vector<1x16xf32> to vector<16xf32>
    %mul3A_1459 = arith.mulf %get3A_1453, %get3A_1458 : vector<16xf32>
    %add3A_1460 = arith.addf %add3A_1364, %mul3A_1459 : vector<16xf32>
    %get3A_1461 = arith.constant 15 : i32
    %get3A_1462 = arith.index_cast %get3A_1461 : i32 to index
    %get3A_1463 = arith.constant 0 : index
    %get3A_1464 = tpu.vector_load %arg7[%get3A_1462, %get3A_1463] {strides = array<i32>} : memref<32x128xf32, #tpu.memory_space<vmem>>, vector<1x16xf32>,
    %get3A_1465 = vector.shape_cast %get3A_1464 : vector<1x16xf32> to vector<16xf32>
    %get3A_1466 = arith.constant 15 : i32
    %get3A_1467 = arith.index_cast %get3A_1466 : i32 to index
    %get3A_1468 = arith.constant 0 : index
    %get3A_1469 = tpu.vector_load %arg8[%get3A_1467, %get3A_1468] {strides = array<i32>} : memref<32x128xf32, #tpu.memory_space<vmem>>, vector<1x16xf32>,
    %get3A_1470 = vector.shape_cast %get3A_1469 : vector<1x16xf32> to vector<16xf32>
    %mul3A_1471 = arith.mulf %get3A_1465, %get3A_1470 : vector<16xf32>
    %add3A_1472 = arith.addf %add3A_1376, %mul3A_1471 : vector<16xf32>
    %get3A_1473 = arith.constant 15 : i32
    %get3A_1474 = arith.index_cast %get3A_1473 : i32 to index
    %get3A_1475 = arith.constant 16 : index
    %get3A_1476 = tpu.vector_load %arg7[%get3A_1474, %get3A_1475] {strides = array<i32>} : memref<32x128xf32, #tpu.memory_space<vmem>>, vector<1x16xf32>,
    %get3A_1477 = vector.shape_cast %get3A_1476 : vector<1x16xf32> to vector<16xf32>
    %get3A_1478 = arith.constant 15 : i32
    %get3A_1479 = arith.index_cast %get3A_1478 : i32 to index
    %get3A_1480 = arith.constant 16 : index
    %get3A_1481 = tpu.vector_load %arg8[%get3A_1479, %get3A_1480] {strides = array<i32>} : memref<32x128xf32, #tpu.memory_space<vmem>>, vector<1x16xf32>,
    %get3A_1482 = vector.shape_cast %get3A_1481 : vector<1x16xf32> to vector<16xf32>
    %mul3A_1483 = arith.mulf %get3A_1477, %get3A_1482 : vector<16xf32>
    %add3A_1484 = arith.addf %add3A_1388, %mul3A_1483 : vector<16xf32>
    %get3A_1485 = arith.constant 15 : i32
    %get3A_1486 = arith.index_cast %get3A_1485 : i32 to index
    %get3A_1487 = arith.constant 32 : index
    %get3A_1488 = tpu.vector_load %arg7[%get3A_1486, %get3A_1487] {strides = array<i32>} : memref<32x128xf32, #tpu.memory_space<vmem>>, vector<1x16xf32>,
    %get3A_1489 = vector.shape_cast %get3A_1488 : vector<1x16xf32> to vector<16xf32>
    %get3A_1490 = arith.constant 15 : i32
    %get3A_1491 = arith.index_cast %get3A_1490 : i32 to index
    %get3A_1492 = arith.constant 32 : index
    %get3A_1493 = tpu.vector_load %arg8[%get3A_1491, %get3A_1492] {strides = array<i32>} : memref<32x128xf32, #tpu.memory_space<vmem>>, vector<1x16xf32>,
    %get3A_1494 = vector.shape_cast %get3A_1493 : vector<1x16xf32> to vector<16xf32>
    %mul3A_1495 = arith.mulf %get3A_1489, %get3A_1494 : vector<16xf32>
    %add3A_1496 = arith.addf %add3A_1400, %mul3A_1495 : vector<16xf32>
    %get3A_1497 = arith.constant 15 : i32
    %get3A_1498 = arith.index_cast %get3A_1497 : i32 to index
    %get3A_1499 = arith.constant 48 : index
    %get3A_1500 = tpu.vector_load %arg7[%get3A_1498, %get3A_1499] {strides = array<i32>} : memref<32x128xf32, #tpu.memory_space<vmem>>, vector<1x16xf32>,
    %get3A_1501 = vector.shape_cast %get3A_1500 : vector<1x16xf32> to vector<16xf32>
    %get3A_1502 = arith.constant 15 : i32
    %get3A_1503 = arith.index_cast %get3A_1502 : i32 to index
    %get3A_1504 = arith.constant 48 : index
    %get3A_1505 = tpu.vector_load %arg8[%get3A_1503, %get3A_1504] {strides = array<i32>} : memref<32x128xf32, #tpu.memory_space<vmem>>, vector<1x16xf32>,
    %get3A_1506 = vector.shape_cast %get3A_1505 : vector<1x16xf32> to vector<16xf32>
    %mul3A_1507 = arith.mulf %get3A_1501, %get3A_1506 : vector<16xf32>
    %add3A_1508 = arith.addf %add3A_1412, %mul3A_1507 : vector<16xf32>
    %get3A_1509 = arith.constant 15 : i32
    %get3A_1510 = arith.index_cast %get3A_1509 : i32 to index
    %get3A_1511 = arith.constant 64 : index
    %get3A_1512 = tpu.vector_load %arg7[%get3A_1510, %get3A_1511] {strides = array<i32>} : memref<32x128xf32, #tpu.memory_space<vmem>>, vector<1x16xf32>,
    %get3A_1513 = vector.shape_cast %get3A_1512 : vector<1x16xf32> to vector<16xf32>
    %get3A_1514 = arith.constant 15 : i32
    %get3A_1515 = arith.index_cast %get3A_1514 : i32 to index
    %get3A_1516 = arith.constant 64 : index
    %get3A_1517 = tpu.vector_load %arg8[%get3A_1515, %get3A_1516] {strides = array<i32>} : memref<32x128xf32, #tpu.memory_space<vmem>>, vector<1x16xf32>,
    %get3A_1518 = vector.shape_cast %get3A_1517 : vector<1x16xf32> to vector<16xf32>
    %mul3A_1519 = arith.mulf %get3A_1513, %get3A_1518 : vector<16xf32>
    %add3A_1520 = arith.addf %add3A_1424, %mul3A_1519 : vector<16xf32>
    %get3A_1521 = arith.constant 15 : i32
    %get3A_1522 = arith.index_cast %get3A_1521 : i32 to index
    %get3A_1523 = arith.constant 80 : index
    %get3A_1524 = tpu.vector_load %arg7[%get3A_1522, %get3A_1523] {strides = array<i32>} : memref<32x128xf32, #tpu.memory_space<vmem>>, vector<1x16xf32>,
    %get3A_1525 = vector.shape_cast %get3A_1524 : vector<1x16xf32> to vector<16xf32>
    %get3A_1526 = arith.constant 15 : i32
    %get3A_1527 = arith.index_cast %get3A_1526 : i32 to index
    %get3A_1528 = arith.constant 80 : index
    %get3A_1529 = tpu.vector_load %arg8[%get3A_1527, %get3A_1528] {strides = array<i32>} : memref<32x128xf32, #tpu.memory_space<vmem>>, vector<1x16xf32>,
    %get3A_1530 = vector.shape_cast %get3A_1529 : vector<1x16xf32> to vector<16xf32>
    %mul3A_1531 = arith.mulf %get3A_1525, %get3A_1530 : vector<16xf32>
    %add3A_1532 = arith.addf %add3A_1436, %mul3A_1531 : vector<16xf32>
    %get3A_1533 = arith.constant 15 : i32
    %get3A_1534 = arith.index_cast %get3A_1533 : i32 to index
    %get3A_1535 = arith.constant 96 : index
    %get3A_1536 = tpu.vector_load %arg7[%get3A_1534, %get3A_1535] {strides = array<i32>} : memref<32x128xf32, #tpu.memory_space<vmem>>, vector<1x16xf32>,
    %get3A_1537 = vector.shape_cast %get3A_1536 : vector<1x16xf32> to vector<16xf32>
    %get3A_1538 = arith.constant 15 : i32
    %get3A_1539 = arith.index_cast %get3A_1538 : i32 to index
    %get3A_1540 = arith.constant 96 : index
    %get3A_1541 = tpu.vector_load %arg8[%get3A_1539, %get3A_1540] {strides = array<i32>} : memref<32x128xf32, #tpu.memory_space<vmem>>, vector<1x16xf32>,
    %get3A_1542 = vector.shape_cast %get3A_1541 : vector<1x16xf32> to vector<16xf32>
    %mul3A_1543 = arith.mulf %get3A_1537, %get3A_1542 : vector<16xf32>
    %add3A_1544 = arith.addf %add3A_1448, %mul3A_1543 : vector<16xf32>
    %get3A_1545 = arith.constant 15 : i32
    %get3A_1546 = arith.index_cast %get3A_1545 : i32 to index
    %get3A_1547 = arith.constant 112 : index
    %get3A_1548 = tpu.vector_load %arg7[%get3A_1546, %get3A_1547] {strides = array<i32>} : memref<32x128xf32, #tpu.memory_space<vmem>>, vector<1x16xf32>,
    %get3A_1549 = vector.shape_cast %get3A_1548 : vector<1x16xf32> to vector<16xf32>
    %get3A_1550 = arith.constant 15 : i32
    %get3A_1551 = arith.index_cast %get3A_1550 : i32 to index
    %get3A_1552 = arith.constant 112 : index
    %get3A_1553 = tpu.vector_load %arg8[%get3A_1551, %get3A_1552] {strides = array<i32>} : memref<32x128xf32, #tpu.memory_space<vmem>>, vector<1x16xf32>,
    %get3A_1554 = vector.shape_cast %get3A_1553 : vector<1x16xf32> to vector<16xf32>
    %mul3A_1555 = arith.mulf %get3A_1549, %get3A_1554 : vector<16xf32>
    %add3A_1556 = arith.addf %add3A_1460, %mul3A_1555 : vector<16xf32>
    %get3A_1557 = arith.constant 16 : i32
    %get3A_1558 = arith.index_cast %get3A_1557 : i32 to index
    %get3A_1559 = arith.constant 0 : index
    %get3A_1560 = tpu.vector_load %arg7[%get3A_1558, %get3A_1559] {strides = array<i32>} : memref<32x128xf32, #tpu.memory_space<vmem>>, vector<1x16xf32>,
    %get3A_1561 = vector.shape_cast %get3A_1560 : vector<1x16xf32> to vector<16xf32>
    %get3A_1562 = arith.constant 16 : i32
    %get3A_1563 = arith.index_cast %get3A_1562 : i32 to index
    %get3A_1564 = arith.constant 0 : index
    %get3A_1565 = tpu.vector_load %arg8[%get3A_1563, %get3A_1564] {strides = array<i32>} : memref<32x128xf32, #tpu.memory_space<vmem>>, vector<1x16xf32>,
    %get3A_1566 = vector.shape_cast %get3A_1565 : vector<1x16xf32> to vector<16xf32>
    %mul3A_1567 = arith.mulf %get3A_1561, %get3A_1566 : vector<16xf32>
    %add3A_1568 = arith.addf %add3A_1472, %mul3A_1567 : vector<16xf32>
    %get3A_1569 = arith.constant 16 : i32
    %get3A_1570 = arith.index_cast %get3A_1569 : i32 to index
    %get3A_1571 = arith.constant 16 : index
    %get3A_1572 = tpu.vector_load %arg7[%get3A_1570, %get3A_1571] {strides = array<i32>} : memref<32x128xf32, #tpu.memory_space<vmem>>, vector<1x16xf32>,
    %get3A_1573 = vector.shape_cast %get3A_1572 : vector<1x16xf32> to vector<16xf32>
    %get3A_1574 = arith.constant 16 : i32
    %get3A_1575 = arith.index_cast %get3A_1574 : i32 to index
    %get3A_1576 = arith.constant 16 : index
    %get3A_1577 = tpu.vector_load %arg8[%get3A_1575, %get3A_1576] {strides = array<i32>} : memref<32x128xf32, #tpu.memory_space<vmem>>, vector<1x16xf32>,
    %get3A_1578 = vector.shape_cast %get3A_1577 : vector<1x16xf32> to vector<16xf32>
    %mul3A_1579 = arith.mulf %get3A_1573, %get3A_1578 : vector<16xf32>
    %add3A_1580 = arith.addf %add3A_1484, %mul3A_1579 : vector<16xf32>
    %get3A_1581 = arith.constant 16 : i32
    %get3A_1582 = arith.index_cast %get3A_1581 : i32 to index
    %get3A_1583 = arith.constant 32 : index
    %get3A_1584 = tpu.vector_load %arg7[%get3A_1582, %get3A_1583] {strides = array<i32>} : memref<32x128xf32, #tpu.memory_space<vmem>>, vector<1x16xf32>,
    %get3A_1585 = vector.shape_cast %get3A_1584 : vector<1x16xf32> to vector<16xf32>
    %get3A_1586 = arith.constant 16 : i32
    %get3A_1587 = arith.index_cast %get3A_1586 : i32 to index
    %get3A_1588 = arith.constant 32 : index
    %get3A_1589 = tpu.vector_load %arg8[%get3A_1587, %get3A_1588] {strides = array<i32>} : memref<32x128xf32, #tpu.memory_space<vmem>>, vector<1x16xf32>,
    %get3A_1590 = vector.shape_cast %get3A_1589 : vector<1x16xf32> to vector<16xf32>
    %mul3A_1591 = arith.mulf %get3A_1585, %get3A_1590 : vector<16xf32>
    %add3A_1592 = arith.addf %add3A_1496, %mul3A_1591 : vector<16xf32>
    %get3A_1593 = arith.constant 16 : i32
    %get3A_1594 = arith.index_cast %get3A_1593 : i32 to index
    %get3A_1595 = arith.constant 48 : index
    %get3A_1596 = tpu.vector_load %arg7[%get3A_1594, %get3A_1595] {strides = array<i32>} : memref<32x128xf32, #tpu.memory_space<vmem>>, vector<1x16xf32>,
    %get3A_1597 = vector.shape_cast %get3A_1596 : vector<1x16xf32> to vector<16xf32>
    %get3A_1598 = arith.constant 16 : i32
    %get3A_1599 = arith.index_cast %get3A_1598 : i32 to index
    %get3A_1600 = arith.constant 48 : index
    %get3A_1601 = tpu.vector_load %arg8[%get3A_1599, %get3A_1600] {strides = array<i32>} : memref<32x128xf32, #tpu.memory_space<vmem>>, vector<1x16xf32>,
    %get3A_1602 = vector.shape_cast %get3A_1601 : vector<1x16xf32> to vector<16xf32>
    %mul3A_1603 = arith.mulf %get3A_1597, %get3A_1602 : vector<16xf32>
    %add3A_1604 = arith.addf %add3A_1508, %mul3A_1603 : vector<16xf32>
    %get3A_1605 = arith.constant 16 : i32
    %get3A_1606 = arith.index_cast %get3A_1605 : i32 to index
    %get3A_1607 = arith.constant 64 : index
    %get3A_1608 = tpu.vector_load %arg7[%get3A_1606, %get3A_1607] {strides = array<i32>} : memref<32x128xf32, #tpu.memory_space<vmem>>, vector<1x16xf32>,
    %get3A_1609 = vector.shape_cast %get3A_1608 : vector<1x16xf32> to vector<16xf32>
    %get3A_1610 = arith.constant 16 : i32
    %get3A_1611 = arith.index_cast %get3A_1610 : i32 to index
    %get3A_1612 = arith.constant 64 : index
    %get3A_1613 = tpu.vector_load %arg8[%get3A_1611, %get3A_1612] {strides = array<i32>} : memref<32x128xf32, #tpu.memory_space<vmem>>, vector<1x16xf32>,
    %get3A_1614 = vector.shape_cast %get3A_1613 : vector<1x16xf32> to vector<16xf32>
    %mul3A_1615 = arith.mulf %get3A_1609, %get3A_1614 : vector<16xf32>
    %add3A_1616 = arith.addf %add3A_1520, %mul3A_1615 : vector<16xf32>
    %get3A_1617 = arith.constant 16 : i32
    %get3A_1618 = arith.index_cast %get3A_1617 : i32 to index
    %get3A_1619 = arith.constant 80 : index
    %get3A_1620 = tpu.vector_load %arg7[%get3A_1618, %get3A_1619] {strides = array<i32>} : memref<32x128xf32, #tpu.memory_space<vmem>>, vector<1x16xf32>,
    %get3A_1621 = vector.shape_cast %get3A_1620 : vector<1x16xf32> to vector<16xf32>
    %get3A_1622 = arith.constant 16 : i32
    %get3A_1623 = arith.index_cast %get3A_1622 : i32 to index
    %get3A_1624 = arith.constant 80 : index
    %get3A_1625 = tpu.vector_load %arg8[%get3A_1623, %get3A_1624] {strides = array<i32>} : memref<32x128xf32, #tpu.memory_space<vmem>>, vector<1x16xf32>,
    %get3A_1626 = vector.shape_cast %get3A_1625 : vector<1x16xf32> to vector<16xf32>
    %mul3A_1627 = arith.mulf %get3A_1621, %get3A_1626 : vector<16xf32>
    %add3A_1628 = arith.addf %add3A_1532, %mul3A_1627 : vector<16xf32>
    %get3A_1629 = arith.constant 16 : i32
    %get3A_1630 = arith.index_cast %get3A_1629 : i32 to index
    %get3A_1631 = arith.constant 96 : index
    %get3A_1632 = tpu.vector_load %arg7[%get3A_1630, %get3A_1631] {strides = array<i32>} : memref<32x128xf32, #tpu.memory_space<vmem>>, vector<1x16xf32>,
    %get3A_1633 = vector.shape_cast %get3A_1632 : vector<1x16xf32> to vector<16xf32>
    %get3A_1634 = arith.constant 16 : i32
    %get3A_1635 = arith.index_cast %get3A_1634 : i32 to index
    %get3A_1636 = arith.constant 96 : index
    %get3A_1637 = tpu.vector_load %arg8[%get3A_1635, %get3A_1636] {strides = array<i32>} : memref<32x128xf32, #tpu.memory_space<vmem>>, vector<1x16xf32>,
    %get3A_1638 = vector.shape_cast %get3A_1637 : vector<1x16xf32> to vector<16xf32>
    %mul3A_1639 = arith.mulf %get3A_1633, %get3A_1638 : vector<16xf32>
    %add3A_1640 = arith.addf %add3A_1544, %mul3A_1639 : vector<16xf32>
    %get3A_1641 = arith.constant 16 : i32
    %get3A_1642 = arith.index_cast %get3A_1641 : i32 to index
    %get3A_1643 = arith.constant 112 : index
    %get3A_1644 = tpu.vector_load %arg7[%get3A_1642, %get3A_1643] {strides = array<i32>} : memref<32x128xf32, #tpu.memory_space<vmem>>, vector<1x16xf32>,
    %get3A_1645 = vector.shape_cast %get3A_1644 : vector<1x16xf32> to vector<16xf32>
    %get3A_1646 = arith.constant 16 : i32
    %get3A_1647 = arith.index_cast %get3A_1646 : i32 to index
    %get3A_1648 = arith.constant 112 : index
    %get3A_1649 = tpu.vector_load %arg8[%get3A_1647, %get3A_1648] {strides = array<i32>} : memref<32x128xf32, #tpu.memory_space<vmem>>, vector<1x16xf32>,
    %get3A_1650 = vector.shape_cast %get3A_1649 : vector<1x16xf32> to vector<16xf32>
    %mul3A_1651 = arith.mulf %get3A_1645, %get3A_1650 : vector<16xf32>
    %add3A_1652 = arith.addf %add3A_1556, %mul3A_1651 : vector<16xf32>
    %get3A_1653 = arith.constant 17 : i32
    %get3A_1654 = arith.index_cast %get3A_1653 : i32 to index
    %get3A_1655 = arith.constant 0 : index
    %get3A_1656 = tpu.vector_load %arg7[%get3A_1654, %get3A_1655] {strides = array<i32>} : memref<32x128xf32, #tpu.memory_space<vmem>>, vector<1x16xf32>,
    %get3A_1657 = vector.shape_cast %get3A_1656 : vector<1x16xf32> to vector<16xf32>
    %get3A_1658 = arith.constant 17 : i32
    %get3A_1659 = arith.index_cast %get3A_1658 : i32 to index
    %get3A_1660 = arith.constant 0 : index
    %get3A_1661 = tpu.vector_load %arg8[%get3A_1659, %get3A_1660] {strides = array<i32>} : memref<32x128xf32, #tpu.memory_space<vmem>>, vector<1x16xf32>,
    %get3A_1662 = vector.shape_cast %get3A_1661 : vector<1x16xf32> to vector<16xf32>
    %mul3A_1663 = arith.mulf %get3A_1657, %get3A_1662 : vector<16xf32>
    %add3A_1664 = arith.addf %add3A_1568, %mul3A_1663 : vector<16xf32>
    %get3A_1665 = arith.constant 17 : i32
    %get3A_1666 = arith.index_cast %get3A_1665 : i32 to index
    %get3A_1667 = arith.constant 16 : index
    %get3A_1668 = tpu.vector_load %arg7[%get3A_1666, %get3A_1667] {strides = array<i32>} : memref<32x128xf32, #tpu.memory_space<vmem>>, vector<1x16xf32>,
    %get3A_1669 = vector.shape_cast %get3A_1668 : vector<1x16xf32> to vector<16xf32>
    %get3A_1670 = arith.constant 17 : i32
    %get3A_1671 = arith.index_cast %get3A_1670 : i32 to index
    %get3A_1672 = arith.constant 16 : index
    %get3A_1673 = tpu.vector_load %arg8[%get3A_1671, %get3A_1672] {strides = array<i32>} : memref<32x128xf32, #tpu.memory_space<vmem>>, vector<1x16xf32>,
    %get3A_1674 = vector.shape_cast %get3A_1673 : vector<1x16xf32> to vector<16xf32>
    %mul3A_1675 = arith.mulf %get3A_1669, %get3A_1674 : vector<16xf32>
    %add3A_1676 = arith.addf %add3A_1580, %mul3A_1675 : vector<16xf32>
    %get3A_1677 = arith.constant 17 : i32
    %get3A_1678 = arith.index_cast %get3A_1677 : i32 to index
    %get3A_1679 = arith.constant 32 : index
    %get3A_1680 = tpu.vector_load %arg7[%get3A_1678, %get3A_1679] {strides = array<i32>} : memref<32x128xf32, #tpu.memory_space<vmem>>, vector<1x16xf32>,
    %get3A_1681 = vector.shape_cast %get3A_1680 : vector<1x16xf32> to vector<16xf32>
    %get3A_1682 = arith.constant 17 : i32
    %get3A_1683 = arith.index_cast %get3A_1682 : i32 to index
    %get3A_1684 = arith.constant 32 : index
    %get3A_1685 = tpu.vector_load %arg8[%get3A_1683, %get3A_1684] {strides = array<i32>} : memref<32x128xf32, #tpu.memory_space<vmem>>, vector<1x16xf32>,
    %get3A_1686 = vector.shape_cast %get3A_1685 : vector<1x16xf32> to vector<16xf32>
    %mul3A_1687 = arith.mulf %get3A_1681, %get3A_1686 : vector<16xf32>
    %add3A_1688 = arith.addf %add3A_1592, %mul3A_1687 : vector<16xf32>
    %get3A_1689 = arith.constant 17 : i32
    %get3A_1690 = arith.index_cast %get3A_1689 : i32 to index
    %get3A_1691 = arith.constant 48 : index
    %get3A_1692 = tpu.vector_load %arg7[%get3A_1690, %get3A_1691] {strides = array<i32>} : memref<32x128xf32, #tpu.memory_space<vmem>>, vector<1x16xf32>,
    %get3A_1693 = vector.shape_cast %get3A_1692 : vector<1x16xf32> to vector<16xf32>
    %get3A_1694 = arith.constant 17 : i32
    %get3A_1695 = arith.index_cast %get3A_1694 : i32 to index
    %get3A_1696 = arith.constant 48 : index
    %get3A_1697 = tpu.vector_load %arg8[%get3A_1695, %get3A_1696] {strides = array<i32>} : memref<32x128xf32, #tpu.memory_space<vmem>>, vector<1x16xf32>,
    %get3A_1698 = vector.shape_cast %get3A_1697 : vector<1x16xf32> to vector<16xf32>
    %mul3A_1699 = arith.mulf %get3A_1693, %get3A_1698 : vector<16xf32>
    %add3A_1700 = arith.addf %add3A_1604, %mul3A_1699 : vector<16xf32>
    %get3A_1701 = arith.constant 17 : i32
    %get3A_1702 = arith.index_cast %get3A_1701 : i32 to index
    %get3A_1703 = arith.constant 64 : index
    %get3A_1704 = tpu.vector_load %arg7[%get3A_1702, %get3A_1703] {strides = array<i32>} : memref<32x128xf32, #tpu.memory_space<vmem>>, vector<1x16xf32>,
    %get3A_1705 = vector.shape_cast %get3A_1704 : vector<1x16xf32> to vector<16xf32>
    %get3A_1706 = arith.constant 17 : i32
    %get3A_1707 = arith.index_cast %get3A_1706 : i32 to index
    %get3A_1708 = arith.constant 64 : index
    %get3A_1709 = tpu.vector_load %arg8[%get3A_1707, %get3A_1708] {strides = array<i32>} : memref<32x128xf32, #tpu.memory_space<vmem>>, vector<1x16xf32>,
    %get3A_1710 = vector.shape_cast %get3A_1709 : vector<1x16xf32> to vector<16xf32>
    %mul3A_1711 = arith.mulf %get3A_1705, %get3A_1710 : vector<16xf32>
    %add3A_1712 = arith.addf %add3A_1616, %mul3A_1711 : vector<16xf32>
    %get3A_1713 = arith.constant 17 : i32
    %get3A_1714 = arith.index_cast %get3A_1713 : i32 to index
    %get3A_1715 = arith.constant 80 : index
    %get3A_1716 = tpu.vector_load %arg7[%get3A_1714, %get3A_1715] {strides = array<i32>} : memref<32x128xf32, #tpu.memory_space<vmem>>, vector<1x16xf32>,
    %get3A_1717 = vector.shape_cast %get3A_1716 : vector<1x16xf32> to vector<16xf32>
    %get3A_1718 = arith.constant 17 : i32
    %get3A_1719 = arith.index_cast %get3A_1718 : i32 to index
    %get3A_1720 = arith.constant 80 : index
    %get3A_1721 = tpu.vector_load %arg8[%get3A_1719, %get3A_1720] {strides = array<i32>} : memref<32x128xf32, #tpu.memory_space<vmem>>, vector<1x16xf32>,
    %get3A_1722 = vector.shape_cast %get3A_1721 : vector<1x16xf32> to vector<16xf32>
    %mul3A_1723 = arith.mulf %get3A_1717, %get3A_1722 : vector<16xf32>
    %add3A_1724 = arith.addf %add3A_1628, %mul3A_1723 : vector<16xf32>
    %get3A_1725 = arith.constant 17 : i32
    %get3A_1726 = arith.index_cast %get3A_1725 : i32 to index
    %get3A_1727 = arith.constant 96 : index
    %get3A_1728 = tpu.vector_load %arg7[%get3A_1726, %get3A_1727] {strides = array<i32>} : memref<32x128xf32, #tpu.memory_space<vmem>>, vector<1x16xf32>,
    %get3A_1729 = vector.shape_cast %get3A_1728 : vector<1x16xf32> to vector<16xf32>
    %get3A_1730 = arith.constant 17 : i32
    %get3A_1731 = arith.index_cast %get3A_1730 : i32 to index
    %get3A_1732 = arith.constant 96 : index
    %get3A_1733 = tpu.vector_load %arg8[%get3A_1731, %get3A_1732] {strides = array<i32>} : memref<32x128xf32, #tpu.memory_space<vmem>>, vector<1x16xf32>,
    %get3A_1734 = vector.shape_cast %get3A_1733 : vector<1x16xf32> to vector<16xf32>
    %mul3A_1735 = arith.mulf %get3A_1729, %get3A_1734 : vector<16xf32>
    %add3A_1736 = arith.addf %add3A_1640, %mul3A_1735 : vector<16xf32>
    %get3A_1737 = arith.constant 17 : i32
    %get3A_1738 = arith.index_cast %get3A_1737 : i32 to index
    %get3A_1739 = arith.constant 112 : index
    %get3A_1740 = tpu.vector_load %arg7[%get3A_1738, %get3A_1739] {strides = array<i32>} : memref<32x128xf32, #tpu.memory_space<vmem>>, vector<1x16xf32>,
    %get3A_1741 = vector.shape_cast %get3A_1740 : vector<1x16xf32> to vector<16xf32>
    %get3A_1742 = arith.constant 17 : i32
    %get3A_1743 = arith.index_cast %get3A_1742 : i32 to index
    %get3A_1744 = arith.constant 112 : index
    %get3A_1745 = tpu.vector_load %arg8[%get3A_1743, %get3A_1744] {strides = array<i32>} : memref<32x128xf32, #tpu.memory_space<vmem>>, vector<1x16xf32>,
    %get3A_1746 = vector.shape_cast %get3A_1745 : vector<1x16xf32> to vector<16xf32>
    %mul3A_1747 = arith.mulf %get3A_1741, %get3A_1746 : vector<16xf32>
    %add3A_1748 = arith.addf %add3A_1652, %mul3A_1747 : vector<16xf32>
    %get3A_1749 = arith.constant 18 : i32
    %get3A_1750 = arith.index_cast %get3A_1749 : i32 to index
    %get3A_1751 = arith.constant 0 : index
    %get3A_1752 = tpu.vector_load %arg7[%get3A_1750, %get3A_1751] {strides = array<i32>} : memref<32x128xf32, #tpu.memory_space<vmem>>, vector<1x16xf32>,
    %get3A_1753 = vector.shape_cast %get3A_1752 : vector<1x16xf32> to vector<16xf32>
    %get3A_1754 = arith.constant 18 : i32
    %get3A_1755 = arith.index_cast %get3A_1754 : i32 to index
    %get3A_1756 = arith.constant 0 : index
    %get3A_1757 = tpu.vector_load %arg8[%get3A_1755, %get3A_1756] {strides = array<i32>} : memref<32x128xf32, #tpu.memory_space<vmem>>, vector<1x16xf32>,
    %get3A_1758 = vector.shape_cast %get3A_1757 : vector<1x16xf32> to vector<16xf32>
    %mul3A_1759 = arith.mulf %get3A_1753, %get3A_1758 : vector<16xf32>
    %add3A_1760 = arith.addf %add3A_1664, %mul3A_1759 : vector<16xf32>
    %get3A_1761 = arith.constant 18 : i32
    %get3A_1762 = arith.index_cast %get3A_1761 : i32 to index
    %get3A_1763 = arith.constant 16 : index
    %get3A_1764 = tpu.vector_load %arg7[%get3A_1762, %get3A_1763] {strides = array<i32>} : memref<32x128xf32, #tpu.memory_space<vmem>>, vector<1x16xf32>,
    %get3A_1765 = vector.shape_cast %get3A_1764 : vector<1x16xf32> to vector<16xf32>
    %get3A_1766 = arith.constant 18 : i32
    %get3A_1767 = arith.index_cast %get3A_1766 : i32 to index
    %get3A_1768 = arith.constant 16 : index
    %get3A_1769 = tpu.vector_load %arg8[%get3A_1767, %get3A_1768] {strides = array<i32>} : memref<32x128xf32, #tpu.memory_space<vmem>>, vector<1x16xf32>,
    %get3A_1770 = vector.shape_cast %get3A_1769 : vector<1x16xf32> to vector<16xf32>
    %mul3A_1771 = arith.mulf %get3A_1765, %get3A_1770 : vector<16xf32>
    %add3A_1772 = arith.addf %add3A_1676, %mul3A_1771 : vector<16xf32>
    %get3A_1773 = arith.constant 18 : i32
    %get3A_1774 = arith.index_cast %get3A_1773 : i32 to index
    %get3A_1775 = arith.constant 32 : index
    %get3A_1776 = tpu.vector_load %arg7[%get3A_1774, %get3A_1775] {strides = array<i32>} : memref<32x128xf32, #tpu.memory_space<vmem>>, vector<1x16xf32>,
    %get3A_1777 = vector.shape_cast %get3A_1776 : vector<1x16xf32> to vector<16xf32>
    %get3A_1778 = arith.constant 18 : i32
    %get3A_1779 = arith.index_cast %get3A_1778 : i32 to index
    %get3A_1780 = arith.constant 32 : index
    %get3A_1781 = tpu.vector_load %arg8[%get3A_1779, %get3A_1780] {strides = array<i32>} : memref<32x128xf32, #tpu.memory_space<vmem>>, vector<1x16xf32>,
    %get3A_1782 = vector.shape_cast %get3A_1781 : vector<1x16xf32> to vector<16xf32>
    %mul3A_1783 = arith.mulf %get3A_1777, %get3A_1782 : vector<16xf32>
    %add3A_1784 = arith.addf %add3A_1688, %mul3A_1783 : vector<16xf32>
    %get3A_1785 = arith.constant 18 : i32
    %get3A_1786 = arith.index_cast %get3A_1785 : i32 to index
    %get3A_1787 = arith.constant 48 : index
    %get3A_1788 = tpu.vector_load %arg7[%get3A_1786, %get3A_1787] {strides = array<i32>} : memref<32x128xf32, #tpu.memory_space<vmem>>, vector<1x16xf32>,
    %get3A_1789 = vector.shape_cast %get3A_1788 : vector<1x16xf32> to vector<16xf32>
    %get3A_1790 = arith.constant 18 : i32
    %get3A_1791 = arith.index_cast %get3A_1790 : i32 to index
    %get3A_1792 = arith.constant 48 : index
    %get3A_1793 = tpu.vector_load %arg8[%get3A_1791, %get3A_1792] {strides = array<i32>} : memref<32x128xf32, #tpu.memory_space<vmem>>, vector<1x16xf32>,
    %get3A_1794 = vector.shape_cast %get3A_1793 : vector<1x16xf32> to vector<16xf32>
    %mul3A_1795 = arith.mulf %get3A_1789, %get3A_1794 : vector<16xf32>
    %add3A_1796 = arith.addf %add3A_1700, %mul3A_1795 : vector<16xf32>
    %get3A_1797 = arith.constant 18 : i32
    %get3A_1798 = arith.index_cast %get3A_1797 : i32 to index
    %get3A_1799 = arith.constant 64 : index
    %get3A_1800 = tpu.vector_load %arg7[%get3A_1798, %get3A_1799] {strides = array<i32>} : memref<32x128xf32, #tpu.memory_space<vmem>>, vector<1x16xf32>,
    %get3A_1801 = vector.shape_cast %get3A_1800 : vector<1x16xf32> to vector<16xf32>
    %get3A_1802 = arith.constant 18 : i32
    %get3A_1803 = arith.index_cast %get3A_1802 : i32 to index
    %get3A_1804 = arith.constant 64 : index
    %get3A_1805 = tpu.vector_load %arg8[%get3A_1803, %get3A_1804] {strides = array<i32>} : memref<32x128xf32, #tpu.memory_space<vmem>>, vector<1x16xf32>,
    %get3A_1806 = vector.shape_cast %get3A_1805 : vector<1x16xf32> to vector<16xf32>
    %mul3A_1807 = arith.mulf %get3A_1801, %get3A_1806 : vector<16xf32>
    %add3A_1808 = arith.addf %add3A_1712, %mul3A_1807 : vector<16xf32>
    %get3A_1809 = arith.constant 18 : i32
    %get3A_1810 = arith.index_cast %get3A_1809 : i32 to index
    %get3A_1811 = arith.constant 80 : index
    %get3A_1812 = tpu.vector_load %arg7[%get3A_1810, %get3A_1811] {strides = array<i32>} : memref<32x128xf32, #tpu.memory_space<vmem>>, vector<1x16xf32>,
    %get3A_1813 = vector.shape_cast %get3A_1812 : vector<1x16xf32> to vector<16xf32>
    %get3A_1814 = arith.constant 18 : i32
    %get3A_1815 = arith.index_cast %get3A_1814 : i32 to index
    %get3A_1816 = arith.constant 80 : index
    %get3A_1817 = tpu.vector_load %arg8[%get3A_1815, %get3A_1816] {strides = array<i32>} : memref<32x128xf32, #tpu.memory_space<vmem>>, vector<1x16xf32>,
    %get3A_1818 = vector.shape_cast %get3A_1817 : vector<1x16xf32> to vector<16xf32>
    %mul3A_1819 = arith.mulf %get3A_1813, %get3A_1818 : vector<16xf32>
    %add3A_1820 = arith.addf %add3A_1724, %mul3A_1819 : vector<16xf32>
    %get3A_1821 = arith.constant 18 : i32
    %get3A_1822 = arith.index_cast %get3A_1821 : i32 to index
    %get3A_1823 = arith.constant 96 : index
    %get3A_1824 = tpu.vector_load %arg7[%get3A_1822, %get3A_1823] {strides = array<i32>} : memref<32x128xf32, #tpu.memory_space<vmem>>, vector<1x16xf32>,
    %get3A_1825 = vector.shape_cast %get3A_1824 : vector<1x16xf32> to vector<16xf32>
    %get3A_1826 = arith.constant 18 : i32
    %get3A_1827 = arith.index_cast %get3A_1826 : i32 to index
    %get3A_1828 = arith.constant 96 : index
    %get3A_1829 = tpu.vector_load %arg8[%get3A_1827, %get3A_1828] {strides = array<i32>} : memref<32x128xf32, #tpu.memory_space<vmem>>, vector<1x16xf32>,
    %get3A_1830 = vector.shape_cast %get3A_1829 : vector<1x16xf32> to vector<16xf32>
    %mul3A_1831 = arith.mulf %get3A_1825, %get3A_1830 : vector<16xf32>
    %add3A_1832 = arith.addf %add3A_1736, %mul3A_1831 : vector<16xf32>
    %get3A_1833 = arith.constant 18 : i32
    %get3A_1834 = arith.index_cast %get3A_1833 : i32 to index
    %get3A_1835 = arith.constant 112 : index
    %get3A_1836 = tpu.vector_load %arg7[%get3A_1834, %get3A_1835] {strides = array<i32>} : memref<32x128xf32, #tpu.memory_space<vmem>>, vector<1x16xf32>,
    %get3A_1837 = vector.shape_cast %get3A_1836 : vector<1x16xf32> to vector<16xf32>
    %get3A_1838 = arith.constant 18 : i32
    %get3A_1839 = arith.index_cast %get3A_1838 : i32 to index
    %get3A_1840 = arith.constant 112 : index
    %get3A_1841 = tpu.vector_load %arg8[%get3A_1839, %get3A_1840] {strides = array<i32>} : memref<32x128xf32, #tpu.memory_space<vmem>>, vector<1x16xf32>,
    %get3A_1842 = vector.shape_cast %get3A_1841 : vector<1x16xf32> to vector<16xf32>
    %mul3A_1843 = arith.mulf %get3A_1837, %get3A_1842 : vector<16xf32>
    %add3A_1844 = arith.addf %add3A_1748, %mul3A_1843 : vector<16xf32>
    %get3A_1845 = arith.constant 19 : i32
    %get3A_1846 = arith.index_cast %get3A_1845 : i32 to index
    %get3A_1847 = arith.constant 0 : index
    %get3A_1848 = tpu.vector_load %arg7[%get3A_1846, %get3A_1847] {strides = array<i32>} : memref<32x128xf32, #tpu.memory_space<vmem>>, vector<1x16xf32>,
    %get3A_1849 = vector.shape_cast %get3A_1848 : vector<1x16xf32> to vector<16xf32>
    %get3A_1850 = arith.constant 19 : i32
    %get3A_1851 = arith.index_cast %get3A_1850 : i32 to index
    %get3A_1852 = arith.constant 0 : index
    %get3A_1853 = tpu.vector_load %arg8[%get3A_1851, %get3A_1852] {strides = array<i32>} : memref<32x128xf32, #tpu.memory_space<vmem>>, vector<1x16xf32>,
    %get3A_1854 = vector.shape_cast %get3A_1853 : vector<1x16xf32> to vector<16xf32>
    %mul3A_1855 = arith.mulf %get3A_1849, %get3A_1854 : vector<16xf32>
    %add3A_1856 = arith.addf %add3A_1760, %mul3A_1855 : vector<16xf32>
    %get3A_1857 = arith.constant 19 : i32
    %get3A_1858 = arith.index_cast %get3A_1857 : i32 to index
    %get3A_1859 = arith.constant 16 : index
    %get3A_1860 = tpu.vector_load %arg7[%get3A_1858, %get3A_1859] {strides = array<i32>} : memref<32x128xf32, #tpu.memory_space<vmem>>, vector<1x16xf32>,
    %get3A_1861 = vector.shape_cast %get3A_1860 : vector<1x16xf32> to vector<16xf32>
    %get3A_1862 = arith.constant 19 : i32
    %get3A_1863 = arith.index_cast %get3A_1862 : i32 to index
    %get3A_1864 = arith.constant 16 : index
    %get3A_1865 = tpu.vector_load %arg8[%get3A_1863, %get3A_1864] {strides = array<i32>} : memref<32x128xf32, #tpu.memory_space<vmem>>, vector<1x16xf32>,
    %get3A_1866 = vector.shape_cast %get3A_1865 : vector<1x16xf32> to vector<16xf32>
    %mul3A_1867 = arith.mulf %get3A_1861, %get3A_1866 : vector<16xf32>
    %add3A_1868 = arith.addf %add3A_1772, %mul3A_1867 : vector<16xf32>
    %get3A_1869 = arith.constant 19 : i32
    %get3A_1870 = arith.index_cast %get3A_1869 : i32 to index
    %get3A_1871 = arith.constant 32 : index
    %get3A_1872 = tpu.vector_load %arg7[%get3A_1870, %get3A_1871] {strides = array<i32>} : memref<32x128xf32, #tpu.memory_space<vmem>>, vector<1x16xf32>,
    %get3A_1873 = vector.shape_cast %get3A_1872 : vector<1x16xf32> to vector<16xf32>
    %get3A_1874 = arith.constant 19 : i32
    %get3A_1875 = arith.index_cast %get3A_1874 : i32 to index
    %get3A_1876 = arith.constant 32 : index
    %get3A_1877 = tpu.vector_load %arg8[%get3A_1875, %get3A_1876] {strides = array<i32>} : memref<32x128xf32, #tpu.memory_space<vmem>>, vector<1x16xf32>,
    %get3A_1878 = vector.shape_cast %get3A_1877 : vector<1x16xf32> to vector<16xf32>
    %mul3A_1879 = arith.mulf %get3A_1873, %get3A_1878 : vector<16xf32>
    %add3A_1880 = arith.addf %add3A_1784, %mul3A_1879 : vector<16xf32>
    %get3A_1881 = arith.constant 19 : i32
    %get3A_1882 = arith.index_cast %get3A_1881 : i32 to index
    %get3A_1883 = arith.constant 48 : index
    %get3A_1884 = tpu.vector_load %arg7[%get3A_1882, %get3A_1883] {strides = array<i32>} : memref<32x128xf32, #tpu.memory_space<vmem>>, vector<1x16xf32>,
    %get3A_1885 = vector.shape_cast %get3A_1884 : vector<1x16xf32> to vector<16xf32>
    %get3A_1886 = arith.constant 19 : i32
    %get3A_1887 = arith.index_cast %get3A_1886 : i32 to index
    %get3A_1888 = arith.constant 48 : index
    %get3A_1889 = tpu.vector_load %arg8[%get3A_1887, %get3A_1888] {strides = array<i32>} : memref<32x128xf32, #tpu.memory_space<vmem>>, vector<1x16xf32>,
    %get3A_1890 = vector.shape_cast %get3A_1889 : vector<1x16xf32> to vector<16xf32>
    %mul3A_1891 = arith.mulf %get3A_1885, %get3A_1890 : vector<16xf32>
    %add3A_1892 = arith.addf %add3A_1796, %mul3A_1891 : vector<16xf32>
    %get3A_1893 = arith.constant 19 : i32
    %get3A_1894 = arith.index_cast %get3A_1893 : i32 to index
    %get3A_1895 = arith.constant 64 : index
    %get3A_1896 = tpu.vector_load %arg7[%get3A_1894, %get3A_1895] {strides = array<i32>} : memref<32x128xf32, #tpu.memory_space<vmem>>, vector<1x16xf32>,
    %get3A_1897 = vector.shape_cast %get3A_1896 : vector<1x16xf32> to vector<16xf32>
    %get3A_1898 = arith.constant 19 : i32
    %get3A_1899 = arith.index_cast %get3A_1898 : i32 to index
    %get3A_1900 = arith.constant 64 : index
    %get3A_1901 = tpu.vector_load %arg8[%get3A_1899, %get3A_1900] {strides = array<i32>} : memref<32x128xf32, #tpu.memory_space<vmem>>, vector<1x16xf32>,
    %get3A_1902 = vector.shape_cast %get3A_1901 : vector<1x16xf32> to vector<16xf32>
    %mul3A_1903 = arith.mulf %get3A_1897, %get3A_1902 : vector<16xf32>
    %add3A_1904 = arith.addf %add3A_1808, %mul3A_1903 : vector<16xf32>
    %get3A_1905 = arith.constant 19 : i32
    %get3A_1906 = arith.index_cast %get3A_1905 : i32 to index
    %get3A_1907 = arith.constant 80 : index
    %get3A_1908 = tpu.vector_load %arg7[%get3A_1906, %get3A_1907] {strides = array<i32>} : memref<32x128xf32, #tpu.memory_space<vmem>>, vector<1x16xf32>,
    %get3A_1909 = vector.shape_cast %get3A_1908 : vector<1x16xf32> to vector<16xf32>
    %get3A_1910 = arith.constant 19 : i32
    %get3A_1911 = arith.index_cast %get3A_1910 : i32 to index
    %get3A_1912 = arith.constant 80 : index
    %get3A_1913 = tpu.vector_load %arg8[%get3A_1911, %get3A_1912] {strides = array<i32>} : memref<32x128xf32, #tpu.memory_space<vmem>>, vector<1x16xf32>,
    %get3A_1914 = vector.shape_cast %get3A_1913 : vector<1x16xf32> to vector<16xf32>
    %mul3A_1915 = arith.mulf %get3A_1909, %get3A_1914 : vector<16xf32>
    %add3A_1916 = arith.addf %add3A_1820, %mul3A_1915 : vector<16xf32>
    %get3A_1917 = arith.constant 19 : i32
    %get3A_1918 = arith.index_cast %get3A_1917 : i32 to index
    %get3A_1919 = arith.constant 96 : index
    %get3A_1920 = tpu.vector_load %arg7[%get3A_1918, %get3A_1919] {strides = array<i32>} : memref<32x128xf32, #tpu.memory_space<vmem>>, vector<1x16xf32>,
    %get3A_1921 = vector.shape_cast %get3A_1920 : vector<1x16xf32> to vector<16xf32>
    %get3A_1922 = arith.constant 19 : i32
    %get3A_1923 = arith.index_cast %get3A_1922 : i32 to index
    %get3A_1924 = arith.constant 96 : index
    %get3A_1925 = tpu.vector_load %arg8[%get3A_1923, %get3A_1924] {strides = array<i32>} : memref<32x128xf32, #tpu.memory_space<vmem>>, vector<1x16xf32>,
    %get3A_1926 = vector.shape_cast %get3A_1925 : vector<1x16xf32> to vector<16xf32>
    %mul3A_1927 = arith.mulf %get3A_1921, %get3A_1926 : vector<16xf32>
    %add3A_1928 = arith.addf %add3A_1832, %mul3A_1927 : vector<16xf32>
    %get3A_1929 = arith.constant 19 : i32
    %get3A_1930 = arith.index_cast %get3A_1929 : i32 to index
    %get3A_1931 = arith.constant 112 : index
    %get3A_1932 = tpu.vector_load %arg7[%get3A_1930, %get3A_1931] {strides = array<i32>} : memref<32x128xf32, #tpu.memory_space<vmem>>, vector<1x16xf32>,
    %get3A_1933 = vector.shape_cast %get3A_1932 : vector<1x16xf32> to vector<16xf32>
    %get3A_1934 = arith.constant 19 : i32
    %get3A_1935 = arith.index_cast %get3A_1934 : i32 to index
    %get3A_1936 = arith.constant 112 : index
    %get3A_1937 = tpu.vector_load %arg8[%get3A_1935, %get3A_1936] {strides = array<i32>} : memref<32x128xf32, #tpu.memory_space<vmem>>, vector<1x16xf32>,
    %get3A_1938 = vector.shape_cast %get3A_1937 : vector<1x16xf32> to vector<16xf32>
    %mul3A_1939 = arith.mulf %get3A_1933, %get3A_1938 : vector<16xf32>
    %add3A_1940 = arith.addf %add3A_1844, %mul3A_1939 : vector<16xf32>
    %get3A_1941 = arith.constant 20 : i32
    %get3A_1942 = arith.index_cast %get3A_1941 : i32 to index
    %get3A_1943 = arith.constant 0 : index
    %get3A_1944 = tpu.vector_load %arg7[%get3A_1942, %get3A_1943] {strides = array<i32>} : memref<32x128xf32, #tpu.memory_space<vmem>>, vector<1x16xf32>,
    %get3A_1945 = vector.shape_cast %get3A_1944 : vector<1x16xf32> to vector<16xf32>
    %get3A_1946 = arith.constant 20 : i32
    %get3A_1947 = arith.index_cast %get3A_1946 : i32 to index
    %get3A_1948 = arith.constant 0 : index
    %get3A_1949 = tpu.vector_load %arg8[%get3A_1947, %get3A_1948] {strides = array<i32>} : memref<32x128xf32, #tpu.memory_space<vmem>>, vector<1x16xf32>,
    %get3A_1950 = vector.shape_cast %get3A_1949 : vector<1x16xf32> to vector<16xf32>
    %mul3A_1951 = arith.mulf %get3A_1945, %get3A_1950 : vector<16xf32>
    %add3A_1952 = arith.addf %add3A_1856, %mul3A_1951 : vector<16xf32>
    %get3A_1953 = arith.constant 20 : i32
    %get3A_1954 = arith.index_cast %get3A_1953 : i32 to index
    %get3A_1955 = arith.constant 16 : index
    %get3A_1956 = tpu.vector_load %arg7[%get3A_1954, %get3A_1955] {strides = array<i32>} : memref<32x128xf32, #tpu.memory_space<vmem>>, vector<1x16xf32>,
    %get3A_1957 = vector.shape_cast %get3A_1956 : vector<1x16xf32> to vector<16xf32>
    %get3A_1958 = arith.constant 20 : i32
    %get3A_1959 = arith.index_cast %get3A_1958 : i32 to index
    %get3A_1960 = arith.constant 16 : index
    %get3A_1961 = tpu.vector_load %arg8[%get3A_1959, %get3A_1960] {strides = array<i32>} : memref<32x128xf32, #tpu.memory_space<vmem>>, vector<1x16xf32>,
    %get3A_1962 = vector.shape_cast %get3A_1961 : vector<1x16xf32> to vector<16xf32>
    %mul3A_1963 = arith.mulf %get3A_1957, %get3A_1962 : vector<16xf32>
    %add3A_1964 = arith.addf %add3A_1868, %mul3A_1963 : vector<16xf32>
    %get3A_1965 = arith.constant 20 : i32
    %get3A_1966 = arith.index_cast %get3A_1965 : i32 to index
    %get3A_1967 = arith.constant 32 : index
    %get3A_1968 = tpu.vector_load %arg7[%get3A_1966, %get3A_1967] {strides = array<i32>} : memref<32x128xf32, #tpu.memory_space<vmem>>, vector<1x16xf32>,
    %get3A_1969 = vector.shape_cast %get3A_1968 : vector<1x16xf32> to vector<16xf32>
    %get3A_1970 = arith.constant 20 : i32
    %get3A_1971 = arith.index_cast %get3A_1970 : i32 to index
    %get3A_1972 = arith.constant 32 : index
    %get3A_1973 = tpu.vector_load %arg8[%get3A_1971, %get3A_1972] {strides = array<i32>} : memref<32x128xf32, #tpu.memory_space<vmem>>, vector<1x16xf32>,
    %get3A_1974 = vector.shape_cast %get3A_1973 : vector<1x16xf32> to vector<16xf32>
    %mul3A_1975 = arith.mulf %get3A_1969, %get3A_1974 : vector<16xf32>
    %add3A_1976 = arith.addf %add3A_1880, %mul3A_1975 : vector<16xf32>
    %get3A_1977 = arith.constant 20 : i32
    %get3A_1978 = arith.index_cast %get3A_1977 : i32 to index
    %get3A_1979 = arith.constant 48 : index
    %get3A_1980 = tpu.vector_load %arg7[%get3A_1978, %get3A_1979] {strides = array<i32>} : memref<32x128xf32, #tpu.memory_space<vmem>>, vector<1x16xf32>,
    %get3A_1981 = vector.shape_cast %get3A_1980 : vector<1x16xf32> to vector<16xf32>
    %get3A_1982 = arith.constant 20 : i32
    %get3A_1983 = arith.index_cast %get3A_1982 : i32 to index
    %get3A_1984 = arith.constant 48 : index
    %get3A_1985 = tpu.vector_load %arg8[%get3A_1983, %get3A_1984] {strides = array<i32>} : memref<32x128xf32, #tpu.memory_space<vmem>>, vector<1x16xf32>,
    %get3A_1986 = vector.shape_cast %get3A_1985 : vector<1x16xf32> to vector<16xf32>
    %mul3A_1987 = arith.mulf %get3A_1981, %get3A_1986 : vector<16xf32>
    %add3A_1988 = arith.addf %add3A_1892, %mul3A_1987 : vector<16xf32>
    %get3A_1989 = arith.constant 20 : i32
    %get3A_1990 = arith.index_cast %get3A_1989 : i32 to index
    %get3A_1991 = arith.constant 64 : index
    %get3A_1992 = tpu.vector_load %arg7[%get3A_1990, %get3A_1991] {strides = array<i32>} : memref<32x128xf32, #tpu.memory_space<vmem>>, vector<1x16xf32>,
    %get3A_1993 = vector.shape_cast %get3A_1992 : vector<1x16xf32> to vector<16xf32>
    %get3A_1994 = arith.constant 20 : i32
    %get3A_1995 = arith.index_cast %get3A_1994 : i32 to index
    %get3A_1996 = arith.constant 64 : index
    %get3A_1997 = tpu.vector_load %arg8[%get3A_1995, %get3A_1996] {strides = array<i32>} : memref<32x128xf32, #tpu.memory_space<vmem>>, vector<1x16xf32>,
    %get3A_1998 = vector.shape_cast %get3A_1997 : vector<1x16xf32> to vector<16xf32>
    %mul3A_1999 = arith.mulf %get3A_1993, %get3A_1998 : vector<16xf32>
    %add3A_2000 = arith.addf %add3A_1904, %mul3A_1999 : vector<16xf32>
    %get3A_2001 = arith.constant 20 : i32
    %get3A_2002 = arith.index_cast %get3A_2001 : i32 to index
    %get3A_2003 = arith.constant 80 : index
    %get3A_2004 = tpu.vector_load %arg7[%get3A_2002, %get3A_2003] {strides = array<i32>} : memref<32x128xf32, #tpu.memory_space<vmem>>, vector<1x16xf32>,
    %get3A_2005 = vector.shape_cast %get3A_2004 : vector<1x16xf32> to vector<16xf32>
    %get3A_2006 = arith.constant 20 : i32
    %get3A_2007 = arith.index_cast %get3A_2006 : i32 to index
    %get3A_2008 = arith.constant 80 : index
    %get3A_2009 = tpu.vector_load %arg8[%get3A_2007, %get3A_2008] {strides = array<i32>} : memref<32x128xf32, #tpu.memory_space<vmem>>, vector<1x16xf32>,
    %get3A_2010 = vector.shape_cast %get3A_2009 : vector<1x16xf32> to vector<16xf32>
    %mul3A_2011 = arith.mulf %get3A_2005, %get3A_2010 : vector<16xf32>
    %add3A_2012 = arith.addf %add3A_1916, %mul3A_2011 : vector<16xf32>
    %get3A_2013 = arith.constant 20 : i32
    %get3A_2014 = arith.index_cast %get3A_2013 : i32 to index
    %get3A_2015 = arith.constant 96 : index
    %get3A_2016 = tpu.vector_load %arg7[%get3A_2014, %get3A_2015] {strides = array<i32>} : memref<32x128xf32, #tpu.memory_space<vmem>>, vector<1x16xf32>,
    %get3A_2017 = vector.shape_cast %get3A_2016 : vector<1x16xf32> to vector<16xf32>
    %get3A_2018 = arith.constant 20 : i32
    %get3A_2019 = arith.index_cast %get3A_2018 : i32 to index
    %get3A_2020 = arith.constant 96 : index
    %get3A_2021 = tpu.vector_load %arg8[%get3A_2019, %get3A_2020] {strides = array<i32>} : memref<32x128xf32, #tpu.memory_space<vmem>>, vector<1x16xf32>,
    %get3A_2022 = vector.shape_cast %get3A_2021 : vector<1x16xf32> to vector<16xf32>
    %mul3A_2023 = arith.mulf %get3A_2017, %get3A_2022 : vector<16xf32>
    %add3A_2024 = arith.addf %add3A_1928, %mul3A_2023 : vector<16xf32>
    %get3A_2025 = arith.constant 20 : i32
    %get3A_2026 = arith.index_cast %get3A_2025 : i32 to index
    %get3A_2027 = arith.constant 112 : index
    %get3A_2028 = tpu.vector_load %arg7[%get3A_2026, %get3A_2027] {strides = array<i32>} : memref<32x128xf32, #tpu.memory_space<vmem>>, vector<1x16xf32>,
    %get3A_2029 = vector.shape_cast %get3A_2028 : vector<1x16xf32> to vector<16xf32>
    %get3A_2030 = arith.constant 20 : i32
    %get3A_2031 = arith.index_cast %get3A_2030 : i32 to index
    %get3A_2032 = arith.constant 112 : index
    %get3A_2033 = tpu.vector_load %arg8[%get3A_2031, %get3A_2032] {strides = array<i32>} : memref<32x128xf32, #tpu.memory_space<vmem>>, vector<1x16xf32>,
    %get3A_2034 = vector.shape_cast %get3A_2033 : vector<1x16xf32> to vector<16xf32>
    %mul3A_2035 = arith.mulf %get3A_2029, %get3A_2034 : vector<16xf32>
    %add3A_2036 = arith.addf %add3A_1940, %mul3A_2035 : vector<16xf32>
    %get3A_2037 = arith.constant 21 : i32
    %get3A_2038 = arith.index_cast %get3A_2037 : i32 to index
    %get3A_2039 = arith.constant 0 : index
    %get3A_2040 = tpu.vector_load %arg7[%get3A_2038, %get3A_2039] {strides = array<i32>} : memref<32x128xf32, #tpu.memory_space<vmem>>, vector<1x16xf32>,
    %get3A_2041 = vector.shape_cast %get3A_2040 : vector<1x16xf32> to vector<16xf32>
    %get3A_2042 = arith.constant 21 : i32
    %get3A_2043 = arith.index_cast %get3A_2042 : i32 to index
    %get3A_2044 = arith.constant 0 : index
    %get3A_2045 = tpu.vector_load %arg8[%get3A_2043, %get3A_2044] {strides = array<i32>} : memref<32x128xf32, #tpu.memory_space<vmem>>, vector<1x16xf32>,
    %get3A_2046 = vector.shape_cast %get3A_2045 : vector<1x16xf32> to vector<16xf32>
    %mul3A_2047 = arith.mulf %get3A_2041, %get3A_2046 : vector<16xf32>
    %add3A_2048 = arith.addf %add3A_1952, %mul3A_2047 : vector<16xf32>
    %get3A_2049 = arith.constant 21 : i32
    %get3A_2050 = arith.index_cast %get3A_2049 : i32 to index
    %get3A_2051 = arith.constant 16 : index
    %get3A_2052 = tpu.vector_load %arg7[%get3A_2050, %get3A_2051] {strides = array<i32>} : memref<32x128xf32, #tpu.memory_space<vmem>>, vector<1x16xf32>,
    %get3A_2053 = vector.shape_cast %get3A_2052 : vector<1x16xf32> to vector<16xf32>
    %get3A_2054 = arith.constant 21 : i32
    %get3A_2055 = arith.index_cast %get3A_2054 : i32 to index
    %get3A_2056 = arith.constant 16 : index
    %get3A_2057 = tpu.vector_load %arg8[%get3A_2055, %get3A_2056] {strides = array<i32>} : memref<32x128xf32, #tpu.memory_space<vmem>>, vector<1x16xf32>,
    %get3A_2058 = vector.shape_cast %get3A_2057 : vector<1x16xf32> to vector<16xf32>
    %mul3A_2059 = arith.mulf %get3A_2053, %get3A_2058 : vector<16xf32>
    %add3A_2060 = arith.addf %add3A_1964, %mul3A_2059 : vector<16xf32>
    %get3A_2061 = arith.constant 21 : i32
    %get3A_2062 = arith.index_cast %get3A_2061 : i32 to index
    %get3A_2063 = arith.constant 32 : index
    %get3A_2064 = tpu.vector_load %arg7[%get3A_2062, %get3A_2063] {strides = array<i32>} : memref<32x128xf32, #tpu.memory_space<vmem>>, vector<1x16xf32>,
    %get3A_2065 = vector.shape_cast %get3A_2064 : vector<1x16xf32> to vector<16xf32>
    %get3A_2066 = arith.constant 21 : i32
    %get3A_2067 = arith.index_cast %get3A_2066 : i32 to index
    %get3A_2068 = arith.constant 32 : index
    %get3A_2069 = tpu.vector_load %arg8[%get3A_2067, %get3A_2068] {strides = array<i32>} : memref<32x128xf32, #tpu.memory_space<vmem>>, vector<1x16xf32>,
    %get3A_2070 = vector.shape_cast %get3A_2069 : vector<1x16xf32> to vector<16xf32>
    %mul3A_2071 = arith.mulf %get3A_2065, %get3A_2070 : vector<16xf32>
    %add3A_2072 = arith.addf %add3A_1976, %mul3A_2071 : vector<16xf32>
    %get3A_2073 = arith.constant 21 : i32
    %get3A_2074 = arith.index_cast %get3A_2073 : i32 to index
    %get3A_2075 = arith.constant 48 : index
    %get3A_2076 = tpu.vector_load %arg7[%get3A_2074, %get3A_2075] {strides = array<i32>} : memref<32x128xf32, #tpu.memory_space<vmem>>, vector<1x16xf32>,
    %get3A_2077 = vector.shape_cast %get3A_2076 : vector<1x16xf32> to vector<16xf32>
    %get3A_2078 = arith.constant 21 : i32
    %get3A_2079 = arith.index_cast %get3A_2078 : i32 to index
    %get3A_2080 = arith.constant 48 : index
    %get3A_2081 = tpu.vector_load %arg8[%get3A_2079, %get3A_2080] {strides = array<i32>} : memref<32x128xf32, #tpu.memory_space<vmem>>, vector<1x16xf32>,
    %get3A_2082 = vector.shape_cast %get3A_2081 : vector<1x16xf32> to vector<16xf32>
    %mul3A_2083 = arith.mulf %get3A_2077, %get3A_2082 : vector<16xf32>
    %add3A_2084 = arith.addf %add3A_1988, %mul3A_2083 : vector<16xf32>
    %get3A_2085 = arith.constant 21 : i32
    %get3A_2086 = arith.index_cast %get3A_2085 : i32 to index
    %get3A_2087 = arith.constant 64 : index
    %get3A_2088 = tpu.vector_load %arg7[%get3A_2086, %get3A_2087] {strides = array<i32>} : memref<32x128xf32, #tpu.memory_space<vmem>>, vector<1x16xf32>,
    %get3A_2089 = vector.shape_cast %get3A_2088 : vector<1x16xf32> to vector<16xf32>
    %get3A_2090 = arith.constant 21 : i32
    %get3A_2091 = arith.index_cast %get3A_2090 : i32 to index
    %get3A_2092 = arith.constant 64 : index
    %get3A_2093 = tpu.vector_load %arg8[%get3A_2091, %get3A_2092] {strides = array<i32>} : memref<32x128xf32, #tpu.memory_space<vmem>>, vector<1x16xf32>,
    %get3A_2094 = vector.shape_cast %get3A_2093 : vector<1x16xf32> to vector<16xf32>
    %mul3A_2095 = arith.mulf %get3A_2089, %get3A_2094 : vector<16xf32>
    %add3A_2096 = arith.addf %add3A_2000, %mul3A_2095 : vector<16xf32>
    %get3A_2097 = arith.constant 21 : i32
    %get3A_2098 = arith.index_cast %get3A_2097 : i32 to index
    %get3A_2099 = arith.constant 80 : index
    %get3A_2100 = tpu.vector_load %arg7[%get3A_2098, %get3A_2099] {strides = array<i32>} : memref<32x128xf32, #tpu.memory_space<vmem>>, vector<1x16xf32>,
    %get3A_2101 = vector.shape_cast %get3A_2100 : vector<1x16xf32> to vector<16xf32>
    %get3A_2102 = arith.constant 21 : i32
    %get3A_2103 = arith.index_cast %get3A_2102 : i32 to index
    %get3A_2104 = arith.constant 80 : index
    %get3A_2105 = tpu.vector_load %arg8[%get3A_2103, %get3A_2104] {strides = array<i32>} : memref<32x128xf32, #tpu.memory_space<vmem>>, vector<1x16xf32>,
    %get3A_2106 = vector.shape_cast %get3A_2105 : vector<1x16xf32> to vector<16xf32>
    %mul3A_2107 = arith.mulf %get3A_2101, %get3A_2106 : vector<16xf32>
    %add3A_2108 = arith.addf %add3A_2012, %mul3A_2107 : vector<16xf32>
    %get3A_2109 = arith.constant 21 : i32
    %get3A_2110 = arith.index_cast %get3A_2109 : i32 to index
    %get3A_2111 = arith.constant 96 : index
    %get3A_2112 = tpu.vector_load %arg7[%get3A_2110, %get3A_2111] {strides = array<i32>} : memref<32x128xf32, #tpu.memory_space<vmem>>, vector<1x16xf32>,
    %get3A_2113 = vector.shape_cast %get3A_2112 : vector<1x16xf32> to vector<16xf32>
    %get3A_2114 = arith.constant 21 : i32
    %get3A_2115 = arith.index_cast %get3A_2114 : i32 to index
    %get3A_2116 = arith.constant 96 : index
    %get3A_2117 = tpu.vector_load %arg8[%get3A_2115, %get3A_2116] {strides = array<i32>} : memref<32x128xf32, #tpu.memory_space<vmem>>, vector<1x16xf32>,
    %get3A_2118 = vector.shape_cast %get3A_2117 : vector<1x16xf32> to vector<16xf32>
    %mul3A_2119 = arith.mulf %get3A_2113, %get3A_2118 : vector<16xf32>
    %add3A_2120 = arith.addf %add3A_2024, %mul3A_2119 : vector<16xf32>
    %get3A_2121 = arith.constant 21 : i32
    %get3A_2122 = arith.index_cast %get3A_2121 : i32 to index
    %get3A_2123 = arith.constant 112 : index
    %get3A_2124 = tpu.vector_load %arg7[%get3A_2122, %get3A_2123] {strides = array<i32>} : memref<32x128xf32, #tpu.memory_space<vmem>>, vector<1x16xf32>,
    %get3A_2125 = vector.shape_cast %get3A_2124 : vector<1x16xf32> to vector<16xf32>
    %get3A_2126 = arith.constant 21 : i32
    %get3A_2127 = arith.index_cast %get3A_2126 : i32 to index
    %get3A_2128 = arith.constant 112 : index
    %get3A_2129 = tpu.vector_load %arg8[%get3A_2127, %get3A_2128] {strides = array<i32>} : memref<32x128xf32, #tpu.memory_space<vmem>>, vector<1x16xf32>,
    %get3A_2130 = vector.shape_cast %get3A_2129 : vector<1x16xf32> to vector<16xf32>
    %mul3A_2131 = arith.mulf %get3A_2125, %get3A_2130 : vector<16xf32>
    %add3A_2132 = arith.addf %add3A_2036, %mul3A_2131 : vector<16xf32>
    %get3A_2133 = arith.constant 22 : i32
    %get3A_2134 = arith.index_cast %get3A_2133 : i32 to index
    %get3A_2135 = arith.constant 0 : index
    %get3A_2136 = tpu.vector_load %arg7[%get3A_2134, %get3A_2135] {strides = array<i32>} : memref<32x128xf32, #tpu.memory_space<vmem>>, vector<1x16xf32>,
    %get3A_2137 = vector.shape_cast %get3A_2136 : vector<1x16xf32> to vector<16xf32>
    %get3A_2138 = arith.constant 22 : i32
    %get3A_2139 = arith.index_cast %get3A_2138 : i32 to index
    %get3A_2140 = arith.constant 0 : index
    %get3A_2141 = tpu.vector_load %arg8[%get3A_2139, %get3A_2140] {strides = array<i32>} : memref<32x128xf32, #tpu.memory_space<vmem>>, vector<1x16xf32>,
    %get3A_2142 = vector.shape_cast %get3A_2141 : vector<1x16xf32> to vector<16xf32>
    %mul3A_2143 = arith.mulf %get3A_2137, %get3A_2142 : vector<16xf32>
    %add3A_2144 = arith.addf %add3A_2048, %mul3A_2143 : vector<16xf32>
    %get3A_2145 = arith.constant 22 : i32
    %get3A_2146 = arith.index_cast %get3A_2145 : i32 to index
    %get3A_2147 = arith.constant 16 : index
    %get3A_2148 = tpu.vector_load %arg7[%get3A_2146, %get3A_2147] {strides = array<i32>} : memref<32x128xf32, #tpu.memory_space<vmem>>, vector<1x16xf32>,
    %get3A_2149 = vector.shape_cast %get3A_2148 : vector<1x16xf32> to vector<16xf32>
    %get3A_2150 = arith.constant 22 : i32
    %get3A_2151 = arith.index_cast %get3A_2150 : i32 to index
    %get3A_2152 = arith.constant 16 : index
    %get3A_2153 = tpu.vector_load %arg8[%get3A_2151, %get3A_2152] {strides = array<i32>} : memref<32x128xf32, #tpu.memory_space<vmem>>, vector<1x16xf32>,
    %get3A_2154 = vector.shape_cast %get3A_2153 : vector<1x16xf32> to vector<16xf32>
    %mul3A_2155 = arith.mulf %get3A_2149, %get3A_2154 : vector<16xf32>
    %add3A_2156 = arith.addf %add3A_2060, %mul3A_2155 : vector<16xf32>
    %get3A_2157 = arith.constant 22 : i32
    %get3A_2158 = arith.index_cast %get3A_2157 : i32 to index
    %get3A_2159 = arith.constant 32 : index
    %get3A_2160 = tpu.vector_load %arg7[%get3A_2158, %get3A_2159] {strides = array<i32>} : memref<32x128xf32, #tpu.memory_space<vmem>>, vector<1x16xf32>,
    %get3A_2161 = vector.shape_cast %get3A_2160 : vector<1x16xf32> to vector<16xf32>
    %get3A_2162 = arith.constant 22 : i32
    %get3A_2163 = arith.index_cast %get3A_2162 : i32 to index
    %get3A_2164 = arith.constant 32 : index
    %get3A_2165 = tpu.vector_load %arg8[%get3A_2163, %get3A_2164] {strides = array<i32>} : memref<32x128xf32, #tpu.memory_space<vmem>>, vector<1x16xf32>,
    %get3A_2166 = vector.shape_cast %get3A_2165 : vector<1x16xf32> to vector<16xf32>
    %mul3A_2167 = arith.mulf %get3A_2161, %get3A_2166 : vector<16xf32>
    %add3A_2168 = arith.addf %add3A_2072, %mul3A_2167 : vector<16xf32>
    %get3A_2169 = arith.constant 22 : i32
    %get3A_2170 = arith.index_cast %get3A_2169 : i32 to index
    %get3A_2171 = arith.constant 48 : index
    %get3A_2172 = tpu.vector_load %arg7[%get3A_2170, %get3A_2171] {strides = array<i32>} : memref<32x128xf32, #tpu.memory_space<vmem>>, vector<1x16xf32>,
    %get3A_2173 = vector.shape_cast %get3A_2172 : vector<1x16xf32> to vector<16xf32>
    %get3A_2174 = arith.constant 22 : i32
    %get3A_2175 = arith.index_cast %get3A_2174 : i32 to index
    %get3A_2176 = arith.constant 48 : index
    %get3A_2177 = tpu.vector_load %arg8[%get3A_2175, %get3A_2176] {strides = array<i32>} : memref<32x128xf32, #tpu.memory_space<vmem>>, vector<1x16xf32>,
    %get3A_2178 = vector.shape_cast %get3A_2177 : vector<1x16xf32> to vector<16xf32>
    %mul3A_2179 = arith.mulf %get3A_2173, %get3A_2178 : vector<16xf32>
    %add3A_2180 = arith.addf %add3A_2084, %mul3A_2179 : vector<16xf32>
    %get3A_2181 = arith.constant 22 : i32
    %get3A_2182 = arith.index_cast %get3A_2181 : i32 to index
    %get3A_2183 = arith.constant 64 : index
    %get3A_2184 = tpu.vector_load %arg7[%get3A_2182, %get3A_2183] {strides = array<i32>} : memref<32x128xf32, #tpu.memory_space<vmem>>, vector<1x16xf32>,
    %get3A_2185 = vector.shape_cast %get3A_2184 : vector<1x16xf32> to vector<16xf32>
    %get3A_2186 = arith.constant 22 : i32
    %get3A_2187 = arith.index_cast %get3A_2186 : i32 to index
    %get3A_2188 = arith.constant 64 : index
    %get3A_2189 = tpu.vector_load %arg8[%get3A_2187, %get3A_2188] {strides = array<i32>} : memref<32x128xf32, #tpu.memory_space<vmem>>, vector<1x16xf32>,
    %get3A_2190 = vector.shape_cast %get3A_2189 : vector<1x16xf32> to vector<16xf32>
    %mul3A_2191 = arith.mulf %get3A_2185, %get3A_2190 : vector<16xf32>
    %add3A_2192 = arith.addf %add3A_2096, %mul3A_2191 : vector<16xf32>
    %get3A_2193 = arith.constant 22 : i32
    %get3A_2194 = arith.index_cast %get3A_2193 : i32 to index
    %get3A_2195 = arith.constant 80 : index
    %get3A_2196 = tpu.vector_load %arg7[%get3A_2194, %get3A_2195] {strides = array<i32>} : memref<32x128xf32, #tpu.memory_space<vmem>>, vector<1x16xf32>,
    %get3A_2197 = vector.shape_cast %get3A_2196 : vector<1x16xf32> to vector<16xf32>
    %get3A_2198 = arith.constant 22 : i32
    %get3A_2199 = arith.index_cast %get3A_2198 : i32 to index
    %get3A_2200 = arith.constant 80 : index
    %get3A_2201 = tpu.vector_load %arg8[%get3A_2199, %get3A_2200] {strides = array<i32>} : memref<32x128xf32, #tpu.memory_space<vmem>>, vector<1x16xf32>,
    %get3A_2202 = vector.shape_cast %get3A_2201 : vector<1x16xf32> to vector<16xf32>
    %mul3A_2203 = arith.mulf %get3A_2197, %get3A_2202 : vector<16xf32>
    %add3A_2204 = arith.addf %add3A_2108, %mul3A_2203 : vector<16xf32>
    %get3A_2205 = arith.constant 22 : i32
    %get3A_2206 = arith.index_cast %get3A_2205 : i32 to index
    %get3A_2207 = arith.constant 96 : index
    %get3A_2208 = tpu.vector_load %arg7[%get3A_2206, %get3A_2207] {strides = array<i32>} : memref<32x128xf32, #tpu.memory_space<vmem>>, vector<1x16xf32>,
    %get3A_2209 = vector.shape_cast %get3A_2208 : vector<1x16xf32> to vector<16xf32>
    %get3A_2210 = arith.constant 22 : i32
    %get3A_2211 = arith.index_cast %get3A_2210 : i32 to index
    %get3A_2212 = arith.constant 96 : index
    %get3A_2213 = tpu.vector_load %arg8[%get3A_2211, %get3A_2212] {strides = array<i32>} : memref<32x128xf32, #tpu.memory_space<vmem>>, vector<1x16xf32>,
    %get3A_2214 = vector.shape_cast %get3A_2213 : vector<1x16xf32> to vector<16xf32>
    %mul3A_2215 = arith.mulf %get3A_2209, %get3A_2214 : vector<16xf32>
    %add3A_2216 = arith.addf %add3A_2120, %mul3A_2215 : vector<16xf32>
    %get3A_2217 = arith.constant 22 : i32
    %get3A_2218 = arith.index_cast %get3A_2217 : i32 to index
    %get3A_2219 = arith.constant 112 : index
    %get3A_2220 = tpu.vector_load %arg7[%get3A_2218, %get3A_2219] {strides = array<i32>} : memref<32x128xf32, #tpu.memory_space<vmem>>, vector<1x16xf32>,
    %get3A_2221 = vector.shape_cast %get3A_2220 : vector<1x16xf32> to vector<16xf32>
    %get3A_2222 = arith.constant 22 : i32
    %get3A_2223 = arith.index_cast %get3A_2222 : i32 to index
    %get3A_2224 = arith.constant 112 : index
    %get3A_2225 = tpu.vector_load %arg8[%get3A_2223, %get3A_2224] {strides = array<i32>} : memref<32x128xf32, #tpu.memory_space<vmem>>, vector<1x16xf32>,
    %get3A_2226 = vector.shape_cast %get3A_2225 : vector<1x16xf32> to vector<16xf32>
    %mul3A_2227 = arith.mulf %get3A_2221, %get3A_2226 : vector<16xf32>
    %add3A_2228 = arith.addf %add3A_2132, %mul3A_2227 : vector<16xf32>
    %get3A_2229 = arith.constant 23 : i32
    %get3A_2230 = arith.index_cast %get3A_2229 : i32 to index
    %get3A_2231 = arith.constant 0 : index
    %get3A_2232 = tpu.vector_load %arg7[%get3A_2230, %get3A_2231] {strides = array<i32>} : memref<32x128xf32, #tpu.memory_space<vmem>>, vector<1x16xf32>,
    %get3A_2233 = vector.shape_cast %get3A_2232 : vector<1x16xf32> to vector<16xf32>
    %get3A_2234 = arith.constant 23 : i32
    %get3A_2235 = arith.index_cast %get3A_2234 : i32 to index
    %get3A_2236 = arith.constant 0 : index
    %get3A_2237 = tpu.vector_load %arg8[%get3A_2235, %get3A_2236] {strides = array<i32>} : memref<32x128xf32, #tpu.memory_space<vmem>>, vector<1x16xf32>,
    %get3A_2238 = vector.shape_cast %get3A_2237 : vector<1x16xf32> to vector<16xf32>
    %mul3A_2239 = arith.mulf %get3A_2233, %get3A_2238 : vector<16xf32>
    %add3A_2240 = arith.addf %add3A_2144, %mul3A_2239 : vector<16xf32>
    %get3A_2241 = arith.constant 23 : i32
    %get3A_2242 = arith.index_cast %get3A_2241 : i32 to index
    %get3A_2243 = arith.constant 16 : index
    %get3A_2244 = tpu.vector_load %arg7[%get3A_2242, %get3A_2243] {strides = array<i32>} : memref<32x128xf32, #tpu.memory_space<vmem>>, vector<1x16xf32>,
    %get3A_2245 = vector.shape_cast %get3A_2244 : vector<1x16xf32> to vector<16xf32>
    %get3A_2246 = arith.constant 23 : i32
    %get3A_2247 = arith.index_cast %get3A_2246 : i32 to index
    %get3A_2248 = arith.constant 16 : index
    %get3A_2249 = tpu.vector_load %arg8[%get3A_2247, %get3A_2248] {strides = array<i32>} : memref<32x128xf32, #tpu.memory_space<vmem>>, vector<1x16xf32>,
    %get3A_2250 = vector.shape_cast %get3A_2249 : vector<1x16xf32> to vector<16xf32>
    %mul3A_2251 = arith.mulf %get3A_2245, %get3A_2250 : vector<16xf32>
    %add3A_2252 = arith.addf %add3A_2156, %mul3A_2251 : vector<16xf32>
    %get3A_2253 = arith.constant 23 : i32
    %get3A_2254 = arith.index_cast %get3A_2253 : i32 to index
    %get3A_2255 = arith.constant 32 : index
    %get3A_2256 = tpu.vector_load %arg7[%get3A_2254, %get3A_2255] {strides = array<i32>} : memref<32x128xf32, #tpu.memory_space<vmem>>, vector<1x16xf32>,
    %get3A_2257 = vector.shape_cast %get3A_2256 : vector<1x16xf32> to vector<16xf32>
    %get3A_2258 = arith.constant 23 : i32
    %get3A_2259 = arith.index_cast %get3A_2258 : i32 to index
    %get3A_2260 = arith.constant 32 : index
    %get3A_2261 = tpu.vector_load %arg8[%get3A_2259, %get3A_2260] {strides = array<i32>} : memref<32x128xf32, #tpu.memory_space<vmem>>, vector<1x16xf32>,
    %get3A_2262 = vector.shape_cast %get3A_2261 : vector<1x16xf32> to vector<16xf32>
    %mul3A_2263 = arith.mulf %get3A_2257, %get3A_2262 : vector<16xf32>
    %add3A_2264 = arith.addf %add3A_2168, %mul3A_2263 : vector<16xf32>
    %get3A_2265 = arith.constant 23 : i32
    %get3A_2266 = arith.index_cast %get3A_2265 : i32 to index
    %get3A_2267 = arith.constant 48 : index
    %get3A_2268 = tpu.vector_load %arg7[%get3A_2266, %get3A_2267] {strides = array<i32>} : memref<32x128xf32, #tpu.memory_space<vmem>>, vector<1x16xf32>,
    %get3A_2269 = vector.shape_cast %get3A_2268 : vector<1x16xf32> to vector<16xf32>
    %get3A_2270 = arith.constant 23 : i32
    %get3A_2271 = arith.index_cast %get3A_2270 : i32 to index
    %get3A_2272 = arith.constant 48 : index
    %get3A_2273 = tpu.vector_load %arg8[%get3A_2271, %get3A_2272] {strides = array<i32>} : memref<32x128xf32, #tpu.memory_space<vmem>>, vector<1x16xf32>,
    %get3A_2274 = vector.shape_cast %get3A_2273 : vector<1x16xf32> to vector<16xf32>
    %mul3A_2275 = arith.mulf %get3A_2269, %get3A_2274 : vector<16xf32>
    %add3A_2276 = arith.addf %add3A_2180, %mul3A_2275 : vector<16xf32>
    %get3A_2277 = arith.constant 23 : i32
    %get3A_2278 = arith.index_cast %get3A_2277 : i32 to index
    %get3A_2279 = arith.constant 64 : index
    %get3A_2280 = tpu.vector_load %arg7[%get3A_2278, %get3A_2279] {strides = array<i32>} : memref<32x128xf32, #tpu.memory_space<vmem>>, vector<1x16xf32>,
    %get3A_2281 = vector.shape_cast %get3A_2280 : vector<1x16xf32> to vector<16xf32>
    %get3A_2282 = arith.constant 23 : i32
    %get3A_2283 = arith.index_cast %get3A_2282 : i32 to index
    %get3A_2284 = arith.constant 64 : index
    %get3A_2285 = tpu.vector_load %arg8[%get3A_2283, %get3A_2284] {strides = array<i32>} : memref<32x128xf32, #tpu.memory_space<vmem>>, vector<1x16xf32>,
    %get3A_2286 = vector.shape_cast %get3A_2285 : vector<1x16xf32> to vector<16xf32>
    %mul3A_2287 = arith.mulf %get3A_2281, %get3A_2286 : vector<16xf32>
    %add3A_2288 = arith.addf %add3A_2192, %mul3A_2287 : vector<16xf32>
    %get3A_2289 = arith.constant 23 : i32
    %get3A_2290 = arith.index_cast %get3A_2289 : i32 to index
    %get3A_2291 = arith.constant 80 : index
    %get3A_2292 = tpu.vector_load %arg7[%get3A_2290, %get3A_2291] {strides = array<i32>} : memref<32x128xf32, #tpu.memory_space<vmem>>, vector<1x16xf32>,
    %get3A_2293 = vector.shape_cast %get3A_2292 : vector<1x16xf32> to vector<16xf32>
    %get3A_2294 = arith.constant 23 : i32
    %get3A_2295 = arith.index_cast %get3A_2294 : i32 to index
    %get3A_2296 = arith.constant 80 : index
    %get3A_2297 = tpu.vector_load %arg8[%get3A_2295, %get3A_2296] {strides = array<i32>} : memref<32x128xf32, #tpu.memory_space<vmem>>, vector<1x16xf32>,
    %get3A_2298 = vector.shape_cast %get3A_2297 : vector<1x16xf32> to vector<16xf32>
    %mul3A_2299 = arith.mulf %get3A_2293, %get3A_2298 : vector<16xf32>
    %add3A_2300 = arith.addf %add3A_2204, %mul3A_2299 : vector<16xf32>
    %get3A_2301 = arith.constant 23 : i32
    %get3A_2302 = arith.index_cast %get3A_2301 : i32 to index
    %get3A_2303 = arith.constant 96 : index
    %get3A_2304 = tpu.vector_load %arg7[%get3A_2302, %get3A_2303] {strides = array<i32>} : memref<32x128xf32, #tpu.memory_space<vmem>>, vector<1x16xf32>,
    %get3A_2305 = vector.shape_cast %get3A_2304 : vector<1x16xf32> to vector<16xf32>
    %get3A_2306 = arith.constant 23 : i32
    %get3A_2307 = arith.index_cast %get3A_2306 : i32 to index
    %get3A_2308 = arith.constant 96 : index
    %get3A_2309 = tpu.vector_load %arg8[%get3A_2307, %get3A_2308] {strides = array<i32>} : memref<32x128xf32, #tpu.memory_space<vmem>>, vector<1x16xf32>,
    %get3A_2310 = vector.shape_cast %get3A_2309 : vector<1x16xf32> to vector<16xf32>
    %mul3A_2311 = arith.mulf %get3A_2305, %get3A_2310 : vector<16xf32>
    %add3A_2312 = arith.addf %add3A_2216, %mul3A_2311 : vector<16xf32>
    %get3A_2313 = arith.constant 23 : i32
    %get3A_2314 = arith.index_cast %get3A_2313 : i32 to index
    %get3A_2315 = arith.constant 112 : index
    %get3A_2316 = tpu.vector_load %arg7[%get3A_2314, %get3A_2315] {strides = array<i32>} : memref<32x128xf32, #tpu.memory_space<vmem>>, vector<1x16xf32>,
    %get3A_2317 = vector.shape_cast %get3A_2316 : vector<1x16xf32> to vector<16xf32>
    %get3A_2318 = arith.constant 23 : i32
    %get3A_2319 = arith.index_cast %get3A_2318 : i32 to index
    %get3A_2320 = arith.constant 112 : index
    %get3A_2321 = tpu.vector_load %arg8[%get3A_2319, %get3A_2320] {strides = array<i32>} : memref<32x128xf32, #tpu.memory_space<vmem>>, vector<1x16xf32>,
    %get3A_2322 = vector.shape_cast %get3A_2321 : vector<1x16xf32> to vector<16xf32>
    %mul3A_2323 = arith.mulf %get3A_2317, %get3A_2322 : vector<16xf32>
    %add3A_2324 = arith.addf %add3A_2228, %mul3A_2323 : vector<16xf32>
    %get3A_2325 = arith.constant 24 : i32
    %get3A_2326 = arith.index_cast %get3A_2325 : i32 to index
    %get3A_2327 = arith.constant 0 : index
    %get3A_2328 = tpu.vector_load %arg7[%get3A_2326, %get3A_2327] {strides = array<i32>} : memref<32x128xf32, #tpu.memory_space<vmem>>, vector<1x16xf32>,
    %get3A_2329 = vector.shape_cast %get3A_2328 : vector<1x16xf32> to vector<16xf32>
    %get3A_2330 = arith.constant 24 : i32
    %get3A_2331 = arith.index_cast %get3A_2330 : i32 to index
    %get3A_2332 = arith.constant 0 : index
    %get3A_2333 = tpu.vector_load %arg8[%get3A_2331, %get3A_2332] {strides = array<i32>} : memref<32x128xf32, #tpu.memory_space<vmem>>, vector<1x16xf32>,
    %get3A_2334 = vector.shape_cast %get3A_2333 : vector<1x16xf32> to vector<16xf32>
    %mul3A_2335 = arith.mulf %get3A_2329, %get3A_2334 : vector<16xf32>
    %add3A_2336 = arith.addf %add3A_2240, %mul3A_2335 : vector<16xf32>
    %get3A_2337 = arith.constant 24 : i32
    %get3A_2338 = arith.index_cast %get3A_2337 : i32 to index
    %get3A_2339 = arith.constant 16 : index
    %get3A_2340 = tpu.vector_load %arg7[%get3A_2338, %get3A_2339] {strides = array<i32>} : memref<32x128xf32, #tpu.memory_space<vmem>>, vector<1x16xf32>,
    %get3A_2341 = vector.shape_cast %get3A_2340 : vector<1x16xf32> to vector<16xf32>
    %get3A_2342 = arith.constant 24 : i32
    %get3A_2343 = arith.index_cast %get3A_2342 : i32 to index
    %get3A_2344 = arith.constant 16 : index
    %get3A_2345 = tpu.vector_load %arg8[%get3A_2343, %get3A_2344] {strides = array<i32>} : memref<32x128xf32, #tpu.memory_space<vmem>>, vector<1x16xf32>,
    %get3A_2346 = vector.shape_cast %get3A_2345 : vector<1x16xf32> to vector<16xf32>
    %mul3A_2347 = arith.mulf %get3A_2341, %get3A_2346 : vector<16xf32>
    %add3A_2348 = arith.addf %add3A_2252, %mul3A_2347 : vector<16xf32>
    %get3A_2349 = arith.constant 24 : i32
    %get3A_2350 = arith.index_cast %get3A_2349 : i32 to index
    %get3A_2351 = arith.constant 32 : index
    %get3A_2352 = tpu.vector_load %arg7[%get3A_2350, %get3A_2351] {strides = array<i32>} : memref<32x128xf32, #tpu.memory_space<vmem>>, vector<1x16xf32>,
    %get3A_2353 = vector.shape_cast %get3A_2352 : vector<1x16xf32> to vector<16xf32>
    %get3A_2354 = arith.constant 24 : i32
    %get3A_2355 = arith.index_cast %get3A_2354 : i32 to index
    %get3A_2356 = arith.constant 32 : index
    %get3A_2357 = tpu.vector_load %arg8[%get3A_2355, %get3A_2356] {strides = array<i32>} : memref<32x128xf32, #tpu.memory_space<vmem>>, vector<1x16xf32>,
    %get3A_2358 = vector.shape_cast %get3A_2357 : vector<1x16xf32> to vector<16xf32>
    %mul3A_2359 = arith.mulf %get3A_2353, %get3A_2358 : vector<16xf32>
    %add3A_2360 = arith.addf %add3A_2264, %mul3A_2359 : vector<16xf32>
    %get3A_2361 = arith.constant 24 : i32
    %get3A_2362 = arith.index_cast %get3A_2361 : i32 to index
    %get3A_2363 = arith.constant 48 : index
    %get3A_2364 = tpu.vector_load %arg7[%get3A_2362, %get3A_2363] {strides = array<i32>} : memref<32x128xf32, #tpu.memory_space<vmem>>, vector<1x16xf32>,
    %get3A_2365 = vector.shape_cast %get3A_2364 : vector<1x16xf32> to vector<16xf32>
    %get3A_2366 = arith.constant 24 : i32
    %get3A_2367 = arith.index_cast %get3A_2366 : i32 to index
    %get3A_2368 = arith.constant 48 : index
    %get3A_2369 = tpu.vector_load %arg8[%get3A_2367, %get3A_2368] {strides = array<i32>} : memref<32x128xf32, #tpu.memory_space<vmem>>, vector<1x16xf32>,
    %get3A_2370 = vector.shape_cast %get3A_2369 : vector<1x16xf32> to vector<16xf32>
    %mul3A_2371 = arith.mulf %get3A_2365, %get3A_2370 : vector<16xf32>
    %add3A_2372 = arith.addf %add3A_2276, %mul3A_2371 : vector<16xf32>
    %get3A_2373 = arith.constant 24 : i32
    %get3A_2374 = arith.index_cast %get3A_2373 : i32 to index
    %get3A_2375 = arith.constant 64 : index
    %get3A_2376 = tpu.vector_load %arg7[%get3A_2374, %get3A_2375] {strides = array<i32>} : memref<32x128xf32, #tpu.memory_space<vmem>>, vector<1x16xf32>,
    %get3A_2377 = vector.shape_cast %get3A_2376 : vector<1x16xf32> to vector<16xf32>
    %get3A_2378 = arith.constant 24 : i32
    %get3A_2379 = arith.index_cast %get3A_2378 : i32 to index
    %get3A_2380 = arith.constant 64 : index
    %get3A_2381 = tpu.vector_load %arg8[%get3A_2379, %get3A_2380] {strides = array<i32>} : memref<32x128xf32, #tpu.memory_space<vmem>>, vector<1x16xf32>,
    %get3A_2382 = vector.shape_cast %get3A_2381 : vector<1x16xf32> to vector<16xf32>
    %mul3A_2383 = arith.mulf %get3A_2377, %get3A_2382 : vector<16xf32>
    %add3A_2384 = arith.addf %add3A_2288, %mul3A_2383 : vector<16xf32>
    %get3A_2385 = arith.constant 24 : i32
    %get3A_2386 = arith.index_cast %get3A_2385 : i32 to index
    %get3A_2387 = arith.constant 80 : index
    %get3A_2388 = tpu.vector_load %arg7[%get3A_2386, %get3A_2387] {strides = array<i32>} : memref<32x128xf32, #tpu.memory_space<vmem>>, vector<1x16xf32>,
    %get3A_2389 = vector.shape_cast %get3A_2388 : vector<1x16xf32> to vector<16xf32>
    %get3A_2390 = arith.constant 24 : i32
    %get3A_2391 = arith.index_cast %get3A_2390 : i32 to index
    %get3A_2392 = arith.constant 80 : index
    %get3A_2393 = tpu.vector_load %arg8[%get3A_2391, %get3A_2392] {strides = array<i32>} : memref<32x128xf32, #tpu.memory_space<vmem>>, vector<1x16xf32>,
    %get3A_2394 = vector.shape_cast %get3A_2393 : vector<1x16xf32> to vector<16xf32>
    %mul3A_2395 = arith.mulf %get3A_2389, %get3A_2394 : vector<16xf32>
    %add3A_2396 = arith.addf %add3A_2300, %mul3A_2395 : vector<16xf32>
    %get3A_2397 = arith.constant 24 : i32
    %get3A_2398 = arith.index_cast %get3A_2397 : i32 to index
    %get3A_2399 = arith.constant 96 : index
    %get3A_2400 = tpu.vector_load %arg7[%get3A_2398, %get3A_2399] {strides = array<i32>} : memref<32x128xf32, #tpu.memory_space<vmem>>, vector<1x16xf32>,
    %get3A_2401 = vector.shape_cast %get3A_2400 : vector<1x16xf32> to vector<16xf32>
    %get3A_2402 = arith.constant 24 : i32
    %get3A_2403 = arith.index_cast %get3A_2402 : i32 to index
    %get3A_2404 = arith.constant 96 : index
    %get3A_2405 = tpu.vector_load %arg8[%get3A_2403, %get3A_2404] {strides = array<i32>} : memref<32x128xf32, #tpu.memory_space<vmem>>, vector<1x16xf32>,
    %get3A_2406 = vector.shape_cast %get3A_2405 : vector<1x16xf32> to vector<16xf32>
    %mul3A_2407 = arith.mulf %get3A_2401, %get3A_2406 : vector<16xf32>
    %add3A_2408 = arith.addf %add3A_2312, %mul3A_2407 : vector<16xf32>
    %get3A_2409 = arith.constant 24 : i32
    %get3A_2410 = arith.index_cast %get3A_2409 : i32 to index
    %get3A_2411 = arith.constant 112 : index
    %get3A_2412 = tpu.vector_load %arg7[%get3A_2410, %get3A_2411] {strides = array<i32>} : memref<32x128xf32, #tpu.memory_space<vmem>>, vector<1x16xf32>,
    %get3A_2413 = vector.shape_cast %get3A_2412 : vector<1x16xf32> to vector<16xf32>
    %get3A_2414 = arith.constant 24 : i32
    %get3A_2415 = arith.index_cast %get3A_2414 : i32 to index
    %get3A_2416 = arith.constant 112 : index
    %get3A_2417 = tpu.vector_load %arg8[%get3A_2415, %get3A_2416] {strides = array<i32>} : memref<32x128xf32, #tpu.memory_space<vmem>>, vector<1x16xf32>,
    %get3A_2418 = vector.shape_cast %get3A_2417 : vector<1x16xf32> to vector<16xf32>
    %mul3A_2419 = arith.mulf %get3A_2413, %get3A_2418 : vector<16xf32>
    %add3A_2420 = arith.addf %add3A_2324, %mul3A_2419 : vector<16xf32>
    %get3A_2421 = arith.constant 25 : i32
    %get3A_2422 = arith.index_cast %get3A_2421 : i32 to index
    %get3A_2423 = arith.constant 0 : index
    %get3A_2424 = tpu.vector_load %arg7[%get3A_2422, %get3A_2423] {strides = array<i32>} : memref<32x128xf32, #tpu.memory_space<vmem>>, vector<1x16xf32>,
    %get3A_2425 = vector.shape_cast %get3A_2424 : vector<1x16xf32> to vector<16xf32>
    %get3A_2426 = arith.constant 25 : i32
    %get3A_2427 = arith.index_cast %get3A_2426 : i32 to index
    %get3A_2428 = arith.constant 0 : index
    %get3A_2429 = tpu.vector_load %arg8[%get3A_2427, %get3A_2428] {strides = array<i32>} : memref<32x128xf32, #tpu.memory_space<vmem>>, vector<1x16xf32>,
    %get3A_2430 = vector.shape_cast %get3A_2429 : vector<1x16xf32> to vector<16xf32>
    %mul3A_2431 = arith.mulf %get3A_2425, %get3A_2430 : vector<16xf32>
    %add3A_2432 = arith.addf %add3A_2336, %mul3A_2431 : vector<16xf32>
    %get3A_2433 = arith.constant 25 : i32
    %get3A_2434 = arith.index_cast %get3A_2433 : i32 to index
    %get3A_2435 = arith.constant 16 : index
    %get3A_2436 = tpu.vector_load %arg7[%get3A_2434, %get3A_2435] {strides = array<i32>} : memref<32x128xf32, #tpu.memory_space<vmem>>, vector<1x16xf32>,
    %get3A_2437 = vector.shape_cast %get3A_2436 : vector<1x16xf32> to vector<16xf32>
    %get3A_2438 = arith.constant 25 : i32
    %get3A_2439 = arith.index_cast %get3A_2438 : i32 to index
    %get3A_2440 = arith.constant 16 : index
    %get3A_2441 = tpu.vector_load %arg8[%get3A_2439, %get3A_2440] {strides = array<i32>} : memref<32x128xf32, #tpu.memory_space<vmem>>, vector<1x16xf32>,
    %get3A_2442 = vector.shape_cast %get3A_2441 : vector<1x16xf32> to vector<16xf32>
    %mul3A_2443 = arith.mulf %get3A_2437, %get3A_2442 : vector<16xf32>
    %add3A_2444 = arith.addf %add3A_2348, %mul3A_2443 : vector<16xf32>
    %get3A_2445 = arith.constant 25 : i32
    %get3A_2446 = arith.index_cast %get3A_2445 : i32 to index
    %get3A_2447 = arith.constant 32 : index
    %get3A_2448 = tpu.vector_load %arg7[%get3A_2446, %get3A_2447] {strides = array<i32>} : memref<32x128xf32, #tpu.memory_space<vmem>>, vector<1x16xf32>,
    %get3A_2449 = vector.shape_cast %get3A_2448 : vector<1x16xf32> to vector<16xf32>
    %get3A_2450 = arith.constant 25 : i32
    %get3A_2451 = arith.index_cast %get3A_2450 : i32 to index
    %get3A_2452 = arith.constant 32 : index
    %get3A_2453 = tpu.vector_load %arg8[%get3A_2451, %get3A_2452] {strides = array<i32>} : memref<32x128xf32, #tpu.memory_space<vmem>>, vector<1x16xf32>,
    %get3A_2454 = vector.shape_cast %get3A_2453 : vector<1x16xf32> to vector<16xf32>
    %mul3A_2455 = arith.mulf %get3A_2449, %get3A_2454 : vector<16xf32>
    %add3A_2456 = arith.addf %add3A_2360, %mul3A_2455 : vector<16xf32>
    %get3A_2457 = arith.constant 25 : i32
    %get3A_2458 = arith.index_cast %get3A_2457 : i32 to index
    %get3A_2459 = arith.constant 48 : index
    %get3A_2460 = tpu.vector_load %arg7[%get3A_2458, %get3A_2459] {strides = array<i32>} : memref<32x128xf32, #tpu.memory_space<vmem>>, vector<1x16xf32>,
    %get3A_2461 = vector.shape_cast %get3A_2460 : vector<1x16xf32> to vector<16xf32>
    %get3A_2462 = arith.constant 25 : i32
    %get3A_2463 = arith.index_cast %get3A_2462 : i32 to index
    %get3A_2464 = arith.constant 48 : index
    %get3A_2465 = tpu.vector_load %arg8[%get3A_2463, %get3A_2464] {strides = array<i32>} : memref<32x128xf32, #tpu.memory_space<vmem>>, vector<1x16xf32>,
    %get3A_2466 = vector.shape_cast %get3A_2465 : vector<1x16xf32> to vector<16xf32>
    %mul3A_2467 = arith.mulf %get3A_2461, %get3A_2466 : vector<16xf32>
    %add3A_2468 = arith.addf %add3A_2372, %mul3A_2467 : vector<16xf32>
    %get3A_2469 = arith.constant 25 : i32
    %get3A_2470 = arith.index_cast %get3A_2469 : i32 to index
    %get3A_2471 = arith.constant 64 : index
    %get3A_2472 = tpu.vector_load %arg7[%get3A_2470, %get3A_2471] {strides = array<i32>} : memref<32x128xf32, #tpu.memory_space<vmem>>, vector<1x16xf32>,
    %get3A_2473 = vector.shape_cast %get3A_2472 : vector<1x16xf32> to vector<16xf32>
    %get3A_2474 = arith.constant 25 : i32
    %get3A_2475 = arith.index_cast %get3A_2474 : i32 to index
    %get3A_2476 = arith.constant 64 : index
    %get3A_2477 = tpu.vector_load %arg8[%get3A_2475, %get3A_2476] {strides = array<i32>} : memref<32x128xf32, #tpu.memory_space<vmem>>, vector<1x16xf32>,
    %get3A_2478 = vector.shape_cast %get3A_2477 : vector<1x16xf32> to vector<16xf32>
    %mul3A_2479 = arith.mulf %get3A_2473, %get3A_2478 : vector<16xf32>
    %add3A_2480 = arith.addf %add3A_2384, %mul3A_2479 : vector<16xf32>
    %get3A_2481 = arith.constant 25 : i32
    %get3A_2482 = arith.index_cast %get3A_2481 : i32 to index
    %get3A_2483 = arith.constant 80 : index
    %get3A_2484 = tpu.vector_load %arg7[%get3A_2482, %get3A_2483] {strides = array<i32>} : memref<32x128xf32, #tpu.memory_space<vmem>>, vector<1x16xf32>,
    %get3A_2485 = vector.shape_cast %get3A_2484 : vector<1x16xf32> to vector<16xf32>
    %get3A_2486 = arith.constant 25 : i32
    %get3A_2487 = arith.index_cast %get3A_2486 : i32 to index
    %get3A_2488 = arith.constant 80 : index
    %get3A_2489 = tpu.vector_load %arg8[%get3A_2487, %get3A_2488] {strides = array<i32>} : memref<32x128xf32, #tpu.memory_space<vmem>>, vector<1x16xf32>,
    %get3A_2490 = vector.shape_cast %get3A_2489 : vector<1x16xf32> to vector<16xf32>
    %mul3A_2491 = arith.mulf %get3A_2485, %get3A_2490 : vector<16xf32>
    %add3A_2492 = arith.addf %add3A_2396, %mul3A_2491 : vector<16xf32>
    %get3A_2493 = arith.constant 25 : i32
    %get3A_2494 = arith.index_cast %get3A_2493 : i32 to index
    %get3A_2495 = arith.constant 96 : index
    %get3A_2496 = tpu.vector_load %arg7[%get3A_2494, %get3A_2495] {strides = array<i32>} : memref<32x128xf32, #tpu.memory_space<vmem>>, vector<1x16xf32>,
    %get3A_2497 = vector.shape_cast %get3A_2496 : vector<1x16xf32> to vector<16xf32>
    %get3A_2498 = arith.constant 25 : i32
    %get3A_2499 = arith.index_cast %get3A_2498 : i32 to index
    %get3A_2500 = arith.constant 96 : index
    %get3A_2501 = tpu.vector_load %arg8[%get3A_2499, %get3A_2500] {strides = array<i32>} : memref<32x128xf32, #tpu.memory_space<vmem>>, vector<1x16xf32>,
    %get3A_2502 = vector.shape_cast %get3A_2501 : vector<1x16xf32> to vector<16xf32>
    %mul3A_2503 = arith.mulf %get3A_2497, %get3A_2502 : vector<16xf32>
    %add3A_2504 = arith.addf %add3A_2408, %mul3A_2503 : vector<16xf32>
    %get3A_2505 = arith.constant 25 : i32
    %get3A_2506 = arith.index_cast %get3A_2505 : i32 to index
    %get3A_2507 = arith.constant 112 : index
    %get3A_2508 = tpu.vector_load %arg7[%get3A_2506, %get3A_2507] {strides = array<i32>} : memref<32x128xf32, #tpu.memory_space<vmem>>, vector<1x16xf32>,
    %get3A_2509 = vector.shape_cast %get3A_2508 : vector<1x16xf32> to vector<16xf32>
    %get3A_2510 = arith.constant 25 : i32
    %get3A_2511 = arith.index_cast %get3A_2510 : i32 to index
    %get3A_2512 = arith.constant 112 : index
    %get3A_2513 = tpu.vector_load %arg8[%get3A_2511, %get3A_2512] {strides = array<i32>} : memref<32x128xf32, #tpu.memory_space<vmem>>, vector<1x16xf32>,
    %get3A_2514 = vector.shape_cast %get3A_2513 : vector<1x16xf32> to vector<16xf32>
    %mul3A_2515 = arith.mulf %get3A_2509, %get3A_2514 : vector<16xf32>
    %add3A_2516 = arith.addf %add3A_2420, %mul3A_2515 : vector<16xf32>
    %get3A_2517 = arith.constant 26 : i32
    %get3A_2518 = arith.index_cast %get3A_2517 : i32 to index
    %get3A_2519 = arith.constant 0 : index
    %get3A_2520 = tpu.vector_load %arg7[%get3A_2518, %get3A_2519] {strides = array<i32>} : memref<32x128xf32, #tpu.memory_space<vmem>>, vector<1x16xf32>,
    %get3A_2521 = vector.shape_cast %get3A_2520 : vector<1x16xf32> to vector<16xf32>
    %get3A_2522 = arith.constant 26 : i32
    %get3A_2523 = arith.index_cast %get3A_2522 : i32 to index
    %get3A_2524 = arith.constant 0 : index
    %get3A_2525 = tpu.vector_load %arg8[%get3A_2523, %get3A_2524] {strides = array<i32>} : memref<32x128xf32, #tpu.memory_space<vmem>>, vector<1x16xf32>,
    %get3A_2526 = vector.shape_cast %get3A_2525 : vector<1x16xf32> to vector<16xf32>
    %mul3A_2527 = arith.mulf %get3A_2521, %get3A_2526 : vector<16xf32>
    %add3A_2528 = arith.addf %add3A_2432, %mul3A_2527 : vector<16xf32>
    %get3A_2529 = arith.constant 26 : i32
    %get3A_2530 = arith.index_cast %get3A_2529 : i32 to index
    %get3A_2531 = arith.constant 16 : index
    %get3A_2532 = tpu.vector_load %arg7[%get3A_2530, %get3A_2531] {strides = array<i32>} : memref<32x128xf32, #tpu.memory_space<vmem>>, vector<1x16xf32>,
    %get3A_2533 = vector.shape_cast %get3A_2532 : vector<1x16xf32> to vector<16xf32>
    %get3A_2534 = arith.constant 26 : i32
    %get3A_2535 = arith.index_cast %get3A_2534 : i32 to index
    %get3A_2536 = arith.constant 16 : index
    %get3A_2537 = tpu.vector_load %arg8[%get3A_2535, %get3A_2536] {strides = array<i32>} : memref<32x128xf32, #tpu.memory_space<vmem>>, vector<1x16xf32>,
    %get3A_2538 = vector.shape_cast %get3A_2537 : vector<1x16xf32> to vector<16xf32>
    %mul3A_2539 = arith.mulf %get3A_2533, %get3A_2538 : vector<16xf32>
    %add3A_2540 = arith.addf %add3A_2444, %mul3A_2539 : vector<16xf32>
    %get3A_2541 = arith.constant 26 : i32
    %get3A_2542 = arith.index_cast %get3A_2541 : i32 to index
    %get3A_2543 = arith.constant 32 : index
    %get3A_2544 = tpu.vector_load %arg7[%get3A_2542, %get3A_2543] {strides = array<i32>} : memref<32x128xf32, #tpu.memory_space<vmem>>, vector<1x16xf32>,
    %get3A_2545 = vector.shape_cast %get3A_2544 : vector<1x16xf32> to vector<16xf32>
    %get3A_2546 = arith.constant 26 : i32
    %get3A_2547 = arith.index_cast %get3A_2546 : i32 to index
    %get3A_2548 = arith.constant 32 : index
    %get3A_2549 = tpu.vector_load %arg8[%get3A_2547, %get3A_2548] {strides = array<i32>} : memref<32x128xf32, #tpu.memory_space<vmem>>, vector<1x16xf32>,
    %get3A_2550 = vector.shape_cast %get3A_2549 : vector<1x16xf32> to vector<16xf32>
    %mul3A_2551 = arith.mulf %get3A_2545, %get3A_2550 : vector<16xf32>
    %add3A_2552 = arith.addf %add3A_2456, %mul3A_2551 : vector<16xf32>
    %get3A_2553 = arith.constant 26 : i32
    %get3A_2554 = arith.index_cast %get3A_2553 : i32 to index
    %get3A_2555 = arith.constant 48 : index
    %get3A_2556 = tpu.vector_load %arg7[%get3A_2554, %get3A_2555] {strides = array<i32>} : memref<32x128xf32, #tpu.memory_space<vmem>>, vector<1x16xf32>,
    %get3A_2557 = vector.shape_cast %get3A_2556 : vector<1x16xf32> to vector<16xf32>
    %get3A_2558 = arith.constant 26 : i32
    %get3A_2559 = arith.index_cast %get3A_2558 : i32 to index
    %get3A_2560 = arith.constant 48 : index
    %get3A_2561 = tpu.vector_load %arg8[%get3A_2559, %get3A_2560] {strides = array<i32>} : memref<32x128xf32, #tpu.memory_space<vmem>>, vector<1x16xf32>,
    %get3A_2562 = vector.shape_cast %get3A_2561 : vector<1x16xf32> to vector<16xf32>
    %mul3A_2563 = arith.mulf %get3A_2557, %get3A_2562 : vector<16xf32>
    %add3A_2564 = arith.addf %add3A_2468, %mul3A_2563 : vector<16xf32>
    %get3A_2565 = arith.constant 26 : i32
    %get3A_2566 = arith.index_cast %get3A_2565 : i32 to index
    %get3A_2567 = arith.constant 64 : index
    %get3A_2568 = tpu.vector_load %arg7[%get3A_2566, %get3A_2567] {strides = array<i32>} : memref<32x128xf32, #tpu.memory_space<vmem>>, vector<1x16xf32>,
    %get3A_2569 = vector.shape_cast %get3A_2568 : vector<1x16xf32> to vector<16xf32>
    %get3A_2570 = arith.constant 26 : i32
    %get3A_2571 = arith.index_cast %get3A_2570 : i32 to index
    %get3A_2572 = arith.constant 64 : index
    %get3A_2573 = tpu.vector_load %arg8[%get3A_2571, %get3A_2572] {strides = array<i32>} : memref<32x128xf32, #tpu.memory_space<vmem>>, vector<1x16xf32>,
    %get3A_2574 = vector.shape_cast %get3A_2573 : vector<1x16xf32> to vector<16xf32>
    %mul3A_2575 = arith.mulf %get3A_2569, %get3A_2574 : vector<16xf32>
    %add3A_2576 = arith.addf %add3A_2480, %mul3A_2575 : vector<16xf32>
    %get3A_2577 = arith.constant 26 : i32
    %get3A_2578 = arith.index_cast %get3A_2577 : i32 to index
    %get3A_2579 = arith.constant 80 : index
    %get3A_2580 = tpu.vector_load %arg7[%get3A_2578, %get3A_2579] {strides = array<i32>} : memref<32x128xf32, #tpu.memory_space<vmem>>, vector<1x16xf32>,
    %get3A_2581 = vector.shape_cast %get3A_2580 : vector<1x16xf32> to vector<16xf32>
    %get3A_2582 = arith.constant 26 : i32
    %get3A_2583 = arith.index_cast %get3A_2582 : i32 to index
    %get3A_2584 = arith.constant 80 : index
    %get3A_2585 = tpu.vector_load %arg8[%get3A_2583, %get3A_2584] {strides = array<i32>} : memref<32x128xf32, #tpu.memory_space<vmem>>, vector<1x16xf32>,
    %get3A_2586 = vector.shape_cast %get3A_2585 : vector<1x16xf32> to vector<16xf32>
    %mul3A_2587 = arith.mulf %get3A_2581, %get3A_2586 : vector<16xf32>
    %add3A_2588 = arith.addf %add3A_2492, %mul3A_2587 : vector<16xf32>
    %get3A_2589 = arith.constant 26 : i32
    %get3A_2590 = arith.index_cast %get3A_2589 : i32 to index
    %get3A_2591 = arith.constant 96 : index
    %get3A_2592 = tpu.vector_load %arg7[%get3A_2590, %get3A_2591] {strides = array<i32>} : memref<32x128xf32, #tpu.memory_space<vmem>>, vector<1x16xf32>,
    %get3A_2593 = vector.shape_cast %get3A_2592 : vector<1x16xf32> to vector<16xf32>
    %get3A_2594 = arith.constant 26 : i32
    %get3A_2595 = arith.index_cast %get3A_2594 : i32 to index
    %get3A_2596 = arith.constant 96 : index
    %get3A_2597 = tpu.vector_load %arg8[%get3A_2595, %get3A_2596] {strides = array<i32>} : memref<32x128xf32, #tpu.memory_space<vmem>>, vector<1x16xf32>,
    %get3A_2598 = vector.shape_cast %get3A_2597 : vector<1x16xf32> to vector<16xf32>
    %mul3A_2599 = arith.mulf %get3A_2593, %get3A_2598 : vector<16xf32>
    %add3A_2600 = arith.addf %add3A_2504, %mul3A_2599 : vector<16xf32>
    %get3A_2601 = arith.constant 26 : i32
    %get3A_2602 = arith.index_cast %get3A_2601 : i32 to index
    %get3A_2603 = arith.constant 112 : index
    %get3A_2604 = tpu.vector_load %arg7[%get3A_2602, %get3A_2603] {strides = array<i32>} : memref<32x128xf32, #tpu.memory_space<vmem>>, vector<1x16xf32>,
    %get3A_2605 = vector.shape_cast %get3A_2604 : vector<1x16xf32> to vector<16xf32>
    %get3A_2606 = arith.constant 26 : i32
    %get3A_2607 = arith.index_cast %get3A_2606 : i32 to index
    %get3A_2608 = arith.constant 112 : index
    %get3A_2609 = tpu.vector_load %arg8[%get3A_2607, %get3A_2608] {strides = array<i32>} : memref<32x128xf32, #tpu.memory_space<vmem>>, vector<1x16xf32>,
    %get3A_2610 = vector.shape_cast %get3A_2609 : vector<1x16xf32> to vector<16xf32>
    %mul3A_2611 = arith.mulf %get3A_2605, %get3A_2610 : vector<16xf32>
    %add3A_2612 = arith.addf %add3A_2516, %mul3A_2611 : vector<16xf32>
    %get3A_2613 = arith.constant 27 : i32
    %get3A_2614 = arith.index_cast %get3A_2613 : i32 to index
    %get3A_2615 = arith.constant 0 : index
    %get3A_2616 = tpu.vector_load %arg7[%get3A_2614, %get3A_2615] {strides = array<i32>} : memref<32x128xf32, #tpu.memory_space<vmem>>, vector<1x16xf32>,
    %get3A_2617 = vector.shape_cast %get3A_2616 : vector<1x16xf32> to vector<16xf32>
    %get3A_2618 = arith.constant 27 : i32
    %get3A_2619 = arith.index_cast %get3A_2618 : i32 to index
    %get3A_2620 = arith.constant 0 : index
    %get3A_2621 = tpu.vector_load %arg8[%get3A_2619, %get3A_2620] {strides = array<i32>} : memref<32x128xf32, #tpu.memory_space<vmem>>, vector<1x16xf32>,
    %get3A_2622 = vector.shape_cast %get3A_2621 : vector<1x16xf32> to vector<16xf32>
    %mul3A_2623 = arith.mulf %get3A_2617, %get3A_2622 : vector<16xf32>
    %add3A_2624 = arith.addf %add3A_2528, %mul3A_2623 : vector<16xf32>
    %get3A_2625 = arith.constant 27 : i32
    %get3A_2626 = arith.index_cast %get3A_2625 : i32 to index
    %get3A_2627 = arith.constant 16 : index
    %get3A_2628 = tpu.vector_load %arg7[%get3A_2626, %get3A_2627] {strides = array<i32>} : memref<32x128xf32, #tpu.memory_space<vmem>>, vector<1x16xf32>,
    %get3A_2629 = vector.shape_cast %get3A_2628 : vector<1x16xf32> to vector<16xf32>
    %get3A_2630 = arith.constant 27 : i32
    %get3A_2631 = arith.index_cast %get3A_2630 : i32 to index
    %get3A_2632 = arith.constant 16 : index
    %get3A_2633 = tpu.vector_load %arg8[%get3A_2631, %get3A_2632] {strides = array<i32>} : memref<32x128xf32, #tpu.memory_space<vmem>>, vector<1x16xf32>,
    %get3A_2634 = vector.shape_cast %get3A_2633 : vector<1x16xf32> to vector<16xf32>
    %mul3A_2635 = arith.mulf %get3A_2629, %get3A_2634 : vector<16xf32>
    %add3A_2636 = arith.addf %add3A_2540, %mul3A_2635 : vector<16xf32>
    %get3A_2637 = arith.constant 27 : i32
    %get3A_2638 = arith.index_cast %get3A_2637 : i32 to index
    %get3A_2639 = arith.constant 32 : index
    %get3A_2640 = tpu.vector_load %arg7[%get3A_2638, %get3A_2639] {strides = array<i32>} : memref<32x128xf32, #tpu.memory_space<vmem>>, vector<1x16xf32>,
    %get3A_2641 = vector.shape_cast %get3A_2640 : vector<1x16xf32> to vector<16xf32>
    %get3A_2642 = arith.constant 27 : i32
    %get3A_2643 = arith.index_cast %get3A_2642 : i32 to index
    %get3A_2644 = arith.constant 32 : index
    %get3A_2645 = tpu.vector_load %arg8[%get3A_2643, %get3A_2644] {strides = array<i32>} : memref<32x128xf32, #tpu.memory_space<vmem>>, vector<1x16xf32>,
    %get3A_2646 = vector.shape_cast %get3A_2645 : vector<1x16xf32> to vector<16xf32>
    %mul3A_2647 = arith.mulf %get3A_2641, %get3A_2646 : vector<16xf32>
    %add3A_2648 = arith.addf %add3A_2552, %mul3A_2647 : vector<16xf32>
    %get3A_2649 = arith.constant 27 : i32
    %get3A_2650 = arith.index_cast %get3A_2649 : i32 to index
    %get3A_2651 = arith.constant 48 : index
    %get3A_2652 = tpu.vector_load %arg7[%get3A_2650, %get3A_2651] {strides = array<i32>} : memref<32x128xf32, #tpu.memory_space<vmem>>, vector<1x16xf32>,
    %get3A_2653 = vector.shape_cast %get3A_2652 : vector<1x16xf32> to vector<16xf32>
    %get3A_2654 = arith.constant 27 : i32
    %get3A_2655 = arith.index_cast %get3A_2654 : i32 to index
    %get3A_2656 = arith.constant 48 : index
    %get3A_2657 = tpu.vector_load %arg8[%get3A_2655, %get3A_2656] {strides = array<i32>} : memref<32x128xf32, #tpu.memory_space<vmem>>, vector<1x16xf32>,
    %get3A_2658 = vector.shape_cast %get3A_2657 : vector<1x16xf32> to vector<16xf32>
    %mul3A_2659 = arith.mulf %get3A_2653, %get3A_2658 : vector<16xf32>
    %add3A_2660 = arith.addf %add3A_2564, %mul3A_2659 : vector<16xf32>
    %get3A_2661 = arith.constant 27 : i32
    %get3A_2662 = arith.index_cast %get3A_2661 : i32 to index
    %get3A_2663 = arith.constant 64 : index
    %get3A_2664 = tpu.vector_load %arg7[%get3A_2662, %get3A_2663] {strides = array<i32>} : memref<32x128xf32, #tpu.memory_space<vmem>>, vector<1x16xf32>,
    %get3A_2665 = vector.shape_cast %get3A_2664 : vector<1x16xf32> to vector<16xf32>
    %get3A_2666 = arith.constant 27 : i32
    %get3A_2667 = arith.index_cast %get3A_2666 : i32 to index
    %get3A_2668 = arith.constant 64 : index
    %get3A_2669 = tpu.vector_load %arg8[%get3A_2667, %get3A_2668] {strides = array<i32>} : memref<32x128xf32, #tpu.memory_space<vmem>>, vector<1x16xf32>,
    %get3A_2670 = vector.shape_cast %get3A_2669 : vector<1x16xf32> to vector<16xf32>
    %mul3A_2671 = arith.mulf %get3A_2665, %get3A_2670 : vector<16xf32>
    %add3A_2672 = arith.addf %add3A_2576, %mul3A_2671 : vector<16xf32>
    %get3A_2673 = arith.constant 27 : i32
    %get3A_2674 = arith.index_cast %get3A_2673 : i32 to index
    %get3A_2675 = arith.constant 80 : index
    %get3A_2676 = tpu.vector_load %arg7[%get3A_2674, %get3A_2675] {strides = array<i32>} : memref<32x128xf32, #tpu.memory_space<vmem>>, vector<1x16xf32>,
    %get3A_2677 = vector.shape_cast %get3A_2676 : vector<1x16xf32> to vector<16xf32>
    %get3A_2678 = arith.constant 27 : i32
    %get3A_2679 = arith.index_cast %get3A_2678 : i32 to index
    %get3A_2680 = arith.constant 80 : index
    %get3A_2681 = tpu.vector_load %arg8[%get3A_2679, %get3A_2680] {strides = array<i32>} : memref<32x128xf32, #tpu.memory_space<vmem>>, vector<1x16xf32>,
    %get3A_2682 = vector.shape_cast %get3A_2681 : vector<1x16xf32> to vector<16xf32>
    %mul3A_2683 = arith.mulf %get3A_2677, %get3A_2682 : vector<16xf32>
    %add3A_2684 = arith.addf %add3A_2588, %mul3A_2683 : vector<16xf32>
    %get3A_2685 = arith.constant 27 : i32
    %get3A_2686 = arith.index_cast %get3A_2685 : i32 to index
    %get3A_2687 = arith.constant 96 : index
    %get3A_2688 = tpu.vector_load %arg7[%get3A_2686, %get3A_2687] {strides = array<i32>} : memref<32x128xf32, #tpu.memory_space<vmem>>, vector<1x16xf32>,
    %get3A_2689 = vector.shape_cast %get3A_2688 : vector<1x16xf32> to vector<16xf32>
    %get3A_2690 = arith.constant 27 : i32
    %get3A_2691 = arith.index_cast %get3A_2690 : i32 to index
    %get3A_2692 = arith.constant 96 : index
    %get3A_2693 = tpu.vector_load %arg8[%get3A_2691, %get3A_2692] {strides = array<i32>} : memref<32x128xf32, #tpu.memory_space<vmem>>, vector<1x16xf32>,
    %get3A_2694 = vector.shape_cast %get3A_2693 : vector<1x16xf32> to vector<16xf32>
    %mul3A_2695 = arith.mulf %get3A_2689, %get3A_2694 : vector<16xf32>
    %add3A_2696 = arith.addf %add3A_2600, %mul3A_2695 : vector<16xf32>
    %get3A_2697 = arith.constant 27 : i32
    %get3A_2698 = arith.index_cast %get3A_2697 : i32 to index
    %get3A_2699 = arith.constant 112 : index
    %get3A_2700 = tpu.vector_load %arg7[%get3A_2698, %get3A_2699] {strides = array<i32>} : memref<32x128xf32, #tpu.memory_space<vmem>>, vector<1x16xf32>,
    %get3A_2701 = vector.shape_cast %get3A_2700 : vector<1x16xf32> to vector<16xf32>
    %get3A_2702 = arith.constant 27 : i32
    %get3A_2703 = arith.index_cast %get3A_2702 : i32 to index
    %get3A_2704 = arith.constant 112 : index
    %get3A_2705 = tpu.vector_load %arg8[%get3A_2703, %get3A_2704] {strides = array<i32>} : memref<32x128xf32, #tpu.memory_space<vmem>>, vector<1x16xf32>,
    %get3A_2706 = vector.shape_cast %get3A_2705 : vector<1x16xf32> to vector<16xf32>
    %mul3A_2707 = arith.mulf %get3A_2701, %get3A_2706 : vector<16xf32>
    %add3A_2708 = arith.addf %add3A_2612, %mul3A_2707 : vector<16xf32>
    %get3A_2709 = arith.constant 28 : i32
    %get3A_2710 = arith.index_cast %get3A_2709 : i32 to index
    %get3A_2711 = arith.constant 0 : index
    %get3A_2712 = tpu.vector_load %arg7[%get3A_2710, %get3A_2711] {strides = array<i32>} : memref<32x128xf32, #tpu.memory_space<vmem>>, vector<1x16xf32>,
    %get3A_2713 = vector.shape_cast %get3A_2712 : vector<1x16xf32> to vector<16xf32>
    %get3A_2714 = arith.constant 28 : i32
    %get3A_2715 = arith.index_cast %get3A_2714 : i32 to index
    %get3A_2716 = arith.constant 0 : index
    %get3A_2717 = tpu.vector_load %arg8[%get3A_2715, %get3A_2716] {strides = array<i32>} : memref<32x128xf32, #tpu.memory_space<vmem>>, vector<1x16xf32>,
    %get3A_2718 = vector.shape_cast %get3A_2717 : vector<1x16xf32> to vector<16xf32>
    %mul3A_2719 = arith.mulf %get3A_2713, %get3A_2718 : vector<16xf32>
    %add3A_2720 = arith.addf %add3A_2624, %mul3A_2719 : vector<16xf32>
    %get3A_2721 = arith.constant 28 : i32
    %get3A_2722 = arith.index_cast %get3A_2721 : i32 to index
    %get3A_2723 = arith.constant 16 : index
    %get3A_2724 = tpu.vector_load %arg7[%get3A_2722, %get3A_2723] {strides = array<i32>} : memref<32x128xf32, #tpu.memory_space<vmem>>, vector<1x16xf32>,
    %get3A_2725 = vector.shape_cast %get3A_2724 : vector<1x16xf32> to vector<16xf32>
    %get3A_2726 = arith.constant 28 : i32
    %get3A_2727 = arith.index_cast %get3A_2726 : i32 to index
    %get3A_2728 = arith.constant 16 : index
    %get3A_2729 = tpu.vector_load %arg8[%get3A_2727, %get3A_2728] {strides = array<i32>} : memref<32x128xf32, #tpu.memory_space<vmem>>, vector<1x16xf32>,
    %get3A_2730 = vector.shape_cast %get3A_2729 : vector<1x16xf32> to vector<16xf32>
    %mul3A_2731 = arith.mulf %get3A_2725, %get3A_2730 : vector<16xf32>
    %add3A_2732 = arith.addf %add3A_2636, %mul3A_2731 : vector<16xf32>
    %get3A_2733 = arith.constant 28 : i32
    %get3A_2734 = arith.index_cast %get3A_2733 : i32 to index
    %get3A_2735 = arith.constant 32 : index
    %get3A_2736 = tpu.vector_load %arg7[%get3A_2734, %get3A_2735] {strides = array<i32>} : memref<32x128xf32, #tpu.memory_space<vmem>>, vector<1x16xf32>,
    %get3A_2737 = vector.shape_cast %get3A_2736 : vector<1x16xf32> to vector<16xf32>
    %get3A_2738 = arith.constant 28 : i32
    %get3A_2739 = arith.index_cast %get3A_2738 : i32 to index
    %get3A_2740 = arith.constant 32 : index
    %get3A_2741 = tpu.vector_load %arg8[%get3A_2739, %get3A_2740] {strides = array<i32>} : memref<32x128xf32, #tpu.memory_space<vmem>>, vector<1x16xf32>,
    %get3A_2742 = vector.shape_cast %get3A_2741 : vector<1x16xf32> to vector<16xf32>
    %mul3A_2743 = arith.mulf %get3A_2737, %get3A_2742 : vector<16xf32>
    %add3A_2744 = arith.addf %add3A_2648, %mul3A_2743 : vector<16xf32>
    %get3A_2745 = arith.constant 28 : i32
    %get3A_2746 = arith.index_cast %get3A_2745 : i32 to index
    %get3A_2747 = arith.constant 48 : index
    %get3A_2748 = tpu.vector_load %arg7[%get3A_2746, %get3A_2747] {strides = array<i32>} : memref<32x128xf32, #tpu.memory_space<vmem>>, vector<1x16xf32>,
    %get3A_2749 = vector.shape_cast %get3A_2748 : vector<1x16xf32> to vector<16xf32>
    %get3A_2750 = arith.constant 28 : i32
    %get3A_2751 = arith.index_cast %get3A_2750 : i32 to index
    %get3A_2752 = arith.constant 48 : index
    %get3A_2753 = tpu.vector_load %arg8[%get3A_2751, %get3A_2752] {strides = array<i32>} : memref<32x128xf32, #tpu.memory_space<vmem>>, vector<1x16xf32>,
    %get3A_2754 = vector.shape_cast %get3A_2753 : vector<1x16xf32> to vector<16xf32>
    %mul3A_2755 = arith.mulf %get3A_2749, %get3A_2754 : vector<16xf32>
    %add3A_2756 = arith.addf %add3A_2660, %mul3A_2755 : vector<16xf32>
    %get3A_2757 = arith.constant 28 : i32
    %get3A_2758 = arith.index_cast %get3A_2757 : i32 to index
    %get3A_2759 = arith.constant 64 : index
    %get3A_2760 = tpu.vector_load %arg7[%get3A_2758, %get3A_2759] {strides = array<i32>} : memref<32x128xf32, #tpu.memory_space<vmem>>, vector<1x16xf32>,
    %get3A_2761 = vector.shape_cast %get3A_2760 : vector<1x16xf32> to vector<16xf32>
    %get3A_2762 = arith.constant 28 : i32
    %get3A_2763 = arith.index_cast %get3A_2762 : i32 to index
    %get3A_2764 = arith.constant 64 : index
    %get3A_2765 = tpu.vector_load %arg8[%get3A_2763, %get3A_2764] {strides = array<i32>} : memref<32x128xf32, #tpu.memory_space<vmem>>, vector<1x16xf32>,
    %get3A_2766 = vector.shape_cast %get3A_2765 : vector<1x16xf32> to vector<16xf32>
    %mul3A_2767 = arith.mulf %get3A_2761, %get3A_2766 : vector<16xf32>
    %add3A_2768 = arith.addf %add3A_2672, %mul3A_2767 : vector<16xf32>
    %get3A_2769 = arith.constant 28 : i32
    %get3A_2770 = arith.index_cast %get3A_2769 : i32 to index
    %get3A_2771 = arith.constant 80 : index
    %get3A_2772 = tpu.vector_load %arg7[%get3A_2770, %get3A_2771] {strides = array<i32>} : memref<32x128xf32, #tpu.memory_space<vmem>>, vector<1x16xf32>,
    %get3A_2773 = vector.shape_cast %get3A_2772 : vector<1x16xf32> to vector<16xf32>
    %get3A_2774 = arith.constant 28 : i32
    %get3A_2775 = arith.index_cast %get3A_2774 : i32 to index
    %get3A_2776 = arith.constant 80 : index
    %get3A_2777 = tpu.vector_load %arg8[%get3A_2775, %get3A_2776] {strides = array<i32>} : memref<32x128xf32, #tpu.memory_space<vmem>>, vector<1x16xf32>,
    %get3A_2778 = vector.shape_cast %get3A_2777 : vector<1x16xf32> to vector<16xf32>
    %mul3A_2779 = arith.mulf %get3A_2773, %get3A_2778 : vector<16xf32>
    %add3A_2780 = arith.addf %add3A_2684, %mul3A_2779 : vector<16xf32>
    %get3A_2781 = arith.constant 28 : i32
    %get3A_2782 = arith.index_cast %get3A_2781 : i32 to index
    %get3A_2783 = arith.constant 96 : index
    %get3A_2784 = tpu.vector_load %arg7[%get3A_2782, %get3A_2783] {strides = array<i32>} : memref<32x128xf32, #tpu.memory_space<vmem>>, vector<1x16xf32>,
    %get3A_2785 = vector.shape_cast %get3A_2784 : vector<1x16xf32> to vector<16xf32>
    %get3A_2786 = arith.constant 28 : i32
    %get3A_2787 = arith.index_cast %get3A_2786 : i32 to index
    %get3A_2788 = arith.constant 96 : index
    %get3A_2789 = tpu.vector_load %arg8[%get3A_2787, %get3A_2788] {strides = array<i32>} : memref<32x128xf32, #tpu.memory_space<vmem>>, vector<1x16xf32>,
    %get3A_2790 = vector.shape_cast %get3A_2789 : vector<1x16xf32> to vector<16xf32>
    %mul3A_2791 = arith.mulf %get3A_2785, %get3A_2790 : vector<16xf32>
    %add3A_2792 = arith.addf %add3A_2696, %mul3A_2791 : vector<16xf32>
    %get3A_2793 = arith.constant 28 : i32
    %get3A_2794 = arith.index_cast %get3A_2793 : i32 to index
    %get3A_2795 = arith.constant 112 : index
    %get3A_2796 = tpu.vector_load %arg7[%get3A_2794, %get3A_2795] {strides = array<i32>} : memref<32x128xf32, #tpu.memory_space<vmem>>, vector<1x16xf32>,
    %get3A_2797 = vector.shape_cast %get3A_2796 : vector<1x16xf32> to vector<16xf32>
    %get3A_2798 = arith.constant 28 : i32
    %get3A_2799 = arith.index_cast %get3A_2798 : i32 to index
    %get3A_2800 = arith.constant 112 : index
    %get3A_2801 = tpu.vector_load %arg8[%get3A_2799, %get3A_2800] {strides = array<i32>} : memref<32x128xf32, #tpu.memory_space<vmem>>, vector<1x16xf32>,
    %get3A_2802 = vector.shape_cast %get3A_2801 : vector<1x16xf32> to vector<16xf32>
    %mul3A_2803 = arith.mulf %get3A_2797, %get3A_2802 : vector<16xf32>
    %add3A_2804 = arith.addf %add3A_2708, %mul3A_2803 : vector<16xf32>
    %get3A_2805 = arith.constant 29 : i32
    %get3A_2806 = arith.index_cast %get3A_2805 : i32 to index
    %get3A_2807 = arith.constant 0 : index
    %get3A_2808 = tpu.vector_load %arg7[%get3A_2806, %get3A_2807] {strides = array<i32>} : memref<32x128xf32, #tpu.memory_space<vmem>>, vector<1x16xf32>,
    %get3A_2809 = vector.shape_cast %get3A_2808 : vector<1x16xf32> to vector<16xf32>
    %get3A_2810 = arith.constant 29 : i32
    %get3A_2811 = arith.index_cast %get3A_2810 : i32 to index
    %get3A_2812 = arith.constant 0 : index
    %get3A_2813 = tpu.vector_load %arg8[%get3A_2811, %get3A_2812] {strides = array<i32>} : memref<32x128xf32, #tpu.memory_space<vmem>>, vector<1x16xf32>,
    %get3A_2814 = vector.shape_cast %get3A_2813 : vector<1x16xf32> to vector<16xf32>
    %mul3A_2815 = arith.mulf %get3A_2809, %get3A_2814 : vector<16xf32>
    %add3A_2816 = arith.addf %add3A_2720, %mul3A_2815 : vector<16xf32>
    %get3A_2817 = arith.constant 29 : i32
    %get3A_2818 = arith.index_cast %get3A_2817 : i32 to index
    %get3A_2819 = arith.constant 16 : index
    %get3A_2820 = tpu.vector_load %arg7[%get3A_2818, %get3A_2819] {strides = array<i32>} : memref<32x128xf32, #tpu.memory_space<vmem>>, vector<1x16xf32>,
    %get3A_2821 = vector.shape_cast %get3A_2820 : vector<1x16xf32> to vector<16xf32>
    %get3A_2822 = arith.constant 29 : i32
    %get3A_2823 = arith.index_cast %get3A_2822 : i32 to index
    %get3A_2824 = arith.constant 16 : index
    %get3A_2825 = tpu.vector_load %arg8[%get3A_2823, %get3A_2824] {strides = array<i32>} : memref<32x128xf32, #tpu.memory_space<vmem>>, vector<1x16xf32>,
    %get3A_2826 = vector.shape_cast %get3A_2825 : vector<1x16xf32> to vector<16xf32>
    %mul3A_2827 = arith.mulf %get3A_2821, %get3A_2826 : vector<16xf32>
    %add3A_2828 = arith.addf %add3A_2732, %mul3A_2827 : vector<16xf32>
    %get3A_2829 = arith.constant 29 : i32
    %get3A_2830 = arith.index_cast %get3A_2829 : i32 to index
    %get3A_2831 = arith.constant 32 : index
    %get3A_2832 = tpu.vector_load %arg7[%get3A_2830, %get3A_2831] {strides = array<i32>} : memref<32x128xf32, #tpu.memory_space<vmem>>, vector<1x16xf32>,
    %get3A_2833 = vector.shape_cast %get3A_2832 : vector<1x16xf32> to vector<16xf32>
    %get3A_2834 = arith.constant 29 : i32
    %get3A_2835 = arith.index_cast %get3A_2834 : i32 to index
    %get3A_2836 = arith.constant 32 : index
    %get3A_2837 = tpu.vector_load %arg8[%get3A_2835, %get3A_2836] {strides = array<i32>} : memref<32x128xf32, #tpu.memory_space<vmem>>, vector<1x16xf32>,
    %get3A_2838 = vector.shape_cast %get3A_2837 : vector<1x16xf32> to vector<16xf32>
    %mul3A_2839 = arith.mulf %get3A_2833, %get3A_2838 : vector<16xf32>
    %add3A_2840 = arith.addf %add3A_2744, %mul3A_2839 : vector<16xf32>
    %get3A_2841 = arith.constant 29 : i32
    %get3A_2842 = arith.index_cast %get3A_2841 : i32 to index
    %get3A_2843 = arith.constant 48 : index
    %get3A_2844 = tpu.vector_load %arg7[%get3A_2842, %get3A_2843] {strides = array<i32>} : memref<32x128xf32, #tpu.memory_space<vmem>>, vector<1x16xf32>,
    %get3A_2845 = vector.shape_cast %get3A_2844 : vector<1x16xf32> to vector<16xf32>
    %get3A_2846 = arith.constant 29 : i32
    %get3A_2847 = arith.index_cast %get3A_2846 : i32 to index
    %get3A_2848 = arith.constant 48 : index
    %get3A_2849 = tpu.vector_load %arg8[%get3A_2847, %get3A_2848] {strides = array<i32>} : memref<32x128xf32, #tpu.memory_space<vmem>>, vector<1x16xf32>,
    %get3A_2850 = vector.shape_cast %get3A_2849 : vector<1x16xf32> to vector<16xf32>
    %mul3A_2851 = arith.mulf %get3A_2845, %get3A_2850 : vector<16xf32>
    %add3A_2852 = arith.addf %add3A_2756, %mul3A_2851 : vector<16xf32>
    %get3A_2853 = arith.constant 29 : i32
    %get3A_2854 = arith.index_cast %get3A_2853 : i32 to index
    %get3A_2855 = arith.constant 64 : index
    %get3A_2856 = tpu.vector_load %arg7[%get3A_2854, %get3A_2855] {strides = array<i32>} : memref<32x128xf32, #tpu.memory_space<vmem>>, vector<1x16xf32>,
    %get3A_2857 = vector.shape_cast %get3A_2856 : vector<1x16xf32> to vector<16xf32>
    %get3A_2858 = arith.constant 29 : i32
    %get3A_2859 = arith.index_cast %get3A_2858 : i32 to index
    %get3A_2860 = arith.constant 64 : index
    %get3A_2861 = tpu.vector_load %arg8[%get3A_2859, %get3A_2860] {strides = array<i32>} : memref<32x128xf32, #tpu.memory_space<vmem>>, vector<1x16xf32>,
    %get3A_2862 = vector.shape_cast %get3A_2861 : vector<1x16xf32> to vector<16xf32>
    %mul3A_2863 = arith.mulf %get3A_2857, %get3A_2862 : vector<16xf32>
    %add3A_2864 = arith.addf %add3A_2768, %mul3A_2863 : vector<16xf32>
    %get3A_2865 = arith.constant 29 : i32
    %get3A_2866 = arith.index_cast %get3A_2865 : i32 to index
    %get3A_2867 = arith.constant 80 : index
    %get3A_2868 = tpu.vector_load %arg7[%get3A_2866, %get3A_2867] {strides = array<i32>} : memref<32x128xf32, #tpu.memory_space<vmem>>, vector<1x16xf32>,
    %get3A_2869 = vector.shape_cast %get3A_2868 : vector<1x16xf32> to vector<16xf32>
    %get3A_2870 = arith.constant 29 : i32
    %get3A_2871 = arith.index_cast %get3A_2870 : i32 to index
    %get3A_2872 = arith.constant 80 : index
    %get3A_2873 = tpu.vector_load %arg8[%get3A_2871, %get3A_2872] {strides = array<i32>} : memref<32x128xf32, #tpu.memory_space<vmem>>, vector<1x16xf32>,
    %get3A_2874 = vector.shape_cast %get3A_2873 : vector<1x16xf32> to vector<16xf32>
    %mul3A_2875 = arith.mulf %get3A_2869, %get3A_2874 : vector<16xf32>
    %add3A_2876 = arith.addf %add3A_2780, %mul3A_2875 : vector<16xf32>
    %get3A_2877 = arith.constant 29 : i32
    %get3A_2878 = arith.index_cast %get3A_2877 : i32 to index
    %get3A_2879 = arith.constant 96 : index
    %get3A_2880 = tpu.vector_load %arg7[%get3A_2878, %get3A_2879] {strides = array<i32>} : memref<32x128xf32, #tpu.memory_space<vmem>>, vector<1x16xf32>,
    %get3A_2881 = vector.shape_cast %get3A_2880 : vector<1x16xf32> to vector<16xf32>
    %get3A_2882 = arith.constant 29 : i32
    %get3A_2883 = arith.index_cast %get3A_2882 : i32 to index
    %get3A_2884 = arith.constant 96 : index
    %get3A_2885 = tpu.vector_load %arg8[%get3A_2883, %get3A_2884] {strides = array<i32>} : memref<32x128xf32, #tpu.memory_space<vmem>>, vector<1x16xf32>,
    %get3A_2886 = vector.shape_cast %get3A_2885 : vector<1x16xf32> to vector<16xf32>
    %mul3A_2887 = arith.mulf %get3A_2881, %get3A_2886 : vector<16xf32>
    %add3A_2888 = arith.addf %add3A_2792, %mul3A_2887 : vector<16xf32>
    %get3A_2889 = arith.constant 29 : i32
    %get3A_2890 = arith.index_cast %get3A_2889 : i32 to index
    %get3A_2891 = arith.constant 112 : index
    %get3A_2892 = tpu.vector_load %arg7[%get3A_2890, %get3A_2891] {strides = array<i32>} : memref<32x128xf32, #tpu.memory_space<vmem>>, vector<1x16xf32>,
    %get3A_2893 = vector.shape_cast %get3A_2892 : vector<1x16xf32> to vector<16xf32>
    %get3A_2894 = arith.constant 29 : i32
    %get3A_2895 = arith.index_cast %get3A_2894 : i32 to index
    %get3A_2896 = arith.constant 112 : index
    %get3A_2897 = tpu.vector_load %arg8[%get3A_2895, %get3A_2896] {strides = array<i32>} : memref<32x128xf32, #tpu.memory_space<vmem>>, vector<1x16xf32>,
    %get3A_2898 = vector.shape_cast %get3A_2897 : vector<1x16xf32> to vector<16xf32>
    %mul3A_2899 = arith.mulf %get3A_2893, %get3A_2898 : vector<16xf32>
    %add3A_2900 = arith.addf %add3A_2804, %mul3A_2899 : vector<16xf32>
    %get3A_2901 = arith.constant 30 : i32
    %get3A_2902 = arith.index_cast %get3A_2901 : i32 to index
    %get3A_2903 = arith.constant 0 : index
    %get3A_2904 = tpu.vector_load %arg7[%get3A_2902, %get3A_2903] {strides = array<i32>} : memref<32x128xf32, #tpu.memory_space<vmem>>, vector<1x16xf32>,
    %get3A_2905 = vector.shape_cast %get3A_2904 : vector<1x16xf32> to vector<16xf32>
    %get3A_2906 = arith.constant 30 : i32
    %get3A_2907 = arith.index_cast %get3A_2906 : i32 to index
    %get3A_2908 = arith.constant 0 : index
    %get3A_2909 = tpu.vector_load %arg8[%get3A_2907, %get3A_2908] {strides = array<i32>} : memref<32x128xf32, #tpu.memory_space<vmem>>, vector<1x16xf32>,
    %get3A_2910 = vector.shape_cast %get3A_2909 : vector<1x16xf32> to vector<16xf32>
    %mul3A_2911 = arith.mulf %get3A_2905, %get3A_2910 : vector<16xf32>
    %add3A_2912 = arith.addf %add3A_2816, %mul3A_2911 : vector<16xf32>
    %get3A_2913 = arith.constant 30 : i32
    %get3A_2914 = arith.index_cast %get3A_2913 : i32 to index
    %get3A_2915 = arith.constant 16 : index
    %get3A_2916 = tpu.vector_load %arg7[%get3A_2914, %get3A_2915] {strides = array<i32>} : memref<32x128xf32, #tpu.memory_space<vmem>>, vector<1x16xf32>,
    %get3A_2917 = vector.shape_cast %get3A_2916 : vector<1x16xf32> to vector<16xf32>
    %get3A_2918 = arith.constant 30 : i32
    %get3A_2919 = arith.index_cast %get3A_2918 : i32 to index
    %get3A_2920 = arith.constant 16 : index
    %get3A_2921 = tpu.vector_load %arg8[%get3A_2919, %get3A_2920] {strides = array<i32>} : memref<32x128xf32, #tpu.memory_space<vmem>>, vector<1x16xf32>,
    %get3A_2922 = vector.shape_cast %get3A_2921 : vector<1x16xf32> to vector<16xf32>
    %mul3A_2923 = arith.mulf %get3A_2917, %get3A_2922 : vector<16xf32>
    %add3A_2924 = arith.addf %add3A_2828, %mul3A_2923 : vector<16xf32>
    %get3A_2925 = arith.constant 30 : i32
    %get3A_2926 = arith.index_cast %get3A_2925 : i32 to index
    %get3A_2927 = arith.constant 32 : index
    %get3A_2928 = tpu.vector_load %arg7[%get3A_2926, %get3A_2927] {strides = array<i32>} : memref<32x128xf32, #tpu.memory_space<vmem>>, vector<1x16xf32>,
    %get3A_2929 = vector.shape_cast %get3A_2928 : vector<1x16xf32> to vector<16xf32>
    %get3A_2930 = arith.constant 30 : i32
    %get3A_2931 = arith.index_cast %get3A_2930 : i32 to index
    %get3A_2932 = arith.constant 32 : index
    %get3A_2933 = tpu.vector_load %arg8[%get3A_2931, %get3A_2932] {strides = array<i32>} : memref<32x128xf32, #tpu.memory_space<vmem>>, vector<1x16xf32>,
    %get3A_2934 = vector.shape_cast %get3A_2933 : vector<1x16xf32> to vector<16xf32>
    %mul3A_2935 = arith.mulf %get3A_2929, %get3A_2934 : vector<16xf32>
    %add3A_2936 = arith.addf %add3A_2840, %mul3A_2935 : vector<16xf32>
    %get3A_2937 = arith.constant 30 : i32
    %get3A_2938 = arith.index_cast %get3A_2937 : i32 to index
    %get3A_2939 = arith.constant 48 : index
    %get3A_2940 = tpu.vector_load %arg7[%get3A_2938, %get3A_2939] {strides = array<i32>} : memref<32x128xf32, #tpu.memory_space<vmem>>, vector<1x16xf32>,
    %get3A_2941 = vector.shape_cast %get3A_2940 : vector<1x16xf32> to vector<16xf32>
    %get3A_2942 = arith.constant 30 : i32
    %get3A_2943 = arith.index_cast %get3A_2942 : i32 to index
    %get3A_2944 = arith.constant 48 : index
    %get3A_2945 = tpu.vector_load %arg8[%get3A_2943, %get3A_2944] {strides = array<i32>} : memref<32x128xf32, #tpu.memory_space<vmem>>, vector<1x16xf32>,
    %get3A_2946 = vector.shape_cast %get3A_2945 : vector<1x16xf32> to vector<16xf32>
    %mul3A_2947 = arith.mulf %get3A_2941, %get3A_2946 : vector<16xf32>
    %add3A_2948 = arith.addf %add3A_2852, %mul3A_2947 : vector<16xf32>
    %get3A_2949 = arith.constant 30 : i32
    %get3A_2950 = arith.index_cast %get3A_2949 : i32 to index
    %get3A_2951 = arith.constant 64 : index
    %get3A_2952 = tpu.vector_load %arg7[%get3A_2950, %get3A_2951] {strides = array<i32>} : memref<32x128xf32, #tpu.memory_space<vmem>>, vector<1x16xf32>,
    %get3A_2953 = vector.shape_cast %get3A_2952 : vector<1x16xf32> to vector<16xf32>
    %get3A_2954 = arith.constant 30 : i32
    %get3A_2955 = arith.index_cast %get3A_2954 : i32 to index
    %get3A_2956 = arith.constant 64 : index
    %get3A_2957 = tpu.vector_load %arg8[%get3A_2955, %get3A_2956] {strides = array<i32>} : memref<32x128xf32, #tpu.memory_space<vmem>>, vector<1x16xf32>,
    %get3A_2958 = vector.shape_cast %get3A_2957 : vector<1x16xf32> to vector<16xf32>
    %mul3A_2959 = arith.mulf %get3A_2953, %get3A_2958 : vector<16xf32>
    %add3A_2960 = arith.addf %add3A_2864, %mul3A_2959 : vector<16xf32>
    %get3A_2961 = arith.constant 30 : i32
    %get3A_2962 = arith.index_cast %get3A_2961 : i32 to index
    %get3A_2963 = arith.constant 80 : index
    %get3A_2964 = tpu.vector_load %arg7[%get3A_2962, %get3A_2963] {strides = array<i32>} : memref<32x128xf32, #tpu.memory_space<vmem>>, vector<1x16xf32>,
    %get3A_2965 = vector.shape_cast %get3A_2964 : vector<1x16xf32> to vector<16xf32>
    %get3A_2966 = arith.constant 30 : i32
    %get3A_2967 = arith.index_cast %get3A_2966 : i32 to index
    %get3A_2968 = arith.constant 80 : index
    %get3A_2969 = tpu.vector_load %arg8[%get3A_2967, %get3A_2968] {strides = array<i32>} : memref<32x128xf32, #tpu.memory_space<vmem>>, vector<1x16xf32>,
    %get3A_2970 = vector.shape_cast %get3A_2969 : vector<1x16xf32> to vector<16xf32>
    %mul3A_2971 = arith.mulf %get3A_2965, %get3A_2970 : vector<16xf32>
    %add3A_2972 = arith.addf %add3A_2876, %mul3A_2971 : vector<16xf32>
    %get3A_2973 = arith.constant 30 : i32
    %get3A_2974 = arith.index_cast %get3A_2973 : i32 to index
    %get3A_2975 = arith.constant 96 : index
    %get3A_2976 = tpu.vector_load %arg7[%get3A_2974, %get3A_2975] {strides = array<i32>} : memref<32x128xf32, #tpu.memory_space<vmem>>, vector<1x16xf32>,
    %get3A_2977 = vector.shape_cast %get3A_2976 : vector<1x16xf32> to vector<16xf32>
    %get3A_2978 = arith.constant 30 : i32
    %get3A_2979 = arith.index_cast %get3A_2978 : i32 to index
    %get3A_2980 = arith.constant 96 : index
    %get3A_2981 = tpu.vector_load %arg8[%get3A_2979, %get3A_2980] {strides = array<i32>} : memref<32x128xf32, #tpu.memory_space<vmem>>, vector<1x16xf32>,
    %get3A_2982 = vector.shape_cast %get3A_2981 : vector<1x16xf32> to vector<16xf32>
    %mul3A_2983 = arith.mulf %get3A_2977, %get3A_2982 : vector<16xf32>
    %add3A_2984 = arith.addf %add3A_2888, %mul3A_2983 : vector<16xf32>
    %get3A_2985 = arith.constant 30 : i32
    %get3A_2986 = arith.index_cast %get3A_2985 : i32 to index
    %get3A_2987 = arith.constant 112 : index
    %get3A_2988 = tpu.vector_load %arg7[%get3A_2986, %get3A_2987] {strides = array<i32>} : memref<32x128xf32, #tpu.memory_space<vmem>>, vector<1x16xf32>,
    %get3A_2989 = vector.shape_cast %get3A_2988 : vector<1x16xf32> to vector<16xf32>
    %get3A_2990 = arith.constant 30 : i32
    %get3A_2991 = arith.index_cast %get3A_2990 : i32 to index
    %get3A_2992 = arith.constant 112 : index
    %get3A_2993 = tpu.vector_load %arg8[%get3A_2991, %get3A_2992] {strides = array<i32>} : memref<32x128xf32, #tpu.memory_space<vmem>>, vector<1x16xf32>,
    %get3A_2994 = vector.shape_cast %get3A_2993 : vector<1x16xf32> to vector<16xf32>
    %mul3A_2995 = arith.mulf %get3A_2989, %get3A_2994 : vector<16xf32>
    %add3A_2996 = arith.addf %add3A_2900, %mul3A_2995 : vector<16xf32>
    %get3A_2997 = arith.constant 31 : i32
    %get3A_2998 = arith.index_cast %get3A_2997 : i32 to index
    %get3A_2999 = arith.constant 0 : index
    %get3A_3000 = tpu.vector_load %arg7[%get3A_2998, %get3A_2999] {strides = array<i32>} : memref<32x128xf32, #tpu.memory_space<vmem>>, vector<1x16xf32>,
    %get3A_3001 = vector.shape_cast %get3A_3000 : vector<1x16xf32> to vector<16xf32>
    %get3A_3002 = arith.constant 31 : i32
    %get3A_3003 = arith.index_cast %get3A_3002 : i32 to index
    %get3A_3004 = arith.constant 0 : index
    %get3A_3005 = tpu.vector_load %arg8[%get3A_3003, %get3A_3004] {strides = array<i32>} : memref<32x128xf32, #tpu.memory_space<vmem>>, vector<1x16xf32>,
    %get3A_3006 = vector.shape_cast %get3A_3005 : vector<1x16xf32> to vector<16xf32>
    %mul3A_3007 = arith.mulf %get3A_3001, %get3A_3006 : vector<16xf32>
    %add3A_3008 = arith.addf %add3A_2912, %mul3A_3007 : vector<16xf32>
    %get3A_3009 = arith.constant 31 : i32
    %get3A_3010 = arith.index_cast %get3A_3009 : i32 to index
    %get3A_3011 = arith.constant 16 : index
    %get3A_3012 = tpu.vector_load %arg7[%get3A_3010, %get3A_3011] {strides = array<i32>} : memref<32x128xf32, #tpu.memory_space<vmem>>, vector<1x16xf32>,
    %get3A_3013 = vector.shape_cast %get3A_3012 : vector<1x16xf32> to vector<16xf32>
    %get3A_3014 = arith.constant 31 : i32
    %get3A_3015 = arith.index_cast %get3A_3014 : i32 to index
    %get3A_3016 = arith.constant 16 : index
    %get3A_3017 = tpu.vector_load %arg8[%get3A_3015, %get3A_3016] {strides = array<i32>} : memref<32x128xf32, #tpu.memory_space<vmem>>, vector<1x16xf32>,
    %get3A_3018 = vector.shape_cast %get3A_3017 : vector<1x16xf32> to vector<16xf32>
    %mul3A_3019 = arith.mulf %get3A_3013, %get3A_3018 : vector<16xf32>
    %add3A_3020 = arith.addf %add3A_2924, %mul3A_3019 : vector<16xf32>
    %get3A_3021 = arith.constant 31 : i32
    %get3A_3022 = arith.index_cast %get3A_3021 : i32 to index
    %get3A_3023 = arith.constant 32 : index
    %get3A_3024 = tpu.vector_load %arg7[%get3A_3022, %get3A_3023] {strides = array<i32>} : memref<32x128xf32, #tpu.memory_space<vmem>>, vector<1x16xf32>,
    %get3A_3025 = vector.shape_cast %get3A_3024 : vector<1x16xf32> to vector<16xf32>
    %get3A_3026 = arith.constant 31 : i32
    %get3A_3027 = arith.index_cast %get3A_3026 : i32 to index
    %get3A_3028 = arith.constant 32 : index
    %get3A_3029 = tpu.vector_load %arg8[%get3A_3027, %get3A_3028] {strides = array<i32>} : memref<32x128xf32, #tpu.memory_space<vmem>>, vector<1x16xf32>,
    %get3A_3030 = vector.shape_cast %get3A_3029 : vector<1x16xf32> to vector<16xf32>
    %mul3A_3031 = arith.mulf %get3A_3025, %get3A_3030 : vector<16xf32>
    %add3A_3032 = arith.addf %add3A_2936, %mul3A_3031 : vector<16xf32>
    %get3A_3033 = arith.constant 31 : i32
    %get3A_3034 = arith.index_cast %get3A_3033 : i32 to index
    %get3A_3035 = arith.constant 48 : index
    %get3A_3036 = tpu.vector_load %arg7[%get3A_3034, %get3A_3035] {strides = array<i32>} : memref<32x128xf32, #tpu.memory_space<vmem>>, vector<1x16xf32>,
    %get3A_3037 = vector.shape_cast %get3A_3036 : vector<1x16xf32> to vector<16xf32>
    %get3A_3038 = arith.constant 31 : i32
    %get3A_3039 = arith.index_cast %get3A_3038 : i32 to index
    %get3A_3040 = arith.constant 48 : index
    %get3A_3041 = tpu.vector_load %arg8[%get3A_3039, %get3A_3040] {strides = array<i32>} : memref<32x128xf32, #tpu.memory_space<vmem>>, vector<1x16xf32>,
    %get3A_3042 = vector.shape_cast %get3A_3041 : vector<1x16xf32> to vector<16xf32>
    %mul3A_3043 = arith.mulf %get3A_3037, %get3A_3042 : vector<16xf32>
    %add3A_3044 = arith.addf %add3A_2948, %mul3A_3043 : vector<16xf32>
    %get3A_3045 = arith.constant 31 : i32
    %get3A_3046 = arith.index_cast %get3A_3045 : i32 to index
    %get3A_3047 = arith.constant 64 : index
    %get3A_3048 = tpu.vector_load %arg7[%get3A_3046, %get3A_3047] {strides = array<i32>} : memref<32x128xf32, #tpu.memory_space<vmem>>, vector<1x16xf32>,
    %get3A_3049 = vector.shape_cast %get3A_3048 : vector<1x16xf32> to vector<16xf32>
    %get3A_3050 = arith.constant 31 : i32
    %get3A_3051 = arith.index_cast %get3A_3050 : i32 to index
    %get3A_3052 = arith.constant 64 : index
    %get3A_3053 = tpu.vector_load %arg8[%get3A_3051, %get3A_3052] {strides = array<i32>} : memref<32x128xf32, #tpu.memory_space<vmem>>, vector<1x16xf32>,
    %get3A_3054 = vector.shape_cast %get3A_3053 : vector<1x16xf32> to vector<16xf32>
    %mul3A_3055 = arith.mulf %get3A_3049, %get3A_3054 : vector<16xf32>
    %add3A_3056 = arith.addf %add3A_2960, %mul3A_3055 : vector<16xf32>
    %get3A_3057 = arith.constant 31 : i32
    %get3A_3058 = arith.index_cast %get3A_3057 : i32 to index
    %get3A_3059 = arith.constant 80 : index
    %get3A_3060 = tpu.vector_load %arg7[%get3A_3058, %get3A_3059] {strides = array<i32>} : memref<32x128xf32, #tpu.memory_space<vmem>>, vector<1x16xf32>,
    %get3A_3061 = vector.shape_cast %get3A_3060 : vector<1x16xf32> to vector<16xf32>
    %get3A_3062 = arith.constant 31 : i32
    %get3A_3063 = arith.index_cast %get3A_3062 : i32 to index
    %get3A_3064 = arith.constant 80 : index
    %get3A_3065 = tpu.vector_load %arg8[%get3A_3063, %get3A_3064] {strides = array<i32>} : memref<32x128xf32, #tpu.memory_space<vmem>>, vector<1x16xf32>,
    %get3A_3066 = vector.shape_cast %get3A_3065 : vector<1x16xf32> to vector<16xf32>
    %mul3A_3067 = arith.mulf %get3A_3061, %get3A_3066 : vector<16xf32>
    %add3A_3068 = arith.addf %add3A_2972, %mul3A_3067 : vector<16xf32>
    %get3A_3069 = arith.constant 31 : i32
    %get3A_3070 = arith.index_cast %get3A_3069 : i32 to index
    %get3A_3071 = arith.constant 96 : index
    %get3A_3072 = tpu.vector_load %arg7[%get3A_3070, %get3A_3071] {strides = array<i32>} : memref<32x128xf32, #tpu.memory_space<vmem>>, vector<1x16xf32>,
    %get3A_3073 = vector.shape_cast %get3A_3072 : vector<1x16xf32> to vector<16xf32>
    %get3A_3074 = arith.constant 31 : i32
    %get3A_3075 = arith.index_cast %get3A_3074 : i32 to index
    %get3A_3076 = arith.constant 96 : index
    %get3A_3077 = tpu.vector_load %arg8[%get3A_3075, %get3A_3076] {strides = array<i32>} : memref<32x128xf32, #tpu.memory_space<vmem>>, vector<1x16xf32>,
    %get3A_3078 = vector.shape_cast %get3A_3077 : vector<1x16xf32> to vector<16xf32>
    %mul3A_3079 = arith.mulf %get3A_3073, %get3A_3078 : vector<16xf32>
    %add3A_3080 = arith.addf %add3A_2984, %mul3A_3079 : vector<16xf32>
    %get3A_3081 = arith.constant 31 : i32
    %get3A_3082 = arith.index_cast %get3A_3081 : i32 to index
    %get3A_3083 = arith.constant 112 : index
    %get3A_3084 = tpu.vector_load %arg7[%get3A_3082, %get3A_3083] {strides = array<i32>} : memref<32x128xf32, #tpu.memory_space<vmem>>, vector<1x16xf32>,
    %get3A_3085 = vector.shape_cast %get3A_3084 : vector<1x16xf32> to vector<16xf32>
    %get3A_3086 = arith.constant 31 : i32
    %get3A_3087 = arith.index_cast %get3A_3086 : i32 to index
    %get3A_3088 = arith.constant 112 : index
    %get3A_3089 = tpu.vector_load %arg8[%get3A_3087, %get3A_3088] {strides = array<i32>} : memref<32x128xf32, #tpu.memory_space<vmem>>, vector<1x16xf32>,
    %get3A_3090 = vector.shape_cast %get3A_3089 : vector<1x16xf32> to vector<16xf32>
    %mul3A_3091 = arith.mulf %get3A_3085, %get3A_3090 : vector<16xf32>
    %add3A_3092 = arith.addf %add3A_2996, %mul3A_3091 : vector<16xf32>
    %add3A_3093 = arith.addf %add3A_3008, %add3A_3032 : vector<16xf32>
    %add3A_3094 = arith.addf %add3A_3093, %add3A_3056 : vector<16xf32>
    %add3A_3095 = arith.addf %add3A_3094, %add3A_3080 : vector<16xf32>
    %swap3A = arith.constant 0 : index
    %swap3A_3096 = tpu.vector_load %arg9[%swap3A] {strides = array<i32>} : memref<32xf32, #tpu.memory_space<vmem>>, vector<16xf32>,
    %swap3A_3097 = vector.shape_cast %swap3A_3096 : vector<16xf32> to vector<16xf32>
    %swap3A_3098 = vector.shape_cast %add3A_3095 : vector<16xf32> to vector<16xf32>
    tpu.vector_store %arg9[%swap3A], %swap3A_3098 {strides = array<i32>} : memref<32xf32, #tpu.memory_space<vmem>>, vector<16xf32>,
    %add3A_3099 = arith.addf %add3A_3020, %add3A_3044 : vector<16xf32>
    %add3A_3100 = arith.addf %add3A_3099, %add3A_3068 : vector<16xf32>
    %add3A_3101 = arith.addf %add3A_3100, %add3A_3092 : vector<16xf32>
    %swap3A_3102 = arith.constant 16 : index
    %swap3A_3103 = tpu.vector_load %arg9[%swap3A_3102] {strides = array<i32>} : memref<32xf32, #tpu.memory_space<vmem>>, vector<16xf32>,
    %swap3A_3104 = vector.shape_cast %swap3A_3103 : vector<16xf32> to vector<16xf32>
    %swap3A_3105 = vector.shape_cast %add3A_3101 : vector<16xf32> to vector<16xf32>
    tpu.vector_store %arg9[%swap3A_3102], %swap3A_3105 {strides = array<i32>} : memref<32xf32, #tpu.memory_space<vmem>>, vector<16xf32>,
    %mul3A_3106 = arith.constant 32 : i32
    %mul3A_3107 = arith.muli %add3A, %mul3A_3106 : i32
    "tpu.region"() ({
      %run_scoped3A = tpu.sem_alloc : memref<!tpu.dma_semaphore, #tpu.memory_space<semaphore_mem>>
      %dma_start3A_3108 = tpu.memref_slice %arg5[%mul3A_3107] : memref<1024xf32, #tpu.memory_space<hbm>> -> memref<32xf32, #tpu.memory_space<hbm>>
      %dma_start3A_3109 = tpu.memref_slice %arg5[%mul3A_3107] : memref<1024xf32, #tpu.memory_space<hbm>> -> memref<32xf32, #tpu.memory_space<hbm>>
      tpu.enqueue_dma source(%arg9 : memref<32xf32, #tpu.memory_space<vmem>>) target(%dma_start3A_3109 : memref<32xf32, #tpu.memory_space<hbm>>) target_semaphore(%run_scoped3A : memref<!tpu.dma_semaphore, #tpu.memory_space<semaphore_mem>>)
      %dma_wait3A_3110 = tpu.memref_slice %arg5[%mul3A_3107] : memref<1024xf32, #tpu.memory_space<hbm>> -> memref<32xf32, #tpu.memory_space<hbm>>
      %dma_wait3A_3111 = tpu.memref_slice %arg5[%mul3A_3107] : memref<1024xf32, #tpu.memory_space<hbm>> -> memref<32xf32, #tpu.memory_space<hbm>>
      tpu.wait_dma2 semaphore(%run_scoped3A : memref<!tpu.dma_semaphore, #tpu.memory_space<semaphore_mem>>) src(%arg9 : memref<32xf32, #tpu.memory_space<vmem>>) dst(%dma_wait3A_3111 : memref<32xf32, #tpu.memory_space<hbm>>)
      tpu.yield
    }) : () -> ()
    return
  }
}

module attributes {stable_mosaic.version = 14 : i64} {
  func.func @_scan_body(%arg0: i32, %arg1: memref<32x32xf32, #tpu.memory_space<vmem>>, %arg2: memref<4096x32xf32, #tpu.memory_space<vmem>>, %arg3: memref<4096x1xf32, #tpu.memory_space<vmem>>, %arg4: memref<32x32xi32, #tpu.memory_space<vmem>>, %arg5: memref<32x32xf32, #tpu.memory_space<vmem>>, %arg6: memref<32x32xf32, #tpu.memory_space<vmem>>, %arg7: memref<32x32xi32, #tpu.memory_space<vmem>>) attributes {dimension_semantics = [#tpu.dimension_semantics<arbitrary>], iteration_bounds = array<i64: 245>, scalar_prefetch = 0 : i64, scratch_operands = 2 : i64, tpu.core_type = #tpu.core_type<tc>, window_params = [{pipeline_mode = #tpu.pipeline_mode<synchronous>, transform_indices = @transform_0, window_bounds = array<i64: 32, 32>}, {transform_indices = @transform_1, window_bounds = array<i64: 4096, 32>}, {transform_indices = @transform_2, window_bounds = array<i64: 4096, 1>}, {pipeline_mode = #tpu.pipeline_mode<synchronous>, transform_indices = @transform_3, window_bounds = array<i64: 32, 32>}, {pipeline_mode = #tpu.pipeline_mode<synchronous>, transform_indices = @transform_4, window_bounds = array<i64: 32, 32>}]} {
    %eq3A = arith.constant 0 : i32
    %eq3A_0 = arith.cmpi eq, %arg0, %eq3A : i32
    %convert_element_type3A = arith.extui %eq3A_0 : i1 to i32
    %cond3A = arith.constant 0 : i32
    %cond3A_1 = arith.cmpi ne, %convert_element_type3A, %cond3A : i32
    scf.if %cond3A_1 {
      %broadcast_in_dim3A_59 = arith.constant -3.000000e+00 : f32
      %broadcast_in_dim3A_60 = vector.broadcast %broadcast_in_dim3A_59 : f32 to vector<32x32xf32>
      %swap3A_61 = arith.constant 0 : index
      %swap3A_62 = arith.constant 0 : index
      %swap3A_63 = vector.load %arg6[%swap3A_61, %swap3A_62] : memref<32x32xf32, #tpu.memory_space<vmem>>, vector<32x32xf32>
      tpu.vector_store %arg6[%swap3A_61, %swap3A_62], %broadcast_in_dim3A_60 {strides = array<i32>} : memref<32x32xf32, #tpu.memory_space<vmem>>, vector<32x32xf32>,
      %broadcast_in_dim3A_64 = arith.constant 0 : i32
      %broadcast_in_dim3A_65 = vector.broadcast %broadcast_in_dim3A_64 : i32 to vector<32x32xi32>
      %swap3A_66 = arith.constant 0 : index
      %swap3A_67 = arith.constant 0 : index
      %swap3A_68 = vector.load %arg7[%swap3A_66, %swap3A_67] : memref<32x32xi32, #tpu.memory_space<vmem>>, vector<32x32xi32>
      tpu.vector_store %arg7[%swap3A_66, %swap3A_67], %broadcast_in_dim3A_65 {strides = array<i32>} : memref<32x32xi32, #tpu.memory_space<vmem>>, vector<32x32xi32>,
    } else {
    }
    %get3A = arith.constant 0 : index
    %get3A_2 = arith.constant 0 : index
    %get3A_3 = vector.load %arg2[%get3A, %get3A_2] : memref<4096x32xf32, #tpu.memory_space<vmem>>, vector<4096x32xf32>
    %get3A_4 = arith.constant 0 : index
    %get3A_5 = arith.constant 0 : index
    %get3A_6 = vector.load %arg3[%get3A_4, %get3A_5] : memref<4096x1xf32, #tpu.memory_space<vmem>>, vector<4096x1xf32>
    %div3A = vector.broadcast %get3A_6 : vector<4096x1xf32> to vector<4096x32xf32>
    %div3A_7 = arith.divf %get3A_3, %div3A : vector<4096x32xf32>
    %get3A_8 = arith.constant 0 : index
    %get3A_9 = arith.constant 0 : index
    %get3A_10 = vector.load %arg1[%get3A_8, %get3A_9] : memref<32x32xf32, #tpu.memory_space<vmem>>, vector<32x32xf32>
    %dot_general3A = arith.constant dense<0.000000e+00> : vector<32x4096xf32>
    %dot_general3A_11 = tpu.matmul %get3A_10, %div3A_7, %dot_general3A {dimension_numbers = #tpu.dot_dimension_numbers<[1], [1], [0], [0], [0, 0, 1, 0], [], []>, transpose_lhs_hint = false} : vector<32x32xf32>, vector<4096x32xf32>, vector<32x4096xf32> -> vector<32x4096xf32>
    %iota3A = tpu.iota {dimensions = array<i32: 1>} : vector<1x4096xi32>
    %mul3A = arith.constant 4096 : i32
    %mul3A_12 = arith.muli %arg0, %mul3A : i32
    %add3A = vector.broadcast %mul3A_12 : i32 to vector<1x4096xi32>
    %add3A_13 = arith.addi %add3A, %iota3A : vector<1x4096xi32>
    %lt3A = arith.constant 1000000 : i32
    %lt3A_14 = vector.broadcast %lt3A : i32 to vector<1x4096xi32>
    %lt3A_15 = arith.cmpi slt, %add3A_13, %lt3A_14 : vector<1x4096xi32>
    %jit3A = arith.constant -3.000000e+00 : f32
    %broadcast_in_dim3A = vector.shape_cast %lt3A_15 : vector<1x4096xi1> to vector<1x4096xi1>
    %broadcast_in_dim3A_16 = vector.broadcast %broadcast_in_dim3A : vector<1x4096xi1> to vector<32x4096xi1>
    %broadcast_in_dim3A_17 = vector.broadcast %jit3A : f32 to vector<32x4096xf32>
    %select_n3A = arith.select %broadcast_in_dim3A_16, %dot_general3A_11, %broadcast_in_dim3A_17 : vector<32x4096xi1>, vector<32x4096xf32>
    %iota3A_18 = tpu.iota {dimensions = array<i32: 1>} : vector<32x32xi32>
    %get3A_19 = arith.constant 0 : index
    %get3A_20 = arith.constant 0 : index
    %get3A_21 = vector.load %arg6[%get3A_19, %get3A_20] : memref<32x32xf32, #tpu.memory_space<vmem>>, vector<32x32xf32>
    %get3A_22 = arith.constant 0 : index
    %get3A_23 = arith.constant 0 : index
    %get3A_24 = vector.load %arg7[%get3A_22, %get3A_23] : memref<32x32xi32, #tpu.memory_space<vmem>>, vector<32x32xi32>
    %broadcast_in_dim3A_25 = arith.constant 0x7F800000 : f32
    %broadcast_in_dim3A_26 = vector.broadcast %broadcast_in_dim3A_25 : f32 to vector<32x1xf32>
    %broadcast_in_dim3A_27 = arith.constant -1 : i32
    %broadcast_in_dim3A_28 = vector.broadcast %broadcast_in_dim3A_27 : i32 to vector<32x1xi32>
    %lt3A_29 = vector.broadcast %broadcast_in_dim3A_26 : vector<32x1xf32> to vector<32x4096xf32>
    %lt3A_30 = arith.cmpf olt, %select_n3A, %lt3A_29 : vector<32x4096xf32>
    %eq3A_31 = vector.broadcast %broadcast_in_dim3A_26 : vector<32x1xf32> to vector<32x4096xf32>
    %eq3A_32 = arith.cmpf oeq, %select_n3A, %eq3A_31 : vector<32x4096xf32>
    %gt3A = vector.broadcast %iota3A : vector<1x4096xi32> to vector<32x4096xi32>
    %gt3A_33 = vector.broadcast %broadcast_in_dim3A_28 : vector<32x1xi32> to vector<32x4096xi32>
    %gt3A_34 = arith.cmpi sgt, %gt3A, %gt3A_33 : vector<32x4096xi32>
    %and3A = arith.andi %eq3A_32, %gt3A_34 : vector<32x4096xi1>
    %or3A = arith.ori %lt3A_30, %and3A : vector<32x4096xi1>
    %jit3A_35 = arith.constant -3.000000e+00 : f32
    %broadcast_in_dim3A_36 = vector.broadcast %jit3A_35 : f32 to vector<32x4096xf32>
    %select_n3A_37 = arith.select %or3A, %select_n3A, %broadcast_in_dim3A_36 : vector<32x4096xi1>, vector<32x4096xf32>
    %reduce_max3A = arith.constant dense<0xFF800000> : vector<32xf32>
    %reduce_max3A_38 = vector.multi_reduction <maximumf>, %select_n3A_37, %reduce_max3A [1] : vector<32x4096xf32> to vector<32xf32>
    %broadcast_in_dim3A_39 = vector.shape_cast %reduce_max3A_38 : vector<32xf32> to vector<32x1xf32>
    %eq3A_40 = vector.broadcast %broadcast_in_dim3A_39 : vector<32x1xf32> to vector<32x4096xf32>
    %eq3A_41 = arith.cmpf oeq, %select_n3A_37, %eq3A_40 : vector<32x4096xf32>
    %jit3A_42 = arith.constant 4096 : i32
    %broadcast_in_dim3A_43 = vector.shape_cast %iota3A : vector<1x4096xi32> to vector<1x4096xi32>
    %broadcast_in_dim3A_44 = vector.broadcast %broadcast_in_dim3A_43 : vector<1x4096xi32> to vector<32x4096xi32>
    %broadcast_in_dim3A_45 = vector.broadcast %jit3A_42 : i32 to vector<32x4096xi32>
    %select_n3A_46 = arith.select %eq3A_41, %broadcast_in_dim3A_44, %broadcast_in_dim3A_45 : vector<32x4096xi1>, vector<32x4096xi32>
    %reduce_min3A = arith.constant dense<2147483647> : vector<32xi32>
    %reduce_min3A_47 = vector.multi_reduction <minsi>, %select_n3A_46, %reduce_min3A [1] : vector<32x4096xi32> to vector<32xi32>
    %broadcast_in_dim3A_48 = vector.shape_cast %reduce_min3A_47 : vector<32xi32> to vector<32x1xi32>
    %while3A:4 = scf.while (%while3A_59 = %broadcast_in_dim3A_39, %while3A_60 = %broadcast_in_dim3A_48, %while3A_61 = %get3A_21, %while3A_62 = %get3A_24) : (vector<32x1xf32>, vector<32x1xi32>, vector<32x32xf32>, vector<32x32xi32>) -> (vector<32x1xf32>, vector<32x1xi32>, vector<32x32xf32>, vector<32x32xi32>) {
      %slice3A = vector.extract_strided_slice %while3A_61 {offsets = [0, 31], sizes = [32, 1], strides = [1, 1]} : vector<32x32xf32> to vector<32x1xf32>
      %gt3A_63 = arith.cmpf ogt, %while3A_59, %slice3A : vector<32x1xf32>
      %reduce_or3A = arith.constant 1.000000e+00 : f32
      %reduce_or3A_64 = arith.constant 0.000000e+00 : f32
      %reduce_or3A_65 = vector.broadcast %reduce_or3A : f32 to vector<32x1xf32>
      %reduce_or3A_66 = vector.broadcast %reduce_or3A_64 : f32 to vector<32x1xf32>
      %reduce_or3A_67 = arith.select %gt3A_63, %reduce_or3A_65, %reduce_or3A_66 : vector<32x1xi1>, vector<32x1xf32>
      %reduce_or3A_68 = vector.shape_cast %reduce_or3A_67 : vector<32x1xf32> to vector<1x32x1xf32>
      %reduce_or3A_69 = arith.constant dense<0xFF800000> : vector<1xf32>
      %reduce_or3A_70 = vector.multi_reduction <maximumf>, %reduce_or3A_68, %reduce_or3A_69 [1, 2] : vector<1x32x1xf32> to vector<1xf32>
      %reduce_or3A_71 = vector.shape_cast %reduce_or3A_70 : vector<1xf32> to vector<1x1x1xf32>
      %reduce_or3A_72 = vector.extract %reduce_or3A_71[0, 0, 0] : f32 from vector<1x1x1xf32>
      %reduce_or3A_73 = arith.constant 0.000000e+00 : f32
      %reduce_or3A_74 = arith.cmpf ogt, %reduce_or3A_72, %reduce_or3A_73 : f32
      scf.condition(%reduce_or3A_74) %while3A_59, %while3A_60, %while3A_61, %while3A_62 : vector<32x1xf32>, vector<32x1xi32>, vector<32x32xf32>, vector<32x32xi32>
    } do {
    ^bb0(%while3A_59: vector<32x1xf32>, %while3A_60: vector<32x1xi32>, %while3A_61: vector<32x32xf32>, %while3A_62: vector<32x32xi32>):
      %mul3A_63 = arith.constant 4096 : i32
      %mul3A_64 = arith.muli %arg0, %mul3A_63 : i32
      %add3A_65 = vector.broadcast %mul3A_64 : i32 to vector<32x1xi32>
      %add3A_66 = arith.addi %add3A_65, %while3A_60 : vector<32x1xi32>
      %slice3A = vector.extract_strided_slice %while3A_61 {offsets = [0, 31], sizes = [32, 1], strides = [1, 1]} : vector<32x32xf32> to vector<32x1xf32>
      %gt3A_67 = arith.cmpf ogt, %while3A_59, %slice3A : vector<32x1xf32>
      %ge3A = vector.broadcast %while3A_59 : vector<32x1xf32> to vector<32x32xf32>
      %ge3A_68 = arith.cmpf oge, %while3A_61, %ge3A : vector<32x32xf32>
      %convert_element_type3A_69 = arith.extui %ge3A_68 : vector<32x32xi1> to vector<32x32xi32>
      %reduce_sum3A = arith.constant dense<0> : vector<32xi32>
      %reduce_sum3A_70 = vector.multi_reduction <add>, %convert_element_type3A_69, %reduce_sum3A [1] : vector<32x32xi32> to vector<32xi32>
      %broadcast_in_dim3A_71 = vector.shape_cast %reduce_sum3A_70 : vector<32xi32> to vector<32x1xi32>
      %slice3A_72 = vector.extract_strided_slice %while3A_61 {offsets = [0, 0], sizes = [32, 1], strides = [1, 1]} : vector<32x32xf32> to vector<32x1xf32>
      %slice3A_73 = vector.extract_strided_slice %while3A_61 {offsets = [0, 0], sizes = [32, 31], strides = [1, 1]} : vector<32x32xf32> to vector<32x31xf32>
      %concatenate3A = tpu.concatenate %slice3A_72, %slice3A_73 in 1 : vector<32x1xf32>, vector<32x31xf32> -> vector<32x32xf32>
      %slice3A_74 = vector.extract_strided_slice %while3A_62 {offsets = [0, 0], sizes = [32, 1], strides = [1, 1]} : vector<32x32xi32> to vector<32x1xi32>
      %slice3A_75 = vector.extract_strided_slice %while3A_62 {offsets = [0, 0], sizes = [32, 31], strides = [1, 1]} : vector<32x32xi32> to vector<32x31xi32>
      %concatenate3A_76 = tpu.concatenate %slice3A_74, %slice3A_75 in 1 : vector<32x1xi32>, vector<32x31xi32> -> vector<32x32xi32>
      %lt3A_77 = vector.broadcast %broadcast_in_dim3A_71 : vector<32x1xi32> to vector<32x32xi32>
      %lt3A_78 = arith.cmpi slt, %iota3A_18, %lt3A_77 : vector<32x32xi32>
      %eq3A_79 = vector.broadcast %broadcast_in_dim3A_71 : vector<32x1xi32> to vector<32x32xi32>
      %eq3A_80 = arith.cmpi eq, %iota3A_18, %eq3A_79 : vector<32x32xi32>
      %broadcast_in_dim3A_81 = vector.shape_cast %while3A_59 : vector<32x1xf32> to vector<32x1xf32>
      %broadcast_in_dim3A_82 = vector.broadcast %broadcast_in_dim3A_81 : vector<32x1xf32> to vector<32x32xf32>
      %select_n3A_83 = arith.select %eq3A_80, %broadcast_in_dim3A_82, %concatenate3A : vector<32x32xi1>, vector<32x32xf32>
      %select_n3A_84 = arith.select %lt3A_78, %while3A_61, %select_n3A_83 : vector<32x32xi1>, vector<32x32xf32>
      %lt3A_85 = vector.broadcast %broadcast_in_dim3A_71 : vector<32x1xi32> to vector<32x32xi32>
      %lt3A_86 = arith.cmpi slt, %iota3A_18, %lt3A_85 : vector<32x32xi32>
      %eq3A_87 = vector.broadcast %broadcast_in_dim3A_71 : vector<32x1xi32> to vector<32x32xi32>
      %eq3A_88 = arith.cmpi eq, %iota3A_18, %eq3A_87 : vector<32x32xi32>
      %broadcast_in_dim3A_89 = vector.shape_cast %add3A_66 : vector<32x1xi32> to vector<32x1xi32>
      %broadcast_in_dim3A_90 = vector.broadcast %broadcast_in_dim3A_89 : vector<32x1xi32> to vector<32x32xi32>
      %select_n3A_91 = arith.select %eq3A_88, %broadcast_in_dim3A_90, %concatenate3A_76 : vector<32x32xi1>, vector<32x32xi32>
      %select_n3A_92 = arith.select %lt3A_86, %while3A_62, %select_n3A_91 : vector<32x32xi1>, vector<32x32xi32>
      %broadcast_in_dim3A_93 = vector.shape_cast %gt3A_67 : vector<32x1xi1> to vector<32x1xi1>
      %broadcast_in_dim3A_94 = vector.broadcast %broadcast_in_dim3A_93 : vector<32x1xi1> to vector<32x32xi1>
      %select_n3A_95 = arith.select %broadcast_in_dim3A_94, %select_n3A_84, %while3A_61 : vector<32x32xi1>, vector<32x32xf32>
      %broadcast_in_dim3A_96 = vector.shape_cast %gt3A_67 : vector<32x1xi1> to vector<32x1xi1>
      %broadcast_in_dim3A_97 = vector.broadcast %broadcast_in_dim3A_96 : vector<32x1xi1> to vector<32x32xi1>
      %select_n3A_98 = arith.select %broadcast_in_dim3A_97, %select_n3A_92, %while3A_62 : vector<32x32xi1>, vector<32x32xi32>
      %lt3A_99 = vector.broadcast %while3A_59 : vector<32x1xf32> to vector<32x4096xf32>
      %lt3A_100 = arith.cmpf olt, %select_n3A, %lt3A_99 : vector<32x4096xf32>
      %eq3A_101 = vector.broadcast %while3A_59 : vector<32x1xf32> to vector<32x4096xf32>
      %eq3A_102 = arith.cmpf oeq, %select_n3A, %eq3A_101 : vector<32x4096xf32>
      %gt3A_103 = vector.broadcast %iota3A : vector<1x4096xi32> to vector<32x4096xi32>
      %gt3A_104 = vector.broadcast %while3A_60 : vector<32x1xi32> to vector<32x4096xi32>
      %gt3A_105 = arith.cmpi sgt, %gt3A_103, %gt3A_104 : vector<32x4096xi32>
      %and3A_106 = arith.andi %eq3A_102, %gt3A_105 : vector<32x4096xi1>
      %or3A_107 = arith.ori %lt3A_100, %and3A_106 : vector<32x4096xi1>
      %jit3A_108 = arith.constant -3.000000e+00 : f32
      %broadcast_in_dim3A_109 = vector.broadcast %jit3A_108 : f32 to vector<32x4096xf32>
      %select_n3A_110 = arith.select %or3A_107, %select_n3A, %broadcast_in_dim3A_109 : vector<32x4096xi1>, vector<32x4096xf32>
      %reduce_max3A_111 = arith.constant dense<0xFF800000> : vector<32xf32>
      %reduce_max3A_112 = vector.multi_reduction <maximumf>, %select_n3A_110, %reduce_max3A_111 [1] : vector<32x4096xf32> to vector<32xf32>
      %broadcast_in_dim3A_113 = vector.shape_cast %reduce_max3A_112 : vector<32xf32> to vector<32x1xf32>
      %eq3A_114 = vector.broadcast %broadcast_in_dim3A_113 : vector<32x1xf32> to vector<32x4096xf32>
      %eq3A_115 = arith.cmpf oeq, %select_n3A_110, %eq3A_114 : vector<32x4096xf32>
      %jit3A_116 = arith.constant 4096 : i32
      %broadcast_in_dim3A_117 = vector.shape_cast %iota3A : vector<1x4096xi32> to vector<1x4096xi32>
      %broadcast_in_dim3A_118 = vector.broadcast %broadcast_in_dim3A_117 : vector<1x4096xi32> to vector<32x4096xi32>
      %broadcast_in_dim3A_119 = vector.broadcast %jit3A_116 : i32 to vector<32x4096xi32>
      %select_n3A_120 = arith.select %eq3A_115, %broadcast_in_dim3A_118, %broadcast_in_dim3A_119 : vector<32x4096xi1>, vector<32x4096xi32>
      %reduce_min3A_121 = arith.constant dense<2147483647> : vector<32xi32>
      %reduce_min3A_122 = vector.multi_reduction <minsi>, %select_n3A_120, %reduce_min3A_121 [1] : vector<32x4096xi32> to vector<32xi32>
      %broadcast_in_dim3A_123 = vector.shape_cast %reduce_min3A_122 : vector<32xi32> to vector<32x1xi32>
      scf.yield %broadcast_in_dim3A_113, %broadcast_in_dim3A_123, %select_n3A_95, %select_n3A_98 : vector<32x1xf32>, vector<32x1xi32>, vector<32x32xf32>, vector<32x32xi32>
    }
    %swap3A = arith.constant 0 : index
    %swap3A_49 = arith.constant 0 : index
    %swap3A_50 = vector.load %arg6[%swap3A, %swap3A_49] : memref<32x32xf32, #tpu.memory_space<vmem>>, vector<32x32xf32>
    tpu.vector_store %arg6[%swap3A, %swap3A_49], %while3A#2 {strides = array<i32>} : memref<32x32xf32, #tpu.memory_space<vmem>>, vector<32x32xf32>,
    %swap3A_51 = arith.constant 0 : index
    %swap3A_52 = arith.constant 0 : index
    %swap3A_53 = vector.load %arg7[%swap3A_51, %swap3A_52] : memref<32x32xi32, #tpu.memory_space<vmem>>, vector<32x32xi32>
    tpu.vector_store %arg7[%swap3A_51, %swap3A_52], %while3A#3 {strides = array<i32>} : memref<32x32xi32, #tpu.memory_space<vmem>>, vector<32x32xi32>,
    %eq3A_54 = arith.constant 244 : i32
    %eq3A_55 = arith.cmpi eq, %arg0, %eq3A_54 : i32
    %convert_element_type3A_56 = arith.extui %eq3A_55 : i1 to i32
    %cond3A_57 = arith.constant 0 : i32
    %cond3A_58 = arith.cmpi ne, %convert_element_type3A_56, %cond3A_57 : i32
    scf.if %cond3A_58 {
      %slice3A = vector.extract_strided_slice %while3A#2 {offsets = [0, 0], sizes = [32, 1], strides = [1, 1]} : vector<32x32xf32> to vector<32x1xf32>
      %sub3A = vector.broadcast %slice3A : vector<32x1xf32> to vector<32x32xf32>
      %sub3A_59 = arith.subf %while3A#2, %sub3A : vector<32x32xf32>
      %exp3A = math.exp %sub3A_59 : vector<32x32xf32>
      %reduce_sum3A = arith.constant dense<0.000000e+00> : vector<32xf32>
      %reduce_sum3A_60 = vector.multi_reduction <add>, %exp3A, %reduce_sum3A [1] : vector<32x32xf32> to vector<32xf32>
      %broadcast_in_dim3A_61 = vector.shape_cast %reduce_sum3A_60 : vector<32xf32> to vector<32x1xf32>
      %div3A_62 = vector.broadcast %broadcast_in_dim3A_61 : vector<32x1xf32> to vector<32x32xf32>
      %div3A_63 = arith.divf %exp3A, %div3A_62 : vector<32x32xf32>
      %swap3A_64 = arith.constant 0 : index
      %swap3A_65 = arith.constant 0 : index
      %swap3A_66 = vector.load %arg5[%swap3A_64, %swap3A_65] : memref<32x32xf32, #tpu.memory_space<vmem>>, vector<32x32xf32>
      tpu.vector_store %arg5[%swap3A_64, %swap3A_65], %div3A_63 {strides = array<i32>} : memref<32x32xf32, #tpu.memory_space<vmem>>, vector<32x32xf32>,
      %swap3A_67 = arith.constant 0 : index
      %swap3A_68 = arith.constant 0 : index
      %swap3A_69 = vector.load %arg4[%swap3A_67, %swap3A_68] : memref<32x32xi32, #tpu.memory_space<vmem>>, vector<32x32xi32>
      tpu.vector_store %arg4[%swap3A_67, %swap3A_68], %while3A#3 {strides = array<i32>} : memref<32x32xi32, #tpu.memory_space<vmem>>, vector<32x32xi32>,
    } else {
    }
    return
  }
  func.func @transform_0(%arg0: i32) -> (i32, i32) {
    %c0_i32 = arith.constant 0 : i32
    %c0_i32_0 = arith.constant 0 : i32
    %c0_i32_1 = arith.constant 0 : i32
    return %c0_i32, %c0_i32_0 : i32, i32
  }
  func.func @transform_1(%arg0: i32) -> (i32, i32) {
    %c0_i32 = arith.constant 0 : i32
    %c0_i32_0 = arith.constant 0 : i32
    return %arg0, %c0_i32 : i32, i32
  }
  func.func @transform_2(%arg0: i32) -> (i32, i32) {
    %c0_i32 = arith.constant 0 : i32
    %c0_i32_0 = arith.constant 0 : i32
    return %arg0, %c0_i32 : i32, i32
  }
  func.func @transform_3(%arg0: i32) -> (i32, i32) {
    %c0_i32 = arith.constant 0 : i32
    %c0_i32_0 = arith.constant 0 : i32
    %c0_i32_1 = arith.constant 0 : i32
    return %c0_i32, %c0_i32_0 : i32, i32
  }
  func.func @transform_4(%arg0: i32) -> (i32, i32) {
    %c0_i32 = arith.constant 0 : i32
    %c0_i32_0 = arith.constant 0 : i32
    %c0_i32_1 = arith.constant 0 : i32
    return %c0_i32, %c0_i32_0 : i32, i32
  }
}

</mosaic_0001>

<sc_bundles>
// kernel: kernel.4.cloned.1.call-start
scs
__scs_entry_jumppad:
0x0: {  	(pc) =	sbr.rel $0x88, $3  }
0x1: {  	(tag) =	ssettag $0x0;
	lr =	simm.s32 $0x1  }
0x2: {  	[smem:$0x3F9C] =	sst lr;
	_ =	strace $0xD0000000  }
0x3: {  	_ = 	snop  }
0x4: {  	_ = 	snop  }
0x5: {  	_ = 	snop  }
0x6: {  	_ = 	snop  }
0x7: {  	_ = 	snop  }
__scs_overlays_trampoline_lowered:
0x8: {  	[smem:$0x3FAB] =	sst s0  }
0x9: {  	[smem:$0x3FAC] =	sst s1  }
0xa: {  	[smem:$0x3FAD] =	sst s2  }
0xb: {  	[smem:$0x3FAE] =	sst s3  }
0xc: {  	[smem:$0x3FAF] =	sst s4  }
0xd: {  	[smem:$0x3FB0] =	sst s5  }
0xe: {  	[smem:$0x3FB1] =	sst s6  }
0xf: {  	[smem:$0x3FB2] =	sst s7  }
0x10: {  	[smem:$0x3FB3] =	sst s8  }
0x11: {  	[smem:$0x3FB4] =	sst s9;
	s0 =	simm.s32 @!p0 $0x0  }
0x12: {  	s1 =	sld [smem:$0x3F9A];
	s0 =	simm.s32 @p0 $0x1  }
0x13: {  	[smem:$0x3FB5] =	sst s0;
	s0 =	simm.s32 @!p1 $0x0  }
0x14: {  	s2 =	sld [smem:$0x3F99];
	s0 =	simm.s32 @p1 $0x1  }
0x15: {  	[smem:$0x3FB6] =	sst s0;
	s0 =	simm.s32 @!p2 $0x0  }
0x16: {  	s3 =	sld [smem:$0x3FDB];
	s0 =	simm.s32 @p2 $0x1  }
0x17: {  	s4 =	simm.s32 $0x1BF5;
	[smem:$0x3FB8] =	sst s0  }
0x18: {  	s0 =	sld [smem:$0x3F9B];
	_ =	swait.ge [sflag:s4], $0x0  }
0x19: {  	s7 =	sld [smem:$0x3F9C]  }
0x1a: {  	s8 =	sadd.s32 $0xFFFFE003, lr  }
0x1b: {  	s9 =	sadd.s32 $0xFFFFFEF7, lr;
	s5 =	simm.s32 $0xFFFFFFFF;
	p2 =	slt.u32 s8, $0xFFFFF086  }
0x1c: {  	p1 =	slt.u32 s9, $0xF7A;
	s5 =	simm.s32 @!p2 $0x0  }
0x1d: {  	s5 =	simm.s32 @p1 $0x1;
	p0 =	seq.s32 s7, s2  }
0x1e: {  	s7 =	smul.u32 @!p0 $0xF7A, s2;
	p2 =	seq.s32 @!p0 s5, $0x0  }
0x1f: {  	s9 =	smul.u32 $0xF7A, s1;
	s8 =	simm.s32 @!p0 $0x1BF5;
	p2 =	por !p2, p0  }
0x20: {  	[sflag:s8] =	ssyncset.s32 @!p0 $0xFFFFF086;
	s6 =	sadd.s32 @!p0 s3, s7;
	s7 =	simm.s32 @!p0 $0x108  }
0x21: {  	s3 =	sadd.s32 s3, s9;
	s6 =	sadd.s32 @!p0 $0x88, s6;
	s7 =	simm.s32 @p2 $0x1082  }
0x22: {  	[simem:s7], [sflag:s8] =	dma.local @!p0 [hbm:s6], $0xF7A  }
0x23: {  	s9 =	sor.u32 $0xD0000000, s2;
	s6 =	simm.s32 $0x108;
	_ =	swait.ge @!p0 [sflag:s8], $0x0  }
0x24: {  	s3 =	sadd.s32 $0x88, s3;
	s6 =	simm.s32 @!p1 $0x1082;
	[sflag:s4] =	ssyncset.s32 $0xFFFFF086  }
0x25: {  	[simem:s6], [sflag:s4] =	dma.local [hbm:s3], $0xF7A  }
0x26: {  	[smem:$0x3F9C] =	sst s1;
	(tag) =	ssettag s2;
	_ =	strace s9  }
0x27: {  	s1 =	sld [smem:$0x3FAC]  }
0x28: {  	s2 =	sld [smem:$0x3FAD]  }
0x29: {  	s4 =	sld [smem:$0x3FAF]  }
0x2a: {  	p0 =	seq.s32 s5, $0x0;
	s5 =	sld [smem:$0x3FB0]  }
0x2b: {  	s6 =	sld [smem:$0x3FB1]  }
0x2c: {  	s7 =	sld [smem:$0x3FB2]  }
0x2d: {  	s3 =	simm.s32 $0x108;
	s8 =	sld [smem:$0x3FB3]  }
0x2e: {  	s3 =	simm.s32 @!p0 $0x1082;
	s9 =	sld [smem:$0x3FB4]  }
0x2f: {  	lr =	sadd.s32 s0, s3;
	s0 =	sld [smem:$0x3FAB]  }
0x30: {  	s3 =	sld [smem:$0x3FAE]  }
0x31: {  	[smem:$0x3FB7] =	sst s10  }
0x32: {  	s10 =	sld [smem:$0x3FB5];
	_ =	sdelay $0x3  }
0x33: {  	p0 =	seq.s32 s10, $0x1;
	s10 =	sld [smem:$0x3FB7];
	_ =	sdelay $0x3  }
0x34: {  	[smem:$0x3FB7] =	sst s10  }
0x35: {  	s10 =	sld [smem:$0x3FB6];
	_ =	sdelay $0x3  }
0x36: {  	p1 =	seq.s32 s10, $0x1;
	s10 =	sld [smem:$0x3FB7];
	_ =	sdelay $0x3  }
0x37: {  	[smem:$0x3FB7] =	sst s10  }
0x38: {  	s10 =	sld [smem:$0x3FB8]  }
0x39: {  	_ = 	snop;
	(pc) =	sbr.ind lr, $3  }
0x3a: {  	_ = 	snop  }
0x3b: {  	_ = 	snop  }
0x3c: {  	p2 =	seq.s32 s10, $0x1;
	s10 =	sld [smem:$0x3FB7]  }
0x3d: {  	_ =	shalt  }
0x3e: {  	_ =	shalt  }
0x3f: {  	_ =	shalt  }
0x40: {  	_ =	shalt  }
0x41: {  	_ =	shalt  }
0x42: {  	_ =	shalt  }
0x43: {  	_ =	shalt  }
0x44: {  	_ =	shalt  }
0x45: {  	_ =	shalt  }
0x46: {  	_ =	shalt  }
0x47: {  	_ =	shalt  }
0x48: {  	_ =	shalt  }
0x49: {  	_ =	shalt  }
0x4a: {  	_ =	shalt  }
0x4b: {  	_ =	shalt  }
0x4c: {  	_ =	shalt  }
0x4d: {  	_ =	shalt  }
0x4e: {  	_ =	shalt  }
0x4f: {  	_ =	shalt  }
0x50: {  	_ =	shalt  }
0x51: {  	_ =	shalt  }
0x52: {  	_ =	shalt  }
0x53: {  	_ =	shalt  }
0x54: {  	_ =	shalt  }
0x55: {  	_ =	shalt  }
0x56: {  	_ =	shalt  }
0x57: {  	_ =	shalt  }
0x58: {  	_ =	shalt  }
0x59: {  	_ =	shalt  }
0x5a: {  	_ =	shalt  }
0x5b: {  	_ =	shalt  }
0x5c: {  	_ =	shalt  }
0x5d: {  	_ =	shalt  }
0x5e: {  	_ =	shalt  }
0x5f: {  	_ =	shalt  }
0x60: {  	_ =	shalt  }
0x61: {  	_ =	shalt  }
0x62: {  	_ =	shalt  }
0x63: {  	_ =	shalt  }
0x64: {  	_ =	shalt  }
0x65: {  	_ =	shalt  }
0x66: {  	_ =	shalt  }
0x67: {  	_ =	shalt  }
0x68: {  	_ =	shalt  }
0x69: {  	_ =	shalt  }
0x6a: {  	_ =	shalt  }
0x6b: {  	_ =	shalt  }
0x6c: {  	_ =	shalt  }
0x6d: {  	_ =	shalt  }
0x6e: {  	_ =	shalt  }
0x6f: {  	_ =	shalt  }
0x70: {  	_ =	shalt  }
0x71: {  	_ =	shalt  }
0x72: {  	_ =	shalt  }
0x73: {  	_ =	shalt  }
0x74: {  	_ =	shalt  }
0x75: {  	_ =	shalt  }
0x76: {  	_ =	shalt  }
0x77: {  	_ =	shalt  }
0x78: {  	_ =	shalt  }
0x79: {  	_ =	shalt  }
0x7a: {  	_ =	shalt  }
0x7b: {  	_ =	shalt  }
0x7c: {  	_ =	shalt  }
0x7d: {  	_ =	shalt  }
0x7e: {  	_ =	shalt  }
0x7f: {  	_ =	shalt  }
0x80: {  	_ =	shalt  }
0x81: {  	_ =	shalt  }
0x82: {  	_ =	shalt  }
0x83: {  	_ =	shalt  }
0x84: {  	_ =	shalt  }
0x85: {  	_ =	shalt  }
0x86: {  	_ =	shalt  }
0x87: {  	_ =	shalt  }
.Lfunc_end0:
.L_simem_size_0:
called_computation_lowered:
.L_overlay_start_0:
0x88: {  	s2 =	sld [smem:$0x3FD9]  }
0x89: {  	s3 =	sld [smem:$0x3FFE];
	_ =	sdelay $0x1  }
0x8a: {  	s1 =	srdreg.scid  }
0x8b: {  	s0 =	sand.u32 $0x1, s1  }
0x8c: {  	s16 =	sshll.u32 s0, $0xA;
	s2 =	sadd.s32 s3, s2  }
0x8d: {  	s2 =	sadd.s32 s2, s16  }
0x8e: {  	[smem:$0x3FC3] =	sst s2  }
0x8f: {  	_ = 	snop  }
0x90: {  	(tm) =	ssettm $0x1  }
0x91: {  	s17 =	sld [smem:$0x3FFB];
	_ =	sdelay $0x3  }
0x92: {  	_ =	strace s17  }
0x93: {  	s2 =	sld [smem:$0x3FFC];
	_ =	sdelay $0x3  }
0x94: {  	_ =	strace s2  }
0x95: {  	s2 =	sld [smem:$0x3FFD];
	_ =	sdelay $0x3  }
0x96: {  	_ =	strace s2  }
0x97: {  	_ =	strace $0x8FFFFFFF  }
0x98: {  	s18 =	sld [smem:$0x3FDB];
	_ =	sdelay $0x1  }
0x99: {  	s19 =	simm.s32 $_scs_section_size  }
0x9a: {  	s4 =	simm.s32 $_size__tile_overlayer_lowered;
	s5 =	simm.s32 $_tile_overlayer_lowered  }
0x9b: {  	s22 =	simm.s32 $0x1BFF;
	s21 =	sshll.u32 s5, $0x1;
	s2 =	sadd.s32 s19, s18  }
0x9c: {  	s6 =	simm.s32 $0x0;
	s20 =	sshll.u32 s4, $0x1;
	s4 =	sadd.s32 s21, s2  }
0x9d: {  	[timem:s6], [sflag:s22] =	dma.local [hbm:s4], s20  }
0x9e: {  	_ =	swait.ge [sflag:s22], s20  }
0x9f: {  	s3 =	ssub.s32 $0x0, s20;
	[sflag:s22] =	ssyncset.done $0x0  }
0xa0: {  	[sflag:s22] =	ssyncadd.s32 s3;
	_ =	sdelay $0x1  }
0xa1: {  	s23 =	simm.s32 $0x1B8B  }
0xa2: {  	_ =	swait.ge [sflag:s23], $0x1  }
0xa3: {  	[sflag:s23] =	ssyncset.done $0x0  }
0xa4: {  	s25 =	simm.s32 $0x1B8E;
	s24 =	sld [smem:$0x3FFE];
	[sflag:s23] =	ssyncadd.s32 $0xFFFFFFFF  }
0xa5: {  	s26 =	simm.s32 $execute0_lowered;
	[smem:$0x3FD2] =	sst s25  }
0xa6: {  	s4 =	sshll.u32 s26, $0x1;
	_ =	strace $0x80000046;
	[dreg:$0x1] =	wrdreg $0xFFFFFFFF  }
0xa7: {  	s28 =	simm.s32 $_size_execute0_lowered;
	s2 =	sadd.s32 s2, s4;
	[dreg:$0x0] =	wrdreg $0x0  }
0xa8: {  	s4 =	sshll.u32 s28, $0x1;
	[dreg:$0x2] =	wrdreg s2  }
0xa9: {  	[dreg:$0x3] =	wrdreg s4  }
0xaa: {  	[dreg:$0x4] =	wrdreg $0xC0  }
0xab: {  	_ =	task [dreg:s6], $0x5FFFF  }
0xac: {  	[dreg:$0x1] =	wrdreg $0xFFFFFFFF  }
0xad: {  	[dreg:$0x0] =	wrdreg $0x60  }
0xae: {  	[dreg:$0x2] =	wrdreg s24  }
0xaf: {  	[dreg:$0x3] =	wrdreg $0x9  }
0xb0: {  	_ =	task.clear_ibuf [dreg:s6], $0x4FFFF;
	_ =	strace $0x90000046  }
0xb1: {  	s29 =	simm.s32 $0x9;
	_ =	strace $0x80000048  }
0xb2: {  	_ =	swait.ge [sflag:s29], $0x1  }
0xb3: {  	[sflag:s29] =	ssyncadd.s32 $0xFFFFFFFF  }
0xb4: {  	_ =	strace $0x90000048  }
0xb5: {  	_ =	sfence  }
0xb6: {  	s30 =	sld [smem:$0x0];
	_ =	sdelay $0x2  }
0xb7: {  	s31 =	sshll.u32 s1, $0xD;
	s1 =	sshrl.u32 s1, $0x2  }
0xb8: {  	s3 =	sand.u32 $0x4000, s31;
	s1 =	sadd.s32 s1, s30  }
0xb9: {  	s0 =	sor.u32 s3, s0;
	s1 =	sshll.u32 s1, $0x11  }
0xba: {  	s0 =	sor.u32 s1, s0  }
0xbb: {  	s0 =	sadd.s32 $0x8F2B, s0  }
0xbc: {  	[sflag:s0] =	ssyncadd.remote.s32 $0x1  }
0xbd: {  	_ =	sfence.sel $0xFFFF  }
0xbe: {  	[dreg:$0x0] =	wrdreg $0xFFFFFFFF;
	(pc) =	sbr.abs _section_cstart, $3  }
0xbf: {  	[dreg:$0x1] =	wrdreg $0xFFFFFFFF  }
0xc0: {  	_ =	task.clear_ibuf [dreg:s6], $0x2FFFF;
	_ =	strace $0x9FFFFFFF  }
0xc1: {  	(tm) =	ssettm $0x7FFFFFFF  }
tec
execute0_lowered:
.L_overlay_start_1:
0x0: {  	(tag) =	ssettag $0x1  }
0x1: {  	s4 =	rddreg [dreg:$0x0]  }
0x2: {  	s0 =	rddreg [dreg:$0x1]  }
0x3: {  	s3 =	srdreg.scid;
	s2 =	simm.s32 $0x0;
	s1 =	stileid.u32  }
0x4: {  	s9 =	simm.s32 $0x1080;
	s10 =	simm.s32 $0x20;
	s11 =	simm.s32 $0x80  }
0x5: {  	s12 =	simm.s32 $0x1;
	s13 =	simm.s32 $0x2080;
	s5 =	sand.u32 $0x1, s3  }
0x6: {  	[smem:$0x7FF] =	sst s2;
	s31 =	sshll.u32 s1, $0x6;
	s6 =	sshll.u32 s5, $0x5  }
0x7: {  	s3 =	sadd.s32 $0xF61E00, s4;
	_ =	strace $0x80000047;
	s6 =	sor.u32 s6, s31  }
0x8: {  	s5 =	ssub.s32 $0x2, s5;
	s7 =	sshrl.u32 s6, $0x3;
	s6 =	sshll.u32 s6, $0x4  }
0x9: {  	s8 =	sshrl.u32 s5, $0x1;
	s7 =	sadd.s32 s7, s4;
	s6 =	sadd.s32 s6, s4  }
0xa: {  	s8 =	ssub.s32 s5, s8;
	s4 =	sadd.s32 $0xE00, s7;
	s5 =	sadd.s32 $0x1000, s6  }
0xb: {  	s6 =	sadd.s32 $0x5000, s7;
	s7 =	smax.u32 s8, $0x1;
	s8 =	simm.s32 $0x2  }
.LBB2_1:
0xc: {  	[tilespmem:s2], [sflag:$0x2] =	stream.linear.gather [hbm4b:s4+s2], $0x20, $0x38;
	[tilespmem:$0x2100] =	vst v63  }
0xd: {  	_ =	swait.ge [sflag:s8], $0x20  }
0xe: {  	[sflag:s8] =	ssyncset.done $0x0  }
0xf: {  	[sflag:s8] =	ssyncadd.s32 $0xFFFFFFE0  }
0x10: {  	[tilespmem:s9], [sflag:$0x2] =	stream.linear.gather [hbm4b:s5+s2], $0x1000, $0x38;
	[tilespmem:$0x2100] =	vst v63  }
0x11: {  	_ =	swait.ge [sflag:s8], $0x1000  }
0x12: {  	[sflag:s8] =	ssyncset.done $0x0  }
0x13: {  	[sflag:s8] =	ssyncadd.s32 $0xFFFFF000  }
0x14: {  	[tilespmem:s11], [sflag:$0x1] =	stream.indirect.gather [hbm4b:s3+s10], $0x80, s2, s10, $0xb8;
	[tilespmem:$0x2100] =	vst v63  }
0x15: {  	_ =	swait.ge [sflag:s12], $0x1000  }
0x16: {  	[sflag:s12] =	ssyncset.done $0x0  }
0x17: {  	[sflag:s12] =	ssyncadd.s32 $0xFFFFF000  }
0x18: {  	v62 =	vld [tilespmem:$0x270];
	_ =	sdelay $0x4  }
0x19: {  	[tilespmem:$0x1EA10] =	vst v62;
	v62 =	vld [tilespmem:$0x280];
	_ =	sdelay $0x4  }
0x1a: {  	[tilespmem:$0x1EA20] =	vst v62;
	v62 =	vld [tilespmem:$0x1280];
	_ =	sdelay $0x4  }
0x1b: {  	[tilespmem:$0x1EA30] =	vst v62;
	v62 =	vld [tilespmem:$0x290];
	_ =	sdelay $0x4  }
0x1c: {  	[tilespmem:$0x1EA40] =	vst v62;
	v62 =	vld [tilespmem:$0x1290];
	_ =	sdelay $0x4  }
0x1d: {  	[tilespmem:$0x1EA50] =	vst v62;
	v62 =	vld [tilespmem:$0x2A0];
	_ =	sdelay $0x4  }
0x1e: {  	[tilespmem:$0x1EA60] =	vst v62;
	v62 =	vld [tilespmem:$0x12A0];
	_ =	sdelay $0x4  }
0x1f: {  	[tilespmem:$0x1EA70] =	vst v62;
	v62 =	vld [tilespmem:$0x2B0];
	_ =	sdelay $0x4  }
0x20: {  	[tilespmem:$0x1EA80] =	vst v62;
	v62 =	vld [tilespmem:$0x12B0];
	_ =	sdelay $0x4  }
0x21: {  	[tilespmem:$0x1EA90] =	vst v62;
	v62 =	vld [tilespmem:$0x2C0];
	_ =	sdelay $0x4  }
0x22: {  	[tilespmem:$0x1EAA0] =	vst v62;
	v62 =	vld [tilespmem:$0x12C0];
	_ =	sdelay $0x4  }
0x23: {  	[tilespmem:$0x1EAB0] =	vst v62;
	v62 =	vld [tilespmem:$0x2D0];
	_ =	sdelay $0x4  }
0x24: {  	[tilespmem:$0x1EAC0] =	vst v62;
	v62 =	vld [tilespmem:$0x12D0];
	_ =	sdelay $0x4  }
0x25: {  	[tilespmem:$0x1EAD0] =	vst v62;
	v62 =	vld [tilespmem:$0x2E0];
	_ =	sdelay $0x4  }
0x26: {  	[tilespmem:$0x1EAE0] =	vst v62;
	v62 =	vld [tilespmem:$0x12E0];
	_ =	sdelay $0x4  }
0x27: {  	[tilespmem:$0x1EAF0] =	vst v62;
	v62 =	vld [tilespmem:$0x2F0];
	_ =	sdelay $0x4  }
0x28: {  	[tilespmem:$0x1EB00] =	vst v62;
	v62 =	vld [tilespmem:$0x12F0];
	_ =	sdelay $0x4  }
0x29: {  	[tilespmem:$0x1EB10] =	vst v62;
	v62 =	vld [tilespmem:$0x300];
	_ =	sdelay $0x4  }
0x2a: {  	[tilespmem:$0x1EB20] =	vst v62;
	v62 =	vld [tilespmem:$0x1300];
	_ =	sdelay $0x4  }
0x2b: {  	[tilespmem:$0x1EB30] =	vst v62;
	v62 =	vld [tilespmem:$0x310];
	_ =	sdelay $0x4  }
0x2c: {  	[tilespmem:$0x1EB40] =	vst v62;
	v62 =	vld [tilespmem:$0x1310];
	_ =	sdelay $0x4  }
0x2d: {  	[tilespmem:$0x1EB50] =	vst v62;
	v62 =	vld [tilespmem:$0x320];
	_ =	sdelay $0x4  }
0x2e: {  	[tilespmem:$0x1EB60] =	vst v62;
	v62 =	vld [tilespmem:$0x1320];
	_ =	sdelay $0x4  }
0x2f: {  	[tilespmem:$0x1EB70] =	vst v62;
	v62 =	vld [tilespmem:$0x330];
	_ =	sdelay $0x4  }
0x30: {  	[tilespmem:$0x1EB80] =	vst v62;
	v62 =	vld [tilespmem:$0x1330];
	_ =	sdelay $0x4  }
0x31: {  	[tilespmem:$0x1EB90] =	vst v62;
	v62 =	vld [tilespmem:$0x340];
	_ =	sdelay $0x4  }
0x32: {  	[tilespmem:$0x1EBA0] =	vst v62;
	v62 =	vld [tilespmem:$0x1340];
	_ =	sdelay $0x4  }
0x33: {  	[tilespmem:$0x1EBB0] =	vst v62;
	v62 =	vld [tilespmem:$0x350];
	_ =	sdelay $0x4  }
0x34: {  	[tilespmem:$0x1EBC0] =	vst v62;
	v62 =	vld [tilespmem:$0x1350];
	_ =	sdelay $0x4  }
0x35: {  	[tilespmem:$0x1EBD0] =	vst v62;
	v62 =	vld [tilespmem:$0x360];
	_ =	sdelay $0x4  }
0x36: {  	[tilespmem:$0x1EBE0] =	vst v62;
	v62 =	vld [tilespmem:$0x1360];
	_ =	sdelay $0x4  }
0x37: {  	[tilespmem:$0x1EBF0] =	vst v62;
	v62 =	vld [tilespmem:$0x370];
	_ =	sdelay $0x4  }
0x38: {  	[tilespmem:$0x1EC00] =	vst v62;
	v62 =	vld [tilespmem:$0x1370];
	_ =	sdelay $0x4  }
0x39: {  	[tilespmem:$0x1EC10] =	vst v62;
	v62 =	vld [tilespmem:$0x380];
	_ =	sdelay $0x4  }
0x3a: {  	[tilespmem:$0x1EC20] =	vst v62;
	v62 =	vld [tilespmem:$0x1380];
	_ =	sdelay $0x4  }
0x3b: {  	[tilespmem:$0x1EC30] =	vst v62;
	v62 =	vld [tilespmem:$0x390];
	_ =	sdelay $0x4  }
0x3c: {  	[tilespmem:$0x1EC40] =	vst v62;
	v62 =	vld [tilespmem:$0x1390];
	_ =	sdelay $0x4  }
0x3d: {  	[tilespmem:$0x1EC50] =	vst v62;
	v62 =	vld [tilespmem:$0x3A0];
	_ =	sdelay $0x4  }
0x3e: {  	[tilespmem:$0x1EC60] =	vst v62;
	v62 =	vld [tilespmem:$0x13A0];
	_ =	sdelay $0x4  }
0x3f: {  	[tilespmem:$0x1EC70] =	vst v62;
	v62 =	vld [tilespmem:$0x3B0];
	_ =	sdelay $0x4  }
0x40: {  	[tilespmem:$0x1EC80] =	vst v62;
	v62 =	vld [tilespmem:$0x13B0];
	_ =	sdelay $0x4  }
0x41: {  	[tilespmem:$0x1EC90] =	vst v62;
	v62 =	vld [tilespmem:$0x3C0];
	_ =	sdelay $0x4  }
0x42: {  	[tilespmem:$0x1ECA0] =	vst v62;
	v62 =	vld [tilespmem:$0x13C0];
	_ =	sdelay $0x4  }
0x43: {  	[tilespmem:$0x1ECB0] =	vst v62;
	v62 =	vld [tilespmem:$0x3D0];
	_ =	sdelay $0x4  }
0x44: {  	[tilespmem:$0x1ECC0] =	vst v62;
	v62 =	vld [tilespmem:$0x13D0];
	_ =	sdelay $0x4  }
0x45: {  	[tilespmem:$0x1ECD0] =	vst v62;
	v62 =	vld [tilespmem:$0x3E0];
	_ =	sdelay $0x4  }
0x46: {  	[tilespmem:$0x1ECE0] =	vst v62;
	v62 =	vld [tilespmem:$0x13E0];
	_ =	sdelay $0x4  }
0x47: {  	[tilespmem:$0x1ECF0] =	vst v62;
	v62 =	vld [tilespmem:$0x3F0];
	_ =	sdelay $0x4  }
0x48: {  	[tilespmem:$0x1ED00] =	vst v62;
	v62 =	vld [tilespmem:$0x13F0];
	_ =	sdelay $0x4  }
0x49: {  	[tilespmem:$0x1ED10] =	vst v62;
	v62 =	vld [tilespmem:$0x400];
	_ =	sdelay $0x4  }
0x4a: {  	[tilespmem:$0x1ED20] =	vst v62;
	v62 =	vld [tilespmem:$0x1400];
	_ =	sdelay $0x4  }
0x4b: {  	[tilespmem:$0x1ED30] =	vst v62;
	v62 =	vld [tilespmem:$0x410];
	_ =	sdelay $0x4  }
0x4c: {  	[tilespmem:$0x1ED40] =	vst v62;
	v62 =	vld [tilespmem:$0x1410];
	_ =	sdelay $0x4  }
0x4d: {  	[tilespmem:$0x1ED50] =	vst v62;
	v62 =	vld [tilespmem:$0x420];
	_ =	sdelay $0x4  }
0x4e: {  	[tilespmem:$0x1ED60] =	vst v62;
	v62 =	vld [tilespmem:$0x1420];
	_ =	sdelay $0x4  }
0x4f: {  	[tilespmem:$0x1ED70] =	vst v62;
	v62 =	vld [tilespmem:$0x430];
	_ =	sdelay $0x4  }
0x50: {  	[tilespmem:$0x1ED80] =	vst v62;
	v62 =	vld [tilespmem:$0x1430];
	_ =	sdelay $0x4  }
0x51: {  	[tilespmem:$0x1ED90] =	vst v62;
	v62 =	vld [tilespmem:$0x440];
	_ =	sdelay $0x4  }
0x52: {  	[tilespmem:$0x1EDA0] =	vst v62;
	v62 =	vld [tilespmem:$0x1440];
	_ =	sdelay $0x4  }
0x53: {  	[tilespmem:$0x1EDB0] =	vst v62;
	v62 =	vld [tilespmem:$0x450];
	_ =	sdelay $0x4  }
0x54: {  	[tilespmem:$0x1EDC0] =	vst v62;
	v62 =	vld [tilespmem:$0x1450];
	_ =	sdelay $0x4  }
0x55: {  	[tilespmem:$0x1EDD0] =	vst v62;
	v62 =	vld [tilespmem:$0x460];
	_ =	sdelay $0x4  }
0x56: {  	[tilespmem:$0x1EDE0] =	vst v62;
	v62 =	vld [tilespmem:$0x1460];
	_ =	sdelay $0x2  }
0x57: {  	v20 =	vld [tilespmem:$0x80]  }
0x58: {  	v15 =	vld [tilespmem:$0x1080]  }
0x59: {  	[tilespmem:$0x1EDF0] =	vst v62;
	v62 =	vld [tilespmem:$0x470]  }
0x5a: {  	v17 =	vld [tilespmem:$0x90]  }
0x5b: {  	v16 =	vld [tilespmem:$0x1090]  }
0x5c: {  	v12 =	vld [tilespmem:$0xA0]  }
0x5d: {  	v10 =	vld [tilespmem:$0x10A0]  }
0x5e: {  	[tilespmem:$0x1EE00] =	vst v62;
	v62 =	vld [tilespmem:$0x1470]  }
0x5f: {  	v13 =	vld [tilespmem:$0xB0]  }
0x60: {  	v11 =	vld [tilespmem:$0x10B0]  }
0x61: {  	v21 =	vld [tilespmem:$0xC0]  }
0x62: {  	v18 =	vld [tilespmem:$0x10C0]  }
0x63: {  	[tilespmem:$0x1EE10] =	vst v62;
	v62 =	vld [tilespmem:$0x480]  }
0x64: {  	v19 =	vld [tilespmem:$0xD0]  }
0x65: {  	v14 =	vld [tilespmem:$0x10D0]  }
0x66: {  	v42 =	vld [tilespmem:$0xE0]  }
0x67: {  	v36 =	vld [tilespmem:$0x10E0]  }
0x68: {  	[tilespmem:$0x1EE20] =	vst v62;
	v62 =	vld [tilespmem:$0x1480]  }
0x69: {  	v48 =	vld [tilespmem:$0xF0]  }
0x6a: {  	v44 =	vld [tilespmem:$0x10F0]  }
0x6b: {  	v1 =	vld [tilespmem:$0x100]  }
0x6c: {  	v0 =	vld [tilespmem:$0x1100]  }
0x6d: {  	[tilespmem:$0x1EE30] =	vst v62;
	v62 =	vld [tilespmem:$0x490]  }
0x6e: {  	v8 =	vld [tilespmem:$0x110]  }
0x6f: {  	v6 =	vld [tilespmem:$0x1110]  }
0x70: {  	v4 =	vld [tilespmem:$0x120]  }
0x71: {  	v2 =	vld [tilespmem:$0x1120]  }
0x72: {  	[tilespmem:$0x1EE40] =	vst v62;
	v62 =	vld [tilespmem:$0x1490]  }
0x73: {  	v5 =	vld [tilespmem:$0x130]  }
0x74: {  	v3 =	vld [tilespmem:$0x1130]  }
0x75: {  	v9 =	vld [tilespmem:$0x140]  }
0x76: {  	v7 =	vld [tilespmem:$0x1140]  }
0x77: {  	[tilespmem:$0x1EE50] =	vst v62;
	v62 =	vld [tilespmem:$0x4A0]  }
0x78: {  	v26 =	vld [tilespmem:$0x150]  }
0x79: {  	v24 =	vld [tilespmem:$0x1150]  }
0x7a: {  	v25 =	vld [tilespmem:$0x160]  }
0x7b: {  	v22 =	vld [tilespmem:$0x1160]  }
0x7c: {  	[tilespmem:$0x1EE60] =	vst v62;
	v62 =	vld [tilespmem:$0x14A0]  }
0x7d: {  	v27 =	vld [tilespmem:$0x170]  }
0x7e: {  	v23 =	vld [tilespmem:$0x1170]  }
0x7f: {  	v32 =	vld [tilespmem:$0x180]  }
0x80: {  	v30 =	vld [tilespmem:$0x1180]  }
0x81: {  	[tilespmem:$0x1EE70] =	vst v62;
	v62 =	vld [tilespmem:$0x4B0]  }
0x82: {  	v29 =	vld [tilespmem:$0x190]  }
0x83: {  	v28 =	vld [tilespmem:$0x1190]  }
0x84: {  	v33 =	vld [tilespmem:$0x1A0]  }
0x85: {  	v31 =	vld [tilespmem:$0x11A0]  }
0x86: {  	[tilespmem:$0x1EE80] =	vst v62;
	v62 =	vld [tilespmem:$0x14B0]  }
0x87: {  	v43 =	vld [tilespmem:$0x1B0]  }
0x88: {  	v37 =	vld [tilespmem:$0x11B0]  }
0x89: {  	v45 =	vld [tilespmem:$0x1C0]  }
0x8a: {  	v38 =	vld [tilespmem:$0x11C0]  }
0x8b: {  	[tilespmem:$0x1EE90] =	vst v62;
	v62 =	vld [tilespmem:$0x4C0]  }
0x8c: {  	v39 =	vld [tilespmem:$0x1D0]  }
0x8d: {  	v34 =	vld [tilespmem:$0x11D0]  }
0x8e: {  	v46 =	vld [tilespmem:$0x1E0]  }
0x8f: {  	v40 =	vld [tilespmem:$0x11E0]  }
0x90: {  	[tilespmem:$0x1EEA0] =	vst v62;
	v62 =	vld [tilespmem:$0x14C0]  }
0x91: {  	v41 =	vld [tilespmem:$0x1F0]  }
0x92: {  	v35 =	vld [tilespmem:$0x11F0]  }
0x93: {  	v49 =	vld [tilespmem:$0x200]  }
0x94: {  	v47 =	vld [tilespmem:$0x1200]  }
0x95: {  	[tilespmem:$0x1EEB0] =	vst v62;
	v62 =	vld [tilespmem:$0x4D0]  }
0x96: {  	v55 =	vld [tilespmem:$0x210]  }
0x97: {  	v51 =	vld [tilespmem:$0x1210]  }
0x98: {  	v60 =	vld [tilespmem:$0x220]  }
0x99: {  	v56 =	vld [tilespmem:$0x1220]  }
0x9a: {  	[tilespmem:$0x1EEC0] =	vst v62;
	v62 =	vld [tilespmem:$0x14D0]  }
0x9b: {  	v57 =	vld [tilespmem:$0x230]  }
0x9c: {  	v52 =	vld [tilespmem:$0x1230]  }
0x9d: {  	v58 =	vld [tilespmem:$0x240]  }
0x9e: {  	v53 =	vld [tilespmem:$0x1240]  }
0x9f: {  	[tilespmem:$0x1EED0] =	vst v62;
	v62 =	vld [tilespmem:$0x4E0]  }
0xa0: {  	v54 =	vld [tilespmem:$0x250]  }
0xa1: {  	v50 =	vld [tilespmem:$0x1250]  }
0xa2: {  	v61 =	vld [tilespmem:$0x260]  }
0xa3: {  	v59 =	vld [tilespmem:$0x1260]  }
0xa4: {  	v63 =	vld [tilespmem:$0x1270];
	[tilespmem:$0x1EEE0] =	vst v62  }
0xa5: {  	v62 =	vld [tilespmem:$0x14E0];
	_ =	sdelay $0x4  }
0xa6: {  	[tilespmem:$0x1EEF0] =	vst v62;
	v62 =	vld [tilespmem:$0x4F0];
	_ =	sdelay $0x4  }
0xa7: {  	[tilespmem:$0x1EF00] =	vst v62;
	v62 =	vld [tilespmem:$0x14F0];
	_ =	sdelay $0x4  }
0xa8: {  	[tilespmem:$0x1EF10] =	vst v62;
	v62 =	vld [tilespmem:$0x500];
	_ =	sdelay $0x4  }
0xa9: {  	[tilespmem:$0x1EF20] =	vst v62;
	v62 =	vld [tilespmem:$0x1500];
	_ =	sdelay $0x4  }
0xaa: {  	[tilespmem:$0x1EF30] =	vst v62;
	v62 =	vld [tilespmem:$0x510];
	_ =	sdelay $0x4  }
0xab: {  	[tilespmem:$0x1EF40] =	vst v62;
	v62 =	vld [tilespmem:$0x1510];
	_ =	sdelay $0x4  }
0xac: {  	[tilespmem:$0x1EF50] =	vst v62;
	v62 =	vld [tilespmem:$0x520];
	_ =	sdelay $0x4  }
0xad: {  	[tilespmem:$0x1EF60] =	vst v62;
	v62 =	vld [tilespmem:$0x1520];
	_ =	sdelay $0x4  }
0xae: {  	[tilespmem:$0x1EF70] =	vst v62;
	v62 =	vld [tilespmem:$0x530];
	_ =	sdelay $0x4  }
0xaf: {  	[tilespmem:$0x1EF80] =	vst v62;
	v62 =	vld [tilespmem:$0x1530];
	_ =	sdelay $0x4  }
0xb0: {  	[tilespmem:$0x1EF90] =	vst v62;
	v62 =	vld [tilespmem:$0x540];
	_ =	sdelay $0x4  }
0xb1: {  	[tilespmem:$0x1EFA0] =	vst v62;
	v62 =	vld [tilespmem:$0x1540];
	_ =	sdelay $0x4  }
0xb2: {  	[tilespmem:$0x1EFB0] =	vst v62;
	v62 =	vld [tilespmem:$0x550];
	_ =	sdelay $0x4  }
0xb3: {  	[tilespmem:$0x1EFC0] =	vst v62;
	v62 =	vld [tilespmem:$0x1550];
	_ =	sdelay $0x4  }
0xb4: {  	[tilespmem:$0x1EFD0] =	vst v62;
	v62 =	vld [tilespmem:$0x560];
	_ =	sdelay $0x4  }
0xb5: {  	[tilespmem:$0x1EFE0] =	vst v62;
	v62 =	vld [tilespmem:$0x1560];
	_ =	sdelay $0x4  }
0xb6: {  	[tilespmem:$0x1EFF0] =	vst v62;
	v62 =	vld [tilespmem:$0x570];
	_ =	sdelay $0x4  }
0xb7: {  	[tilespmem:$0x1F000] =	vst v62;
	v62 =	vld [tilespmem:$0x1570];
	_ =	sdelay $0x4  }
0xb8: {  	[tilespmem:$0x1F010] =	vst v62;
	v62 =	vld [tilespmem:$0x580];
	_ =	sdelay $0x4  }
0xb9: {  	[tilespmem:$0x1F020] =	vst v62;
	v62 =	vld [tilespmem:$0x1580];
	_ =	sdelay $0x4  }
0xba: {  	[tilespmem:$0x1F030] =	vst v62;
	v62 =	vld [tilespmem:$0x590];
	_ =	sdelay $0x4  }
0xbb: {  	[tilespmem:$0x1F040] =	vst v62;
	v62 =	vld [tilespmem:$0x1590];
	_ =	sdelay $0x4  }
0xbc: {  	[tilespmem:$0x1F050] =	vst v62;
	v62 =	vld [tilespmem:$0x5A0];
	_ =	sdelay $0x4  }
0xbd: {  	[tilespmem:$0x1F060] =	vst v62;
	v62 =	vld [tilespmem:$0x15A0];
	_ =	sdelay $0x4  }
0xbe: {  	[tilespmem:$0x1F070] =	vst v62;
	v62 =	vld [tilespmem:$0x5B0];
	_ =	sdelay $0x4  }
0xbf: {  	[tilespmem:$0x1F080] =	vst v62;
	v62 =	vld [tilespmem:$0x15B0];
	_ =	sdelay $0x4  }
0xc0: {  	[tilespmem:$0x1F090] =	vst v62;
	v62 =	vld [tilespmem:$0x5C0];
	_ =	sdelay $0x4  }
0xc1: {  	[tilespmem:$0x1F0A0] =	vst v62;
	v62 =	vld [tilespmem:$0x15C0];
	_ =	sdelay $0x4  }
0xc2: {  	[tilespmem:$0x1F0B0] =	vst v62;
	v62 =	vld [tilespmem:$0x5D0];
	_ =	sdelay $0x4  }
0xc3: {  	[tilespmem:$0x1F0C0] =	vst v62;
	v62 =	vld [tilespmem:$0x15D0];
	_ =	sdelay $0x4  }
0xc4: {  	[tilespmem:$0x1F0D0] =	vst v62;
	v62 =	vld [tilespmem:$0x5E0];
	_ =	sdelay $0x4  }
0xc5: {  	[tilespmem:$0x1F0E0] =	vst v62;
	v62 =	vld [tilespmem:$0x15E0];
	_ =	sdelay $0x4  }
0xc6: {  	[tilespmem:$0x1F0F0] =	vst v62;
	v62 =	vld [tilespmem:$0x5F0];
	_ =	sdelay $0x4  }
0xc7: {  	[tilespmem:$0x1F100] =	vst v62;
	v62 =	vld [tilespmem:$0x15F0];
	_ =	sdelay $0x4  }
0xc8: {  	[tilespmem:$0x1F110] =	vst v62;
	v62 =	vld [tilespmem:$0x600];
	_ =	sdelay $0x4  }
0xc9: {  	[tilespmem:$0x1F120] =	vst v62;
	v62 =	vld [tilespmem:$0x1600];
	_ =	sdelay $0x4  }
0xca: {  	[tilespmem:$0x1F130] =	vst v62;
	v62 =	vld [tilespmem:$0x610];
	_ =	sdelay $0x4  }
0xcb: {  	[tilespmem:$0x1F140] =	vst v62;
	v62 =	vld [tilespmem:$0x1610];
	_ =	sdelay $0x4  }
0xcc: {  	[tilespmem:$0x1F150] =	vst v62;
	v62 =	vld [tilespmem:$0x620];
	_ =	sdelay $0x4  }
0xcd: {  	[tilespmem:$0x1F160] =	vst v62;
	v62 =	vld [tilespmem:$0x1620];
	_ =	sdelay $0x4  }
0xce: {  	[tilespmem:$0x1F170] =	vst v62;
	v62 =	vld [tilespmem:$0x630];
	_ =	sdelay $0x4  }
0xcf: {  	[tilespmem:$0x1F180] =	vst v62;
	v62 =	vld [tilespmem:$0x1630];
	_ =	sdelay $0x4  }
0xd0: {  	[tilespmem:$0x1F190] =	vst v62;
	v62 =	vld [tilespmem:$0x640];
	_ =	sdelay $0x4  }
0xd1: {  	[tilespmem:$0x1F1A0] =	vst v62;
	v62 =	vld [tilespmem:$0x1640];
	_ =	sdelay $0x4  }
0xd2: {  	[tilespmem:$0x1F1B0] =	vst v62;
	v62 =	vld [tilespmem:$0x650];
	_ =	sdelay $0x4  }
0xd3: {  	[tilespmem:$0x1F1C0] =	vst v62;
	v62 =	vld [tilespmem:$0x1650];
	_ =	sdelay $0x4  }
0xd4: {  	[tilespmem:$0x1F1D0] =	vst v62;
	v62 =	vld [tilespmem:$0x660];
	_ =	sdelay $0x4  }
0xd5: {  	[tilespmem:$0x1F1E0] =	vst v62;
	v62 =	vld [tilespmem:$0x1660];
	_ =	sdelay $0x4  }
0xd6: {  	[tilespmem:$0x1F1F0] =	vst v62;
	v62 =	vld [tilespmem:$0x670];
	_ =	sdelay $0x4  }
0xd7: {  	[tilespmem:$0x1F200] =	vst v62;
	v62 =	vld [tilespmem:$0x1670];
	_ =	sdelay $0x4  }
0xd8: {  	[tilespmem:$0x1F210] =	vst v62;
	v62 =	vld [tilespmem:$0x680];
	_ =	sdelay $0x4  }
0xd9: {  	[tilespmem:$0x1F220] =	vst v62;
	v62 =	vld [tilespmem:$0x1680];
	_ =	sdelay $0x4  }
0xda: {  	[tilespmem:$0x1F230] =	vst v62;
	v62 =	vld [tilespmem:$0x690];
	_ =	sdelay $0x4  }
0xdb: {  	[tilespmem:$0x1F240] =	vst v62;
	v62 =	vld [tilespmem:$0x1690];
	_ =	sdelay $0x4  }
0xdc: {  	[tilespmem:$0x1F250] =	vst v62;
	v62 =	vld [tilespmem:$0x6A0];
	_ =	sdelay $0x4  }
0xdd: {  	[tilespmem:$0x1F260] =	vst v62;
	v62 =	vld [tilespmem:$0x16A0];
	_ =	sdelay $0x4  }
0xde: {  	[tilespmem:$0x1F270] =	vst v62;
	v62 =	vld [tilespmem:$0x6B0];
	_ =	sdelay $0x4  }
0xdf: {  	[tilespmem:$0x1F280] =	vst v62;
	v62 =	vld [tilespmem:$0x16B0];
	_ =	sdelay $0x4  }
0xe0: {  	[tilespmem:$0x1F290] =	vst v62;
	v62 =	vld [tilespmem:$0x6C0];
	_ =	sdelay $0x4  }
0xe1: {  	[tilespmem:$0x1F2A0] =	vst v62;
	v62 =	vld [tilespmem:$0x16C0];
	_ =	sdelay $0x4  }
0xe2: {  	[tilespmem:$0x1F2B0] =	vst v62;
	v62 =	vld [tilespmem:$0x6D0];
	_ =	sdelay $0x4  }
0xe3: {  	[tilespmem:$0x1F2C0] =	vst v62;
	v62 =	vld [tilespmem:$0x16D0];
	_ =	sdelay $0x4  }
0xe4: {  	[tilespmem:$0x1F2D0] =	vst v62;
	v62 =	vld [tilespmem:$0x6E0];
	_ =	sdelay $0x4  }
0xe5: {  	[tilespmem:$0x1F2E0] =	vst v62;
	v62 =	vld [tilespmem:$0x16E0];
	_ =	sdelay $0x4  }
0xe6: {  	[tilespmem:$0x1F2F0] =	vst v62;
	v62 =	vld [tilespmem:$0x6F0];
	_ =	sdelay $0x4  }
0xe7: {  	[tilespmem:$0x1F300] =	vst v62;
	v62 =	vld [tilespmem:$0x16F0];
	_ =	sdelay $0x4  }
0xe8: {  	[tilespmem:$0x1F310] =	vst v62;
	v62 =	vld [tilespmem:$0x700];
	_ =	sdelay $0x4  }
0xe9: {  	[tilespmem:$0x1F320] =	vst v62;
	v62 =	vld [tilespmem:$0x1700];
	_ =	sdelay $0x4  }
0xea: {  	[tilespmem:$0x1F330] =	vst v62;
	v62 =	vld [tilespmem:$0x710];
	_ =	sdelay $0x4  }
0xeb: {  	[tilespmem:$0x1F340] =	vst v62;
	v62 =	vld [tilespmem:$0x1710];
	_ =	sdelay $0x4  }
0xec: {  	[tilespmem:$0x1F350] =	vst v62;
	v62 =	vld [tilespmem:$0x720];
	_ =	sdelay $0x4  }
0xed: {  	[tilespmem:$0x1F360] =	vst v62;
	v62 =	vld [tilespmem:$0x1720];
	_ =	sdelay $0x4  }
0xee: {  	[tilespmem:$0x1F370] =	vst v62;
	v62 =	vld [tilespmem:$0x730];
	_ =	sdelay $0x4  }
0xef: {  	[tilespmem:$0x1F380] =	vst v62;
	v62 =	vld [tilespmem:$0x1730];
	_ =	sdelay $0x4  }
0xf0: {  	[tilespmem:$0x1F390] =	vst v62;
	v62 =	vld [tilespmem:$0x740];
	_ =	sdelay $0x4  }
0xf1: {  	[tilespmem:$0x1F3A0] =	vst v62;
	v62 =	vld [tilespmem:$0x1740];
	_ =	sdelay $0x4  }
0xf2: {  	[tilespmem:$0x1F3B0] =	vst v62;
	v62 =	vld [tilespmem:$0x750];
	_ =	sdelay $0x4  }
0xf3: {  	[tilespmem:$0x1F3C0] =	vst v62;
	v62 =	vld [tilespmem:$0x1750];
	_ =	sdelay $0x4  }
0xf4: {  	[tilespmem:$0x1F3D0] =	vst v62;
	v62 =	vld [tilespmem:$0x760];
	_ =	sdelay $0x4  }
0xf5: {  	[tilespmem:$0x1F3E0] =	vst v62;
	v62 =	vld [tilespmem:$0x1760];
	_ =	sdelay $0x4  }
0xf6: {  	[tilespmem:$0x1F3F0] =	vst v62;
	v62 =	vld [tilespmem:$0x770];
	_ =	sdelay $0x4  }
0xf7: {  	[tilespmem:$0x1F400] =	vst v62;
	v62 =	vld [tilespmem:$0x1770];
	_ =	sdelay $0x4  }
0xf8: {  	[tilespmem:$0x1F410] =	vst v62;
	v62 =	vld [tilespmem:$0x780];
	_ =	sdelay $0x4  }
0xf9: {  	[tilespmem:$0x1F420] =	vst v62;
	v62 =	vld [tilespmem:$0x1780];
	_ =	sdelay $0x4  }
0xfa: {  	[tilespmem:$0x1F430] =	vst v62;
	v62 =	vld [tilespmem:$0x790];
	_ =	sdelay $0x4  }
0xfb: {  	[tilespmem:$0x1F440] =	vst v62;
	v62 =	vld [tilespmem:$0x1790];
	_ =	sdelay $0x4  }
0xfc: {  	[tilespmem:$0x1F450] =	vst v62;
	v62 =	vld [tilespmem:$0x7A0];
	_ =	sdelay $0x4  }
0xfd: {  	[tilespmem:$0x1F460] =	vst v62;
	v62 =	vld [tilespmem:$0x17A0];
	_ =	sdelay $0x4  }
0xfe: {  	[tilespmem:$0x1F470] =	vst v62;
	v62 =	vld [tilespmem:$0x7B0];
	_ =	sdelay $0x4  }
0xff: {  	[tilespmem:$0x1F480] =	vst v62;
	v62 =	vld [tilespmem:$0x17B0];
	_ =	sdelay $0x4  }
0x100: {  	[tilespmem:$0x1F490] =	vst v62;
	v62 =	vld [tilespmem:$0x7C0];
	_ =	sdelay $0x4  }
0x101: {  	[tilespmem:$0x1F4A0] =	vst v62;
	v62 =	vld [tilespmem:$0x17C0];
	_ =	sdelay $0x4  }
0x102: {  	[tilespmem:$0x1F4B0] =	vst v62;
	v62 =	vld [tilespmem:$0x7D0];
	_ =	sdelay $0x4  }
0x103: {  	[tilespmem:$0x1F4C0] =	vst v62;
	v62 =	vld [tilespmem:$0x17D0];
	_ =	sdelay $0x4  }
0x104: {  	[tilespmem:$0x1F4D0] =	vst v62;
	v62 =	vld [tilespmem:$0x7E0];
	_ =	sdelay $0x4  }
0x105: {  	[tilespmem:$0x1F4E0] =	vst v62;
	v62 =	vld [tilespmem:$0x17E0];
	_ =	sdelay $0x4  }
0x106: {  	[tilespmem:$0x1F4F0] =	vst v62;
	v62 =	vld [tilespmem:$0x7F0];
	_ =	sdelay $0x4  }
0x107: {  	[tilespmem:$0x1F500] =	vst v62;
	v62 =	vld [tilespmem:$0x17F0];
	_ =	sdelay $0x4  }
0x108: {  	[tilespmem:$0x1F510] =	vst v62;
	v62 =	vld [tilespmem:$0x800];
	_ =	sdelay $0x4  }
0x109: {  	[tilespmem:$0x1F520] =	vst v62;
	v62 =	vld [tilespmem:$0x1800];
	_ =	sdelay $0x4  }
0x10a: {  	[tilespmem:$0x1F530] =	vst v62;
	v62 =	vld [tilespmem:$0x810];
	_ =	sdelay $0x4  }
0x10b: {  	[tilespmem:$0x1F540] =	vst v62;
	v62 =	vld [tilespmem:$0x1810];
	_ =	sdelay $0x4  }
0x10c: {  	[tilespmem:$0x1F550] =	vst v62;
	v62 =	vld [tilespmem:$0x820];
	_ =	sdelay $0x4  }
0x10d: {  	[tilespmem:$0x1F560] =	vst v62;
	v62 =	vld [tilespmem:$0x1820];
	_ =	sdelay $0x4  }
0x10e: {  	[tilespmem:$0x1F570] =	vst v62;
	v62 =	vld [tilespmem:$0x830];
	_ =	sdelay $0x4  }
0x10f: {  	[tilespmem:$0x1F580] =	vst v62;
	v62 =	vld [tilespmem:$0x1830];
	_ =	sdelay $0x4  }
0x110: {  	[tilespmem:$0x1F590] =	vst v62;
	v62 =	vld [tilespmem:$0x840];
	_ =	sdelay $0x4  }
0x111: {  	[tilespmem:$0x1F5A0] =	vst v62;
	v62 =	vld [tilespmem:$0x1840];
	_ =	sdelay $0x4  }
0x112: {  	[tilespmem:$0x1F5B0] =	vst v62;
	v62 =	vld [tilespmem:$0x850];
	_ =	sdelay $0x4  }
0x113: {  	[tilespmem:$0x1F5C0] =	vst v62;
	v62 =	vld [tilespmem:$0x1850];
	_ =	sdelay $0x4  }
0x114: {  	[tilespmem:$0x1F5D0] =	vst v62;
	v62 =	vld [tilespmem:$0x860];
	_ =	sdelay $0x4  }
0x115: {  	[tilespmem:$0x1F5E0] =	vst v62;
	v62 =	vld [tilespmem:$0x1860];
	_ =	sdelay $0x4  }
0x116: {  	[tilespmem:$0x1F5F0] =	vst v62;
	v62 =	vld [tilespmem:$0x870];
	_ =	sdelay $0x4  }
0x117: {  	[tilespmem:$0x1F600] =	vst v62;
	v62 =	vld [tilespmem:$0x1870];
	_ =	sdelay $0x4  }
0x118: {  	[tilespmem:$0x1F610] =	vst v62;
	v62 =	vld [tilespmem:$0x880];
	_ =	sdelay $0x4  }
0x119: {  	[tilespmem:$0x1F620] =	vst v62;
	v62 =	vld [tilespmem:$0x1880];
	_ =	sdelay $0x4  }
0x11a: {  	[tilespmem:$0x1F630] =	vst v62;
	v62 =	vld [tilespmem:$0x890];
	_ =	sdelay $0x4  }
0x11b: {  	[tilespmem:$0x1F640] =	vst v62;
	v62 =	vld [tilespmem:$0x1890];
	_ =	sdelay $0x4  }
0x11c: {  	[tilespmem:$0x1F650] =	vst v62;
	v62 =	vld [tilespmem:$0x8A0];
	_ =	sdelay $0x4  }
0x11d: {  	[tilespmem:$0x1F660] =	vst v62;
	v62 =	vld [tilespmem:$0x18A0];
	_ =	sdelay $0x4  }
0x11e: {  	[tilespmem:$0x1F670] =	vst v62;
	v62 =	vld [tilespmem:$0x8B0];
	_ =	sdelay $0x4  }
0x11f: {  	[tilespmem:$0x1F680] =	vst v62;
	v62 =	vld [tilespmem:$0x18B0];
	_ =	sdelay $0x4  }
0x120: {  	[tilespmem:$0x1F690] =	vst v62;
	v62 =	vld [tilespmem:$0x8C0];
	_ =	sdelay $0x4  }
0x121: {  	[tilespmem:$0x1F6A0] =	vst v62;
	v62 =	vld [tilespmem:$0x18C0];
	_ =	sdelay $0x4  }
0x122: {  	[tilespmem:$0x1F6B0] =	vst v62;
	v62 =	vld [tilespmem:$0x8D0];
	_ =	sdelay $0x4  }
0x123: {  	[tilespmem:$0x1F6C0] =	vst v62;
	v62 =	vld [tilespmem:$0x18D0];
	_ =	sdelay $0x4  }
0x124: {  	[tilespmem:$0x1F6D0] =	vst v62;
	v62 =	vld [tilespmem:$0x8E0];
	_ =	sdelay $0x4  }
0x125: {  	[tilespmem:$0x1F6E0] =	vst v62;
	v62 =	vld [tilespmem:$0x18E0];
	_ =	sdelay $0x4  }
0x126: {  	[tilespmem:$0x1F6F0] =	vst v62;
	v62 =	vld [tilespmem:$0x8F0];
	_ =	sdelay $0x4  }
0x127: {  	[tilespmem:$0x1F700] =	vst v62;
	v62 =	vld [tilespmem:$0x18F0];
	_ =	sdelay $0x4  }
0x128: {  	[tilespmem:$0x1F710] =	vst v62;
	v62 =	vld [tilespmem:$0x900];
	_ =	sdelay $0x4  }
0x129: {  	[tilespmem:$0x1F720] =	vst v62;
	v62 =	vld [tilespmem:$0x19B0];
	_ =	sdelay $0x4  }
0x12a: {  	[tilespmem:$0x1F880] =	vst v62;
	v62 =	vld [tilespmem:$0x1900];
	_ =	sdelay $0x4  }
0x12b: {  	[tilespmem:$0x1F730] =	vst v62;
	v62 =	vld [tilespmem:$0x910];
	_ =	sdelay $0x4  }
0x12c: {  	[tilespmem:$0x1F740] =	vst v62;
	v62 =	vld [tilespmem:$0x1910];
	_ =	sdelay $0x4  }
0x12d: {  	[tilespmem:$0x1F750] =	vst v62;
	v62 =	vld [tilespmem:$0x920];
	_ =	sdelay $0x4  }
0x12e: {  	[tilespmem:$0x1F760] =	vst v62;
	v62 =	vld [tilespmem:$0x1920];
	_ =	sdelay $0x4  }
0x12f: {  	[tilespmem:$0x1F770] =	vst v62;
	v62 =	vld [tilespmem:$0x930];
	_ =	sdelay $0x4  }
0x130: {  	[tilespmem:$0x1F780] =	vst v62;
	v62 =	vld [tilespmem:$0x1930];
	_ =	sdelay $0x4  }
0x131: {  	[tilespmem:$0x1F790] =	vst v62;
	v62 =	vld [tilespmem:$0x940];
	_ =	sdelay $0x4  }
0x132: {  	[tilespmem:$0x1F7A0] =	vst v62;
	v62 =	vld [tilespmem:$0x1940];
	_ =	sdelay $0x4  }
0x133: {  	[tilespmem:$0x1F7B0] =	vst v62;
	v62 =	vld [tilespmem:$0x950];
	_ =	sdelay $0x4  }
0x134: {  	[tilespmem:$0x1F7C0] =	vst v62;
	v62 =	vld [tilespmem:$0x1950];
	_ =	sdelay $0x4  }
0x135: {  	[tilespmem:$0x1F7D0] =	vst v62;
	v62 =	vld [tilespmem:$0x960];
	_ =	sdelay $0x4  }
0x136: {  	[tilespmem:$0x1F7E0] =	vst v62;
	v62 =	vld [tilespmem:$0x1960];
	_ =	sdelay $0x4  }
0x137: {  	[tilespmem:$0x1F7F0] =	vst v62;
	v62 =	vld [tilespmem:$0x970];
	_ =	sdelay $0x4  }
0x138: {  	[tilespmem:$0x1F800] =	vst v62;
	v62 =	vld [tilespmem:$0x9B0];
	_ =	sdelay $0x4  }
0x139: {  	[tilespmem:$0x1F890] =	vst v62;
	v62 =	vld [tilespmem:$0x1970];
	_ =	sdelay $0x4  }
0x13a: {  	[tilespmem:$0x1F810] =	vst v62;
	v62 =	vld [tilespmem:$0xC70];
	_ =	sdelay $0x4  }
0x13b: {  	[tilespmem:$0x1FC90] =	vst v62;
	v62 =	vld [tilespmem:$0x980];
	_ =	sdelay $0x4  }
0x13c: {  	[tilespmem:$0x1F820] =	vst v62;
	v62 =	vld [tilespmem:$0x1C50];
	_ =	sdelay $0x4  }
0x13d: {  	[tilespmem:$0x1FC50] =	vst v62;
	v62 =	vld [tilespmem:$0x1980];
	_ =	sdelay $0x4  }
0x13e: {  	[tilespmem:$0x1F830] =	vst v62;
	v62 =	vld [tilespmem:$0x990];
	_ =	sdelay $0x4  }
0x13f: {  	[tilespmem:$0x1F840] =	vst v62;
	v62 =	vld [tilespmem:$0x1990];
	_ =	sdelay $0x4  }
0x140: {  	[tilespmem:$0x1F850] =	vst v62;
	v62 =	vld [tilespmem:$0xC30];
	_ =	sdelay $0x4  }
0x141: {  	[tilespmem:$0x1FC10] =	vst v62;
	v62 =	vld [tilespmem:$0x9A0];
	_ =	sdelay $0x4  }
0x142: {  	[tilespmem:$0x1F860] =	vst v62;
	v62 =	vld [tilespmem:$0xC10];
	_ =	sdelay $0x4  }
0x143: {  	[tilespmem:$0x1FBD0] =	vst v62;
	v62 =	vld [tilespmem:$0x1C30];
	_ =	sdelay $0x4  }
0x144: {  	[tilespmem:$0x1FC20] =	vst v62;
	v62 =	vld [tilespmem:$0x1BF0];
	_ =	sdelay $0x4  }
0x145: {  	[tilespmem:$0x1FB90] =	vst v62;
	v62 =	vld [tilespmem:$0x19A0];
	_ =	sdelay $0x4  }
0x146: {  	[tilespmem:$0x1F870] =	vst v62;
	v62 =	vld [tilespmem:$0x9C0];
	_ =	sdelay $0x4  }
0x147: {  	[tilespmem:$0x1F8A0] =	vst v62;
	v62 =	vld [tilespmem:$0x19C0];
	_ =	sdelay $0x4  }
0x148: {  	[tilespmem:$0x1F8B0] =	vst v62;
	v62 =	vld [tilespmem:$0xBD0];
	_ =	sdelay $0x4  }
0x149: {  	[tilespmem:$0x1FB50] =	vst v62;
	v62 =	vld [tilespmem:$0x9D0];
	_ =	sdelay $0x4  }
0x14a: {  	[tilespmem:$0x1F8C0] =	vst v62;
	v62 =	vld [tilespmem:$0xBB0];
	_ =	sdelay $0x4  }
0x14b: {  	[tilespmem:$0x1FB20] =	vst v62;
	v62 =	vld [tilespmem:$0x1BD0];
	_ =	sdelay $0x4  }
0x14c: {  	[tilespmem:$0x1FB60] =	vst v62;
	v62 =	vld [tilespmem:$0x1B90];
	_ =	sdelay $0x4  }
0x14d: {  	[tilespmem:$0x1FB10] =	vst v62;
	v62 =	vld [tilespmem:$0x19D0];
	_ =	sdelay $0x4  }
0x14e: {  	[tilespmem:$0x1F8D0] =	vst v62;
	v62 =	vld [tilespmem:$0x9E0];
	_ =	sdelay $0x4  }
0x14f: {  	[tilespmem:$0x1F8E0] =	vst v62;
	v62 =	vld [tilespmem:$0x19E0];
	_ =	sdelay $0x4  }
0x150: {  	[tilespmem:$0x1F8F0] =	vst v62;
	v62 =	vld [tilespmem:$0xB70];
	_ =	sdelay $0x4  }
0x151: {  	[tilespmem:$0x1FAF0] =	vst v62;
	v62 =	vld [tilespmem:$0x9F0];
	_ =	sdelay $0x4  }
0x152: {  	[tilespmem:$0x1F900] =	vst v62;
	v62 =	vld [tilespmem:$0xB50];
	_ =	sdelay $0x4  }
0x153: {  	[tilespmem:$0x1FAE0] =	vst v62;
	v62 =	vld [tilespmem:$0x1B70];
	_ =	sdelay $0x4  }
0x154: {  	[tilespmem:$0x1FB00] =	vst v62;
	v62 =	vld [tilespmem:$0x1B30];
	_ =	sdelay $0x4  }
0x155: {  	[tilespmem:$0x1FAD0] =	vst v62;
	v62 =	vld [tilespmem:$0x19F0];
	_ =	sdelay $0x4  }
0x156: {  	[tilespmem:$0x1F910] =	vst v62;
	v62 =	vld [tilespmem:$0xA00];
	_ =	sdelay $0x4  }
0x157: {  	[tilespmem:$0x1F920] =	vst v62;
	v62 =	vld [tilespmem:$0x1A00];
	_ =	sdelay $0x4  }
0x158: {  	[tilespmem:$0x1F930] =	vst v62;
	v62 =	vld [tilespmem:$0xB10];
	_ =	sdelay $0x4  }
0x159: {  	[tilespmem:$0x1FAB0] =	vst v62;
	v62 =	vld [tilespmem:$0xA10];
	_ =	sdelay $0x4  }
0x15a: {  	[tilespmem:$0x1F940] =	vst v62;
	v62 =	vld [tilespmem:$0xAF0];
	_ =	sdelay $0x4  }
0x15b: {  	[tilespmem:$0x1FAA0] =	vst v62;
	v62 =	vld [tilespmem:$0x1B10];
	_ =	sdelay $0x4  }
0x15c: {  	[tilespmem:$0x1FAC0] =	vst v62;
	v62 =	vld [tilespmem:$0x1AD0];
	_ =	sdelay $0x4  }
0x15d: {  	[tilespmem:$0x1FA90] =	vst v62;
	v62 =	vld [tilespmem:$0x1A10];
	_ =	sdelay $0x4  }
0x15e: {  	[tilespmem:$0x1F950] =	vst v62;
	v62 =	vld [tilespmem:$0xA20];
	_ =	sdelay $0x4  }
0x15f: {  	[tilespmem:$0x1F960] =	vst v62;
	v62 =	vld [tilespmem:$0x1A20];
	_ =	sdelay $0x4  }
0x160: {  	[tilespmem:$0x1F970] =	vst v62;
	v62 =	vld [tilespmem:$0xAB0];
	_ =	sdelay $0x4  }
0x161: {  	[tilespmem:$0x1FA70] =	vst v62;
	v62 =	vld [tilespmem:$0xA30];
	_ =	sdelay $0x4  }
0x162: {  	[tilespmem:$0x1F980] =	vst v62;
	v62 =	vld [tilespmem:$0xA90];
	_ =	sdelay $0x4  }
0x163: {  	[tilespmem:$0x1FA40] =	vst v62;
	v62 =	vld [tilespmem:$0x1AB0];
	_ =	sdelay $0x4  }
0x164: {  	[tilespmem:$0x1FA80] =	vst v62;
	v62 =	vld [tilespmem:$0x1A70];
	_ =	sdelay $0x4  }
0x165: {  	[tilespmem:$0x1FA00] =	vst v62;
	v62 =	vld [tilespmem:$0x1A30];
	_ =	sdelay $0x4  }
0x166: {  	[tilespmem:$0x1F990] =	vst v62;
	v62 =	vld [tilespmem:$0xA40];
	_ =	sdelay $0x4  }
0x167: {  	[tilespmem:$0x1F9A0] =	vst v62;
	v62 =	vld [tilespmem:$0x1A40];
	_ =	sdelay $0x4  }
0x168: {  	[tilespmem:$0x1F9B0] =	vst v62;
	v62 =	vld [tilespmem:$0xA50];
	_ =	sdelay $0x4  }
0x169: {  	[tilespmem:$0x1F9C0] =	vst v62;
	v62 =	vld [tilespmem:$0x1A50];
	_ =	sdelay $0x4  }
0x16a: {  	[tilespmem:$0x1F9D0] =	vst v62;
	v62 =	vld [tilespmem:$0xA60];
	_ =	sdelay $0x4  }
0x16b: {  	[tilespmem:$0x1F9E0] =	vst v62;
	v62 =	vld [tilespmem:$0x1A60];
	_ =	sdelay $0x4  }
0x16c: {  	[tilespmem:$0x1F9F0] =	vst v62;
	v62 =	vld [tilespmem:$0xA70];
	_ =	sdelay $0x4  }
0x16d: {  	[tilespmem:$0x1FA10] =	vst v62;
	v62 =	vld [tilespmem:$0xA80];
	_ =	sdelay $0x2  }
0x16e: {  	v15 =	vmul.f32 v15, v20;
	v20 =	vld [tilespmem:$0x1AA0]  }
0x16f: {  	v16 =	vmul.f32 v16, v17;
	v17 =	vld [tilespmem:$0xAC0]  }
0x170: {  	[tilespmem:$0x1FA20] =	vst v62;
	v62 =	vld [tilespmem:$0x1A80]  }
0x171: {  	v0 =	vmul.f32 v0, v1;
	v1 =	vadd.f32 $0.0e+00, v15;
	v15 =	vld [tilespmem:$0x1AC0]  }
0x172: {  	v11 =	vmul.f32 v11, v13;
	v13 =	vmul.f32 v14, v19;
	v14 =	vld [tilespmem:$0xAD0]  }
0x173: {  	v2 =	vmul.f32 v2, v4;
	v4 =	vadd.f32 $0.0e+00, v16;
	v16 =	vld [tilespmem:$0x1AE0]  }
0x174: {  	v10 =	vmul.f32 v10, v12;
	v19 =	vld [tilespmem:$0x1AF0]  }
0x175: {  	v3 =	vmul.f32 v3, v5;
	v0 =	vadd.f32 v0, v1;
	v1 =	vmul.f32 v6, v8;
	[tilespmem:$0x1FA30] =	vst v62;
	v62 =	vld [tilespmem:$0x1A90]  }
0x176: {  	v12 =	vadd.f32 $0.0e+00, v11;
	v6 =	vmul.f32 v7, v9;
	v9 =	vmul.f32 v36, v42;
	v36 =	vld [tilespmem:$0x1B00]  }
0x177: {  	v1 =	vadd.f32 v1, v4;
	v4 =	vmul.f32 v44, v48;
	v48 =	vmul.f32 v22, v25;
	v22 =	vld [tilespmem:$0xB20]  }
0x178: {  	v3 =	vadd.f32 v3, v12;
	v12 =	vmul.f32 v23, v27;
	v23 =	vld [tilespmem:$0x1B20]  }
0x179: {  	v44 =	vmul.f32 v24, v26;
	v24 =	vld [tilespmem:$0xB30]  }
0x17a: {  	[tilespmem:$0x1FA50] =	vst v62;
	v62 =	vld [tilespmem:$0xAA0]  }
0x17b: {  	v25 =	vld [tilespmem:$0xB40]  }
0x17c: {  	v26 =	vld [tilespmem:$0x1B40]  }
0x17d: {  	v29 =	vmul.f32 v28, v29;
	v27 =	vld [tilespmem:$0x1B50]  }
0x17e: {  	v9 =	vadd.f32 $0.0e+00, v9;
	v28 =	vld [tilespmem:$0xB60]  }
0x17f: {  	v4 =	vadd.f32 $0.0e+00, v4;
	v1 =	vadd.f32 v29, v1;
	v29 =	vld [tilespmem:$0xB80];
	[tilespmem:$0x1FA60] =	vst v62;
	v62 =	vmul.f32 v18, v21  }
0x180: {  	v7 =	vadd.f32 v48, v9;
	v48 =	vld [tilespmem:$0x1EA40];
	v21 =	vadd.f32 $0.0e+00, v10  }
0x181: {  	v4 =	vadd.f32 v12, v4;
	v12 =	vld [tilespmem:$0x1EB10];
	v62 =	vadd.f32 $0.0e+00, v62  }
0x182: {  	v18 =	vld [tilespmem:$0xAE0];
	v2 =	vadd.f32 v2, v21  }
0x183: {  	v21 =	vld [tilespmem:$0xB00];
	v42 =	vadd.f32 v6, v62;
	v62 =	vadd.f32 $0.0e+00, v13;
	v13 =	vmul.f32 v30, v32  }
0x184: {  	v30 =	vmul.f32 v31, v33;
	v32 =	vmul.f32 v38, v45;
	v45 =	vld [tilespmem:$0x1EA10]  }
0x185: {  	v33 =	vmul.f32 v34, v39;
	v34 =	vmul.f32 v40, v46;
	v46 =	vld [tilespmem:$0x1EA20]  }
0x186: {  	v38 =	vmul.f32 v47, v49;
	v47 =	vld [tilespmem:$0x1EA30]  }
0x187: {  	v49 =	vld [tilespmem:$0x1EA50]  }
0x188: {  	v31 =	vmul.f32 v37, v43;
	v37 =	vmul.f32 v35, v41;
	v35 =	vld [tilespmem:$0x1BB0]  }
0x189: {  	v43 =	vmul.f32 v50, v54;
	v50 =	vld [tilespmem:$0x1EA60]  }
0x18a: {  	v39 =	vmul.f32 v51, v55;
	v51 =	vld [tilespmem:$0x1EA70]  }
0x18b: {  	v41 =	vmul.f32 v52, v57;
	v52 =	vld [tilespmem:$0x1EA80]  }
0x18c: {  	v54 =	vld [tilespmem:$0xBC0]  }
0x18d: {  	v55 =	vld [tilespmem:$0x1EAA0]  }
0x18e: {  	v40 =	vmul.f32 v56, v60;
	v56 =	vld [tilespmem:$0x1EAB0]  }
0x18f: {  	v57 =	vld [tilespmem:$0x1BC0]  }
0x190: {  	v60 =	vld [tilespmem:$0xBE0]  }
0x191: {  	v2 =	vadd.f32 v30, v2;
	v30 =	vld [tilespmem:$0x1B60]  }
0x192: {  	v3 =	vadd.f32 v31, v3;
	v31 =	vld [tilespmem:$0x1B80]  }
0x193: {  	v5 =	vadd.f32 v32, v42;
	v32 =	vld [tilespmem:$0xB90]  }
0x194: {  	v7 =	vadd.f32 v34, v7;
	v34 =	vld [tilespmem:$0x1BA0]  }
0x195: {  	v42 =	vmul.f32 v53, v58;
	v53 =	vld [tilespmem:$0x1EA90]  }
0x196: {  	v58 =	vld [tilespmem:$0x1EAC0]  }
0x197: {  	v6 =	vadd.f32 v44, v62;
	v44 =	vmul.f32 v59, v61;
	v59 =	vld [tilespmem:$0x1EAD0]  }
0x198: {  	v61 =	vld [tilespmem:$0x1EAE0]  }
0x199: {  	v62 =	vld [tilespmem:$0x1EAF0]  }
0x19a: {  	v0 =	vadd.f32 v13, v0;
	v13 =	vld [tilespmem:$0x1BE0]  }
0x19b: {  	v4 =	vadd.f32 v37, v4;
	v37 =	vld [tilespmem:$0x1EB20]  }
0x19c: {  	v1 =	vadd.f32 v39, v1;
	v39 =	vld [tilespmem:$0x1EB40]  }
0x19d: {  	v6 =	vadd.f32 v33, v6;
	v33 =	vld [tilespmem:$0xBA0]  }
0x19e: {  	v0 =	vadd.f32 v38, v0;
	v38 =	vld [tilespmem:$0x1EB30]  }
0x19f: {  	v2 =	vadd.f32 v40, v2;
	v40 =	vld [tilespmem:$0x1EB50]  }
0x1a0: {  	v3 =	vadd.f32 v41, v3;
	v41 =	vld [tilespmem:$0xBF0]  }
0x1a1: {  	v5 =	vadd.f32 v42, v5;
	v42 =	vld [tilespmem:$0x1EB60]  }
0x1a2: {  	v7 =	vadd.f32 v44, v7;
	v44 =	vld [tilespmem:$0xC00]  }
0x1a3: {  	v8 =	vmul.f32 v63, v45;
	v63 =	vld [tilespmem:$0x1EB00]  }
0x1a4: {  	v45 =	vld [tilespmem:$0x1EB80]  }
0x1a5: {  	v9 =	vmul.f32 v47, v46;
	v46 =	vld [tilespmem:$0x1EB90]  }
0x1a6: {  	v47 =	vld [tilespmem:$0x1C00]  }
0x1a7: {  	v10 =	vmul.f32 v49, v48;
	v48 =	vld [tilespmem:$0x1EBA0]  }
0x1a8: {  	v49 =	vld [tilespmem:$0x1EBB0]  }
0x1a9: {  	[tilespmem:$0x1FB30] =	vst v54;
	v54 =	vld [tilespmem:$0x1EBF0]  }
0x1aa: {  	[tilespmem:$0x1FB40] =	vst v57;
	v57 =	vld [tilespmem:$0xC20]  }
0x1ab: {  	[tilespmem:$0x1FB70] =	vst v60;
	v60 =	vld [tilespmem:$0x1C20]  }
0x1ac: {  	v6 =	vadd.f32 v43, v6;
	v43 =	vld [tilespmem:$0x1EB70]  }
0x1ad: {  	v4 =	vadd.f32 v8, v4;
	v8 =	vmul.f32 v51, v50;
	v50 =	vld [tilespmem:$0x1EBC0]  }
0x1ae: {  	v51 =	vld [tilespmem:$0x1EBD0]  }
0x1af: {  	v11 =	vmul.f32 v53, v52;
	v52 =	vld [tilespmem:$0x1C10]  }
0x1b0: {  	v53 =	vld [tilespmem:$0x1EBE0]  }
0x1b1: {  	v0 =	vadd.f32 v9, v0;
	v9 =	vmul.f32 v56, v55;
	v55 =	vld [tilespmem:$0x1EC00]  }
0x1b2: {  	v56 =	vld [tilespmem:$0x1EC10]  }
0x1b3: {  	[tilespmem:$0x1FB80] =	vst v13;
	v13 =	vld [tilespmem:$0x1EC70]  }
0x1b4: {  	v2 =	vadd.f32 v8, v2;
	v8 =	vmul.f32 v59, v58;
	v58 =	vld [tilespmem:$0x1EC20]  }
0x1b5: {  	v59 =	vld [tilespmem:$0x1EC30]  }
0x1b6: {  	v5 =	vadd.f32 v9, v5;
	v9 =	vmul.f32 v62, v61;
	v61 =	vld [tilespmem:$0x1EC40]  }
0x1b7: {  	v62 =	vld [tilespmem:$0x1EC50]  }
0x1b8: {  	v3 =	vadd.f32 v11, v3;
	v11 =	vmul.f32 v40, v39;
	v39 =	vld [tilespmem:$0xC40]  }
0x1b9: {  	[tilespmem:$0x1FBA0] =	vst v41;
	v40 =	vld [tilespmem:$0x1ECA0]  }
0x1ba: {  	[tilespmem:$0x1FBB0] =	vst v44;
	v41 =	vld [tilespmem:$0x1ECB0]  }
0x1bb: {  	v1 =	vadd.f32 v10, v1;
	v10 =	vmul.f32 v12, v63;
	[tilespmem:$0x1FBC0] =	vst v47;
	v63 =	vld [tilespmem:$0x1C40]  }
0x1bc: {  	[tilespmem:$0x1FBF0] =	vst v57;
	v12 =	vld [tilespmem:$0x1EC60]  }
0x1bd: {  	[tilespmem:$0x1FC00] =	vst v60;
	v6 =	vadd.f32 v8, v6;
	v8 =	vmul.f32 v38, v37;
	v37 =	vld [tilespmem:$0x1EC80]  }
0x1be: {  	v38 =	vld [tilespmem:$0x1EC90];
	[tilespmem:$0x1FBE0] =	vst v52  }
0x1bf: {  	v7 =	vadd.f32 v9, v7;
	v9 =	vmul.f32 v43, v42;
	v42 =	vld [tilespmem:$0x1ECC0];
	[tilespmem:$0x1FC40] =	vst v39  }
0x1c0: {  	v43 =	vld [tilespmem:$0x1ECD0];
	[tilespmem:$0x1FC30] =	vst v63  }
0x1c1: {  	v44 =	vld [tilespmem:$0xC50]  }
0x1c2: {  	v0 =	vadd.f32 v8, v0;
	v8 =	vmul.f32 v46, v45;
	v45 =	vld [tilespmem:$0x1ECE0]  }
0x1c3: {  	v46 =	vld [tilespmem:$0x1ECF0]  }
0x1c4: {  	v47 =	vld [tilespmem:$0xC60]  }
0x1c5: {  	v2 =	vadd.f32 v9, v2;
	v9 =	vmul.f32 v49, v48;
	v48 =	vld [tilespmem:$0x1ED00]  }
0x1c6: {  	v49 =	vld [tilespmem:$0x1ED10]  }
0x1c7: {  	v4 =	vadd.f32 v10, v4;
	v10 =	vmul.f32 v51, v50;
	v50 =	vld [tilespmem:$0x1C60]  }
0x1c8: {  	v51 =	vld [tilespmem:$0x1ED20]  }
0x1c9: {  	v52 =	vld [tilespmem:$0x1ED30]  }
0x1ca: {  	v3 =	vadd.f32 v8, v3;
	v8 =	vmul.f32 v54, v53;
	v53 =	vld [tilespmem:$0x1ED40]  }
0x1cb: {  	v54 =	vld [tilespmem:$0x1ED50]  }
0x1cc: {  	v1 =	vadd.f32 v11, v1;
	v11 =	vmul.f32 v56, v55;
	v55 =	vld [tilespmem:$0x1C70]  }
0x1cd: {  	v56 =	vld [tilespmem:$0x1ED60]  }
0x1ce: {  	v57 =	vld [tilespmem:$0x1ED70]  }
0x1cf: {  	v5 =	vadd.f32 v9, v5;
	v9 =	vmul.f32 v59, v58;
	v58 =	vld [tilespmem:$0x1ED80]  }
0x1d0: {  	v59 =	vld [tilespmem:$0x1ED90]  }
0x1d1: {  	v60 =	vld [tilespmem:$0xC80]  }
0x1d2: {  	v63 =	vld [tilespmem:$0xC90]  }
0x1d3: {  	v6 =	vadd.f32 v10, v6;
	v10 =	vmul.f32 v38, v37;
	v37 =	vld [tilespmem:$0x1C80]  }
0x1d4: {  	v38 =	vld [tilespmem:$0x1EDE0]  }
0x1d5: {  	v39 =	vld [tilespmem:$0x1EDF0]  }
0x1d6: {  	v4 =	vadd.f32 v11, v4;
	v11 =	vmul.f32 v43, v42;
	v42 =	vld [tilespmem:$0x1C90]  }
0x1d7: {  	v43 =	vld [tilespmem:$0x1EE20]  }
0x1d8: {  	v22 =	vmul.f32 v23, v22;
	v23 =	vld [tilespmem:$0x1FAD0]  }
0x1d9: {  	v25 =	vmul.f32 v26, v25;
	v26 =	vld [tilespmem:$0x1FAE0]  }
0x1da: {  	v30 =	vmul.f32 v30, v28;
	v28 =	vld [tilespmem:$0x1FB50]  }
0x1db: {  	v7 =	vadd.f32 v8, v7;
	v8 =	vmul.f32 v62, v61;
	v61 =	vld [tilespmem:$0x1EDA0]  }
0x1dc: {  	v62 =	vld [tilespmem:$0x1EDB0]  }
0x1dd: {  	v0 =	vadd.f32 v9, v0;
	v9 =	vmul.f32 v13, v12;
	v12 =	vld [tilespmem:$0x1EDC0]  }
0x1de: {  	v13 =	vld [tilespmem:$0x1EDD0]  }
0x1df: {  	v1 =	vadd.f32 v8, v1;
	v8 =	vmul.f32 v41, v40;
	v40 =	vld [tilespmem:$0x1EE00]  }
0x1e0: {  	v41 =	vld [tilespmem:$0x1EE10]  }
0x1e1: {  	[tilespmem:$0x1FC60] =	vst v44;
	v44 =	vld [tilespmem:$0x1EE30]  }
0x1e2: {  	v2 =	vadd.f32 v9, v2;
	v9 =	vmul.f32 v46, v45;
	v45 =	vld [tilespmem:$0x1EE40]  }
0x1e3: {  	v46 =	vld [tilespmem:$0x1EE50]  }
0x1e4: {  	[tilespmem:$0x1FC70] =	vst v47;
	v47 =	vld [tilespmem:$0xCA0]  }
0x1e5: {  	v5 =	vadd.f32 v8, v5;
	v8 =	vmul.f32 v49, v48;
	v48 =	vld [tilespmem:$0x1EE60]  }
0x1e6: {  	v49 =	vld [tilespmem:$0x1EE70]  }
0x1e7: {  	[tilespmem:$0x1FC80] =	vst v50;
	v50 =	vld [tilespmem:$0x1CA0]  }
0x1e8: {  	v3 =	vadd.f32 v10, v3;
	v10 =	vmul.f32 v54, v53;
	v53 =	vld [tilespmem:$0xCB0]  }
0x1e9: {  	v54 =	vld [tilespmem:$0x1EEA0]  }
0x1ea: {  	[tilespmem:$0x1FCA0] =	vst v55;
	v55 =	vld [tilespmem:$0x1EEB0]  }
0x1eb: {  	v6 =	vadd.f32 v11, v6;
	v11 =	vmul.f32 v59, v58;
	v58 =	vld [tilespmem:$0x1CB0]  }
0x1ec: {  	v59 =	vld [tilespmem:$0x1EEE0]  }
0x1ed: {  	[tilespmem:$0x1FCB0] =	vst v60;
	v60 =	vld [tilespmem:$0x1EEF0]  }
0x1ee: {  	[tilespmem:$0x1FCD0] =	vst v63;
	v63 =	vld [tilespmem:$0xCC0]  }
0x1ef: {  	[tilespmem:$0x1FCC0] =	vst v37;
	v37 =	vld [tilespmem:$0x1EF20]  }
0x1f0: {  	[tilespmem:$0x1FCE0] =	vst v42;
	v42 =	vld [tilespmem:$0xCD0]  }
0x1f1: {  	v7 =	vadd.f32 v9, v7;
	v9 =	vmul.f32 v52, v51;
	v51 =	vld [tilespmem:$0x1EE80]  }
0x1f2: {  	v52 =	vld [tilespmem:$0x1EE90]  }
0x1f3: {  	v4 =	vadd.f32 v8, v4;
	v8 =	vmul.f32 v57, v56;
	v56 =	vld [tilespmem:$0x1EEC0]  }
0x1f4: {  	v57 =	vld [tilespmem:$0x1EED0]  }
0x1f5: {  	v1 =	vadd.f32 v10, v1;
	v10 =	vmul.f32 v41, v40;
	v40 =	vld [tilespmem:$0x1EF40]  }
0x1f6: {  	v41 =	vld [tilespmem:$0x1EF50]  }
0x1f7: {  	v0 =	vadd.f32 v9, v0;
	v9 =	vmul.f32 v62, v61;
	v61 =	vld [tilespmem:$0x1EF00]  }
0x1f8: {  	v62 =	vld [tilespmem:$0x1EF10]  }
0x1f9: {  	v2 =	vadd.f32 v8, v2;
	v8 =	vmul.f32 v13, v12;
	v12 =	vld [tilespmem:$0x1F060]  }
0x1fa: {  	v13 =	vld [tilespmem:$0x1F070]  }
0x1fb: {  	v3 =	vadd.f32 v11, v3;
	v11 =	vmul.f32 v46, v45;
	v45 =	vld [tilespmem:$0x1EF80]  }
0x1fc: {  	v46 =	vld [tilespmem:$0x1EF90]  }
0x1fd: {  	[tilespmem:$0x1FCF0] =	vst v47;
	v47 =	vld [tilespmem:$0x1CD0]  }
0x1fe: {  	[tilespmem:$0x1FD00] =	vst v50;
	v50 =	vld [tilespmem:$0x1EFC0]  }
0x1ff: {  	[tilespmem:$0x1FD10] =	vst v53;
	v53 =	vld [tilespmem:$0x1EFE0]  }
0x200: {  	[tilespmem:$0x1FD20] =	vst v58;
	v58 =	vld [tilespmem:$0xCF0]  }
0x201: {  	[tilespmem:$0x1FD30] =	vst v63;
	v63 =	vld [tilespmem:$0x1CF0]  }
0x202: {  	[tilespmem:$0x1FD50] =	vst v42;
	v42 =	vld [tilespmem:$0x1D00]  }
0x203: {  	v5 =	vadd.f32 v9, v5;
	v9 =	vmul.f32 v39, v38;
	v38 =	vld [tilespmem:$0x1EF30]  }
0x204: {  	v39 =	vld [tilespmem:$0x1CC0]  }
0x205: {  	v6 =	vadd.f32 v8, v6;
	v8 =	vmul.f32 v44, v43;
	v43 =	vld [tilespmem:$0x1EF60]  }
0x206: {  	v44 =	vld [tilespmem:$0x1EF70]  }
0x207: {  	v4 =	vadd.f32 v10, v4;
	v10 =	vmul.f32 v57, v56;
	v56 =	vld [tilespmem:$0x1F000]  }
0x208: {  	v57 =	vld [tilespmem:$0x1F010]  }
0x209: {  	v7 =	vadd.f32 v9, v7;
	v9 =	vmul.f32 v49, v48;
	v48 =	vld [tilespmem:$0x1EFA0]  }
0x20a: {  	v49 =	vld [tilespmem:$0x1EFB0]  }
0x20b: {  	v0 =	vadd.f32 v8, v0;
	v8 =	vmul.f32 v52, v51;
	v51 =	vld [tilespmem:$0x1EFD0]  }
0x20c: {  	v52 =	vld [tilespmem:$0xCE0]  }
0x20d: {  	v1 =	vadd.f32 v11, v1;
	v11 =	vmul.f32 v62, v61;
	v61 =	vld [tilespmem:$0x1F040]  }
0x20e: {  	v62 =	vld [tilespmem:$0x1F050]  }
0x20f: {  	v2 =	vadd.f32 v9, v2;
	v9 =	vmul.f32 v55, v54;
	v54 =	vld [tilespmem:$0x1EFF0]  }
0x210: {  	v55 =	vld [tilespmem:$0x1CE0]  }
0x211: {  	v3 =	vadd.f32 v8, v3;
	v8 =	vmul.f32 v60, v59;
	v59 =	vld [tilespmem:$0x1F020]  }
0x212: {  	v60 =	vld [tilespmem:$0x1F030]  }
0x213: {  	v6 =	vadd.f32 v10, v6;
	v10 =	vmul.f32 v46, v45;
	v45 =	vld [tilespmem:$0xD10]  }
0x214: {  	v46 =	vld [tilespmem:$0x1F0E0]  }
0x215: {  	[tilespmem:$0x1FD60] =	vst v47;
	v47 =	vld [tilespmem:$0x1F0F0]  }
0x216: {  	[tilespmem:$0x1FD90] =	vst v58;
	v58 =	vld [tilespmem:$0x1D20]  }
0x217: {  	[tilespmem:$0x1FDA0] =	vst v63;
	v63 =	vld [tilespmem:$0x1F1B0]  }
0x218: {  	[tilespmem:$0x1FDC0] =	vst v42;
	v42 =	vld [tilespmem:$0xD40]  }
0x219: {  	[tilespmem:$0x1FD40] =	vst v39;
	v39 =	vld [tilespmem:$0xD00]  }
0x21a: {  	v5 =	vadd.f32 v9, v5;
	v9 =	vmul.f32 v38, v37;
	v37 =	vld [tilespmem:$0x1F080]  }
0x21b: {  	v38 =	vld [tilespmem:$0x1F090]  }
0x21c: {  	v7 =	vadd.f32 v8, v7;
	v8 =	vmul.f32 v41, v40;
	v40 =	vld [tilespmem:$0x1F0A0]  }
0x21d: {  	v41 =	vld [tilespmem:$0x1F0B0]  }
0x21e: {  	v4 =	vadd.f32 v11, v4;
	v11 =	vmul.f32 v51, v50;
	v50 =	vld [tilespmem:$0x1D10]  }
0x21f: {  	v51 =	vld [tilespmem:$0x1F120]  }
0x220: {  	[tilespmem:$0x1FD70] =	vst v52;
	v52 =	vld [tilespmem:$0x1F130]  }
0x221: {  	v0 =	vadd.f32 v9, v0;
	v9 =	vmul.f32 v44, v43;
	v43 =	vld [tilespmem:$0x1F0C0]  }
0x222: {  	v44 =	vld [tilespmem:$0x1F0D0]  }
0x223: {  	v1 =	vadd.f32 v8, v1;
	v8 =	vmul.f32 v49, v48;
	v48 =	vld [tilespmem:$0x1F100]  }
0x224: {  	v49 =	vld [tilespmem:$0x1F110]  }
0x225: {  	v3 =	vadd.f32 v10, v3;
	v10 =	vmul.f32 v62, v61;
	v61 =	vld [tilespmem:$0xD30]  }
0x226: {  	v62 =	vld [tilespmem:$0x1F1A0]  }
0x227: {  	[tilespmem:$0x1FD80] =	vst v55;
	v55 =	vld [tilespmem:$0xD20]  }
0x228: {  	[tilespmem:$0x1FDD0] =	vst v45;
	v45 =	vld [tilespmem:$0x1D40]  }
0x229: {  	[tilespmem:$0x1FE00] =	vst v58;
	v58 =	vld [tilespmem:$0xD60]  }
0x22a: {  	[tilespmem:$0x1FE30] =	vst v42;
	v42 =	vld [tilespmem:$0x1F370]  }
0x22b: {  	v2 =	vadd.f32 v9, v2;
	v9 =	vmul.f32 v54, v53;
	v53 =	vld [tilespmem:$0x1F140]  }
0x22c: {  	v54 =	vld [tilespmem:$0x1F150]  }
0x22d: {  	v5 =	vadd.f32 v8, v5;
	v8 =	vmul.f32 v57, v56;
	v56 =	vld [tilespmem:$0x1F160]  }
0x22e: {  	v57 =	vld [tilespmem:$0x1F170]  }
0x22f: {  	[tilespmem:$0x1FDB0] =	vst v39;
	v39 =	vld [tilespmem:$0x1F1F0]  }
0x230: {  	v6 =	vadd.f32 v11, v6;
	v11 =	vmul.f32 v38, v37;
	v37 =	vld [tilespmem:$0x1D30]  }
0x231: {  	v38 =	vld [tilespmem:$0x1F1E0]  }
0x232: {  	v7 =	vadd.f32 v9, v7;
	v9 =	vmul.f32 v60, v59;
	v59 =	vld [tilespmem:$0x1F180]  }
0x233: {  	v60 =	vld [tilespmem:$0x1F190]  }
0x234: {  	v4 =	vadd.f32 v8, v4;
	v8 =	vmul.f32 v13, v12;
	v12 =	vld [tilespmem:$0x1F1C0]  }
0x235: {  	v13 =	vld [tilespmem:$0x1F1D0]  }
0x236: {  	[tilespmem:$0x1FDE0] =	vst v50;
	v50 =	vld [tilespmem:$0x1F270]  }
0x237: {  	v1 =	vadd.f32 v10, v1;
	v10 =	vmul.f32 v49, v48;
	v48 =	vld [tilespmem:$0xD50]  }
0x238: {  	v49 =	vld [tilespmem:$0x1F260]  }
0x239: {  	[tilespmem:$0x1FE10] =	vst v61;
	v61 =	vld [tilespmem:$0x1D60]  }
0x23a: {  	v0 =	vadd.f32 v9, v0;
	v9 =	vmul.f32 v41, v40;
	v40 =	vld [tilespmem:$0x1F200]  }
0x23b: {  	v41 =	vld [tilespmem:$0x1F210]  }
0x23c: {  	v2 =	vadd.f32 v8, v2;
	v8 =	vmul.f32 v44, v43;
	v43 =	vld [tilespmem:$0x1F220]  }
0x23d: {  	v44 =	vld [tilespmem:$0x1F230]  }
0x23e: {  	[tilespmem:$0x1FDF0] =	vst v55;
	v55 =	vld [tilespmem:$0x1F2B0]  }
0x23f: {  	[tilespmem:$0x1FE40] =	vst v45;
	v45 =	vld [tilespmem:$0xD80]  }
0x240: {  	[tilespmem:$0x1FE70] =	vst v58;
	v58 =	vld [tilespmem:$0x1F430]  }
0x241: {  	v3 =	vadd.f32 v11, v3;
	v11 =	vmul.f32 v54, v53;
	v53 =	vld [tilespmem:$0x1D50]  }
0x242: {  	v54 =	vld [tilespmem:$0x1F2A0]  }
0x243: {  	v5 =	vadd.f32 v9, v5;
	v9 =	vmul.f32 v47, v46;
	v46 =	vld [tilespmem:$0x1F240]  }
0x244: {  	v47 =	vld [tilespmem:$0x1F250]  }
0x245: {  	v6 =	vadd.f32 v8, v6;
	v8 =	vmul.f32 v52, v51;
	v51 =	vld [tilespmem:$0x1F280]  }
0x246: {  	v52 =	vld [tilespmem:$0x1F290]  }
0x247: {  	[tilespmem:$0x1FE20] =	vst v37;
	v37 =	vld [tilespmem:$0x1F330]  }
0x248: {  	v4 =	vadd.f32 v10, v4;
	v10 =	vmul.f32 v13, v12;
	v12 =	vld [tilespmem:$0xD70]  }
0x249: {  	v13 =	vld [tilespmem:$0x1F320]  }
0x24a: {  	v7 =	vadd.f32 v9, v7;
	v9 =	vmul.f32 v57, v56;
	v56 =	vld [tilespmem:$0x1F2C0]  }
0x24b: {  	v57 =	vld [tilespmem:$0x1F2D0]  }
0x24c: {  	v0 =	vadd.f32 v8, v0;
	v8 =	vmul.f32 v60, v59;
	v59 =	vld [tilespmem:$0x1F2E0]  }
0x24d: {  	v60 =	vld [tilespmem:$0x1F2F0]  }
0x24e: {  	[tilespmem:$0x1FE50] =	vst v48;
	v48 =	vld [tilespmem:$0x1D80]  }
0x24f: {  	[tilespmem:$0x1FE80] =	vst v61;
	v61 =	vld [tilespmem:$0xDA0]  }
0x250: {  	v1 =	vadd.f32 v11, v1;
	v11 =	vmul.f32 v41, v40;
	v40 =	vld [tilespmem:$0x1D70]  }
0x251: {  	v41 =	vld [tilespmem:$0x1F360]  }
0x252: {  	[tilespmem:$0x1FEB0] =	vst v45;
	v45 =	vld [tilespmem:$0x1F4F0]  }
0x253: {  	v2 =	vadd.f32 v9, v2;
	v9 =	vmul.f32 v63, v62;
	v62 =	vld [tilespmem:$0x1F300]  }
0x254: {  	v63 =	vld [tilespmem:$0x1F310]  }
0x255: {  	v3 =	vadd.f32 v8, v3;
	v8 =	vmul.f32 v39, v38;
	v38 =	vld [tilespmem:$0x1F340]  }
0x256: {  	v39 =	vld [tilespmem:$0x1F350]  }
0x257: {  	[tilespmem:$0x1FE60] =	vst v53;
	v53 =	vld [tilespmem:$0x1F3F0]  }
0x258: {  	v6 =	vadd.f32 v10, v6;
	v10 =	vmul.f32 v52, v51;
	v51 =	vld [tilespmem:$0xD90]  }
0x259: {  	v52 =	vld [tilespmem:$0x1F3E0]  }
0x25a: {  	v5 =	vadd.f32 v9, v5;
	v9 =	vmul.f32 v44, v43;
	v43 =	vld [tilespmem:$0x1F380]  }
0x25b: {  	v44 =	vld [tilespmem:$0x1F390]  }
0x25c: {  	v7 =	vadd.f32 v8, v7;
	v8 =	vmul.f32 v47, v46;
	v46 =	vld [tilespmem:$0x1F3A0]  }
0x25d: {  	v47 =	vld [tilespmem:$0x1F3B0]  }
0x25e: {  	[tilespmem:$0x1FE90] =	vst v12;
	v12 =	vld [tilespmem:$0x1DA0]  }
0x25f: {  	v4 =	vadd.f32 v11, v4;
	v11 =	vmul.f32 v57, v56;
	v56 =	vld [tilespmem:$0x1D90]  }
0x260: {  	v57 =	vld [tilespmem:$0x1F420]  }
0x261: {  	[tilespmem:$0x1FEC0] =	vst v48;
	v48 =	vld [tilespmem:$0xDC0]  }
0x262: {  	[tilespmem:$0x1FEF0] =	vst v61;
	v61 =	vld [tilespmem:$0x1F5B0]  }
0x263: {  	v0 =	vadd.f32 v9, v0;
	v9 =	vmul.f32 v50, v49;
	v49 =	vld [tilespmem:$0x1F3C0]  }
0x264: {  	v50 =	vld [tilespmem:$0x1F3D0]  }
0x265: {  	v1 =	vadd.f32 v8, v1;
	v8 =	vmul.f32 v55, v54;
	v54 =	vld [tilespmem:$0x1F400]  }
0x266: {  	v55 =	vld [tilespmem:$0x1F410]  }
0x267: {  	[tilespmem:$0x1FEA0] =	vst v40;
	v40 =	vld [tilespmem:$0x1F4B0]  }
0x268: {  	v3 =	vadd.f32 v10, v3;
	v10 =	vmul.f32 v39, v38;
	v38 =	vld [tilespmem:$0xDB0]  }
0x269: {  	v39 =	vld [tilespmem:$0x1F4A0]  }
0x26a: {  	v2 =	vadd.f32 v9, v2;
	v9 =	vmul.f32 v60, v59;
	v59 =	vld [tilespmem:$0x1F440]  }
0x26b: {  	v60 =	vld [tilespmem:$0x1F450]  }
0x26c: {  	v5 =	vadd.f32 v8, v5;
	v8 =	vmul.f32 v63, v62;
	v62 =	vld [tilespmem:$0x1F460]  }
0x26d: {  	v63 =	vld [tilespmem:$0x1F470]  }
0x26e: {  	[tilespmem:$0x1FED0] =	vst v51;
	v51 =	vld [tilespmem:$0x1DC0]  }
0x26f: {  	v6 =	vadd.f32 v11, v6;
	v11 =	vmul.f32 v44, v43;
	v43 =	vld [tilespmem:$0x1DB0]  }
0x270: {  	v44 =	vld [tilespmem:$0x1F4E0]  }
0x271: {  	[tilespmem:$0x1FF00] =	vst v12;
	v12 =	vld [tilespmem:$0x1E10]  }
0x272: {  	v7 =	vadd.f32 v9, v7;
	v9 =	vmul.f32 v37, v13;
	v13 =	vld [tilespmem:$0x1F480]  }
0x273: {  	v37 =	vld [tilespmem:$0x1F490]  }
0x274: {  	v4 =	vadd.f32 v8, v4;
	v8 =	vmul.f32 v42, v41;
	v41 =	vld [tilespmem:$0x1F4C0]  }
0x275: {  	v42 =	vld [tilespmem:$0x1F4D0]  }
0x276: {  	[tilespmem:$0x1FEE0] =	vst v56;
	v56 =	vld [tilespmem:$0x1F570]  }
0x277: {  	[tilespmem:$0x1FF30] =	vst v48;
	v48 =	vld [tilespmem:$0x1DF0]  }
0x278: {  	v1 =	vadd.f32 v10, v1;
	v10 =	vmul.f32 v55, v54;
	v54 =	vld [tilespmem:$0xDD0]  }
0x279: {  	v55 =	vld [tilespmem:$0x1F560]  }
0x27a: {  	v0 =	vadd.f32 v9, v0;
	v9 =	vmul.f32 v47, v46;
	v46 =	vld [tilespmem:$0x1F500]  }
0x27b: {  	v47 =	vld [tilespmem:$0x1F510]  }
0x27c: {  	v2 =	vadd.f32 v8, v2;
	v8 =	vmul.f32 v50, v49;
	v49 =	vld [tilespmem:$0x1F520]  }
0x27d: {  	v50 =	vld [tilespmem:$0x1F530]  }
0x27e: {  	[tilespmem:$0x1FF10] =	vst v38;
	v38 =	vld [tilespmem:$0x1F5E0]  }
0x27f: {  	v3 =	vadd.f32 v11, v3;
	v11 =	vmul.f32 v60, v59;
	v59 =	vld [tilespmem:$0x1DD0]  }
0x280: {  	v60 =	vld [tilespmem:$0x1F5A0]  }
0x281: {  	[tilespmem:$0x1FF40] =	vst v51;
	v51 =	vld [tilespmem:$0x1F680]  }
0x282: {  	v5 =	vadd.f32 v9, v5;
	v9 =	vmul.f32 v53, v52;
	v52 =	vld [tilespmem:$0x1F540]  }
0x283: {  	v53 =	vld [tilespmem:$0x1F550]  }
0x284: {  	v6 =	vadd.f32 v8, v6;
	v8 =	vmul.f32 v58, v57;
	v57 =	vld [tilespmem:$0x1F580]  }
0x285: {  	v58 =	vld [tilespmem:$0x1F590]  }
0x286: {  	[tilespmem:$0x1FF20] =	vst v43;
	v43 =	vld [tilespmem:$0xDF0]  }
0x287: {  	[tilespmem:$0x1FFE0] =	vst v12;
	v12 =	vld [tilespmem:$0x1F870]  }
0x288: {  	v4 =	vadd.f32 v10, v4;
	v10 =	vmul.f32 v42, v41;
	v41 =	vld [tilespmem:$0x1F600]  }
0x289: {  	v42 =	vld [tilespmem:$0x1F610]  }
0x28a: {  	[tilespmem:$0x1FFA0] =	vst v48;
	v48 =	vld [tilespmem:$0x1F7D0]  }
0x28b: {  	v7 =	vadd.f32 v9, v7;
	v9 =	vmul.f32 v63, v62;
	v62 =	vld [tilespmem:$0x1F5C0]  }
0x28c: {  	v63 =	vld [tilespmem:$0x1F5D0]  }
0x28d: {  	v0 =	vadd.f32 v8, v0;
	v8 =	vmul.f32 v37, v13;
	v37 =	vld [tilespmem:$0xDE0]  }
0x28e: {  	[tilespmem:$0x1FF50] =	vst v54;
	v54 =	vld [tilespmem:$0x1F6A0]  }
0x28f: {  	v13 =	vld [tilespmem:$0x1F720]  }
0x290: {  	v1 =	vadd.f32 v11, v1;
	v11 =	vmul.f32 v47, v46;
	v46 =	vld [tilespmem:$0x1F640]  }
0x291: {  	v47 =	vld [tilespmem:$0x1F650]  }
0x292: {  	v2 =	vadd.f32 v9, v2;
	v9 =	vmul.f32 v40, v39;
	v39 =	vld [tilespmem:$0x1F5F0]  }
0x293: {  	v40 =	vld [tilespmem:$0x1DE0]  }
0x294: {  	v3 =	vadd.f32 v8, v3;
	v8 =	vmul.f32 v45, v44;
	v44 =	vld [tilespmem:$0x1F620]  }
0x295: {  	v45 =	vld [tilespmem:$0x1F630]  }
0x296: {  	[tilespmem:$0x1FF60] =	vst v59;
	v59 =	vld [tilespmem:$0xE10]  }
0x297: {  	v6 =	vadd.f32 v10, v6;
	v10 =	vmul.f32 v58, v57;
	v57 =	vld [tilespmem:$0x1F6C0]  }
0x298: {  	v58 =	vld [tilespmem:$0x1F6D0]  }
0x299: {  	[tilespmem:$0x1FF90] =	vst v43;
	v43 =	vld [tilespmem:$0x1F780]  }
0x29a: {  	v5 =	vadd.f32 v9, v5;
	v9 =	vmul.f32 v50, v49;
	v49 =	vld [tilespmem:$0x1F660]  }
0x29b: {  	v50 =	vld [tilespmem:$0x1F670]  }
0x29c: {  	v7 =	vadd.f32 v8, v7;
	v8 =	vmul.f32 v53, v52;
	v52 =	vld [tilespmem:$0x1F690]  }
0x29d: {  	v53 =	vld [tilespmem:$0xE00]  }
0x29e: {  	v4 =	vadd.f32 v11, v4;
	v11 =	vmul.f32 v63, v62;
	v62 =	vld [tilespmem:$0x1F700]  }
0x29f: {  	v63 =	vld [tilespmem:$0x1F710]  }
0x2a0: {  	[tilespmem:$0x1FF70] =	vst v37;
	v37 =	vld [tilespmem:$0x1F730]  }
0x2a1: {  	v0 =	vadd.f32 v9, v0;
	v9 =	vmul.f32 v56, v55;
	v55 =	vld [tilespmem:$0x1F6B0]  }
0x2a2: {  	v56 =	vld [tilespmem:$0x1E00]  }
0x2a3: {  	v1 =	vadd.f32 v8, v1;
	v8 =	vmul.f32 v61, v60;
	v60 =	vld [tilespmem:$0x1F6E0]  }
0x2a4: {  	v61 =	vld [tilespmem:$0x1F6F0]  }
0x2a5: {  	v3 =	vadd.f32 v10, v3;
	v10 =	vmul.f32 v47, v46;
	v46 =	vld [tilespmem:$0x1F7B0]  }
0x2a6: {  	v47 =	vld [tilespmem:$0x1F7C0]  }
0x2a7: {  	[tilespmem:$0x1FF80] =	vst v40;
	v40 =	vld [tilespmem:$0xE20]  }
0x2a8: {  	[tilespmem:$0x1FFD0] =	vst v59;
	v59 =	vld [tilespmem:$0x1E40]  }
0x2a9: {  	v2 =	vadd.f32 v9, v2;
	v9 =	vmul.f32 v39, v38;
	v38 =	vld [tilespmem:$0x1F740]  }
0x2aa: {  	v39 =	vld [tilespmem:$0x1F750]  }
0x2ab: {  	v5 =	vadd.f32 v8, v5;
	v8 =	vmul.f32 v42, v41;
	v41 =	vld [tilespmem:$0x1F760]  }
0x2ac: {  	v42 =	vld [tilespmem:$0x1F770]  }
0x2ad: {  	v6 =	vadd.f32 v11, v6;
	v11 =	vmul.f32 v52, v51;
	v51 =	vld [tilespmem:$0x1F800]  }
0x2ae: {  	v52 =	vld [tilespmem:$0x1F810]  }
0x2af: {  	[tilespmem:$0x1FFB0] =	vst v53;
	v53 =	vld [tilespmem:$0x1F820]  }
0x2b0: {  	v1 =	vadd.f32 v10, v1;
	v10 =	vmul.f32 v63, v62;
	v63 =	vld [tilespmem:$0x1E20]  }
0x2b1: {  	v7 =	vadd.f32 v9, v7;
	v9 =	vmul.f32 v45, v44;
	v44 =	vld [tilespmem:$0x1F790]  }
0x2b2: {  	v62 =	vld [tilespmem:$0xE30]  }
0x2b3: {  	v45 =	vld [tilespmem:$0x1F7A0]  }
0x2b4: {  	v4 =	vadd.f32 v8, v4;
	v8 =	vmul.f32 v50, v49;
	v49 =	vld [tilespmem:$0x1F7E0]  }
0x2b5: {  	v50 =	vld [tilespmem:$0x1F7F0]  }
0x2b6: {  	[tilespmem:$0x1FFC0] =	vst v56;
	v56 =	vld [tilespmem:$0x1F850]  }
0x2b7: {  	v0 =	vadd.f32 v9, v0;
	v9 =	vmul.f32 v55, v54;
	v54 =	vld [tilespmem:$0x1F830]  }
0x2b8: {  	v55 =	vld [tilespmem:$0x1F840]  }
0x2b9: {  	v2 =	vadd.f32 v8, v2;
	v8 =	vmul.f32 v58, v57;
	v58 =	vld [tilespmem:$0xE50]  }
0x2ba: {  	v57 =	vld [tilespmem:$0x1F860]  }
0x2bb: {  	[tilespmem:$0x1FFF0] =	vst v40;
	v40 =	vld [tilespmem:$0x1F8C0]  }
0x2bc: {  	v4 =	vadd.f32 v10, v4;
	v10 =	vmul.f32 v48, v47;
	v47 =	vld [tilespmem:$0x1F930]  }
0x2bd: {  	v48 =	vld [tilespmem:$0x1F940]  }
0x2be: {  	v3 =	vadd.f32 v11, v3;
	v11 =	vmul.f32 v39, v38;
	v38 =	vld [tilespmem:$0x1F8A0]  }
0x2bf: {  	v39 =	vld [tilespmem:$0x1F8B0]  }
0x2c0: {  	v5 =	vadd.f32 v9, v5;
	v9 =	vmul.f32 v61, v60;
	v61 =	vld [tilespmem:$0x1E30]  }
0x2c1: {  	v60 =	vld [tilespmem:$0xE40]  }
0x2c2: {  	v6 =	vadd.f32 v8, v6;
	v8 =	vmul.f32 v37, v13;
	v13 =	vld [tilespmem:$0x1F880]  }
0x2c3: {  	v37 =	vld [tilespmem:$0x1F890]  }
0x2c4: {  	v1 =	vadd.f32 v11, v1;
	v11 =	vmul.f32 v52, v51;
	v51 =	vld [tilespmem:$0x1F970]  }
0x2c5: {  	v52 =	vld [tilespmem:$0x1F980]  }
0x2c6: {  	v7 =	vadd.f32 v9, v7;
	v9 =	vmul.f32 v42, v41;
	v41 =	vld [tilespmem:$0x1F8D0]  }
0x2c7: {  	v42 =	vld [tilespmem:$0x1F8E0]  }
0x2c8: {  	v0 =	vadd.f32 v8, v0;
	v8 =	vmul.f32 v44, v43;
	v43 =	vld [tilespmem:$0x1F8F0]  }
0x2c9: {  	v44 =	vld [tilespmem:$0x1F900]  }
0x2ca: {  	v2 =	vadd.f32 v9, v2;
	v9 =	vmul.f32 v46, v45;
	v45 =	vld [tilespmem:$0x1F910]  }
0x2cb: {  	v46 =	vld [tilespmem:$0x1F920]  }
0x2cc: {  	v3 =	vadd.f32 v8, v3;
	v8 =	vmul.f32 v50, v49;
	v49 =	vld [tilespmem:$0x1F950]  }
0x2cd: {  	v50 =	vld [tilespmem:$0x1F960]  }
0x2ce: {  	v6 =	vadd.f32 v10, v6;
	v10 =	vmul.f32 v13, v37;
	v37 =	vld [tilespmem:$0x1F990]  }
0x2cf: {  	v61 =	vmul.f32 v61, v62;
	v62 =	vld [tilespmem:$0x1FD0]  }
0x2d0: {  	v7 =	vadd.f32 v8, v7;
	v8 =	vmul.f32 v56, v55;
	v56 =	vld [tilespmem:$0x1E50]  }
0x2d1: {  	v5 =	vadd.f32 v9, v5;
	v9 =	vmul.f32 v54, v53;
	v54 =	vld [tilespmem:$0x1E60]  }
0x2d2: {  	v55 =	vld [tilespmem:$0xE70]  }
0x2d3: {  	v53 =	vld [tilespmem:$0x1E70]  }
0x2d4: {  	v4 =	vadd.f32 v11, v4;
	v11 =	vmul.f32 v41, v40;
	v40 =	vld [tilespmem:$0x1F9C0]  }
0x2d5: {  	v41 =	vld [tilespmem:$0x1F9D0]  }
0x2d6: {  	v0 =	vadd.f32 v9, v0;
	v9 =	vmul.f32 v12, v57;
	v57 =	vld [tilespmem:$0xE60]  }
0x2d7: {  	v1 =	vadd.f32 v8, v1;
	v8 =	vmul.f32 v39, v38;
	v38 =	vld [tilespmem:$0x1F9A0]  }
0x2d8: {  	v39 =	vld [tilespmem:$0x1F9B0]  }
0x2d9: {  	v3 =	vadd.f32 v10, v3;
	v10 =	vmul.f32 v49, v48;
	v49 =	vld [tilespmem:$0x1E90]  }
0x2da: {  	v48 =	vld [tilespmem:$0x1FA40]  }
0x2db: {  	v6 =	vadd.f32 v11, v6;
	v11 =	vmul.f32 v37, v52;
	v52 =	vld [tilespmem:$0xE80]  }
0x2dc: {  	v2 =	vadd.f32 v9, v2;
	v9 =	vmul.f32 v43, v42;
	v42 =	vld [tilespmem:$0x1F9E0]  }
0x2dd: {  	v43 =	vld [tilespmem:$0x1F9F0]  }
0x2de: {  	v5 =	vadd.f32 v8, v5;
	v8 =	vmul.f32 v45, v44;
	v44 =	vld [tilespmem:$0x1FA00]  }
0x2df: {  	v45 =	vld [tilespmem:$0x1FA10]  }
0x2e0: {  	v37 =	vld [tilespmem:$0x1FA50]  }
0x2e1: {  	v56 =	vmul.f32 v56, v58;
	v58 =	vld [tilespmem:$0xFE0]  }
0x2e2: {  	v4 =	vadd.f32 v8, v4;
	v8 =	vmul.f32 v51, v50;
	v51 =	vld [tilespmem:$0x1E80]  }
0x2e3: {  	v50 =	vld [tilespmem:$0xE90]  }
0x2e4: {  	v7 =	vadd.f32 v9, v7;
	v9 =	vmul.f32 v47, v46;
	v46 =	vld [tilespmem:$0x1FA20]  }
0x2e5: {  	v47 =	vld [tilespmem:$0x1FA30]  }
0x2e6: {  	v0 =	vadd.f32 v9, v0;
	v9 =	vmul.f32 v39, v38;
	v38 =	vld [tilespmem:$0x1FA60]  }
0x2e7: {  	v39 =	vld [tilespmem:$0x1FA70]  }
0x2e8: {  	v2 =	vadd.f32 v8, v2;
	v8 =	vmul.f32 v41, v40;
	v40 =	vld [tilespmem:$0x1FA80]  }
0x2e9: {  	v41 =	vmul.f32 v15, v17;
	v15 =	vmul.f32 v16, v18;
	v16 =	vld [tilespmem:$0x1FAA0]  }
0x2ea: {  	v18 =	vmul.f32 v36, v21;
	v36 =	vld [tilespmem:$0xF00]  }
0x2eb: {  	v3 =	vadd.f32 v11, v3;
	v11 =	vmul.f32 v37, v48;
	v48 =	vld [tilespmem:$0xEA0]  }
0x2ec: {  	v1 =	vadd.f32 v10, v1;
	v10 =	vmul.f32 v44, v45;
	v44 =	vld [tilespmem:$0x1EB0]  }
0x2ed: {  	v45 =	vld [tilespmem:$0xEC0]  }
0x2ee: {  	v5 =	vadd.f32 v9, v5;
	v9 =	vmul.f32 v43, v42;
	v42 =	vld [tilespmem:$0x1EC0]  }
0x2ef: {  	v43 =	vld [tilespmem:$0xED0]  }
0x2f0: {  	v6 =	vadd.f32 v8, v6;
	v8 =	vmul.f32 v47, v46;
	v47 =	vld [tilespmem:$0x1EA0]  }
0x2f1: {  	v46 =	vld [tilespmem:$0xEB0]  }
0x2f2: {  	v1 =	vadd.f32 v11, v1;
	v11 =	vld [tilespmem:$0x1FC60]  }
0x2f3: {  	v49 =	vmul.f32 v49, v50;
	v50 =	vld [tilespmem:$0x1FF0]  }
0x2f4: {  	v5 =	vadd.f32 v41, v5;
	v41 =	vld [tilespmem:$0x1ED0]  }
0x2f5: {  	v7 =	vadd.f32 v9, v7;
	v9 =	vmul.f32 v20, v38;
	v20 =	vld [tilespmem:$0x1FA90]  }
0x2f6: {  	v17 =	vmul.f32 v19, v16;
	v19 =	vld [tilespmem:$0x1FAB0]  }
0x2f7: {  	v0 =	vadd.f32 v8, v0;
	v8 =	vmul.f32 v40, v39;
	v40 =	vld [tilespmem:$0xEE0]  }
0x2f8: {  	v39 =	vld [tilespmem:$0x1EE0]  }
0x2f9: {  	v4 =	vadd.f32 v10, v4;
	v16 =	vld [tilespmem:$0x1FAF0]  }
0x2fa: {  	v5 =	vadd.f32 v25, v5;
	v25 =	vld [tilespmem:$0x1FB20];
	v38 =	vadd.f32 v8, v3  }
0x2fb: {  	v3 =	vadd.f32 v15, v7;
	v15 =	vadd.f32 v17, v4;
	v17 =	vld [tilespmem:$0x1FB00]  }
0x2fc: {  	v13 =	vadd.f32 v9, v2;
	v2 =	vmul.f32 v27, v26;
	v26 =	vld [tilespmem:$0x1FB30]  }
0x2fd: {  	v27 =	vld [tilespmem:$0x1FB40]  }
0x2fe: {  	v9 =	vadd.f32 v18, v0;
	v0 =	vmul.f32 v23, v24;
	v24 =	vmul.f32 v34, v33;
	v34 =	vld [tilespmem:$0xF10]  }
0x2ff: {  	v33 =	vld [tilespmem:$0x1FBA0]  }
0x300: {  	v44 =	vmul.f32 v44, v46;
	v46 =	vld [tilespmem:$0x1000]  }
0x301: {  	v48 =	vmul.f32 v47, v48;
	v47 =	vld [tilespmem:$0x1060]  }
0x302: {  	v4 =	vadd.f32 v0, v38;
	v38 =	vld [tilespmem:$0xEF0]  }
0x303: {  	v13 =	vadd.f32 v22, v13;
	v37 =	vmul.f32 v20, v14;
	v20 =	vld [tilespmem:$0x1FAC0]  }
0x304: {  	v14 =	vld [tilespmem:$0x1FBB0]  }
0x305: {  	v13 =	vadd.f32 v24, v13;
	v24 =	vld [tilespmem:$0x1FC30]  }
0x306: {  	v6 =	vadd.f32 v37, v6;
	v37 =	vld [tilespmem:$0x1EF0]  }
0x307: {  	v18 =	vmul.f32 v17, v16;
	v16 =	vld [tilespmem:$0x1FBD0]  }
0x308: {  	v17 =	vld [tilespmem:$0x1FBE0]  }
0x309: {  	v0 =	vmul.f32 v27, v26;
	v27 =	vld [tilespmem:$0x1F40]  }
0x30a: {  	v8 =	vadd.f32 v2, v6;
	v2 =	vmul.f32 v35, v25;
	v35 =	vld [tilespmem:$0x1F00]  }
0x30b: {  	v23 =	vadd.f32 v18, v15;
	v15 =	vld [tilespmem:$0x1FBC0]  }
0x30c: {  	v18 =	vld [tilespmem:$0x1FBF0]  }
0x30d: {  	v25 =	vld [tilespmem:$0x1FC40]  }
0x30e: {  	v21 =	vmul.f32 v20, v19;
	v20 =	vmul.f32 v31, v29;
	v29 =	vld [tilespmem:$0x1FB60]  }
0x30f: {  	v19 =	vadd.f32 v30, v3;
	v30 =	vld [tilespmem:$0x1FB70]  }
0x310: {  	v7 =	vadd.f32 v21, v1;
	v21 =	vld [tilespmem:$0x1FB10]  }
0x311: {  	v31 =	vld [tilespmem:$0x1FB80]  }
0x312: {  	v3 =	vmul.f32 v17, v16;
	v17 =	vld [tilespmem:$0x1FC90]  }
0x313: {  	v37 =	vmul.f32 v37, v38;
	v38 =	vld [tilespmem:$0x2010]  }
0x314: {  	v26 =	vmul.f32 v24, v25;
	v25 =	vld [tilespmem:$0x1F50]  }
0x315: {  	v24 =	vld [tilespmem:$0x1FD60];
	v22 =	vmul.f32 v21, v32  }
0x316: {  	v12 =	vadd.f32 v0, v5;
	v0 =	vmul.f32 v31, v30;
	v31 =	vld [tilespmem:$0x1F20]  }
0x317: {  	v1 =	vmul.f32 v29, v28;
	v29 =	vld [tilespmem:$0x1FC50];
	v6 =	vadd.f32 v22, v7  }
0x318: {  	v7 =	vadd.f32 v2, v4;
	v4 =	vadd.f32 v0, v19;
	v19 =	vld [tilespmem:$0x1FC00]  }
0x319: {  	v32 =	vld [tilespmem:$0x1FB90]  }
0x31a: {  	v8 =	vadd.f32 v1, v8;
	v1 =	vmul.f32 v15, v14;
	v14 =	vld [tilespmem:$0x1FC70]  }
0x31b: {  	v15 =	vld [tilespmem:$0x1FC80]  }
0x31c: {  	v21 =	vld [tilespmem:$0x1FC10]  }
0x31d: {  	v9 =	vadd.f32 v20, v9;
	v22 =	vld [tilespmem:$0x1FC20];
	v20 =	vmul.f32 v19, v18  }
0x31e: {  	v19 =	vld [tilespmem:$0x1FCB0]  }
0x31f: {  	v10 =	vadd.f32 v20, v13;
	v20 =	vld [tilespmem:$0x1FCC0]  }
0x320: {  	v2 =	vmul.f32 v32, v33;
	v16 =	vmul.f32 v15, v14;
	v15 =	vld [tilespmem:$0x1FD10]  }
0x321: {  	v18 =	vld [tilespmem:$0x1FCA0]  }
0x322: {  	v0 =	vmul.f32 v29, v11;
	v2 =	vadd.f32 v2, v23;
	v23 =	vmul.f32 v22, v21;
	v21 =	vld [tilespmem:$0x1FCD0]  }
0x323: {  	v5 =	vadd.f32 v1, v9;
	v9 =	vadd.f32 v3, v6;
	v22 =	vld [tilespmem:$0x1FCE0]  }
0x324: {  	v3 =	vadd.f32 v0, v8;
	v4 =	vadd.f32 v16, v4;
	v16 =	vld [tilespmem:$0x1FD20];
	v8 =	vmul.f32 v20, v19  }
0x325: {  	v13 =	vld [tilespmem:$0x1FD00]  }
0x326: {  	v11 =	vadd.f32 v8, v5;
	v8 =	vld [tilespmem:$0x1FCF0]  }
0x327: {  	v1 =	vmul.f32 v18, v17;
	v17 =	vld [tilespmem:$0x1FD30]  }
0x328: {  	v18 =	vld [tilespmem:$0x1FD40]  }
0x329: {  	v0 =	vmul.f32 v16, v15;
	v15 =	vld [tilespmem:$0x1FD90]  }
0x32a: {  	v16 =	vld [tilespmem:$0x1FDA0]  }
0x32b: {  	v6 =	vadd.f32 v23, v7;
	v23 =	vmul.f32 v22, v21;
	v21 =	vld [tilespmem:$0x1FDD0];
	v14 =	vmul.f32 v13, v8  }
0x32c: {  	v13 =	vld [tilespmem:$0x1FD70]  }
0x32d: {  	v8 =	vadd.f32 v14, v10;
	v14 =	vld [tilespmem:$0x1FD80]  }
0x32e: {  	v12 =	vadd.f32 v26, v12;
	v20 =	vld [tilespmem:$0x1FDC0];
	v19 =	vmul.f32 v18, v17  }
0x32f: {  	v5 =	vadd.f32 v23, v9;
	v23 =	vld [tilespmem:$0x1FD50]  }
0x330: {  	v9 =	vadd.f32 v19, v12;
	v19 =	vld [tilespmem:$0x1FDB0]  }
0x331: {  	v17 =	vmul.f32 v16, v15;
	v16 =	vld [tilespmem:$0x1FE10]  }
0x332: {  	v7 =	vadd.f32 v1, v2;
	v2 =	vadd.f32 v0, v6;
	v6 =	vmul.f32 v14, v13;
	v13 =	vld [tilespmem:$0x1FDF0]  }
0x333: {  	v14 =	vld [tilespmem:$0x1FE00]  }
0x334: {  	v12 =	vadd.f32 v6, v4;
	v4 =	vld [tilespmem:$0x1FDE0]  }
0x335: {  	v18 =	vld [tilespmem:$0x1FE30];
	v6 =	vmul.f32 v20, v19  }
0x336: {  	v19 =	vld [tilespmem:$0x1FE40]  }
0x337: {  	v6 =	vadd.f32 v6, v11;
	v11 =	vld [tilespmem:$0x1FE50]  }
0x338: {  	v15 =	vmul.f32 v14, v13;
	v13 =	vld [tilespmem:$0x1FE60]  }
0x339: {  	v1 =	vmul.f32 v24, v23;
	v0 =	vmul.f32 v4, v21;
	v4 =	vadd.f32 v17, v7;
	v17 =	vld [tilespmem:$0x1FE20]  }
0x33a: {  	v30 =	vld [tilespmem:$0xF30]  }
0x33b: {  	v28 =	vld [tilespmem:$0xF40];
	v10 =	vadd.f32 v1, v3;
	v3 =	vadd.f32 v0, v5;
	v5 =	vmul.f32 v19, v18  }
0x33c: {  	v26 =	vld [tilespmem:$0xF50]  }
0x33d: {  	v14 =	vmul.f32 v13, v11;
	v11 =	vadd.f32 v5, v9;
	v5 =	vld [tilespmem:$0x1FEA0]  }
0x33e: {  	v1 =	vmul.f32 v17, v16;
	v17 =	vld [tilespmem:$0x1FE90]  }
0x33f: {  	v7 =	vadd.f32 v15, v8;
	v15 =	vld [tilespmem:$0x1FE70]  }
0x340: {  	v16 =	vld [tilespmem:$0x1FE80]  }
0x341: {  	v29 =	vld [tilespmem:$0x1F30]  }
0x342: {  	v13 =	vld [tilespmem:$0x1FEB0]  }
0x343: {  	v0 =	vmul.f32 v5, v17;
	v5 =	vadd.f32 v14, v10;
	v14 =	vld [tilespmem:$0x1FEC0]  }
0x344: {  	v32 =	vld [tilespmem:$0x1F10]  }
0x345: {  	v33 =	vld [tilespmem:$0xF20];
	v9 =	vmul.f32 v16, v15  }
0x346: {  	v22 =	vld [tilespmem:$0xF70]  }
0x347: {  	v9 =	vadd.f32 v9, v12;
	v12 =	vld [tilespmem:$0x1FEF0]  }
0x348: {  	v10 =	vmul.f32 v14, v13;
	v13 =	vld [tilespmem:$0x1FF00]  }
0x349: {  	v24 =	vld [tilespmem:$0xF60]  }
0x34a: {  	v15 =	vld [tilespmem:$0x1FED0]  }
0x34b: {  	v16 =	vld [tilespmem:$0x1FEE0]  }
0x34c: {  	v14 =	vld [tilespmem:$0x1FF10]  }
0x34d: {  	v8 =	vadd.f32 v1, v2;
	v2 =	vadd.f32 v0, v4;
	v4 =	vmul.f32 v13, v12;
	v12 =	vld [tilespmem:$0x1FF20]  }
0x34e: {  	v13 =	vld [tilespmem:$0x1FF30]  }
0x34f: {  	v4 =	vadd.f32 v4, v7;
	v7 =	vld [tilespmem:$0x1FF40]  }
0x350: {  	v23 =	vld [tilespmem:$0x1F60]  }
0x351: {  	v20 =	vld [tilespmem:$0x1F70];
	v1 =	vmul.f32 v16, v15  }
0x352: {  	v21 =	vld [tilespmem:$0xF80]  }
0x353: {  	v6 =	vadd.f32 v10, v6;
	v10 =	vadd.f32 v1, v3;
	v3 =	vmul.f32 v12, v14;
	v12 =	vld [tilespmem:$0x1FF50]  }
0x354: {  	v7 =	vmul.f32 v7, v13;
	v13 =	vld [tilespmem:$0x1FF60]  }
0x355: {  	v18 =	vld [tilespmem:$0x1F80]  }
0x356: {  	v19 =	vld [tilespmem:$0xF90]  }
0x357: {  	v17 =	vld [tilespmem:$0x1F90]  }
0x358: {  	v1 =	vld [tilespmem:$0x1FF70]  }
0x359: {  	v7 =	vadd.f32 v7, v11;
	v11 =	vld [tilespmem:$0x1FFC0];
	v0 =	vmul.f32 v13, v12  }
0x35a: {  	v12 =	vld [tilespmem:$0x1FF80]  }
0x35b: {  	v0 =	vadd.f32 v0, v5;
	v5 =	vld [tilespmem:$0x1FFB0]  }
0x35c: {  	v16 =	vld [tilespmem:$0xFA0]  }
0x35d: {  	v15 =	vld [tilespmem:$0x1FA0]  }
0x35e: {  	v14 =	vld [tilespmem:$0xFB0]  }
0x35f: {  	v3 =	vadd.f32 v3, v8;
	v8 =	vmul.f32 v12, v1;
	v1 =	vld [tilespmem:$0x1FF90]  }
0x360: {  	v12 =	vld [tilespmem:$0x1FFA0];
	v5 =	vmul.f32 v11, v5  }
0x361: {  	v13 =	vld [tilespmem:$0x1FB0]  }
0x362: {  	v25 =	vmul.f32 v25, v26;
	v32 =	vmul.f32 v32, v34;
	v5 =	vadd.f32 v5, v6;
	v6 =	vld [tilespmem:$0x1FFF0]  }
0x363: {  	v20 =	vmul.f32 v20, v22;
	v3 =	vadd.f32 v61, v3;
	v61 =	vmul.f32 v53, v55;
	v53 =	vld [tilespmem:$0xFF0]  }
0x364: {  	v55 =	vmul.f32 v39, v40;
	v39 =	vmul.f32 v17, v19;
	v40 =	vld [tilespmem:$0x1050]  }
0x365: {  	v3 =	vadd.f32 v44, v3;
	v44 =	vld [tilespmem:$0x2050];
	v0 =	vadd.f32 v56, v0;
	v1 =	vmul.f32 v12, v1  }
0x366: {  	v56 =	vmul.f32 v35, v36;
	v36 =	vmul.f32 v18, v21;
	v8 =	vadd.f32 v8, v9;
	v9 =	vld [tilespmem:$0x1FFE0]  }
0x367: {  	v13 =	vmul.f32 v13, v14;
	v1 =	vadd.f32 v1, v2;
	v2 =	vld [tilespmem:$0x1FFD0];
	v6 =	vmul.f32 v63, v6  }
0x368: {  	v35 =	vld [tilespmem:$0x1040];
	v63 =	vmul.f32 v59, v60;
	v60 =	vmul.f32 v54, v57  }
0x369: {  	v11 =	vld [tilespmem:$0x1FC0];
	v1 =	vadd.f32 v61, v1;
	v61 =	vmul.f32 v29, v30;
	v4 =	vadd.f32 v6, v4  }
0x36a: {  	v12 =	vld [tilespmem:$0xFC0];
	v7 =	vadd.f32 v63, v7;
	v6 =	vadd.f32 v60, v8;
	v63 =	vmul.f32 v51, v52  }
0x36b: {  	v54 =	vld [tilespmem:$0x1FE0];
	v51 =	vmul.f32 v42, v45;
	v52 =	vmul.f32 v41, v43;
	v1 =	vadd.f32 v37, v1  }
0x36c: {  	v57 =	vld [tilespmem:$0x1020];
	v3 =	vadd.f32 v61, v3;
	v2 =	vmul.f32 v9, v2;
	v5 =	vadd.f32 v63, v5  }
0x36d: {  	v59 =	vmul.f32 v31, v33;
	v42 =	vld [tilespmem:$0x2000];
	v4 =	vadd.f32 v48, v4;
	v7 =	vadd.f32 v51, v7  }
0x36e: {  	v30 =	vmul.f32 v27, v28;
	v41 =	vld [tilespmem:$0x1010];
	v0 =	vadd.f32 v52, v0;
	v2 =	vadd.f32 v2, v10  }
0x36f: {  	v33 =	vmul.f32 v23, v24;
	v60 =	vld [tilespmem:$0x2020];
	v6 =	vadd.f32 v55, v6;
	v1 =	vadd.f32 v20, v1  }
0x370: {  	v43 =	vmul.f32 v15, v16;
	v9 =	vld [tilespmem:$0xFD0];
	v3 =	vadd.f32 v13, v3;
	v2 =	vadd.f32 v49, v2  }
0x371: {  	v45 =	vmul.f32 v11, v12;
	v63 =	vld [tilespmem:$0x1030];
	v5 =	vadd.f32 v56, v5;
	v4 =	vadd.f32 v59, v4  }
0x372: {  	v51 =	vmul.f32 v50, v53;
	v7 =	vadd.f32 v30, v7;
	v2 =	vadd.f32 v32, v2;
	v32 =	vld [tilespmem:$0x2030]  }
0x373: {  	v37 =	vld [tilespmem:$0x2040];
	v48 =	vmul.f32 v54, v58;
	v0 =	vadd.f32 v25, v0;
	v6 =	vadd.f32 v33, v6  }
0x374: {  	v52 =	vld [tilespmem:$0x1070];
	v1 =	vadd.f32 v51, v1;
	v53 =	vmul.f32 v42, v46;
	v54 =	vmul.f32 v60, v57  }
0x375: {  	v49 =	vld [tilespmem:$0x2060];
	v5 =	vadd.f32 v36, v5;
	v9 =	vmul.f32 v62, v9;
	v4 =	vadd.f32 v43, v4  }
0x376: {  	v55 =	vld [tilespmem:$0x2070];
	v56 =	vmul.f32 v38, v41;
	v7 =	vadd.f32 v45, v7;
	v6 =	vadd.f32 v48, v6  }
0x377: {  	v0 =	vadd.f32 v9, v0;
	v2 =	vadd.f32 v39, v2;
	v57 =	vmul.f32 v32, v63  }
0x378: {  	v58 =	vmul.f32 v37, v35;
	v5 =	vadd.f32 v53, v5;
	v4 =	vadd.f32 v54, v4  }
0x379: {  	v59 =	vmul.f32 v44, v40;
	v2 =	vadd.f32 v56, v2;
	v3 =	vadd.f32 v57, v3  }
0x37a: {  	v7 =	vadd.f32 v58, v7;
	v60 =	vmul.f32 v49, v47;
	v4 =	vadd.f32 v4, v5  }
0x37b: {  	v61 =	vmul.f32 v55, v52;
	v0 =	vadd.f32 v59, v0;
	v2 =	vadd.f32 v3, v2  }
0x37c: {  	v62 =	vadd.f32 v60, v6;
	v4 =	vadd.f32 v7, v4  }
0x37d: {  	v1 =	vadd.f32 v61, v1;
	v0 =	vadd.f32 v0, v2  }
0x37e: {  	v63 =	vadd.f32 v62, v4  }
0x37f: {  	v0 =	vadd.f32 v1, v0  }
0x380: {  	p0 =	sne.s32 s7, $0x1;
	[tilespmem:$0x2080] =	vst v63  }
.Ltmp0:
0x381: {  	[tilespmem:$0x2090] =	vst v0;
	(pc) =	sbr.rel @p0 .LBB2_1-.Ltmp0, $4  }
0x382: {  	[hbm4b:s6+s2] =	stream.linear.scatter [tilespmem:s13], [sflag:$0x2], $0x20, $0x38;
	[tilespmem:$0x2100] =	vst v63  }
0x383: {  	_ =	swait.ge [sflag:s8], $0x20  }
0x384: {  	[sflag:s8] =	ssyncset.done $0x0  }
0x385: {  	s7 =	sadd.s32 $0xFFFFFFFF, s7;
	[sflag:s8] =	ssyncadd.s32 $0xFFFFFFE0  }
0x386: {  	_ =	sfence.sel $0x180000  }
0x387: {  	[bflag:$0x0] =	sbarrier.arrive $0xFFFF  }
0x388: {  	p0 =	sne.s32 s1, $0x0;
	_ =	strace $0x90000047  }
0x389: {  	s0 =	sadd.s32 @!p0 $0x100000, s0;
	[bflag:$0x2] =	sbarrier.arrive $0xFFFF  }
0x38a: {  	[sflag:s0] =	ssyncadd.tile.s32 @!p0 $0x1;
	_ =	shalt  }
.Lfunc_end2:
_tile_overlayer_lowered:
.L_overlay_start_2:
0x38b: {  	(tag) =	ssettag $0x2  }
0x38c: {  	s0 =	rddreg [dreg:$0x0];
	s2 =	stileid.u32  }
0x38d: {  	s1 =	rddreg [dreg:$0x1];
	p0 =	sne.s32 s2, $0x0  }
0x38e: {  	s3 =	rddreg [dreg:$0x2];
	[bflag:$0x3] =	sbarrier.arrive $0xFFFF;
	s2 =	simm.s32 @!p0 $0x1C02  }
0x38f: {  	[timem:s3], [sflag:s2] =	dma.local @!p0 [hbm:s0], s1  }
0x390: {  	s0 =	simm.s32 @!p0 $0x2  }
0x391: {  	_ =	swait.ge @!p0 [sflag:s0], s1  }
0x392: {  	s1 =	ssub.s32 @!p0 $0x0, s1;
	[sflag:s0] =	ssyncset.done @!p0 $0x0  }
0x393: {  	[sflag:s0] =	ssyncadd.s32 @!p0 s1  }
0x394: {  	[bflag:$0x3] =	sbarrier.arrive $0xFFFF  }
0x395: {  	_ =	shalt  }

</sc_bundles>
